<compile_context>
chip_gen: v7x
topology: tpu7x:2x2x1
jax: 0.10.2.dev20260603
libtpu: 0.0.44.dev20260713+nightly
codegen_flags: <defaults>
</compile_context>

<pallas_src>
import functools

import jax
import jax.numpy as jnp
from jax import lax
from jax.experimental import pallas as pl
from jax.experimental.pallas import tpu as pltpu
from jax.experimental.pallas import tpu_sc as plsc

NC = 2
NS = 16
LANES = 16
NW = NC * NS

_PARAMS = pltpu.CompilerParams(
    needs_layout_passes=False, use_tc_tiling_on_sc=False)
_MESH = dict(core_axis_name="c", subcore_axis_name="s")


def _make_multi_kernel(B, NMF, L, V, D):
    RB = B // NW
    NT = RB * NMF
    NB = NT // LANES
    SEC = LANES * L

    @functools.partial(
        pl.kernel,
        out_type=jax.ShapeDtypeStruct((B * NMF, D), jnp.float32),
        mesh=plsc.VectorSubcoreMesh(**_MESH),
        compiler_params=_PARAMS,
        scratch_types=[
            [pltpu.VMEM((SEC,), jnp.int32)] * 2,
            [pltpu.VMEM((SEC,), jnp.float32)] * 2,
            pltpu.VMEM((NT,), jnp.int32),
            [pltpu.VMEM((SEC, D), jnp.float32)] * 2,
            [pltpu.VMEM((LANES, D), jnp.float32)] * 2,
            [pltpu.SemaphoreType.DMA] * 6,
        ],
    )
    def k(tm_hbm, xm_hbm, vals_hbm, len_hbm, out_hbm,
          midx_r, vals_r, len_v, stage_r, pool_r, sems):
        sem_in = sems[0:2]
        sem_st = sems[2:4]
        sem_out = sems[4:6]
        wid = lax.axis_index("s") * NC + lax.axis_index("c")
        base = pl.multiple_of(wid * RB, RB)
        fbase = base * NMF * L
        iota = lax.iota(jnp.int32, LANES)
        tb = iota * L

        def issue_in(t, p):
            tc = jnp.minimum(t, NB - 2 + p)
            off = pl.multiple_of(fbase + tc * SEC, SEC)
            pltpu.async_copy(xm_hbm.at[pl.ds(off, SEC)], midx_r[p], sem_in[p])
            pltpu.async_copy(vals_hbm.at[pl.ds(off, SEC)], vals_r[p],
                             sem_in[p])

        def wait_in(p):
            pltpu.make_async_copy(xm_hbm.at[pl.ds(0, SEC)], midx_r[p],
                                  sem_in[p]).wait()
            pltpu.make_async_copy(vals_hbm.at[pl.ds(0, SEC)], vals_r[p],
                                  sem_in[p]).wait()

        def issue_stream(p):
            pltpu.async_copy(tm_hbm.at[midx_r[p]], stage_r[p], sem_st[p])

        def wait_stream(p):
            pltpu.make_async_copy(tm_hbm.at[pl.ds(0, SEC)], stage_r[p],
                                  sem_st[p]).wait()

        def issue_out(t, p):
            pltpu.async_copy(
                pool_r[p],
                out_hbm.at[pl.ds(pl.multiple_of(
                    base * NMF + t * LANES, LANES), LANES)],
                sem_out[p])

        def wait_out(p):
            pltpu.make_async_copy(pool_r[p], out_hbm.at[pl.ds(0, LANES)],
                                  sem_out[p]).wait()

        def compute(t, p):
            tglob = t * LANES + iota
            pad = tglob % NMF * V

            def l_body(l, acc, pad=pad):
                jv = tb + l
                iv = plsc.load_gather(midx_r[p], [jv])
                wv = plsc.load_gather(vals_r[p], [jv])
                wv = jnp.where(iv != pad, wv, 0.0)
                dvec = jnp.zeros((LANES,), jnp.int32)
                out = []
                for d in range(D):
                    gv = plsc.load_gather(stage_r[p], [jv, dvec])
                    dvec = dvec + 1
                    out.append(acc[d] + wv * gv)
                return tuple(out)

            acc = lax.fori_loop(
                0, L, l_body,
                tuple(jnp.zeros((LANES,), jnp.float32) for _ in range(D)))

            lv = plsc.load_gather(len_v, [tglob]).astype(jnp.float32)
            inv = 1.0 / jnp.maximum(lv, 1.0)
            wait_out(p)
            dvec = jnp.zeros((LANES,), jnp.int32)
            for d in range(D):
                plsc.store_scatter(pool_r[p], [iota, dvec], acc[d] * inv)
                dvec = dvec + 1
            issue_out(t, p)

        pltpu.sync_copy(len_hbm.at[pl.ds(base * NMF, NT)], len_v)
        issue_in(0, 0)
        issue_in(1, 1)
        issue_out(0, 0)
        issue_out(1, 1)

        def pipe_body(i, carry):
            t0 = pl.multiple_of(i * 2, 2)
            t1 = t0 + 1
            wait_in(0)
            issue_stream(0)
            wait_in(1)
            issue_stream(1)
            wait_stream(0)
            compute(t0, 0)
            issue_in(t0 + 2, 0)
            wait_stream(1)
            compute(t1, 1)
            issue_in(t1 + 2, 1)
            return carry

        lax.fori_loop(0, NB // 2, pipe_body, 0)

        wait_in(0)
        wait_in(1)
        wait_out(0)
        wait_out(1)

    return k


def _make_single_kernel(B, NSF, V, D):
    RB = B // NW
    PR = 2
    NSTR = RB // PR

    @functools.partial(
        pl.kernel,
        out_type=jax.ShapeDtypeStruct((B * NSF, D), jnp.float32),
        mesh=plsc.VectorSubcoreMesh(**_MESH),
        compiler_params=_PARAMS,
        scratch_types=[
            pltpu.VMEM((RB * NSF,), jnp.int32),
            pltpu.VMEM((RB * NSF, D), jnp.float32),
            pltpu.SemaphoreType.DMA,
        ],
    )
    def k(ts_hbm, xs_hbm, out_hbm, sidx_v, rows_v, sem):
        wid = lax.axis_index("s") * NC + lax.axis_index("c")
        base = pl.multiple_of(wid * RB, RB)
        pltpu.sync_copy(xs_hbm.at[pl.ds(base * NSF, RB * NSF)], sidx_v)
        copies = [
            pltpu.async_copy(
                ts_hbm.at[sidx_v.at[pl.ds(p * PR * NSF, PR * NSF)]],
                rows_v.at[pl.ds(p * PR * NSF, PR * NSF)], sem)
            for p in range(NSTR)
        ]
        for c in copies:
            c.wait()
        pltpu.sync_copy(rows_v, out_hbm.at[pl.ds(base * NSF, RB * NSF)])

    return k


def kernel(x_single, x_multi, x_multi_vals, x_multi_lens,
           single_tables, multi_tables):
    NSF, V, D = single_tables.shape
    NMF = multi_tables.shape[0]
    B, _, L = x_multi.shape

    idx_s = x_single.astype(jnp.int32) + jnp.arange(NSF, dtype=jnp.int32) * V
    idx_m = (x_multi.astype(jnp.int32)
             + (jnp.arange(NMF, dtype=jnp.int32) * V)[None, :, None])

    km = _make_multi_kernel(B, NMF, L, V, D)
    out_m = km(multi_tables.reshape(NMF * V, D),
               idx_m.reshape(B * NMF * L),
               x_multi_vals.reshape(B * NMF * L),
               x_multi_lens.astype(jnp.int32).reshape(B * NMF))
    ks = _make_single_kernel(B, NSF, V, D)
    out_s = ks(single_tables.reshape(NSF * V, D), idx_s.reshape(B * NSF))
    return jnp.concatenate(
        [out_s.reshape(B, NSF * D), out_m.reshape(B, NMF * D)], axis=1)

# --- scband reference (transcript-rebuilt; emitter-appended) ---
"""Pipeline reference for scband-multi-field-embedding-8263517077690 (READ-ONLY COPY).

The authoritative reference and input builder live on the scoring server;
editing this copy changes nothing except your own understanding.
"""

import jax, jax.numpy as jnp
import numpy as np

B, N_SINGLE, N_MULTI, L, V, D = 4096, 20, 6, 50, 100000, 32


def setup_inputs(seed: int = 0) -> dict:
    key = jax.random.key(seed)
    ks = jax.random.split(key, 6)
    x_single = jax.random.randint(ks[0], (B, N_SINGLE), 0, V, dtype=jnp.int64 if jax.config.jax_enable_x64 else jnp.int32).astype(jnp.int32)
    x_multi = jax.random.randint(ks[1], (B, N_MULTI, L), 0, V).astype(jnp.int32)
    x_multi_vals = jax.random.uniform(ks[2], (B, N_MULTI, L), dtype=jnp.float32)
    x_multi_lens = jax.random.randint(ks[3], (B, N_MULTI), 0, L).astype(jnp.int32)
    single_tables = jax.random.normal(ks[4], (N_SINGLE, V, D), dtype=jnp.float32) * 0.02
    single_tables = single_tables.at[:, 0, :].set(0.0)  # padding_idx=0
    multi_tables = jax.random.normal(ks[5], (N_MULTI, V, D), dtype=jnp.float32) * 0.02
    multi_tables = multi_tables.at[:, 0, :].set(0.0)  # padding_idx=0
    return {
        "x_single": x_single,
        "x_multi": x_multi,
        "x_multi_vals": x_multi_vals,
        "x_multi_lens": x_multi_lens,
        "single_tables": single_tables,
        "multi_tables": multi_tables,
    }


def reference(x_single, x_multi, x_multi_vals, x_multi_lens, single_tables, multi_tables):
    embs = []
    n_single = single_tables.shape[0]
    n_multi = multi_tables.shape[0]
    for i in range(n_single):
        embs.append(jnp.take(single_tables[i], x_single[:, i], axis=0))
    for i in range(n_multi):
        multi_emb = jnp.take(multi_tables[i], x_multi[:, i], axis=0)  # [B, L, D]
        weights = x_multi_vals[:, i][..., None]
        weighted = multi_emb * weights
        mask = (x_multi[:, i] != 0)[..., None].astype(jnp.float32)
        summed = (weighted * mask).sum(axis=1)
        lens = jnp.clip(x_multi_lens[:, i].astype(jnp.float32), 1.0, None)[..., None]
        embs.append(summed / lens)
    return jnp.concatenate(embs, axis=1)

if __name__ == "__main__":
    import jax
    _d = setup_inputs()
    print(jax.jit(kernel)(*tuple(_d.values())))

</pallas_src>

<mosaic_0001>
#map = affine_map<(d0, d1) -> (0, 0)>
#map1 = affine_map<(d0, d1) -> (0)>
module attributes {stable_mosaic.version = 14 : i64} {
  func.func @k(%arg0: i32, %arg1: i32, %arg2: memref<600000x32xf32, #tpu.memory_space<hbm>>, %arg3: memref<1228800xi32, #tpu.memory_space<hbm>>, %arg4: memref<1228800xf32, #tpu.memory_space<hbm>>, %arg5: memref<24576xi32, #tpu.memory_space<hbm>>, %arg6: memref<24576x32xf32, #tpu.memory_space<hbm>>, %arg7: memref<800xi32, #tpu.memory_space<vmem>>, %arg8: memref<800xi32, #tpu.memory_space<vmem>>, %arg9: memref<800xf32, #tpu.memory_space<vmem>>, %arg10: memref<800xf32, #tpu.memory_space<vmem>>, %arg11: memref<768xi32, #tpu.memory_space<vmem>>, %arg12: memref<800x32xf32, #tpu.memory_space<vmem>>, %arg13: memref<800x32xf32, #tpu.memory_space<vmem>>, %arg14: memref<16x32xf32, #tpu.memory_space<vmem>>, %arg15: memref<16x32xf32, #tpu.memory_space<vmem>>, %arg16: memref<!tpu.dma_semaphore, #tpu.memory_space<semaphore_mem>>, %arg17: memref<!tpu.dma_semaphore, #tpu.memory_space<semaphore_mem>>, %arg18: memref<!tpu.dma_semaphore, #tpu.memory_space<semaphore_mem>>, %arg19: memref<!tpu.dma_semaphore, #tpu.memory_space<semaphore_mem>>, %arg20: memref<!tpu.dma_semaphore, #tpu.memory_space<semaphore_mem>>, %arg21: memref<!tpu.dma_semaphore, #tpu.memory_space<semaphore_mem>>) attributes {dimension_semantics = [#tpu.dimension_semantics<core_parallel>, #tpu.dimension_semantics<subcore_parallel>], iteration_bounds = array<i64: 2, 16>, scalar_prefetch = 0 : i64, scratch_operands = 15 : i64, tpu.core_type = #tpu.core_type<sc_vector_subcore>, window_params = [{transform_indices = #map}, {transform_indices = #map1}, {transform_indices = #map1}, {transform_indices = #map1}, {transform_indices = #map}]} {
    %mul3A = arith.constant 2 : i32
    %mul3A_0 = arith.muli %arg1, %mul3A : i32
    %add3A = arith.addi %mul3A_0, %arg0 : i32
    %mul3A_1 = arith.constant 128 : i32
    %mul3A_2 = arith.muli %add3A, %mul3A_1 : i32
    %multiple_of3A = tpu.assume_multiple %mul3A_2, 128 : i32
    %mul3A_3 = arith.constant 6 : i32
    %mul3A_4 = arith.muli %multiple_of3A, %mul3A_3 : i32
    %mul3A_5 = arith.constant 50 : i32
    %mul3A_6 = arith.muli %mul3A_4, %mul3A_5 : i32
    %iota3A = tpu.iota {dimensions = array<i32: 0>} : vector<16xi32>
    %mul3A_7 = arith.constant 50 : i32
    %mul3A_8 = vector.broadcast %mul3A_7 : i32 to vector<16xi32>
    %mul3A_9 = arith.muli %iota3A, %mul3A_8 : vector<16xi32>
    %mul3A_10 = arith.constant 6 : i32
    %mul3A_11 = arith.muli %multiple_of3A, %mul3A_10 : i32
    "tpu.region"() ({
      %run_scoped3A = tpu.sem_alloc : memref<!tpu.dma_semaphore, #tpu.memory_space<semaphore_mem>>
      %dma_start3A_82 = tpu.memref_slice %arg5[%mul3A_11] : memref<24576xi32, #tpu.memory_space<hbm>> -> memref<768xi32, #tpu.memory_space<hbm>>
      %dma_start3A_83 = tpu.memref_slice %arg5[%mul3A_11] : memref<24576xi32, #tpu.memory_space<hbm>> -> memref<768xi32, #tpu.memory_space<hbm>>
      tpu.enqueue_dma source(%dma_start3A_83 : memref<768xi32, #tpu.memory_space<hbm>>) target(%arg11 : memref<768xi32, #tpu.memory_space<vmem>>) target_semaphore(%run_scoped3A : memref<!tpu.dma_semaphore, #tpu.memory_space<semaphore_mem>>)
      %dma_wait3A_84 = tpu.memref_slice %arg5[%mul3A_11] : memref<24576xi32, #tpu.memory_space<hbm>> -> memref<768xi32, #tpu.memory_space<hbm>>
      %dma_wait3A_85 = tpu.memref_slice %arg5[%mul3A_11] : memref<24576xi32, #tpu.memory_space<hbm>> -> memref<768xi32, #tpu.memory_space<hbm>>
      tpu.wait_dma2 semaphore(%run_scoped3A : memref<!tpu.dma_semaphore, #tpu.memory_space<semaphore_mem>>) src(%dma_wait3A_85 : memref<768xi32, #tpu.memory_space<hbm>>) dst(%arg11 : memref<768xi32, #tpu.memory_space<vmem>>)
      tpu.yield
    }) : () -> ()
    %min3A = arith.constant 0 : i32
    %min3A_12 = arith.constant 46 : i32
    %min3A_13 = arith.minsi %min3A, %min3A_12 : i32
    %mul3A_14 = arith.constant 800 : i32
    %mul3A_15 = arith.muli %min3A_13, %mul3A_14 : i32
    %add3A_16 = arith.addi %mul3A_6, %mul3A_15 : i32
    %multiple_of3A_17 = tpu.assume_multiple %add3A_16, 800 : i32
    %dma_start3A = tpu.memref_slice %arg3[%multiple_of3A_17] : memref<1228800xi32, #tpu.memory_space<hbm>> -> memref<800xi32, #tpu.memory_space<hbm>>
    %dma_start3A_18 = tpu.memref_slice %arg3[%multiple_of3A_17] : memref<1228800xi32, #tpu.memory_space<hbm>> -> memref<800xi32, #tpu.memory_space<hbm>>
    tpu.enqueue_dma source(%dma_start3A_18 : memref<800xi32, #tpu.memory_space<hbm>>) target(%arg7 : memref<800xi32, #tpu.memory_space<vmem>>) target_semaphore(%arg16 : memref<!tpu.dma_semaphore, #tpu.memory_space<semaphore_mem>>)
    %dma_start3A_19 = tpu.memref_slice %arg4[%multiple_of3A_17] : memref<1228800xf32, #tpu.memory_space<hbm>> -> memref<800xf32, #tpu.memory_space<hbm>>
    %dma_start3A_20 = tpu.memref_slice %arg4[%multiple_of3A_17] : memref<1228800xf32, #tpu.memory_space<hbm>> -> memref<800xf32, #tpu.memory_space<hbm>>
    tpu.enqueue_dma source(%dma_start3A_20 : memref<800xf32, #tpu.memory_space<hbm>>) target(%arg9 : memref<800xf32, #tpu.memory_space<vmem>>) target_semaphore(%arg16 : memref<!tpu.dma_semaphore, #tpu.memory_space<semaphore_mem>>)
    %min3A_21 = arith.constant 1 : i32
    %min3A_22 = arith.constant 47 : i32
    %min3A_23 = arith.minsi %min3A_21, %min3A_22 : i32
    %mul3A_24 = arith.constant 800 : i32
    %mul3A_25 = arith.muli %min3A_23, %mul3A_24 : i32
    %add3A_26 = arith.addi %mul3A_6, %mul3A_25 : i32
    %multiple_of3A_27 = tpu.assume_multiple %add3A_26, 800 : i32
    %dma_start3A_28 = tpu.memref_slice %arg3[%multiple_of3A_27] : memref<1228800xi32, #tpu.memory_space<hbm>> -> memref<800xi32, #tpu.memory_space<hbm>>
    %dma_start3A_29 = tpu.memref_slice %arg3[%multiple_of3A_27] : memref<1228800xi32, #tpu.memory_space<hbm>> -> memref<800xi32, #tpu.memory_space<hbm>>
    tpu.enqueue_dma source(%dma_start3A_29 : memref<800xi32, #tpu.memory_space<hbm>>) target(%arg8 : memref<800xi32, #tpu.memory_space<vmem>>) target_semaphore(%arg17 : memref<!tpu.dma_semaphore, #tpu.memory_space<semaphore_mem>>)
    %dma_start3A_30 = tpu.memref_slice %arg4[%multiple_of3A_27] : memref<1228800xf32, #tpu.memory_space<hbm>> -> memref<800xf32, #tpu.memory_space<hbm>>
    %dma_start3A_31 = tpu.memref_slice %arg4[%multiple_of3A_27] : memref<1228800xf32, #tpu.memory_space<hbm>> -> memref<800xf32, #tpu.memory_space<hbm>>
    tpu.enqueue_dma source(%dma_start3A_31 : memref<800xf32, #tpu.memory_space<hbm>>) target(%arg10 : memref<800xf32, #tpu.memory_space<vmem>>) target_semaphore(%arg17 : memref<!tpu.dma_semaphore, #tpu.memory_space<semaphore_mem>>)
    %mul3A_32 = arith.constant 6 : i32
    %mul3A_33 = arith.muli %multiple_of3A, %mul3A_32 : i32
    %add3A_34 = arith.constant 0 : i32
    %add3A_35 = arith.addi %mul3A_33, %add3A_34 : i32
    %multiple_of3A_36 = tpu.assume_multiple %add3A_35, 16 : i32
    %dma_start3A_37 = arith.constant 0 : i32
    %dma_start3A_38 = tpu.memref_slice %arg6[%multiple_of3A_36, %dma_start3A_37] : memref<24576x32xf32, #tpu.memory_space<hbm>> -> memref<16x32xf32, #tpu.memory_space<hbm>>
    %dma_start3A_39 = arith.constant 0 : i32
    %dma_start3A_40 = tpu.memref_slice %arg6[%multiple_of3A_36, %dma_start3A_39] : memref<24576x32xf32, #tpu.memory_space<hbm>> -> memref<16x32xf32, #tpu.memory_space<hbm>>
    tpu.enqueue_dma source(%arg14 : memref<16x32xf32, #tpu.memory_space<vmem>>) target(%dma_start3A_40 : memref<16x32xf32, #tpu.memory_space<hbm>>) target_semaphore(%arg20 : memref<!tpu.dma_semaphore, #tpu.memory_space<semaphore_mem>>)
    %mul3A_41 = arith.constant 6 : i32
    %mul3A_42 = arith.muli %multiple_of3A, %mul3A_41 : i32
    %add3A_43 = arith.constant 16 : i32
    %add3A_44 = arith.addi %mul3A_42, %add3A_43 : i32
    %multiple_of3A_45 = tpu.assume_multiple %add3A_44, 16 : i32
    %dma_start3A_46 = arith.constant 0 : i32
    %dma_start3A_47 = tpu.memref_slice %arg6[%multiple_of3A_45, %dma_start3A_46] : memref<24576x32xf32, #tpu.memory_space<hbm>> -> memref<16x32xf32, #tpu.memory_space<hbm>>
    %dma_start3A_48 = arith.constant 0 : i32
    %dma_start3A_49 = tpu.memref_slice %arg6[%multiple_of3A_45, %dma_start3A_48] : memref<24576x32xf32, #tpu.memory_space<hbm>> -> memref<16x32xf32, #tpu.memory_space<hbm>>
    tpu.enqueue_dma source(%arg15 : memref<16x32xf32, #tpu.memory_space<vmem>>) target(%dma_start3A_49 : memref<16x32xf32, #tpu.memory_space<hbm>>) target_semaphore(%arg21 : memref<!tpu.dma_semaphore, #tpu.memory_space<semaphore_mem>>)
    %scan3A = arith.constant 0 : i32
    %scan3A_50 = arith.constant 0 : i32
    %scan3A_51 = arith.constant 24 : i32
    %scan3A_52 = arith.addi %scan3A_50, %scan3A_51 : i32
    %scan3A_53 = arith.constant 1 : i32
    scf.for %scan3A_82 = %scan3A_50 to %scan3A_52 step %scan3A_53  : i32 {
      %mul3A_83 = arith.constant 2 : i32
      %mul3A_84 = arith.muli %scan3A_82, %mul3A_83 : i32
      %multiple_of3A_85 = tpu.assume_multiple %mul3A_84, 2 : i32
      %add3A_86 = arith.constant 1 : i32
      %add3A_87 = arith.addi %multiple_of3A_85, %add3A_86 : i32
      %dma_wait3A_88 = arith.constant 0 : i32
      %dma_wait3A_89 = tpu.memref_slice %arg3[%dma_wait3A_88] : memref<1228800xi32, #tpu.memory_space<hbm>> -> memref<800xi32, #tpu.memory_space<hbm>>
      %dma_wait3A_90 = arith.constant 0 : i32
      %dma_wait3A_91 = tpu.memref_slice %arg3[%dma_wait3A_90] : memref<1228800xi32, #tpu.memory_space<hbm>> -> memref<800xi32, #tpu.memory_space<hbm>>
      tpu.wait_dma2 semaphore(%arg16 : memref<!tpu.dma_semaphore, #tpu.memory_space<semaphore_mem>>) src(%dma_wait3A_91 : memref<800xi32, #tpu.memory_space<hbm>>) dst(%arg7 : memref<800xi32, #tpu.memory_space<vmem>>)
      %dma_wait3A_92 = arith.constant 0 : i32
      %dma_wait3A_93 = tpu.memref_slice %arg4[%dma_wait3A_92] : memref<1228800xf32, #tpu.memory_space<hbm>> -> memref<800xf32, #tpu.memory_space<hbm>>
      %dma_wait3A_94 = arith.constant 0 : i32
      %dma_wait3A_95 = tpu.memref_slice %arg4[%dma_wait3A_94] : memref<1228800xf32, #tpu.memory_space<hbm>> -> memref<800xf32, #tpu.memory_space<hbm>>
      tpu.wait_dma2 semaphore(%arg16 : memref<!tpu.dma_semaphore, #tpu.memory_space<semaphore_mem>>) src(%dma_wait3A_95 : memref<800xf32, #tpu.memory_space<hbm>>) dst(%arg9 : memref<800xf32, #tpu.memory_space<vmem>>)
      %dma_start3A_96 = arith.constant 0 : i32
      %dma_start3A_97 = arith.constant 0 : i32
      %dma_start3A_98 = tpu.memref_slice %arg2[%dma_start3A_96, %dma_start3A_97] : memref<600000x32xf32, #tpu.memory_space<hbm>> -> memref<600000x32xf32, #tpu.memory_space<hbm>>
      tpu.enqueue_indirect_dma source(%dma_start3A_98 : memref<600000x32xf32, #tpu.memory_space<hbm>>) target(%arg12 : memref<800x32xf32, #tpu.memory_space<vmem>>) offsets(%arg7 : memref<800xi32, #tpu.memory_space<vmem>>) semaphore(%arg18 : memref<!tpu.dma_semaphore, #tpu.memory_space<semaphore_mem>>)
      %dma_wait3A_99 = arith.constant 0 : i32
      %dma_wait3A_100 = tpu.memref_slice %arg3[%dma_wait3A_99] : memref<1228800xi32, #tpu.memory_space<hbm>> -> memref<800xi32, #tpu.memory_space<hbm>>
      %dma_wait3A_101 = arith.constant 0 : i32
      %dma_wait3A_102 = tpu.memref_slice %arg3[%dma_wait3A_101] : memref<1228800xi32, #tpu.memory_space<hbm>> -> memref<800xi32, #tpu.memory_space<hbm>>
      tpu.wait_dma2 semaphore(%arg17 : memref<!tpu.dma_semaphore, #tpu.memory_space<semaphore_mem>>) src(%dma_wait3A_102 : memref<800xi32, #tpu.memory_space<hbm>>) dst(%arg8 : memref<800xi32, #tpu.memory_space<vmem>>)
      %dma_wait3A_103 = arith.constant 0 : i32
      %dma_wait3A_104 = tpu.memref_slice %arg4[%dma_wait3A_103] : memref<1228800xf32, #tpu.memory_space<hbm>> -> memref<800xf32, #tpu.memory_space<hbm>>
      %dma_wait3A_105 = arith.constant 0 : i32
      %dma_wait3A_106 = tpu.memref_slice %arg4[%dma_wait3A_105] : memref<1228800xf32, #tpu.memory_space<hbm>> -> memref<800xf32, #tpu.memory_space<hbm>>
      tpu.wait_dma2 semaphore(%arg17 : memref<!tpu.dma_semaphore, #tpu.memory_space<semaphore_mem>>) src(%dma_wait3A_106 : memref<800xf32, #tpu.memory_space<hbm>>) dst(%arg10 : memref<800xf32, #tpu.memory_space<vmem>>)
      %dma_start3A_107 = arith.constant 0 : i32
      %dma_start3A_108 = arith.constant 0 : i32
      %dma_start3A_109 = tpu.memref_slice %arg2[%dma_start3A_107, %dma_start3A_108] : memref<600000x32xf32, #tpu.memory_space<hbm>> -> memref<600000x32xf32, #tpu.memory_space<hbm>>
      tpu.enqueue_indirect_dma source(%dma_start3A_109 : memref<600000x32xf32, #tpu.memory_space<hbm>>) target(%arg13 : memref<800x32xf32, #tpu.memory_space<vmem>>) offsets(%arg8 : memref<800xi32, #tpu.memory_space<vmem>>) semaphore(%arg19 : memref<!tpu.dma_semaphore, #tpu.memory_space<semaphore_mem>>)
      %dma_wait3A_110 = arith.constant 0 : i32
      %dma_wait3A_111 = arith.constant 0 : i32
      %dma_wait3A_112 = tpu.memref_slice %arg2[%dma_wait3A_110, %dma_wait3A_111] : memref<600000x32xf32, #tpu.memory_space<hbm>> -> memref<800x32xf32, #tpu.memory_space<hbm>>
      %dma_wait3A_113 = arith.constant 0 : i32
      %dma_wait3A_114 = arith.constant 0 : i32
      %dma_wait3A_115 = tpu.memref_slice %arg2[%dma_wait3A_113, %dma_wait3A_114] : memref<600000x32xf32, #tpu.memory_space<hbm>> -> memref<800x32xf32, #tpu.memory_space<hbm>>
      tpu.wait_dma2 semaphore(%arg18 : memref<!tpu.dma_semaphore, #tpu.memory_space<semaphore_mem>>) src(%dma_wait3A_115 : memref<800x32xf32, #tpu.memory_space<hbm>>) dst(%arg12 : memref<800x32xf32, #tpu.memory_space<vmem>>)
      %mul3A_116 = arith.constant 16 : i32
      %mul3A_117 = arith.muli %multiple_of3A_85, %mul3A_116 : i32
      %add3A_118 = vector.broadcast %mul3A_117 : i32 to vector<16xi32>
      %add3A_119 = arith.addi %add3A_118, %iota3A : vector<16xi32>
      %jit3A = arith.constant 6 : i32
      %eq3A = arith.constant 0 : i32
      %eq3A_120 = arith.cmpi eq, %jit3A, %eq3A : i32
      %jit3A_121 = arith.constant 1 : i32
      %select_n3A = arith.select %eq3A_120, %jit3A_121, %jit3A : i32
      %rem3A = vector.broadcast %select_n3A : i32 to vector<16xi32>
      %rem3A_122 = arith.remsi %add3A_119, %rem3A : vector<16xi32>
      %ne3A = arith.constant 0 : i32
      %ne3A_123 = vector.broadcast %ne3A : i32 to vector<16xi32>
      %ne3A_124 = arith.cmpi ne, %rem3A_122, %ne3A_123 : vector<16xi32>
      %lt3A = arith.constant 0 : i32
      %lt3A_125 = vector.broadcast %lt3A : i32 to vector<16xi32>
      %lt3A_126 = arith.cmpi slt, %rem3A_122, %lt3A_125 : vector<16xi32>
      %lt3A_127 = arith.constant 0 : i32
      %lt3A_128 = arith.cmpi slt, %select_n3A, %lt3A_127 : i32
      %ne3A_129 = vector.broadcast %lt3A_128 : i1 to vector<16xi1>
      %ne3A_130 = vector.broadcast %ne3A_129 : vector<16xi1> to vector<16xi1>
      %ne3A_131 = arith.xori %lt3A_126, %ne3A_130 : vector<16xi1>
      %and3A = arith.andi %ne3A_131, %ne3A_124 : vector<16xi1>
      %add3A_132 = vector.broadcast %select_n3A : i32 to vector<16xi32>
      %add3A_133 = arith.addi %rem3A_122, %add3A_132 : vector<16xi32>
      %select_n3A_134 = arith.select %and3A, %add3A_133, %rem3A_122 : vector<16xi1>, vector<16xi32>
      %mul3A_135 = arith.constant 100000 : i32
      %mul3A_136 = vector.broadcast %mul3A_135 : i32 to vector<16xi32>
      %mul3A_137 = arith.muli %select_n3A_134, %mul3A_136 : vector<16xi32>
      %broadcast_in_dim3A = arith.constant 0.000000e+00 : f32
      %broadcast_in_dim3A_138 = vector.broadcast %broadcast_in_dim3A : f32 to vector<16xf32>
      %broadcast_in_dim3A_139 = arith.constant 0.000000e+00 : f32
      %broadcast_in_dim3A_140 = vector.broadcast %broadcast_in_dim3A_139 : f32 to vector<16xf32>
      %broadcast_in_dim3A_141 = arith.constant 0.000000e+00 : f32
      %broadcast_in_dim3A_142 = vector.broadcast %broadcast_in_dim3A_141 : f32 to vector<16xf32>
      %broadcast_in_dim3A_143 = arith.constant 0.000000e+00 : f32
      %broadcast_in_dim3A_144 = vector.broadcast %broadcast_in_dim3A_143 : f32 to vector<16xf32>
      %broadcast_in_dim3A_145 = arith.constant 0.000000e+00 : f32
      %broadcast_in_dim3A_146 = vector.broadcast %broadcast_in_dim3A_145 : f32 to vector<16xf32>
      %broadcast_in_dim3A_147 = arith.constant 0.000000e+00 : f32
      %broadcast_in_dim3A_148 = vector.broadcast %broadcast_in_dim3A_147 : f32 to vector<16xf32>
      %broadcast_in_dim3A_149 = arith.constant 0.000000e+00 : f32
      %broadcast_in_dim3A_150 = vector.broadcast %broadcast_in_dim3A_149 : f32 to vector<16xf32>
      %broadcast_in_dim3A_151 = arith.constant 0.000000e+00 : f32
      %broadcast_in_dim3A_152 = vector.broadcast %broadcast_in_dim3A_151 : f32 to vector<16xf32>
      %broadcast_in_dim3A_153 = arith.constant 0.000000e+00 : f32
      %broadcast_in_dim3A_154 = vector.broadcast %broadcast_in_dim3A_153 : f32 to vector<16xf32>
      %broadcast_in_dim3A_155 = arith.constant 0.000000e+00 : f32
      %broadcast_in_dim3A_156 = vector.broadcast %broadcast_in_dim3A_155 : f32 to vector<16xf32>
      %broadcast_in_dim3A_157 = arith.constant 0.000000e+00 : f32
      %broadcast_in_dim3A_158 = vector.broadcast %broadcast_in_dim3A_157 : f32 to vector<16xf32>
      %broadcast_in_dim3A_159 = arith.constant 0.000000e+00 : f32
      %broadcast_in_dim3A_160 = vector.broadcast %broadcast_in_dim3A_159 : f32 to vector<16xf32>
      %broadcast_in_dim3A_161 = arith.constant 0.000000e+00 : f32
      %broadcast_in_dim3A_162 = vector.broadcast %broadcast_in_dim3A_161 : f32 to vector<16xf32>
      %broadcast_in_dim3A_163 = arith.constant 0.000000e+00 : f32
      %broadcast_in_dim3A_164 = vector.broadcast %broadcast_in_dim3A_163 : f32 to vector<16xf32>
      %broadcast_in_dim3A_165 = arith.constant 0.000000e+00 : f32
      %broadcast_in_dim3A_166 = vector.broadcast %broadcast_in_dim3A_165 : f32 to vector<16xf32>
      %broadcast_in_dim3A_167 = arith.constant 0.000000e+00 : f32
      %broadcast_in_dim3A_168 = vector.broadcast %broadcast_in_dim3A_167 : f32 to vector<16xf32>
      %broadcast_in_dim3A_169 = arith.constant 0.000000e+00 : f32
      %broadcast_in_dim3A_170 = vector.broadcast %broadcast_in_dim3A_169 : f32 to vector<16xf32>
      %broadcast_in_dim3A_171 = arith.constant 0.000000e+00 : f32
      %broadcast_in_dim3A_172 = vector.broadcast %broadcast_in_dim3A_171 : f32 to vector<16xf32>
      %broadcast_in_dim3A_173 = arith.constant 0.000000e+00 : f32
      %broadcast_in_dim3A_174 = vector.broadcast %broadcast_in_dim3A_173 : f32 to vector<16xf32>
      %broadcast_in_dim3A_175 = arith.constant 0.000000e+00 : f32
      %broadcast_in_dim3A_176 = vector.broadcast %broadcast_in_dim3A_175 : f32 to vector<16xf32>
      %broadcast_in_dim3A_177 = arith.constant 0.000000e+00 : f32
      %broadcast_in_dim3A_178 = vector.broadcast %broadcast_in_dim3A_177 : f32 to vector<16xf32>
      %broadcast_in_dim3A_179 = arith.constant 0.000000e+00 : f32
      %broadcast_in_dim3A_180 = vector.broadcast %broadcast_in_dim3A_179 : f32 to vector<16xf32>
      %broadcast_in_dim3A_181 = arith.constant 0.000000e+00 : f32
      %broadcast_in_dim3A_182 = vector.broadcast %broadcast_in_dim3A_181 : f32 to vector<16xf32>
      %broadcast_in_dim3A_183 = arith.constant 0.000000e+00 : f32
      %broadcast_in_dim3A_184 = vector.broadcast %broadcast_in_dim3A_183 : f32 to vector<16xf32>
      %broadcast_in_dim3A_185 = arith.constant 0.000000e+00 : f32
      %broadcast_in_dim3A_186 = vector.broadcast %broadcast_in_dim3A_185 : f32 to vector<16xf32>
      %broadcast_in_dim3A_187 = arith.constant 0.000000e+00 : f32
      %broadcast_in_dim3A_188 = vector.broadcast %broadcast_in_dim3A_187 : f32 to vector<16xf32>
      %broadcast_in_dim3A_189 = arith.constant 0.000000e+00 : f32
      %broadcast_in_dim3A_190 = vector.broadcast %broadcast_in_dim3A_189 : f32 to vector<16xf32>
      %broadcast_in_dim3A_191 = arith.constant 0.000000e+00 : f32
      %broadcast_in_dim3A_192 = vector.broadcast %broadcast_in_dim3A_191 : f32 to vector<16xf32>
      %broadcast_in_dim3A_193 = arith.constant 0.000000e+00 : f32
      %broadcast_in_dim3A_194 = vector.broadcast %broadcast_in_dim3A_193 : f32 to vector<16xf32>
      %broadcast_in_dim3A_195 = arith.constant 0.000000e+00 : f32
      %broadcast_in_dim3A_196 = vector.broadcast %broadcast_in_dim3A_195 : f32 to vector<16xf32>
      %broadcast_in_dim3A_197 = arith.constant 0.000000e+00 : f32
      %broadcast_in_dim3A_198 = vector.broadcast %broadcast_in_dim3A_197 : f32 to vector<16xf32>
      %broadcast_in_dim3A_199 = arith.constant 0.000000e+00 : f32
      %broadcast_in_dim3A_200 = vector.broadcast %broadcast_in_dim3A_199 : f32 to vector<16xf32>
      %scan3A_201 = arith.constant 0 : i32
      %scan3A_202 = arith.constant 50 : i32
      %scan3A_203 = arith.addi %scan3A_201, %scan3A_202 : i32
      %scan3A_204 = arith.constant 1 : i32
      %scan3A_205:32 = scf.for %scan3A_640 = %scan3A_201 to %scan3A_203 step %scan3A_204 iter_args(%scan3A_641 = %broadcast_in_dim3A_138, %scan3A_642 = %broadcast_in_dim3A_140, %scan3A_643 = %broadcast_in_dim3A_142, %scan3A_644 = %broadcast_in_dim3A_144, %scan3A_645 = %broadcast_in_dim3A_146, %scan3A_646 = %broadcast_in_dim3A_148, %scan3A_647 = %broadcast_in_dim3A_150, %scan3A_648 = %broadcast_in_dim3A_152, %scan3A_649 = %broadcast_in_dim3A_154, %scan3A_650 = %broadcast_in_dim3A_156, %scan3A_651 = %broadcast_in_dim3A_158, %scan3A_652 = %broadcast_in_dim3A_160, %scan3A_653 = %broadcast_in_dim3A_162, %scan3A_654 = %broadcast_in_dim3A_164, %scan3A_655 = %broadcast_in_dim3A_166, %scan3A_656 = %broadcast_in_dim3A_168, %scan3A_657 = %broadcast_in_dim3A_170, %scan3A_658 = %broadcast_in_dim3A_172, %scan3A_659 = %broadcast_in_dim3A_174, %scan3A_660 = %broadcast_in_dim3A_176, %scan3A_661 = %broadcast_in_dim3A_178, %scan3A_662 = %broadcast_in_dim3A_180, %scan3A_663 = %broadcast_in_dim3A_182, %scan3A_664 = %broadcast_in_dim3A_184, %scan3A_665 = %broadcast_in_dim3A_186, %scan3A_666 = %broadcast_in_dim3A_188, %scan3A_667 = %broadcast_in_dim3A_190, %scan3A_668 = %broadcast_in_dim3A_192, %scan3A_669 = %broadcast_in_dim3A_194, %scan3A_670 = %broadcast_in_dim3A_196, %scan3A_671 = %broadcast_in_dim3A_198, %scan3A_672 = %broadcast_in_dim3A_200) -> (vector<16xf32>, vector<16xf32>, vector<16xf32>, vector<16xf32>, vector<16xf32>, vector<16xf32>, vector<16xf32>, vector<16xf32>, vector<16xf32>, vector<16xf32>, vector<16xf32>, vector<16xf32>, vector<16xf32>, vector<16xf32>, vector<16xf32>, vector<16xf32>, vector<16xf32>, vector<16xf32>, vector<16xf32>, vector<16xf32>, vector<16xf32>, vector<16xf32>, vector<16xf32>, vector<16xf32>, vector<16xf32>, vector<16xf32>, vector<16xf32>, vector<16xf32>, vector<16xf32>, vector<16xf32>, vector<16xf32>, vector<16xf32>)  : i32 {
        %add3A_673 = vector.broadcast %scan3A_640 : i32 to vector<16xi32>
        %add3A_674 = arith.addi %mul3A_9, %add3A_673 : vector<16xi32>
        %gather3A_675 = tpu.vector_load_idx %arg7[%add3A_674] : memref<800xi32, #tpu.memory_space<vmem>>[vector<16xi32>], vector<16xi32>,
        %gather3A_676 = tpu.vector_load_idx %arg9[%add3A_674] : memref<800xf32, #tpu.memory_space<vmem>>[vector<16xi32>], vector<16xf32>,
        %ne3A_677 = arith.cmpi ne, %gather3A_675, %mul3A_137 : vector<16xi32>
        %jit3A_678 = arith.constant 0.000000e+00 : f32
        %broadcast_in_dim3A_679 = vector.broadcast %jit3A_678 : f32 to vector<16xf32>
        %select_n3A_680 = arith.select %ne3A_677, %gather3A_676, %broadcast_in_dim3A_679 : vector<16xi1>, vector<16xf32>
        %broadcast_in_dim3A_681 = arith.constant 0 : i32
        %broadcast_in_dim3A_682 = vector.broadcast %broadcast_in_dim3A_681 : i32 to vector<16xi32>
        %gather3A_683 = tpu.vector_load_idx %arg12[%add3A_674, %broadcast_in_dim3A_682] : memref<800x32xf32, #tpu.memory_space<vmem>>[vector<16xi32>, vector<16xi32>], vector<16xf32>,
        %add3A_684 = arith.constant 1 : i32
        %add3A_685 = vector.broadcast %add3A_684 : i32 to vector<16xi32>
        %add3A_686 = arith.addi %broadcast_in_dim3A_682, %add3A_685 : vector<16xi32>
        %mul3A_687 = arith.mulf %select_n3A_680, %gather3A_683 : vector<16xf32>
        %add3A_688 = arith.addf %scan3A_641, %mul3A_687 : vector<16xf32>
        %gather3A_689 = tpu.vector_load_idx %arg12[%add3A_674, %add3A_686] : memref<800x32xf32, #tpu.memory_space<vmem>>[vector<16xi32>, vector<16xi32>], vector<16xf32>,
        %add3A_690 = arith.constant 1 : i32
        %add3A_691 = vector.broadcast %add3A_690 : i32 to vector<16xi32>
        %add3A_692 = arith.addi %add3A_686, %add3A_691 : vector<16xi32>
        %mul3A_693 = arith.mulf %select_n3A_680, %gather3A_689 : vector<16xf32>
        %add3A_694 = arith.addf %scan3A_642, %mul3A_693 : vector<16xf32>
        %gather3A_695 = tpu.vector_load_idx %arg12[%add3A_674, %add3A_692] : memref<800x32xf32, #tpu.memory_space<vmem>>[vector<16xi32>, vector<16xi32>], vector<16xf32>,
        %add3A_696 = arith.constant 1 : i32
        %add3A_697 = vector.broadcast %add3A_696 : i32 to vector<16xi32>
        %add3A_698 = arith.addi %add3A_692, %add3A_697 : vector<16xi32>
        %mul3A_699 = arith.mulf %select_n3A_680, %gather3A_695 : vector<16xf32>
        %add3A_700 = arith.addf %scan3A_643, %mul3A_699 : vector<16xf32>
        %gather3A_701 = tpu.vector_load_idx %arg12[%add3A_674, %add3A_698] : memref<800x32xf32, #tpu.memory_space<vmem>>[vector<16xi32>, vector<16xi32>], vector<16xf32>,
        %add3A_702 = arith.constant 1 : i32
        %add3A_703 = vector.broadcast %add3A_702 : i32 to vector<16xi32>
        %add3A_704 = arith.addi %add3A_698, %add3A_703 : vector<16xi32>
        %mul3A_705 = arith.mulf %select_n3A_680, %gather3A_701 : vector<16xf32>
        %add3A_706 = arith.addf %scan3A_644, %mul3A_705 : vector<16xf32>
        %gather3A_707 = tpu.vector_load_idx %arg12[%add3A_674, %add3A_704] : memref<800x32xf32, #tpu.memory_space<vmem>>[vector<16xi32>, vector<16xi32>], vector<16xf32>,
        %add3A_708 = arith.constant 1 : i32
        %add3A_709 = vector.broadcast %add3A_708 : i32 to vector<16xi32>
        %add3A_710 = arith.addi %add3A_704, %add3A_709 : vector<16xi32>
        %mul3A_711 = arith.mulf %select_n3A_680, %gather3A_707 : vector<16xf32>
        %add3A_712 = arith.addf %scan3A_645, %mul3A_711 : vector<16xf32>
        %gather3A_713 = tpu.vector_load_idx %arg12[%add3A_674, %add3A_710] : memref<800x32xf32, #tpu.memory_space<vmem>>[vector<16xi32>, vector<16xi32>], vector<16xf32>,
        %add3A_714 = arith.constant 1 : i32
        %add3A_715 = vector.broadcast %add3A_714 : i32 to vector<16xi32>
        %add3A_716 = arith.addi %add3A_710, %add3A_715 : vector<16xi32>
        %mul3A_717 = arith.mulf %select_n3A_680, %gather3A_713 : vector<16xf32>
        %add3A_718 = arith.addf %scan3A_646, %mul3A_717 : vector<16xf32>
        %gather3A_719 = tpu.vector_load_idx %arg12[%add3A_674, %add3A_716] : memref<800x32xf32, #tpu.memory_space<vmem>>[vector<16xi32>, vector<16xi32>], vector<16xf32>,
        %add3A_720 = arith.constant 1 : i32
        %add3A_721 = vector.broadcast %add3A_720 : i32 to vector<16xi32>
        %add3A_722 = arith.addi %add3A_716, %add3A_721 : vector<16xi32>
        %mul3A_723 = arith.mulf %select_n3A_680, %gather3A_719 : vector<16xf32>
        %add3A_724 = arith.addf %scan3A_647, %mul3A_723 : vector<16xf32>
        %gather3A_725 = tpu.vector_load_idx %arg12[%add3A_674, %add3A_722] : memref<800x32xf32, #tpu.memory_space<vmem>>[vector<16xi32>, vector<16xi32>], vector<16xf32>,
        %add3A_726 = arith.constant 1 : i32
        %add3A_727 = vector.broadcast %add3A_726 : i32 to vector<16xi32>
        %add3A_728 = arith.addi %add3A_722, %add3A_727 : vector<16xi32>
        %mul3A_729 = arith.mulf %select_n3A_680, %gather3A_725 : vector<16xf32>
        %add3A_730 = arith.addf %scan3A_648, %mul3A_729 : vector<16xf32>
        %gather3A_731 = tpu.vector_load_idx %arg12[%add3A_674, %add3A_728] : memref<800x32xf32, #tpu.memory_space<vmem>>[vector<16xi32>, vector<16xi32>], vector<16xf32>,
        %add3A_732 = arith.constant 1 : i32
        %add3A_733 = vector.broadcast %add3A_732 : i32 to vector<16xi32>
        %add3A_734 = arith.addi %add3A_728, %add3A_733 : vector<16xi32>
        %mul3A_735 = arith.mulf %select_n3A_680, %gather3A_731 : vector<16xf32>
        %add3A_736 = arith.addf %scan3A_649, %mul3A_735 : vector<16xf32>
        %gather3A_737 = tpu.vector_load_idx %arg12[%add3A_674, %add3A_734] : memref<800x32xf32, #tpu.memory_space<vmem>>[vector<16xi32>, vector<16xi32>], vector<16xf32>,
        %add3A_738 = arith.constant 1 : i32
        %add3A_739 = vector.broadcast %add3A_738 : i32 to vector<16xi32>
        %add3A_740 = arith.addi %add3A_734, %add3A_739 : vector<16xi32>
        %mul3A_741 = arith.mulf %select_n3A_680, %gather3A_737 : vector<16xf32>
        %add3A_742 = arith.addf %scan3A_650, %mul3A_741 : vector<16xf32>
        %gather3A_743 = tpu.vector_load_idx %arg12[%add3A_674, %add3A_740] : memref<800x32xf32, #tpu.memory_space<vmem>>[vector<16xi32>, vector<16xi32>], vector<16xf32>,
        %add3A_744 = arith.constant 1 : i32
        %add3A_745 = vector.broadcast %add3A_744 : i32 to vector<16xi32>
        %add3A_746 = arith.addi %add3A_740, %add3A_745 : vector<16xi32>
        %mul3A_747 = arith.mulf %select_n3A_680, %gather3A_743 : vector<16xf32>
        %add3A_748 = arith.addf %scan3A_651, %mul3A_747 : vector<16xf32>
        %gather3A_749 = tpu.vector_load_idx %arg12[%add3A_674, %add3A_746] : memref<800x32xf32, #tpu.memory_space<vmem>>[vector<16xi32>, vector<16xi32>], vector<16xf32>,
        %add3A_750 = arith.constant 1 : i32
        %add3A_751 = vector.broadcast %add3A_750 : i32 to vector<16xi32>
        %add3A_752 = arith.addi %add3A_746, %add3A_751 : vector<16xi32>
        %mul3A_753 = arith.mulf %select_n3A_680, %gather3A_749 : vector<16xf32>
        %add3A_754 = arith.addf %scan3A_652, %mul3A_753 : vector<16xf32>
        %gather3A_755 = tpu.vector_load_idx %arg12[%add3A_674, %add3A_752] : memref<800x32xf32, #tpu.memory_space<vmem>>[vector<16xi32>, vector<16xi32>], vector<16xf32>,
        %add3A_756 = arith.constant 1 : i32
        %add3A_757 = vector.broadcast %add3A_756 : i32 to vector<16xi32>
        %add3A_758 = arith.addi %add3A_752, %add3A_757 : vector<16xi32>
        %mul3A_759 = arith.mulf %select_n3A_680, %gather3A_755 : vector<16xf32>
        %add3A_760 = arith.addf %scan3A_653, %mul3A_759 : vector<16xf32>
        %gather3A_761 = tpu.vector_load_idx %arg12[%add3A_674, %add3A_758] : memref<800x32xf32, #tpu.memory_space<vmem>>[vector<16xi32>, vector<16xi32>], vector<16xf32>,
        %add3A_762 = arith.constant 1 : i32
        %add3A_763 = vector.broadcast %add3A_762 : i32 to vector<16xi32>
        %add3A_764 = arith.addi %add3A_758, %add3A_763 : vector<16xi32>
        %mul3A_765 = arith.mulf %select_n3A_680, %gather3A_761 : vector<16xf32>
        %add3A_766 = arith.addf %scan3A_654, %mul3A_765 : vector<16xf32>
        %gather3A_767 = tpu.vector_load_idx %arg12[%add3A_674, %add3A_764] : memref<800x32xf32, #tpu.memory_space<vmem>>[vector<16xi32>, vector<16xi32>], vector<16xf32>,
        %add3A_768 = arith.constant 1 : i32
        %add3A_769 = vector.broadcast %add3A_768 : i32 to vector<16xi32>
        %add3A_770 = arith.addi %add3A_764, %add3A_769 : vector<16xi32>
        %mul3A_771 = arith.mulf %select_n3A_680, %gather3A_767 : vector<16xf32>
        %add3A_772 = arith.addf %scan3A_655, %mul3A_771 : vector<16xf32>
        %gather3A_773 = tpu.vector_load_idx %arg12[%add3A_674, %add3A_770] : memref<800x32xf32, #tpu.memory_space<vmem>>[vector<16xi32>, vector<16xi32>], vector<16xf32>,
        %add3A_774 = arith.constant 1 : i32
        %add3A_775 = vector.broadcast %add3A_774 : i32 to vector<16xi32>
        %add3A_776 = arith.addi %add3A_770, %add3A_775 : vector<16xi32>
        %mul3A_777 = arith.mulf %select_n3A_680, %gather3A_773 : vector<16xf32>
        %add3A_778 = arith.addf %scan3A_656, %mul3A_777 : vector<16xf32>
        %gather3A_779 = tpu.vector_load_idx %arg12[%add3A_674, %add3A_776] : memref<800x32xf32, #tpu.memory_space<vmem>>[vector<16xi32>, vector<16xi32>], vector<16xf32>,
        %add3A_780 = arith.constant 1 : i32
        %add3A_781 = vector.broadcast %add3A_780 : i32 to vector<16xi32>
        %add3A_782 = arith.addi %add3A_776, %add3A_781 : vector<16xi32>
        %mul3A_783 = arith.mulf %select_n3A_680, %gather3A_779 : vector<16xf32>
        %add3A_784 = arith.addf %scan3A_657, %mul3A_783 : vector<16xf32>
        %gather3A_785 = tpu.vector_load_idx %arg12[%add3A_674, %add3A_782] : memref<800x32xf32, #tpu.memory_space<vmem>>[vector<16xi32>, vector<16xi32>], vector<16xf32>,
        %add3A_786 = arith.constant 1 : i32
        %add3A_787 = vector.broadcast %add3A_786 : i32 to vector<16xi32>
        %add3A_788 = arith.addi %add3A_782, %add3A_787 : vector<16xi32>
        %mul3A_789 = arith.mulf %select_n3A_680, %gather3A_785 : vector<16xf32>
        %add3A_790 = arith.addf %scan3A_658, %mul3A_789 : vector<16xf32>
        %gather3A_791 = tpu.vector_load_idx %arg12[%add3A_674, %add3A_788] : memref<800x32xf32, #tpu.memory_space<vmem>>[vector<16xi32>, vector<16xi32>], vector<16xf32>,
        %add3A_792 = arith.constant 1 : i32
        %add3A_793 = vector.broadcast %add3A_792 : i32 to vector<16xi32>
        %add3A_794 = arith.addi %add3A_788, %add3A_793 : vector<16xi32>
        %mul3A_795 = arith.mulf %select_n3A_680, %gather3A_791 : vector<16xf32>
        %add3A_796 = arith.addf %scan3A_659, %mul3A_795 : vector<16xf32>
        %gather3A_797 = tpu.vector_load_idx %arg12[%add3A_674, %add3A_794] : memref<800x32xf32, #tpu.memory_space<vmem>>[vector<16xi32>, vector<16xi32>], vector<16xf32>,
        %add3A_798 = arith.constant 1 : i32
        %add3A_799 = vector.broadcast %add3A_798 : i32 to vector<16xi32>
        %add3A_800 = arith.addi %add3A_794, %add3A_799 : vector<16xi32>
        %mul3A_801 = arith.mulf %select_n3A_680, %gather3A_797 : vector<16xf32>
        %add3A_802 = arith.addf %scan3A_660, %mul3A_801 : vector<16xf32>
        %gather3A_803 = tpu.vector_load_idx %arg12[%add3A_674, %add3A_800] : memref<800x32xf32, #tpu.memory_space<vmem>>[vector<16xi32>, vector<16xi32>], vector<16xf32>,
        %add3A_804 = arith.constant 1 : i32
        %add3A_805 = vector.broadcast %add3A_804 : i32 to vector<16xi32>
        %add3A_806 = arith.addi %add3A_800, %add3A_805 : vector<16xi32>
        %mul3A_807 = arith.mulf %select_n3A_680, %gather3A_803 : vector<16xf32>
        %add3A_808 = arith.addf %scan3A_661, %mul3A_807 : vector<16xf32>
        %gather3A_809 = tpu.vector_load_idx %arg12[%add3A_674, %add3A_806] : memref<800x32xf32, #tpu.memory_space<vmem>>[vector<16xi32>, vector<16xi32>], vector<16xf32>,
        %add3A_810 = arith.constant 1 : i32
        %add3A_811 = vector.broadcast %add3A_810 : i32 to vector<16xi32>
        %add3A_812 = arith.addi %add3A_806, %add3A_811 : vector<16xi32>
        %mul3A_813 = arith.mulf %select_n3A_680, %gather3A_809 : vector<16xf32>
        %add3A_814 = arith.addf %scan3A_662, %mul3A_813 : vector<16xf32>
        %gather3A_815 = tpu.vector_load_idx %arg12[%add3A_674, %add3A_812] : memref<800x32xf32, #tpu.memory_space<vmem>>[vector<16xi32>, vector<16xi32>], vector<16xf32>,
        %add3A_816 = arith.constant 1 : i32
        %add3A_817 = vector.broadcast %add3A_816 : i32 to vector<16xi32>
        %add3A_818 = arith.addi %add3A_812, %add3A_817 : vector<16xi32>
        %mul3A_819 = arith.mulf %select_n3A_680, %gather3A_815 : vector<16xf32>
        %add3A_820 = arith.addf %scan3A_663, %mul3A_819 : vector<16xf32>
        %gather3A_821 = tpu.vector_load_idx %arg12[%add3A_674, %add3A_818] : memref<800x32xf32, #tpu.memory_space<vmem>>[vector<16xi32>, vector<16xi32>], vector<16xf32>,
        %add3A_822 = arith.constant 1 : i32
        %add3A_823 = vector.broadcast %add3A_822 : i32 to vector<16xi32>
        %add3A_824 = arith.addi %add3A_818, %add3A_823 : vector<16xi32>
        %mul3A_825 = arith.mulf %select_n3A_680, %gather3A_821 : vector<16xf32>
        %add3A_826 = arith.addf %scan3A_664, %mul3A_825 : vector<16xf32>
        %gather3A_827 = tpu.vector_load_idx %arg12[%add3A_674, %add3A_824] : memref<800x32xf32, #tpu.memory_space<vmem>>[vector<16xi32>, vector<16xi32>], vector<16xf32>,
        %add3A_828 = arith.constant 1 : i32
        %add3A_829 = vector.broadcast %add3A_828 : i32 to vector<16xi32>
        %add3A_830 = arith.addi %add3A_824, %add3A_829 : vector<16xi32>
        %mul3A_831 = arith.mulf %select_n3A_680, %gather3A_827 : vector<16xf32>
        %add3A_832 = arith.addf %scan3A_665, %mul3A_831 : vector<16xf32>
        %gather3A_833 = tpu.vector_load_idx %arg12[%add3A_674, %add3A_830] : memref<800x32xf32, #tpu.memory_space<vmem>>[vector<16xi32>, vector<16xi32>], vector<16xf32>,
        %add3A_834 = arith.constant 1 : i32
        %add3A_835 = vector.broadcast %add3A_834 : i32 to vector<16xi32>
        %add3A_836 = arith.addi %add3A_830, %add3A_835 : vector<16xi32>
        %mul3A_837 = arith.mulf %select_n3A_680, %gather3A_833 : vector<16xf32>
        %add3A_838 = arith.addf %scan3A_666, %mul3A_837 : vector<16xf32>
        %gather3A_839 = tpu.vector_load_idx %arg12[%add3A_674, %add3A_836] : memref<800x32xf32, #tpu.memory_space<vmem>>[vector<16xi32>, vector<16xi32>], vector<16xf32>,
        %add3A_840 = arith.constant 1 : i32
        %add3A_841 = vector.broadcast %add3A_840 : i32 to vector<16xi32>
        %add3A_842 = arith.addi %add3A_836, %add3A_841 : vector<16xi32>
        %mul3A_843 = arith.mulf %select_n3A_680, %gather3A_839 : vector<16xf32>
        %add3A_844 = arith.addf %scan3A_667, %mul3A_843 : vector<16xf32>
        %gather3A_845 = tpu.vector_load_idx %arg12[%add3A_674, %add3A_842] : memref<800x32xf32, #tpu.memory_space<vmem>>[vector<16xi32>, vector<16xi32>], vector<16xf32>,
        %add3A_846 = arith.constant 1 : i32
        %add3A_847 = vector.broadcast %add3A_846 : i32 to vector<16xi32>
        %add3A_848 = arith.addi %add3A_842, %add3A_847 : vector<16xi32>
        %mul3A_849 = arith.mulf %select_n3A_680, %gather3A_845 : vector<16xf32>
        %add3A_850 = arith.addf %scan3A_668, %mul3A_849 : vector<16xf32>
        %gather3A_851 = tpu.vector_load_idx %arg12[%add3A_674, %add3A_848] : memref<800x32xf32, #tpu.memory_space<vmem>>[vector<16xi32>, vector<16xi32>], vector<16xf32>,
        %add3A_852 = arith.constant 1 : i32
        %add3A_853 = vector.broadcast %add3A_852 : i32 to vector<16xi32>
        %add3A_854 = arith.addi %add3A_848, %add3A_853 : vector<16xi32>
        %mul3A_855 = arith.mulf %select_n3A_680, %gather3A_851 : vector<16xf32>
        %add3A_856 = arith.addf %scan3A_669, %mul3A_855 : vector<16xf32>
        %gather3A_857 = tpu.vector_load_idx %arg12[%add3A_674, %add3A_854] : memref<800x32xf32, #tpu.memory_space<vmem>>[vector<16xi32>, vector<16xi32>], vector<16xf32>,
        %add3A_858 = arith.constant 1 : i32
        %add3A_859 = vector.broadcast %add3A_858 : i32 to vector<16xi32>
        %add3A_860 = arith.addi %add3A_854, %add3A_859 : vector<16xi32>
        %mul3A_861 = arith.mulf %select_n3A_680, %gather3A_857 : vector<16xf32>
        %add3A_862 = arith.addf %scan3A_670, %mul3A_861 : vector<16xf32>
        %gather3A_863 = tpu.vector_load_idx %arg12[%add3A_674, %add3A_860] : memref<800x32xf32, #tpu.memory_space<vmem>>[vector<16xi32>, vector<16xi32>], vector<16xf32>,
        %add3A_864 = arith.constant 1 : i32
        %add3A_865 = vector.broadcast %add3A_864 : i32 to vector<16xi32>
        %add3A_866 = arith.addi %add3A_860, %add3A_865 : vector<16xi32>
        %mul3A_867 = arith.mulf %select_n3A_680, %gather3A_863 : vector<16xf32>
        %add3A_868 = arith.addf %scan3A_671, %mul3A_867 : vector<16xf32>
        %gather3A_869 = tpu.vector_load_idx %arg12[%add3A_674, %add3A_866] : memref<800x32xf32, #tpu.memory_space<vmem>>[vector<16xi32>, vector<16xi32>], vector<16xf32>,
        %add3A_870 = arith.constant 1 : i32
        %add3A_871 = vector.broadcast %add3A_870 : i32 to vector<16xi32>
        %add3A_872 = arith.addi %add3A_866, %add3A_871 : vector<16xi32>
        %mul3A_873 = arith.mulf %select_n3A_680, %gather3A_869 : vector<16xf32>
        %add3A_874 = arith.addf %scan3A_672, %mul3A_873 : vector<16xf32>
        scf.yield %add3A_688, %add3A_694, %add3A_700, %add3A_706, %add3A_712, %add3A_718, %add3A_724, %add3A_730, %add3A_736, %add3A_742, %add3A_748, %add3A_754, %add3A_760, %add3A_766, %add3A_772, %add3A_778, %add3A_784, %add3A_790, %add3A_796, %add3A_802, %add3A_808, %add3A_814, %add3A_820, %add3A_826, %add3A_832, %add3A_838, %add3A_844, %add3A_850, %add3A_856, %add3A_862, %add3A_868, %add3A_874 : vector<16xf32>, vector<16xf32>, vector<16xf32>, vector<16xf32>, vector<16xf32>, vector<16xf32>, vector<16xf32>, vector<16xf32>, vector<16xf32>, vector<16xf32>, vector<16xf32>, vector<16xf32>, vector<16xf32>, vector<16xf32>, vector<16xf32>, vector<16xf32>, vector<16xf32>, vector<16xf32>, vector<16xf32>, vector<16xf32>, vector<16xf32>, vector<16xf32>, vector<16xf32>, vector<16xf32>, vector<16xf32>, vector<16xf32>, vector<16xf32>, vector<16xf32>, vector<16xf32>, vector<16xf32>, vector<16xf32>, vector<16xf32>
      }
      %scan3A_206 = arith.constant 50 : i32
      %gather3A = tpu.vector_load_idx %arg11[%add3A_119] : memref<768xi32, #tpu.memory_space<vmem>>[vector<16xi32>], vector<16xi32>,
      %convert_element_type3A = arith.sitofp %gather3A : vector<16xi32> to vector<16xf32>
      %max3A = arith.constant 1.000000e+00 : f32
      %max3A_207 = vector.broadcast %max3A : f32 to vector<16xf32>
      %max3A_208 = arith.maximumf %convert_element_type3A, %max3A_207 : vector<16xf32>
      %div3A = arith.constant 1.000000e+00 : f32
      %div3A_209 = vector.broadcast %div3A : f32 to vector<16xf32>
      %div3A_210 = arith.divf %div3A_209, %max3A_208 : vector<16xf32>
      %dma_wait3A_211 = arith.constant 0 : i32
      %dma_wait3A_212 = arith.constant 0 : i32
      %dma_wait3A_213 = tpu.memref_slice %arg6[%dma_wait3A_211, %dma_wait3A_212] : memref<24576x32xf32, #tpu.memory_space<hbm>> -> memref<16x32xf32, #tpu.memory_space<hbm>>
      %dma_wait3A_214 = arith.constant 0 : i32
      %dma_wait3A_215 = arith.constant 0 : i32
      %dma_wait3A_216 = tpu.memref_slice %arg6[%dma_wait3A_214, %dma_wait3A_215] : memref<24576x32xf32, #tpu.memory_space<hbm>> -> memref<16x32xf32, #tpu.memory_space<hbm>>
      tpu.wait_dma2 semaphore(%arg20 : memref<!tpu.dma_semaphore, #tpu.memory_space<semaphore_mem>>) src(%arg14 : memref<16x32xf32, #tpu.memory_space<vmem>>) dst(%dma_wait3A_216 : memref<16x32xf32, #tpu.memory_space<hbm>>)
      %broadcast_in_dim3A_217 = arith.constant 0 : i32
      %broadcast_in_dim3A_218 = vector.broadcast %broadcast_in_dim3A_217 : i32 to vector<16xi32>
      %mul3A_219 = arith.mulf %scan3A_205#0, %div3A_210 : vector<16xf32>
      tpu.vector_store_idx %arg14[%iota3A, %broadcast_in_dim3A_218], %mul3A_219 : memref<16x32xf32, #tpu.memory_space<vmem>>[vector<16xi32>, vector<16xi32>], vector<16xf32>,
      %add3A_220 = arith.constant 1 : i32
      %add3A_221 = vector.broadcast %add3A_220 : i32 to vector<16xi32>
      %add3A_222 = arith.addi %broadcast_in_dim3A_218, %add3A_221 : vector<16xi32>
      %mul3A_223 = arith.mulf %scan3A_205#1, %div3A_210 : vector<16xf32>
      tpu.vector_store_idx %arg14[%iota3A, %add3A_222], %mul3A_223 : memref<16x32xf32, #tpu.memory_space<vmem>>[vector<16xi32>, vector<16xi32>], vector<16xf32>,
      %add3A_224 = arith.constant 1 : i32
      %add3A_225 = vector.broadcast %add3A_224 : i32 to vector<16xi32>
      %add3A_226 = arith.addi %add3A_222, %add3A_225 : vector<16xi32>
      %mul3A_227 = arith.mulf %scan3A_205#2, %div3A_210 : vector<16xf32>
      tpu.vector_store_idx %arg14[%iota3A, %add3A_226], %mul3A_227 : memref<16x32xf32, #tpu.memory_space<vmem>>[vector<16xi32>, vector<16xi32>], vector<16xf32>,
      %add3A_228 = arith.constant 1 : i32
      %add3A_229 = vector.broadcast %add3A_228 : i32 to vector<16xi32>
      %add3A_230 = arith.addi %add3A_226, %add3A_229 : vector<16xi32>
      %mul3A_231 = arith.mulf %scan3A_205#3, %div3A_210 : vector<16xf32>
      tpu.vector_store_idx %arg14[%iota3A, %add3A_230], %mul3A_231 : memref<16x32xf32, #tpu.memory_space<vmem>>[vector<16xi32>, vector<16xi32>], vector<16xf32>,
      %add3A_232 = arith.constant 1 : i32
      %add3A_233 = vector.broadcast %add3A_232 : i32 to vector<16xi32>
      %add3A_234 = arith.addi %add3A_230, %add3A_233 : vector<16xi32>
      %mul3A_235 = arith.mulf %scan3A_205#4, %div3A_210 : vector<16xf32>
      tpu.vector_store_idx %arg14[%iota3A, %add3A_234], %mul3A_235 : memref<16x32xf32, #tpu.memory_space<vmem>>[vector<16xi32>, vector<16xi32>], vector<16xf32>,
      %add3A_236 = arith.constant 1 : i32
      %add3A_237 = vector.broadcast %add3A_236 : i32 to vector<16xi32>
      %add3A_238 = arith.addi %add3A_234, %add3A_237 : vector<16xi32>
      %mul3A_239 = arith.mulf %scan3A_205#5, %div3A_210 : vector<16xf32>
      tpu.vector_store_idx %arg14[%iota3A, %add3A_238], %mul3A_239 : memref<16x32xf32, #tpu.memory_space<vmem>>[vector<16xi32>, vector<16xi32>], vector<16xf32>,
      %add3A_240 = arith.constant 1 : i32
      %add3A_241 = vector.broadcast %add3A_240 : i32 to vector<16xi32>
      %add3A_242 = arith.addi %add3A_238, %add3A_241 : vector<16xi32>
      %mul3A_243 = arith.mulf %scan3A_205#6, %div3A_210 : vector<16xf32>
      tpu.vector_store_idx %arg14[%iota3A, %add3A_242], %mul3A_243 : memref<16x32xf32, #tpu.memory_space<vmem>>[vector<16xi32>, vector<16xi32>], vector<16xf32>,
      %add3A_244 = arith.constant 1 : i32
      %add3A_245 = vector.broadcast %add3A_244 : i32 to vector<16xi32>
      %add3A_246 = arith.addi %add3A_242, %add3A_245 : vector<16xi32>
      %mul3A_247 = arith.mulf %scan3A_205#7, %div3A_210 : vector<16xf32>
      tpu.vector_store_idx %arg14[%iota3A, %add3A_246], %mul3A_247 : memref<16x32xf32, #tpu.memory_space<vmem>>[vector<16xi32>, vector<16xi32>], vector<16xf32>,
      %add3A_248 = arith.constant 1 : i32
      %add3A_249 = vector.broadcast %add3A_248 : i32 to vector<16xi32>
      %add3A_250 = arith.addi %add3A_246, %add3A_249 : vector<16xi32>
      %mul3A_251 = arith.mulf %scan3A_205#8, %div3A_210 : vector<16xf32>
      tpu.vector_store_idx %arg14[%iota3A, %add3A_250], %mul3A_251 : memref<16x32xf32, #tpu.memory_space<vmem>>[vector<16xi32>, vector<16xi32>], vector<16xf32>,
      %add3A_252 = arith.constant 1 : i32
      %add3A_253 = vector.broadcast %add3A_252 : i32 to vector<16xi32>
      %add3A_254 = arith.addi %add3A_250, %add3A_253 : vector<16xi32>
      %mul3A_255 = arith.mulf %scan3A_205#9, %div3A_210 : vector<16xf32>
      tpu.vector_store_idx %arg14[%iota3A, %add3A_254], %mul3A_255 : memref<16x32xf32, #tpu.memory_space<vmem>>[vector<16xi32>, vector<16xi32>], vector<16xf32>,
      %add3A_256 = arith.constant 1 : i32
      %add3A_257 = vector.broadcast %add3A_256 : i32 to vector<16xi32>
      %add3A_258 = arith.addi %add3A_254, %add3A_257 : vector<16xi32>
      %mul3A_259 = arith.mulf %scan3A_205#10, %div3A_210 : vector<16xf32>
      tpu.vector_store_idx %arg14[%iota3A, %add3A_258], %mul3A_259 : memref<16x32xf32, #tpu.memory_space<vmem>>[vector<16xi32>, vector<16xi32>], vector<16xf32>,
      %add3A_260 = arith.constant 1 : i32
      %add3A_261 = vector.broadcast %add3A_260 : i32 to vector<16xi32>
      %add3A_262 = arith.addi %add3A_258, %add3A_261 : vector<16xi32>
      %mul3A_263 = arith.mulf %scan3A_205#11, %div3A_210 : vector<16xf32>
      tpu.vector_store_idx %arg14[%iota3A, %add3A_262], %mul3A_263 : memref<16x32xf32, #tpu.memory_space<vmem>>[vector<16xi32>, vector<16xi32>], vector<16xf32>,
      %add3A_264 = arith.constant 1 : i32
      %add3A_265 = vector.broadcast %add3A_264 : i32 to vector<16xi32>
      %add3A_266 = arith.addi %add3A_262, %add3A_265 : vector<16xi32>
      %mul3A_267 = arith.mulf %scan3A_205#12, %div3A_210 : vector<16xf32>
      tpu.vector_store_idx %arg14[%iota3A, %add3A_266], %mul3A_267 : memref<16x32xf32, #tpu.memory_space<vmem>>[vector<16xi32>, vector<16xi32>], vector<16xf32>,
      %add3A_268 = arith.constant 1 : i32
      %add3A_269 = vector.broadcast %add3A_268 : i32 to vector<16xi32>
      %add3A_270 = arith.addi %add3A_266, %add3A_269 : vector<16xi32>
      %mul3A_271 = arith.mulf %scan3A_205#13, %div3A_210 : vector<16xf32>
      tpu.vector_store_idx %arg14[%iota3A, %add3A_270], %mul3A_271 : memref<16x32xf32, #tpu.memory_space<vmem>>[vector<16xi32>, vector<16xi32>], vector<16xf32>,
      %add3A_272 = arith.constant 1 : i32
      %add3A_273 = vector.broadcast %add3A_272 : i32 to vector<16xi32>
      %add3A_274 = arith.addi %add3A_270, %add3A_273 : vector<16xi32>
      %mul3A_275 = arith.mulf %scan3A_205#14, %div3A_210 : vector<16xf32>
      tpu.vector_store_idx %arg14[%iota3A, %add3A_274], %mul3A_275 : memref<16x32xf32, #tpu.memory_space<vmem>>[vector<16xi32>, vector<16xi32>], vector<16xf32>,
      %add3A_276 = arith.constant 1 : i32
      %add3A_277 = vector.broadcast %add3A_276 : i32 to vector<16xi32>
      %add3A_278 = arith.addi %add3A_274, %add3A_277 : vector<16xi32>
      %mul3A_279 = arith.mulf %scan3A_205#15, %div3A_210 : vector<16xf32>
      tpu.vector_store_idx %arg14[%iota3A, %add3A_278], %mul3A_279 : memref<16x32xf32, #tpu.memory_space<vmem>>[vector<16xi32>, vector<16xi32>], vector<16xf32>,
      %add3A_280 = arith.constant 1 : i32
      %add3A_281 = vector.broadcast %add3A_280 : i32 to vector<16xi32>
      %add3A_282 = arith.addi %add3A_278, %add3A_281 : vector<16xi32>
      %mul3A_283 = arith.mulf %scan3A_205#16, %div3A_210 : vector<16xf32>
      tpu.vector_store_idx %arg14[%iota3A, %add3A_282], %mul3A_283 : memref<16x32xf32, #tpu.memory_space<vmem>>[vector<16xi32>, vector<16xi32>], vector<16xf32>,
      %add3A_284 = arith.constant 1 : i32
      %add3A_285 = vector.broadcast %add3A_284 : i32 to vector<16xi32>
      %add3A_286 = arith.addi %add3A_282, %add3A_285 : vector<16xi32>
      %mul3A_287 = arith.mulf %scan3A_205#17, %div3A_210 : vector<16xf32>
      tpu.vector_store_idx %arg14[%iota3A, %add3A_286], %mul3A_287 : memref<16x32xf32, #tpu.memory_space<vmem>>[vector<16xi32>, vector<16xi32>], vector<16xf32>,
      %add3A_288 = arith.constant 1 : i32
      %add3A_289 = vector.broadcast %add3A_288 : i32 to vector<16xi32>
      %add3A_290 = arith.addi %add3A_286, %add3A_289 : vector<16xi32>
      %mul3A_291 = arith.mulf %scan3A_205#18, %div3A_210 : vector<16xf32>
      tpu.vector_store_idx %arg14[%iota3A, %add3A_290], %mul3A_291 : memref<16x32xf32, #tpu.memory_space<vmem>>[vector<16xi32>, vector<16xi32>], vector<16xf32>,
      %add3A_292 = arith.constant 1 : i32
      %add3A_293 = vector.broadcast %add3A_292 : i32 to vector<16xi32>
      %add3A_294 = arith.addi %add3A_290, %add3A_293 : vector<16xi32>
      %mul3A_295 = arith.mulf %scan3A_205#19, %div3A_210 : vector<16xf32>
      tpu.vector_store_idx %arg14[%iota3A, %add3A_294], %mul3A_295 : memref<16x32xf32, #tpu.memory_space<vmem>>[vector<16xi32>, vector<16xi32>], vector<16xf32>,
      %add3A_296 = arith.constant 1 : i32
      %add3A_297 = vector.broadcast %add3A_296 : i32 to vector<16xi32>
      %add3A_298 = arith.addi %add3A_294, %add3A_297 : vector<16xi32>
      %mul3A_299 = arith.mulf %scan3A_205#20, %div3A_210 : vector<16xf32>
      tpu.vector_store_idx %arg14[%iota3A, %add3A_298], %mul3A_299 : memref<16x32xf32, #tpu.memory_space<vmem>>[vector<16xi32>, vector<16xi32>], vector<16xf32>,
      %add3A_300 = arith.constant 1 : i32
      %add3A_301 = vector.broadcast %add3A_300 : i32 to vector<16xi32>
      %add3A_302 = arith.addi %add3A_298, %add3A_301 : vector<16xi32>
      %mul3A_303 = arith.mulf %scan3A_205#21, %div3A_210 : vector<16xf32>
      tpu.vector_store_idx %arg14[%iota3A, %add3A_302], %mul3A_303 : memref<16x32xf32, #tpu.memory_space<vmem>>[vector<16xi32>, vector<16xi32>], vector<16xf32>,
      %add3A_304 = arith.constant 1 : i32
      %add3A_305 = vector.broadcast %add3A_304 : i32 to vector<16xi32>
      %add3A_306 = arith.addi %add3A_302, %add3A_305 : vector<16xi32>
      %mul3A_307 = arith.mulf %scan3A_205#22, %div3A_210 : vector<16xf32>
      tpu.vector_store_idx %arg14[%iota3A, %add3A_306], %mul3A_307 : memref<16x32xf32, #tpu.memory_space<vmem>>[vector<16xi32>, vector<16xi32>], vector<16xf32>,
      %add3A_308 = arith.constant 1 : i32
      %add3A_309 = vector.broadcast %add3A_308 : i32 to vector<16xi32>
      %add3A_310 = arith.addi %add3A_306, %add3A_309 : vector<16xi32>
      %mul3A_311 = arith.mulf %scan3A_205#23, %div3A_210 : vector<16xf32>
      tpu.vector_store_idx %arg14[%iota3A, %add3A_310], %mul3A_311 : memref<16x32xf32, #tpu.memory_space<vmem>>[vector<16xi32>, vector<16xi32>], vector<16xf32>,
      %add3A_312 = arith.constant 1 : i32
      %add3A_313 = vector.broadcast %add3A_312 : i32 to vector<16xi32>
      %add3A_314 = arith.addi %add3A_310, %add3A_313 : vector<16xi32>
      %mul3A_315 = arith.mulf %scan3A_205#24, %div3A_210 : vector<16xf32>
      tpu.vector_store_idx %arg14[%iota3A, %add3A_314], %mul3A_315 : memref<16x32xf32, #tpu.memory_space<vmem>>[vector<16xi32>, vector<16xi32>], vector<16xf32>,
      %add3A_316 = arith.constant 1 : i32
      %add3A_317 = vector.broadcast %add3A_316 : i32 to vector<16xi32>
      %add3A_318 = arith.addi %add3A_314, %add3A_317 : vector<16xi32>
      %mul3A_319 = arith.mulf %scan3A_205#25, %div3A_210 : vector<16xf32>
      tpu.vector_store_idx %arg14[%iota3A, %add3A_318], %mul3A_319 : memref<16x32xf32, #tpu.memory_space<vmem>>[vector<16xi32>, vector<16xi32>], vector<16xf32>,
      %add3A_320 = arith.constant 1 : i32
      %add3A_321 = vector.broadcast %add3A_320 : i32 to vector<16xi32>
      %add3A_322 = arith.addi %add3A_318, %add3A_321 : vector<16xi32>
      %mul3A_323 = arith.mulf %scan3A_205#26, %div3A_210 : vector<16xf32>
      tpu.vector_store_idx %arg14[%iota3A, %add3A_322], %mul3A_323 : memref<16x32xf32, #tpu.memory_space<vmem>>[vector<16xi32>, vector<16xi32>], vector<16xf32>,
      %add3A_324 = arith.constant 1 : i32
      %add3A_325 = vector.broadcast %add3A_324 : i32 to vector<16xi32>
      %add3A_326 = arith.addi %add3A_322, %add3A_325 : vector<16xi32>
      %mul3A_327 = arith.mulf %scan3A_205#27, %div3A_210 : vector<16xf32>
      tpu.vector_store_idx %arg14[%iota3A, %add3A_326], %mul3A_327 : memref<16x32xf32, #tpu.memory_space<vmem>>[vector<16xi32>, vector<16xi32>], vector<16xf32>,
      %add3A_328 = arith.constant 1 : i32
      %add3A_329 = vector.broadcast %add3A_328 : i32 to vector<16xi32>
      %add3A_330 = arith.addi %add3A_326, %add3A_329 : vector<16xi32>
      %mul3A_331 = arith.mulf %scan3A_205#28, %div3A_210 : vector<16xf32>
      tpu.vector_store_idx %arg14[%iota3A, %add3A_330], %mul3A_331 : memref<16x32xf32, #tpu.memory_space<vmem>>[vector<16xi32>, vector<16xi32>], vector<16xf32>,
      %add3A_332 = arith.constant 1 : i32
      %add3A_333 = vector.broadcast %add3A_332 : i32 to vector<16xi32>
      %add3A_334 = arith.addi %add3A_330, %add3A_333 : vector<16xi32>
      %mul3A_335 = arith.mulf %scan3A_205#29, %div3A_210 : vector<16xf32>
      tpu.vector_store_idx %arg14[%iota3A, %add3A_334], %mul3A_335 : memref<16x32xf32, #tpu.memory_space<vmem>>[vector<16xi32>, vector<16xi32>], vector<16xf32>,
      %add3A_336 = arith.constant 1 : i32
      %add3A_337 = vector.broadcast %add3A_336 : i32 to vector<16xi32>
      %add3A_338 = arith.addi %add3A_334, %add3A_337 : vector<16xi32>
      %mul3A_339 = arith.mulf %scan3A_205#30, %div3A_210 : vector<16xf32>
      tpu.vector_store_idx %arg14[%iota3A, %add3A_338], %mul3A_339 : memref<16x32xf32, #tpu.memory_space<vmem>>[vector<16xi32>, vector<16xi32>], vector<16xf32>,
      %add3A_340 = arith.constant 1 : i32
      %add3A_341 = vector.broadcast %add3A_340 : i32 to vector<16xi32>
      %add3A_342 = arith.addi %add3A_338, %add3A_341 : vector<16xi32>
      %mul3A_343 = arith.mulf %scan3A_205#31, %div3A_210 : vector<16xf32>
      tpu.vector_store_idx %arg14[%iota3A, %add3A_342], %mul3A_343 : memref<16x32xf32, #tpu.memory_space<vmem>>[vector<16xi32>, vector<16xi32>], vector<16xf32>,
      %add3A_344 = arith.constant 1 : i32
      %add3A_345 = vector.broadcast %add3A_344 : i32 to vector<16xi32>
      %add3A_346 = arith.addi %add3A_342, %add3A_345 : vector<16xi32>
      %mul3A_347 = arith.constant 6 : i32
      %mul3A_348 = arith.muli %multiple_of3A, %mul3A_347 : i32
      %mul3A_349 = arith.constant 16 : i32
      %mul3A_350 = arith.muli %multiple_of3A_85, %mul3A_349 : i32
      %add3A_351 = arith.addi %mul3A_348, %mul3A_350 : i32
      %multiple_of3A_352 = tpu.assume_multiple %add3A_351, 16 : i32
      %dma_start3A_353 = arith.constant 0 : i32
      %dma_start3A_354 = tpu.memref_slice %arg6[%multiple_of3A_352, %dma_start3A_353] : memref<24576x32xf32, #tpu.memory_space<hbm>> -> memref<16x32xf32, #tpu.memory_space<hbm>>
      %dma_start3A_355 = arith.constant 0 : i32
      %dma_start3A_356 = tpu.memref_slice %arg6[%multiple_of3A_352, %dma_start3A_355] : memref<24576x32xf32, #tpu.memory_space<hbm>> -> memref<16x32xf32, #tpu.memory_space<hbm>>
      tpu.enqueue_dma source(%arg14 : memref<16x32xf32, #tpu.memory_space<vmem>>) target(%dma_start3A_356 : memref<16x32xf32, #tpu.memory_space<hbm>>) target_semaphore(%arg20 : memref<!tpu.dma_semaphore, #tpu.memory_space<semaphore_mem>>)
      %add3A_357 = arith.constant 2 : i32
      %add3A_358 = arith.addi %multiple_of3A_85, %add3A_357 : i32
      %min3A_359 = arith.constant 46 : i32
      %min3A_360 = arith.minsi %add3A_358, %min3A_359 : i32
      %mul3A_361 = arith.constant 800 : i32
      %mul3A_362 = arith.muli %min3A_360, %mul3A_361 : i32
      %add3A_363 = arith.addi %mul3A_6, %mul3A_362 : i32
      %multiple_of3A_364 = tpu.assume_multiple %add3A_363, 800 : i32
      %dma_start3A_365 = tpu.memref_slice %arg3[%multiple_of3A_364] : memref<1228800xi32, #tpu.memory_space<hbm>> -> memref<800xi32, #tpu.memory_space<hbm>>
      %dma_start3A_366 = tpu.memref_slice %arg3[%multiple_of3A_364] : memref<1228800xi32, #tpu.memory_space<hbm>> -> memref<800xi32, #tpu.memory_space<hbm>>
      tpu.enqueue_dma source(%dma_start3A_366 : memref<800xi32, #tpu.memory_space<hbm>>) target(%arg7 : memref<800xi32, #tpu.memory_space<vmem>>) target_semaphore(%arg16 : memref<!tpu.dma_semaphore, #tpu.memory_space<semaphore_mem>>)
      %dma_start3A_367 = tpu.memref_slice %arg4[%multiple_of3A_364] : memref<1228800xf32, #tpu.memory_space<hbm>> -> memref<800xf32, #tpu.memory_space<hbm>>
      %dma_start3A_368 = tpu.memref_slice %arg4[%multiple_of3A_364] : memref<1228800xf32, #tpu.memory_space<hbm>> -> memref<800xf32, #tpu.memory_space<hbm>>
      tpu.enqueue_dma source(%dma_start3A_368 : memref<800xf32, #tpu.memory_space<hbm>>) target(%arg9 : memref<800xf32, #tpu.memory_space<vmem>>) target_semaphore(%arg16 : memref<!tpu.dma_semaphore, #tpu.memory_space<semaphore_mem>>)
      %dma_wait3A_369 = arith.constant 0 : i32
      %dma_wait3A_370 = arith.constant 0 : i32
      %dma_wait3A_371 = tpu.memref_slice %arg2[%dma_wait3A_369, %dma_wait3A_370] : memref<600000x32xf32, #tpu.memory_space<hbm>> -> memref<800x32xf32, #tpu.memory_space<hbm>>
      %dma_wait3A_372 = arith.constant 0 : i32
      %dma_wait3A_373 = arith.constant 0 : i32
      %dma_wait3A_374 = tpu.memref_slice %arg2[%dma_wait3A_372, %dma_wait3A_373] : memref<600000x32xf32, #tpu.memory_space<hbm>> -> memref<800x32xf32, #tpu.memory_space<hbm>>
      tpu.wait_dma2 semaphore(%arg19 : memref<!tpu.dma_semaphore, #tpu.memory_space<semaphore_mem>>) src(%dma_wait3A_374 : memref<800x32xf32, #tpu.memory_space<hbm>>) dst(%arg13 : memref<800x32xf32, #tpu.memory_space<vmem>>)
      %mul3A_375 = arith.constant 16 : i32
      %mul3A_376 = arith.muli %add3A_87, %mul3A_375 : i32
      %add3A_377 = vector.broadcast %mul3A_376 : i32 to vector<16xi32>
      %add3A_378 = arith.addi %add3A_377, %iota3A : vector<16xi32>
      %jit3A_379 = arith.constant 6 : i32
      %eq3A_380 = arith.constant 0 : i32
      %eq3A_381 = arith.cmpi eq, %jit3A_379, %eq3A_380 : i32
      %jit3A_382 = arith.constant 1 : i32
      %select_n3A_383 = arith.select %eq3A_381, %jit3A_382, %jit3A_379 : i32
      %rem3A_384 = vector.broadcast %select_n3A_383 : i32 to vector<16xi32>
      %rem3A_385 = arith.remsi %add3A_378, %rem3A_384 : vector<16xi32>
      %ne3A_386 = arith.constant 0 : i32
      %ne3A_387 = vector.broadcast %ne3A_386 : i32 to vector<16xi32>
      %ne3A_388 = arith.cmpi ne, %rem3A_385, %ne3A_387 : vector<16xi32>
      %lt3A_389 = arith.constant 0 : i32
      %lt3A_390 = vector.broadcast %lt3A_389 : i32 to vector<16xi32>
      %lt3A_391 = arith.cmpi slt, %rem3A_385, %lt3A_390 : vector<16xi32>
      %lt3A_392 = arith.constant 0 : i32
      %lt3A_393 = arith.cmpi slt, %select_n3A_383, %lt3A_392 : i32
      %ne3A_394 = vector.broadcast %lt3A_393 : i1 to vector<16xi1>
      %ne3A_395 = vector.broadcast %ne3A_394 : vector<16xi1> to vector<16xi1>
      %ne3A_396 = arith.xori %lt3A_391, %ne3A_395 : vector<16xi1>
      %and3A_397 = arith.andi %ne3A_396, %ne3A_388 : vector<16xi1>
      %add3A_398 = vector.broadcast %select_n3A_383 : i32 to vector<16xi32>
      %add3A_399 = arith.addi %rem3A_385, %add3A_398 : vector<16xi32>
      %select_n3A_400 = arith.select %and3A_397, %add3A_399, %rem3A_385 : vector<16xi1>, vector<16xi32>
      %mul3A_401 = arith.constant 100000 : i32
      %mul3A_402 = vector.broadcast %mul3A_401 : i32 to vector<16xi32>
      %mul3A_403 = arith.muli %select_n3A_400, %mul3A_402 : vector<16xi32>
      %broadcast_in_dim3A_404 = arith.constant 0.000000e+00 : f32
      %broadcast_in_dim3A_405 = vector.broadcast %broadcast_in_dim3A_404 : f32 to vector<16xf32>
      %broadcast_in_dim3A_406 = arith.constant 0.000000e+00 : f32
      %broadcast_in_dim3A_407 = vector.broadcast %broadcast_in_dim3A_406 : f32 to vector<16xf32>
      %broadcast_in_dim3A_408 = arith.constant 0.000000e+00 : f32
      %broadcast_in_dim3A_409 = vector.broadcast %broadcast_in_dim3A_408 : f32 to vector<16xf32>
      %broadcast_in_dim3A_410 = arith.constant 0.000000e+00 : f32
      %broadcast_in_dim3A_411 = vector.broadcast %broadcast_in_dim3A_410 : f32 to vector<16xf32>
      %broadcast_in_dim3A_412 = arith.constant 0.000000e+00 : f32
      %broadcast_in_dim3A_413 = vector.broadcast %broadcast_in_dim3A_412 : f32 to vector<16xf32>
      %broadcast_in_dim3A_414 = arith.constant 0.000000e+00 : f32
      %broadcast_in_dim3A_415 = vector.broadcast %broadcast_in_dim3A_414 : f32 to vector<16xf32>
      %broadcast_in_dim3A_416 = arith.constant 0.000000e+00 : f32
      %broadcast_in_dim3A_417 = vector.broadcast %broadcast_in_dim3A_416 : f32 to vector<16xf32>
      %broadcast_in_dim3A_418 = arith.constant 0.000000e+00 : f32
      %broadcast_in_dim3A_419 = vector.broadcast %broadcast_in_dim3A_418 : f32 to vector<16xf32>
      %broadcast_in_dim3A_420 = arith.constant 0.000000e+00 : f32
      %broadcast_in_dim3A_421 = vector.broadcast %broadcast_in_dim3A_420 : f32 to vector<16xf32>
      %broadcast_in_dim3A_422 = arith.constant 0.000000e+00 : f32
      %broadcast_in_dim3A_423 = vector.broadcast %broadcast_in_dim3A_422 : f32 to vector<16xf32>
      %broadcast_in_dim3A_424 = arith.constant 0.000000e+00 : f32
      %broadcast_in_dim3A_425 = vector.broadcast %broadcast_in_dim3A_424 : f32 to vector<16xf32>
      %broadcast_in_dim3A_426 = arith.constant 0.000000e+00 : f32
      %broadcast_in_dim3A_427 = vector.broadcast %broadcast_in_dim3A_426 : f32 to vector<16xf32>
      %broadcast_in_dim3A_428 = arith.constant 0.000000e+00 : f32
      %broadcast_in_dim3A_429 = vector.broadcast %broadcast_in_dim3A_428 : f32 to vector<16xf32>
      %broadcast_in_dim3A_430 = arith.constant 0.000000e+00 : f32
      %broadcast_in_dim3A_431 = vector.broadcast %broadcast_in_dim3A_430 : f32 to vector<16xf32>
      %broadcast_in_dim3A_432 = arith.constant 0.000000e+00 : f32
      %broadcast_in_dim3A_433 = vector.broadcast %broadcast_in_dim3A_432 : f32 to vector<16xf32>
      %broadcast_in_dim3A_434 = arith.constant 0.000000e+00 : f32
      %broadcast_in_dim3A_435 = vector.broadcast %broadcast_in_dim3A_434 : f32 to vector<16xf32>
      %broadcast_in_dim3A_436 = arith.constant 0.000000e+00 : f32
      %broadcast_in_dim3A_437 = vector.broadcast %broadcast_in_dim3A_436 : f32 to vector<16xf32>
      %broadcast_in_dim3A_438 = arith.constant 0.000000e+00 : f32
      %broadcast_in_dim3A_439 = vector.broadcast %broadcast_in_dim3A_438 : f32 to vector<16xf32>
      %broadcast_in_dim3A_440 = arith.constant 0.000000e+00 : f32
      %broadcast_in_dim3A_441 = vector.broadcast %broadcast_in_dim3A_440 : f32 to vector<16xf32>
      %broadcast_in_dim3A_442 = arith.constant 0.000000e+00 : f32
      %broadcast_in_dim3A_443 = vector.broadcast %broadcast_in_dim3A_442 : f32 to vector<16xf32>
      %broadcast_in_dim3A_444 = arith.constant 0.000000e+00 : f32
      %broadcast_in_dim3A_445 = vector.broadcast %broadcast_in_dim3A_444 : f32 to vector<16xf32>
      %broadcast_in_dim3A_446 = arith.constant 0.000000e+00 : f32
      %broadcast_in_dim3A_447 = vector.broadcast %broadcast_in_dim3A_446 : f32 to vector<16xf32>
      %broadcast_in_dim3A_448 = arith.constant 0.000000e+00 : f32
      %broadcast_in_dim3A_449 = vector.broadcast %broadcast_in_dim3A_448 : f32 to vector<16xf32>
      %broadcast_in_dim3A_450 = arith.constant 0.000000e+00 : f32
      %broadcast_in_dim3A_451 = vector.broadcast %broadcast_in_dim3A_450 : f32 to vector<16xf32>
      %broadcast_in_dim3A_452 = arith.constant 0.000000e+00 : f32
      %broadcast_in_dim3A_453 = vector.broadcast %broadcast_in_dim3A_452 : f32 to vector<16xf32>
      %broadcast_in_dim3A_454 = arith.constant 0.000000e+00 : f32
      %broadcast_in_dim3A_455 = vector.broadcast %broadcast_in_dim3A_454 : f32 to vector<16xf32>
      %broadcast_in_dim3A_456 = arith.constant 0.000000e+00 : f32
      %broadcast_in_dim3A_457 = vector.broadcast %broadcast_in_dim3A_456 : f32 to vector<16xf32>
      %broadcast_in_dim3A_458 = arith.constant 0.000000e+00 : f32
      %broadcast_in_dim3A_459 = vector.broadcast %broadcast_in_dim3A_458 : f32 to vector<16xf32>
      %broadcast_in_dim3A_460 = arith.constant 0.000000e+00 : f32
      %broadcast_in_dim3A_461 = vector.broadcast %broadcast_in_dim3A_460 : f32 to vector<16xf32>
      %broadcast_in_dim3A_462 = arith.constant 0.000000e+00 : f32
      %broadcast_in_dim3A_463 = vector.broadcast %broadcast_in_dim3A_462 : f32 to vector<16xf32>
      %broadcast_in_dim3A_464 = arith.constant 0.000000e+00 : f32
      %broadcast_in_dim3A_465 = vector.broadcast %broadcast_in_dim3A_464 : f32 to vector<16xf32>
      %broadcast_in_dim3A_466 = arith.constant 0.000000e+00 : f32
      %broadcast_in_dim3A_467 = vector.broadcast %broadcast_in_dim3A_466 : f32 to vector<16xf32>
      %scan3A_468 = arith.constant 0 : i32
      %scan3A_469 = arith.constant 50 : i32
      %scan3A_470 = arith.addi %scan3A_468, %scan3A_469 : i32
      %scan3A_471 = arith.constant 1 : i32
      %scan3A_472:32 = scf.for %scan3A_640 = %scan3A_468 to %scan3A_470 step %scan3A_471 iter_args(%scan3A_641 = %broadcast_in_dim3A_405, %scan3A_642 = %broadcast_in_dim3A_407, %scan3A_643 = %broadcast_in_dim3A_409, %scan3A_644 = %broadcast_in_dim3A_411, %scan3A_645 = %broadcast_in_dim3A_413, %scan3A_646 = %broadcast_in_dim3A_415, %scan3A_647 = %broadcast_in_dim3A_417, %scan3A_648 = %broadcast_in_dim3A_419, %scan3A_649 = %broadcast_in_dim3A_421, %scan3A_650 = %broadcast_in_dim3A_423, %scan3A_651 = %broadcast_in_dim3A_425, %scan3A_652 = %broadcast_in_dim3A_427, %scan3A_653 = %broadcast_in_dim3A_429, %scan3A_654 = %broadcast_in_dim3A_431, %scan3A_655 = %broadcast_in_dim3A_433, %scan3A_656 = %broadcast_in_dim3A_435, %scan3A_657 = %broadcast_in_dim3A_437, %scan3A_658 = %broadcast_in_dim3A_439, %scan3A_659 = %broadcast_in_dim3A_441, %scan3A_660 = %broadcast_in_dim3A_443, %scan3A_661 = %broadcast_in_dim3A_445, %scan3A_662 = %broadcast_in_dim3A_447, %scan3A_663 = %broadcast_in_dim3A_449, %scan3A_664 = %broadcast_in_dim3A_451, %scan3A_665 = %broadcast_in_dim3A_453, %scan3A_666 = %broadcast_in_dim3A_455, %scan3A_667 = %broadcast_in_dim3A_457, %scan3A_668 = %broadcast_in_dim3A_459, %scan3A_669 = %broadcast_in_dim3A_461, %scan3A_670 = %broadcast_in_dim3A_463, %scan3A_671 = %broadcast_in_dim3A_465, %scan3A_672 = %broadcast_in_dim3A_467) -> (vector<16xf32>, vector<16xf32>, vector<16xf32>, vector<16xf32>, vector<16xf32>, vector<16xf32>, vector<16xf32>, vector<16xf32>, vector<16xf32>, vector<16xf32>, vector<16xf32>, vector<16xf32>, vector<16xf32>, vector<16xf32>, vector<16xf32>, vector<16xf32>, vector<16xf32>, vector<16xf32>, vector<16xf32>, vector<16xf32>, vector<16xf32>, vector<16xf32>, vector<16xf32>, vector<16xf32>, vector<16xf32>, vector<16xf32>, vector<16xf32>, vector<16xf32>, vector<16xf32>, vector<16xf32>, vector<16xf32>, vector<16xf32>)  : i32 {
        %add3A_673 = vector.broadcast %scan3A_640 : i32 to vector<16xi32>
        %add3A_674 = arith.addi %mul3A_9, %add3A_673 : vector<16xi32>
        %gather3A_675 = tpu.vector_load_idx %arg8[%add3A_674] : memref<800xi32, #tpu.memory_space<vmem>>[vector<16xi32>], vector<16xi32>,
        %gather3A_676 = tpu.vector_load_idx %arg10[%add3A_674] : memref<800xf32, #tpu.memory_space<vmem>>[vector<16xi32>], vector<16xf32>,
        %ne3A_677 = arith.cmpi ne, %gather3A_675, %mul3A_403 : vector<16xi32>
        %jit3A_678 = arith.constant 0.000000e+00 : f32
        %broadcast_in_dim3A_679 = vector.broadcast %jit3A_678 : f32 to vector<16xf32>
        %select_n3A_680 = arith.select %ne3A_677, %gather3A_676, %broadcast_in_dim3A_679 : vector<16xi1>, vector<16xf32>
        %broadcast_in_dim3A_681 = arith.constant 0 : i32
        %broadcast_in_dim3A_682 = vector.broadcast %broadcast_in_dim3A_681 : i32 to vector<16xi32>
        %gather3A_683 = tpu.vector_load_idx %arg13[%add3A_674, %broadcast_in_dim3A_682] : memref<800x32xf32, #tpu.memory_space<vmem>>[vector<16xi32>, vector<16xi32>], vector<16xf32>,
        %add3A_684 = arith.constant 1 : i32
        %add3A_685 = vector.broadcast %add3A_684 : i32 to vector<16xi32>
        %add3A_686 = arith.addi %broadcast_in_dim3A_682, %add3A_685 : vector<16xi32>
        %mul3A_687 = arith.mulf %select_n3A_680, %gather3A_683 : vector<16xf32>
        %add3A_688 = arith.addf %scan3A_641, %mul3A_687 : vector<16xf32>
        %gather3A_689 = tpu.vector_load_idx %arg13[%add3A_674, %add3A_686] : memref<800x32xf32, #tpu.memory_space<vmem>>[vector<16xi32>, vector<16xi32>], vector<16xf32>,
        %add3A_690 = arith.constant 1 : i32
        %add3A_691 = vector.broadcast %add3A_690 : i32 to vector<16xi32>
        %add3A_692 = arith.addi %add3A_686, %add3A_691 : vector<16xi32>
        %mul3A_693 = arith.mulf %select_n3A_680, %gather3A_689 : vector<16xf32>
        %add3A_694 = arith.addf %scan3A_642, %mul3A_693 : vector<16xf32>
        %gather3A_695 = tpu.vector_load_idx %arg13[%add3A_674, %add3A_692] : memref<800x32xf32, #tpu.memory_space<vmem>>[vector<16xi32>, vector<16xi32>], vector<16xf32>,
        %add3A_696 = arith.constant 1 : i32
        %add3A_697 = vector.broadcast %add3A_696 : i32 to vector<16xi32>
        %add3A_698 = arith.addi %add3A_692, %add3A_697 : vector<16xi32>
        %mul3A_699 = arith.mulf %select_n3A_680, %gather3A_695 : vector<16xf32>
        %add3A_700 = arith.addf %scan3A_643, %mul3A_699 : vector<16xf32>
        %gather3A_701 = tpu.vector_load_idx %arg13[%add3A_674, %add3A_698] : memref<800x32xf32, #tpu.memory_space<vmem>>[vector<16xi32>, vector<16xi32>], vector<16xf32>,
        %add3A_702 = arith.constant 1 : i32
        %add3A_703 = vector.broadcast %add3A_702 : i32 to vector<16xi32>
        %add3A_704 = arith.addi %add3A_698, %add3A_703 : vector<16xi32>
        %mul3A_705 = arith.mulf %select_n3A_680, %gather3A_701 : vector<16xf32>
        %add3A_706 = arith.addf %scan3A_644, %mul3A_705 : vector<16xf32>
        %gather3A_707 = tpu.vector_load_idx %arg13[%add3A_674, %add3A_704] : memref<800x32xf32, #tpu.memory_space<vmem>>[vector<16xi32>, vector<16xi32>], vector<16xf32>,
        %add3A_708 = arith.constant 1 : i32
        %add3A_709 = vector.broadcast %add3A_708 : i32 to vector<16xi32>
        %add3A_710 = arith.addi %add3A_704, %add3A_709 : vector<16xi32>
        %mul3A_711 = arith.mulf %select_n3A_680, %gather3A_707 : vector<16xf32>
        %add3A_712 = arith.addf %scan3A_645, %mul3A_711 : vector<16xf32>
        %gather3A_713 = tpu.vector_load_idx %arg13[%add3A_674, %add3A_710] : memref<800x32xf32, #tpu.memory_space<vmem>>[vector<16xi32>, vector<16xi32>], vector<16xf32>,
        %add3A_714 = arith.constant 1 : i32
        %add3A_715 = vector.broadcast %add3A_714 : i32 to vector<16xi32>
        %add3A_716 = arith.addi %add3A_710, %add3A_715 : vector<16xi32>
        %mul3A_717 = arith.mulf %select_n3A_680, %gather3A_713 : vector<16xf32>
        %add3A_718 = arith.addf %scan3A_646, %mul3A_717 : vector<16xf32>
        %gather3A_719 = tpu.vector_load_idx %arg13[%add3A_674, %add3A_716] : memref<800x32xf32, #tpu.memory_space<vmem>>[vector<16xi32>, vector<16xi32>], vector<16xf32>,
        %add3A_720 = arith.constant 1 : i32
        %add3A_721 = vector.broadcast %add3A_720 : i32 to vector<16xi32>
        %add3A_722 = arith.addi %add3A_716, %add3A_721 : vector<16xi32>
        %mul3A_723 = arith.mulf %select_n3A_680, %gather3A_719 : vector<16xf32>
        %add3A_724 = arith.addf %scan3A_647, %mul3A_723 : vector<16xf32>
        %gather3A_725 = tpu.vector_load_idx %arg13[%add3A_674, %add3A_722] : memref<800x32xf32, #tpu.memory_space<vmem>>[vector<16xi32>, vector<16xi32>], vector<16xf32>,
        %add3A_726 = arith.constant 1 : i32
        %add3A_727 = vector.broadcast %add3A_726 : i32 to vector<16xi32>
        %add3A_728 = arith.addi %add3A_722, %add3A_727 : vector<16xi32>
        %mul3A_729 = arith.mulf %select_n3A_680, %gather3A_725 : vector<16xf32>
        %add3A_730 = arith.addf %scan3A_648, %mul3A_729 : vector<16xf32>
        %gather3A_731 = tpu.vector_load_idx %arg13[%add3A_674, %add3A_728] : memref<800x32xf32, #tpu.memory_space<vmem>>[vector<16xi32>, vector<16xi32>], vector<16xf32>,
        %add3A_732 = arith.constant 1 : i32
        %add3A_733 = vector.broadcast %add3A_732 : i32 to vector<16xi32>
        %add3A_734 = arith.addi %add3A_728, %add3A_733 : vector<16xi32>
        %mul3A_735 = arith.mulf %select_n3A_680, %gather3A_731 : vector<16xf32>
        %add3A_736 = arith.addf %scan3A_649, %mul3A_735 : vector<16xf32>
        %gather3A_737 = tpu.vector_load_idx %arg13[%add3A_674, %add3A_734] : memref<800x32xf32, #tpu.memory_space<vmem>>[vector<16xi32>, vector<16xi32>], vector<16xf32>,
        %add3A_738 = arith.constant 1 : i32
        %add3A_739 = vector.broadcast %add3A_738 : i32 to vector<16xi32>
        %add3A_740 = arith.addi %add3A_734, %add3A_739 : vector<16xi32>
        %mul3A_741 = arith.mulf %select_n3A_680, %gather3A_737 : vector<16xf32>
        %add3A_742 = arith.addf %scan3A_650, %mul3A_741 : vector<16xf32>
        %gather3A_743 = tpu.vector_load_idx %arg13[%add3A_674, %add3A_740] : memref<800x32xf32, #tpu.memory_space<vmem>>[vector<16xi32>, vector<16xi32>], vector<16xf32>,
        %add3A_744 = arith.constant 1 : i32
        %add3A_745 = vector.broadcast %add3A_744 : i32 to vector<16xi32>
        %add3A_746 = arith.addi %add3A_740, %add3A_745 : vector<16xi32>
        %mul3A_747 = arith.mulf %select_n3A_680, %gather3A_743 : vector<16xf32>
        %add3A_748 = arith.addf %scan3A_651, %mul3A_747 : vector<16xf32>
        %gather3A_749 = tpu.vector_load_idx %arg13[%add3A_674, %add3A_746] : memref<800x32xf32, #tpu.memory_space<vmem>>[vector<16xi32>, vector<16xi32>], vector<16xf32>,
        %add3A_750 = arith.constant 1 : i32
        %add3A_751 = vector.broadcast %add3A_750 : i32 to vector<16xi32>
        %add3A_752 = arith.addi %add3A_746, %add3A_751 : vector<16xi32>
        %mul3A_753 = arith.mulf %select_n3A_680, %gather3A_749 : vector<16xf32>
        %add3A_754 = arith.addf %scan3A_652, %mul3A_753 : vector<16xf32>
        %gather3A_755 = tpu.vector_load_idx %arg13[%add3A_674, %add3A_752] : memref<800x32xf32, #tpu.memory_space<vmem>>[vector<16xi32>, vector<16xi32>], vector<16xf32>,
        %add3A_756 = arith.constant 1 : i32
        %add3A_757 = vector.broadcast %add3A_756 : i32 to vector<16xi32>
        %add3A_758 = arith.addi %add3A_752, %add3A_757 : vector<16xi32>
        %mul3A_759 = arith.mulf %select_n3A_680, %gather3A_755 : vector<16xf32>
        %add3A_760 = arith.addf %scan3A_653, %mul3A_759 : vector<16xf32>
        %gather3A_761 = tpu.vector_load_idx %arg13[%add3A_674, %add3A_758] : memref<800x32xf32, #tpu.memory_space<vmem>>[vector<16xi32>, vector<16xi32>], vector<16xf32>,
        %add3A_762 = arith.constant 1 : i32
        %add3A_763 = vector.broadcast %add3A_762 : i32 to vector<16xi32>
        %add3A_764 = arith.addi %add3A_758, %add3A_763 : vector<16xi32>
        %mul3A_765 = arith.mulf %select_n3A_680, %gather3A_761 : vector<16xf32>
        %add3A_766 = arith.addf %scan3A_654, %mul3A_765 : vector<16xf32>
        %gather3A_767 = tpu.vector_load_idx %arg13[%add3A_674, %add3A_764] : memref<800x32xf32, #tpu.memory_space<vmem>>[vector<16xi32>, vector<16xi32>], vector<16xf32>,
        %add3A_768 = arith.constant 1 : i32
        %add3A_769 = vector.broadcast %add3A_768 : i32 to vector<16xi32>
        %add3A_770 = arith.addi %add3A_764, %add3A_769 : vector<16xi32>
        %mul3A_771 = arith.mulf %select_n3A_680, %gather3A_767 : vector<16xf32>
        %add3A_772 = arith.addf %scan3A_655, %mul3A_771 : vector<16xf32>
        %gather3A_773 = tpu.vector_load_idx %arg13[%add3A_674, %add3A_770] : memref<800x32xf32, #tpu.memory_space<vmem>>[vector<16xi32>, vector<16xi32>], vector<16xf32>,
        %add3A_774 = arith.constant 1 : i32
        %add3A_775 = vector.broadcast %add3A_774 : i32 to vector<16xi32>
        %add3A_776 = arith.addi %add3A_770, %add3A_775 : vector<16xi32>
        %mul3A_777 = arith.mulf %select_n3A_680, %gather3A_773 : vector<16xf32>
        %add3A_778 = arith.addf %scan3A_656, %mul3A_777 : vector<16xf32>
        %gather3A_779 = tpu.vector_load_idx %arg13[%add3A_674, %add3A_776] : memref<800x32xf32, #tpu.memory_space<vmem>>[vector<16xi32>, vector<16xi32>], vector<16xf32>,
        %add3A_780 = arith.constant 1 : i32
        %add3A_781 = vector.broadcast %add3A_780 : i32 to vector<16xi32>
        %add3A_782 = arith.addi %add3A_776, %add3A_781 : vector<16xi32>
        %mul3A_783 = arith.mulf %select_n3A_680, %gather3A_779 : vector<16xf32>
        %add3A_784 = arith.addf %scan3A_657, %mul3A_783 : vector<16xf32>
        %gather3A_785 = tpu.vector_load_idx %arg13[%add3A_674, %add3A_782] : memref<800x32xf32, #tpu.memory_space<vmem>>[vector<16xi32>, vector<16xi32>], vector<16xf32>,
        %add3A_786 = arith.constant 1 : i32
        %add3A_787 = vector.broadcast %add3A_786 : i32 to vector<16xi32>
        %add3A_788 = arith.addi %add3A_782, %add3A_787 : vector<16xi32>
        %mul3A_789 = arith.mulf %select_n3A_680, %gather3A_785 : vector<16xf32>
        %add3A_790 = arith.addf %scan3A_658, %mul3A_789 : vector<16xf32>
        %gather3A_791 = tpu.vector_load_idx %arg13[%add3A_674, %add3A_788] : memref<800x32xf32, #tpu.memory_space<vmem>>[vector<16xi32>, vector<16xi32>], vector<16xf32>,
        %add3A_792 = arith.constant 1 : i32
        %add3A_793 = vector.broadcast %add3A_792 : i32 to vector<16xi32>
        %add3A_794 = arith.addi %add3A_788, %add3A_793 : vector<16xi32>
        %mul3A_795 = arith.mulf %select_n3A_680, %gather3A_791 : vector<16xf32>
        %add3A_796 = arith.addf %scan3A_659, %mul3A_795 : vector<16xf32>
        %gather3A_797 = tpu.vector_load_idx %arg13[%add3A_674, %add3A_794] : memref<800x32xf32, #tpu.memory_space<vmem>>[vector<16xi32>, vector<16xi32>], vector<16xf32>,
        %add3A_798 = arith.constant 1 : i32
        %add3A_799 = vector.broadcast %add3A_798 : i32 to vector<16xi32>
        %add3A_800 = arith.addi %add3A_794, %add3A_799 : vector<16xi32>
        %mul3A_801 = arith.mulf %select_n3A_680, %gather3A_797 : vector<16xf32>
        %add3A_802 = arith.addf %scan3A_660, %mul3A_801 : vector<16xf32>
        %gather3A_803 = tpu.vector_load_idx %arg13[%add3A_674, %add3A_800] : memref<800x32xf32, #tpu.memory_space<vmem>>[vector<16xi32>, vector<16xi32>], vector<16xf32>,
        %add3A_804 = arith.constant 1 : i32
        %add3A_805 = vector.broadcast %add3A_804 : i32 to vector<16xi32>
        %add3A_806 = arith.addi %add3A_800, %add3A_805 : vector<16xi32>
        %mul3A_807 = arith.mulf %select_n3A_680, %gather3A_803 : vector<16xf32>
        %add3A_808 = arith.addf %scan3A_661, %mul3A_807 : vector<16xf32>
        %gather3A_809 = tpu.vector_load_idx %arg13[%add3A_674, %add3A_806] : memref<800x32xf32, #tpu.memory_space<vmem>>[vector<16xi32>, vector<16xi32>], vector<16xf32>,
        %add3A_810 = arith.constant 1 : i32
        %add3A_811 = vector.broadcast %add3A_810 : i32 to vector<16xi32>
        %add3A_812 = arith.addi %add3A_806, %add3A_811 : vector<16xi32>
        %mul3A_813 = arith.mulf %select_n3A_680, %gather3A_809 : vector<16xf32>
        %add3A_814 = arith.addf %scan3A_662, %mul3A_813 : vector<16xf32>
        %gather3A_815 = tpu.vector_load_idx %arg13[%add3A_674, %add3A_812] : memref<800x32xf32, #tpu.memory_space<vmem>>[vector<16xi32>, vector<16xi32>], vector<16xf32>,
        %add3A_816 = arith.constant 1 : i32
        %add3A_817 = vector.broadcast %add3A_816 : i32 to vector<16xi32>
        %add3A_818 = arith.addi %add3A_812, %add3A_817 : vector<16xi32>
        %mul3A_819 = arith.mulf %select_n3A_680, %gather3A_815 : vector<16xf32>
        %add3A_820 = arith.addf %scan3A_663, %mul3A_819 : vector<16xf32>
        %gather3A_821 = tpu.vector_load_idx %arg13[%add3A_674, %add3A_818] : memref<800x32xf32, #tpu.memory_space<vmem>>[vector<16xi32>, vector<16xi32>], vector<16xf32>,
        %add3A_822 = arith.constant 1 : i32
        %add3A_823 = vector.broadcast %add3A_822 : i32 to vector<16xi32>
        %add3A_824 = arith.addi %add3A_818, %add3A_823 : vector<16xi32>
        %mul3A_825 = arith.mulf %select_n3A_680, %gather3A_821 : vector<16xf32>
        %add3A_826 = arith.addf %scan3A_664, %mul3A_825 : vector<16xf32>
        %gather3A_827 = tpu.vector_load_idx %arg13[%add3A_674, %add3A_824] : memref<800x32xf32, #tpu.memory_space<vmem>>[vector<16xi32>, vector<16xi32>], vector<16xf32>,
        %add3A_828 = arith.constant 1 : i32
        %add3A_829 = vector.broadcast %add3A_828 : i32 to vector<16xi32>
        %add3A_830 = arith.addi %add3A_824, %add3A_829 : vector<16xi32>
        %mul3A_831 = arith.mulf %select_n3A_680, %gather3A_827 : vector<16xf32>
        %add3A_832 = arith.addf %scan3A_665, %mul3A_831 : vector<16xf32>
        %gather3A_833 = tpu.vector_load_idx %arg13[%add3A_674, %add3A_830] : memref<800x32xf32, #tpu.memory_space<vmem>>[vector<16xi32>, vector<16xi32>], vector<16xf32>,
        %add3A_834 = arith.constant 1 : i32
        %add3A_835 = vector.broadcast %add3A_834 : i32 to vector<16xi32>
        %add3A_836 = arith.addi %add3A_830, %add3A_835 : vector<16xi32>
        %mul3A_837 = arith.mulf %select_n3A_680, %gather3A_833 : vector<16xf32>
        %add3A_838 = arith.addf %scan3A_666, %mul3A_837 : vector<16xf32>
        %gather3A_839 = tpu.vector_load_idx %arg13[%add3A_674, %add3A_836] : memref<800x32xf32, #tpu.memory_space<vmem>>[vector<16xi32>, vector<16xi32>], vector<16xf32>,
        %add3A_840 = arith.constant 1 : i32
        %add3A_841 = vector.broadcast %add3A_840 : i32 to vector<16xi32>
        %add3A_842 = arith.addi %add3A_836, %add3A_841 : vector<16xi32>
        %mul3A_843 = arith.mulf %select_n3A_680, %gather3A_839 : vector<16xf32>
        %add3A_844 = arith.addf %scan3A_667, %mul3A_843 : vector<16xf32>
        %gather3A_845 = tpu.vector_load_idx %arg13[%add3A_674, %add3A_842] : memref<800x32xf32, #tpu.memory_space<vmem>>[vector<16xi32>, vector<16xi32>], vector<16xf32>,
        %add3A_846 = arith.constant 1 : i32
        %add3A_847 = vector.broadcast %add3A_846 : i32 to vector<16xi32>
        %add3A_848 = arith.addi %add3A_842, %add3A_847 : vector<16xi32>
        %mul3A_849 = arith.mulf %select_n3A_680, %gather3A_845 : vector<16xf32>
        %add3A_850 = arith.addf %scan3A_668, %mul3A_849 : vector<16xf32>
        %gather3A_851 = tpu.vector_load_idx %arg13[%add3A_674, %add3A_848] : memref<800x32xf32, #tpu.memory_space<vmem>>[vector<16xi32>, vector<16xi32>], vector<16xf32>,
        %add3A_852 = arith.constant 1 : i32
        %add3A_853 = vector.broadcast %add3A_852 : i32 to vector<16xi32>
        %add3A_854 = arith.addi %add3A_848, %add3A_853 : vector<16xi32>
        %mul3A_855 = arith.mulf %select_n3A_680, %gather3A_851 : vector<16xf32>
        %add3A_856 = arith.addf %scan3A_669, %mul3A_855 : vector<16xf32>
        %gather3A_857 = tpu.vector_load_idx %arg13[%add3A_674, %add3A_854] : memref<800x32xf32, #tpu.memory_space<vmem>>[vector<16xi32>, vector<16xi32>], vector<16xf32>,
        %add3A_858 = arith.constant 1 : i32
        %add3A_859 = vector.broadcast %add3A_858 : i32 to vector<16xi32>
        %add3A_860 = arith.addi %add3A_854, %add3A_859 : vector<16xi32>
        %mul3A_861 = arith.mulf %select_n3A_680, %gather3A_857 : vector<16xf32>
        %add3A_862 = arith.addf %scan3A_670, %mul3A_861 : vector<16xf32>
        %gather3A_863 = tpu.vector_load_idx %arg13[%add3A_674, %add3A_860] : memref<800x32xf32, #tpu.memory_space<vmem>>[vector<16xi32>, vector<16xi32>], vector<16xf32>,
        %add3A_864 = arith.constant 1 : i32
        %add3A_865 = vector.broadcast %add3A_864 : i32 to vector<16xi32>
        %add3A_866 = arith.addi %add3A_860, %add3A_865 : vector<16xi32>
        %mul3A_867 = arith.mulf %select_n3A_680, %gather3A_863 : vector<16xf32>
        %add3A_868 = arith.addf %scan3A_671, %mul3A_867 : vector<16xf32>
        %gather3A_869 = tpu.vector_load_idx %arg13[%add3A_674, %add3A_866] : memref<800x32xf32, #tpu.memory_space<vmem>>[vector<16xi32>, vector<16xi32>], vector<16xf32>,
        %add3A_870 = arith.constant 1 : i32
        %add3A_871 = vector.broadcast %add3A_870 : i32 to vector<16xi32>
        %add3A_872 = arith.addi %add3A_866, %add3A_871 : vector<16xi32>
        %mul3A_873 = arith.mulf %select_n3A_680, %gather3A_869 : vector<16xf32>
        %add3A_874 = arith.addf %scan3A_672, %mul3A_873 : vector<16xf32>
        scf.yield %add3A_688, %add3A_694, %add3A_700, %add3A_706, %add3A_712, %add3A_718, %add3A_724, %add3A_730, %add3A_736, %add3A_742, %add3A_748, %add3A_754, %add3A_760, %add3A_766, %add3A_772, %add3A_778, %add3A_784, %add3A_790, %add3A_796, %add3A_802, %add3A_808, %add3A_814, %add3A_820, %add3A_826, %add3A_832, %add3A_838, %add3A_844, %add3A_850, %add3A_856, %add3A_862, %add3A_868, %add3A_874 : vector<16xf32>, vector<16xf32>, vector<16xf32>, vector<16xf32>, vector<16xf32>, vector<16xf32>, vector<16xf32>, vector<16xf32>, vector<16xf32>, vector<16xf32>, vector<16xf32>, vector<16xf32>, vector<16xf32>, vector<16xf32>, vector<16xf32>, vector<16xf32>, vector<16xf32>, vector<16xf32>, vector<16xf32>, vector<16xf32>, vector<16xf32>, vector<16xf32>, vector<16xf32>, vector<16xf32>, vector<16xf32>, vector<16xf32>, vector<16xf32>, vector<16xf32>, vector<16xf32>, vector<16xf32>, vector<16xf32>, vector<16xf32>
      }
      %scan3A_473 = arith.constant 50 : i32
      %gather3A_474 = tpu.vector_load_idx %arg11[%add3A_378] : memref<768xi32, #tpu.memory_space<vmem>>[vector<16xi32>], vector<16xi32>,
      %convert_element_type3A_475 = arith.sitofp %gather3A_474 : vector<16xi32> to vector<16xf32>
      %max3A_476 = arith.constant 1.000000e+00 : f32
      %max3A_477 = vector.broadcast %max3A_476 : f32 to vector<16xf32>
      %max3A_478 = arith.maximumf %convert_element_type3A_475, %max3A_477 : vector<16xf32>
      %div3A_479 = arith.constant 1.000000e+00 : f32
      %div3A_480 = vector.broadcast %div3A_479 : f32 to vector<16xf32>
      %div3A_481 = arith.divf %div3A_480, %max3A_478 : vector<16xf32>
      %dma_wait3A_482 = arith.constant 0 : i32
      %dma_wait3A_483 = arith.constant 0 : i32
      %dma_wait3A_484 = tpu.memref_slice %arg6[%dma_wait3A_482, %dma_wait3A_483] : memref<24576x32xf32, #tpu.memory_space<hbm>> -> memref<16x32xf32, #tpu.memory_space<hbm>>
      %dma_wait3A_485 = arith.constant 0 : i32
      %dma_wait3A_486 = arith.constant 0 : i32
      %dma_wait3A_487 = tpu.memref_slice %arg6[%dma_wait3A_485, %dma_wait3A_486] : memref<24576x32xf32, #tpu.memory_space<hbm>> -> memref<16x32xf32, #tpu.memory_space<hbm>>
      tpu.wait_dma2 semaphore(%arg21 : memref<!tpu.dma_semaphore, #tpu.memory_space<semaphore_mem>>) src(%arg15 : memref<16x32xf32, #tpu.memory_space<vmem>>) dst(%dma_wait3A_487 : memref<16x32xf32, #tpu.memory_space<hbm>>)
      %broadcast_in_dim3A_488 = arith.constant 0 : i32
      %broadcast_in_dim3A_489 = vector.broadcast %broadcast_in_dim3A_488 : i32 to vector<16xi32>
      %mul3A_490 = arith.mulf %scan3A_472#0, %div3A_481 : vector<16xf32>
      tpu.vector_store_idx %arg15[%iota3A, %broadcast_in_dim3A_489], %mul3A_490 : memref<16x32xf32, #tpu.memory_space<vmem>>[vector<16xi32>, vector<16xi32>], vector<16xf32>,
      %add3A_491 = arith.constant 1 : i32
      %add3A_492 = vector.broadcast %add3A_491 : i32 to vector<16xi32>
      %add3A_493 = arith.addi %broadcast_in_dim3A_489, %add3A_492 : vector<16xi32>
      %mul3A_494 = arith.mulf %scan3A_472#1, %div3A_481 : vector<16xf32>
      tpu.vector_store_idx %arg15[%iota3A, %add3A_493], %mul3A_494 : memref<16x32xf32, #tpu.memory_space<vmem>>[vector<16xi32>, vector<16xi32>], vector<16xf32>,
      %add3A_495 = arith.constant 1 : i32
      %add3A_496 = vector.broadcast %add3A_495 : i32 to vector<16xi32>
      %add3A_497 = arith.addi %add3A_493, %add3A_496 : vector<16xi32>
      %mul3A_498 = arith.mulf %scan3A_472#2, %div3A_481 : vector<16xf32>
      tpu.vector_store_idx %arg15[%iota3A, %add3A_497], %mul3A_498 : memref<16x32xf32, #tpu.memory_space<vmem>>[vector<16xi32>, vector<16xi32>], vector<16xf32>,
      %add3A_499 = arith.constant 1 : i32
      %add3A_500 = vector.broadcast %add3A_499 : i32 to vector<16xi32>
      %add3A_501 = arith.addi %add3A_497, %add3A_500 : vector<16xi32>
      %mul3A_502 = arith.mulf %scan3A_472#3, %div3A_481 : vector<16xf32>
      tpu.vector_store_idx %arg15[%iota3A, %add3A_501], %mul3A_502 : memref<16x32xf32, #tpu.memory_space<vmem>>[vector<16xi32>, vector<16xi32>], vector<16xf32>,
      %add3A_503 = arith.constant 1 : i32
      %add3A_504 = vector.broadcast %add3A_503 : i32 to vector<16xi32>
      %add3A_505 = arith.addi %add3A_501, %add3A_504 : vector<16xi32>
      %mul3A_506 = arith.mulf %scan3A_472#4, %div3A_481 : vector<16xf32>
      tpu.vector_store_idx %arg15[%iota3A, %add3A_505], %mul3A_506 : memref<16x32xf32, #tpu.memory_space<vmem>>[vector<16xi32>, vector<16xi32>], vector<16xf32>,
      %add3A_507 = arith.constant 1 : i32
      %add3A_508 = vector.broadcast %add3A_507 : i32 to vector<16xi32>
      %add3A_509 = arith.addi %add3A_505, %add3A_508 : vector<16xi32>
      %mul3A_510 = arith.mulf %scan3A_472#5, %div3A_481 : vector<16xf32>
      tpu.vector_store_idx %arg15[%iota3A, %add3A_509], %mul3A_510 : memref<16x32xf32, #tpu.memory_space<vmem>>[vector<16xi32>, vector<16xi32>], vector<16xf32>,
      %add3A_511 = arith.constant 1 : i32
      %add3A_512 = vector.broadcast %add3A_511 : i32 to vector<16xi32>
      %add3A_513 = arith.addi %add3A_509, %add3A_512 : vector<16xi32>
      %mul3A_514 = arith.mulf %scan3A_472#6, %div3A_481 : vector<16xf32>
      tpu.vector_store_idx %arg15[%iota3A, %add3A_513], %mul3A_514 : memref<16x32xf32, #tpu.memory_space<vmem>>[vector<16xi32>, vector<16xi32>], vector<16xf32>,
      %add3A_515 = arith.constant 1 : i32
      %add3A_516 = vector.broadcast %add3A_515 : i32 to vector<16xi32>
      %add3A_517 = arith.addi %add3A_513, %add3A_516 : vector<16xi32>
      %mul3A_518 = arith.mulf %scan3A_472#7, %div3A_481 : vector<16xf32>
      tpu.vector_store_idx %arg15[%iota3A, %add3A_517], %mul3A_518 : memref<16x32xf32, #tpu.memory_space<vmem>>[vector<16xi32>, vector<16xi32>], vector<16xf32>,
      %add3A_519 = arith.constant 1 : i32
      %add3A_520 = vector.broadcast %add3A_519 : i32 to vector<16xi32>
      %add3A_521 = arith.addi %add3A_517, %add3A_520 : vector<16xi32>
      %mul3A_522 = arith.mulf %scan3A_472#8, %div3A_481 : vector<16xf32>
      tpu.vector_store_idx %arg15[%iota3A, %add3A_521], %mul3A_522 : memref<16x32xf32, #tpu.memory_space<vmem>>[vector<16xi32>, vector<16xi32>], vector<16xf32>,
      %add3A_523 = arith.constant 1 : i32
      %add3A_524 = vector.broadcast %add3A_523 : i32 to vector<16xi32>
      %add3A_525 = arith.addi %add3A_521, %add3A_524 : vector<16xi32>
      %mul3A_526 = arith.mulf %scan3A_472#9, %div3A_481 : vector<16xf32>
      tpu.vector_store_idx %arg15[%iota3A, %add3A_525], %mul3A_526 : memref<16x32xf32, #tpu.memory_space<vmem>>[vector<16xi32>, vector<16xi32>], vector<16xf32>,
      %add3A_527 = arith.constant 1 : i32
      %add3A_528 = vector.broadcast %add3A_527 : i32 to vector<16xi32>
      %add3A_529 = arith.addi %add3A_525, %add3A_528 : vector<16xi32>
      %mul3A_530 = arith.mulf %scan3A_472#10, %div3A_481 : vector<16xf32>
      tpu.vector_store_idx %arg15[%iota3A, %add3A_529], %mul3A_530 : memref<16x32xf32, #tpu.memory_space<vmem>>[vector<16xi32>, vector<16xi32>], vector<16xf32>,
      %add3A_531 = arith.constant 1 : i32
      %add3A_532 = vector.broadcast %add3A_531 : i32 to vector<16xi32>
      %add3A_533 = arith.addi %add3A_529, %add3A_532 : vector<16xi32>
      %mul3A_534 = arith.mulf %scan3A_472#11, %div3A_481 : vector<16xf32>
      tpu.vector_store_idx %arg15[%iota3A, %add3A_533], %mul3A_534 : memref<16x32xf32, #tpu.memory_space<vmem>>[vector<16xi32>, vector<16xi32>], vector<16xf32>,
      %add3A_535 = arith.constant 1 : i32
      %add3A_536 = vector.broadcast %add3A_535 : i32 to vector<16xi32>
      %add3A_537 = arith.addi %add3A_533, %add3A_536 : vector<16xi32>
      %mul3A_538 = arith.mulf %scan3A_472#12, %div3A_481 : vector<16xf32>
      tpu.vector_store_idx %arg15[%iota3A, %add3A_537], %mul3A_538 : memref<16x32xf32, #tpu.memory_space<vmem>>[vector<16xi32>, vector<16xi32>], vector<16xf32>,
      %add3A_539 = arith.constant 1 : i32
      %add3A_540 = vector.broadcast %add3A_539 : i32 to vector<16xi32>
      %add3A_541 = arith.addi %add3A_537, %add3A_540 : vector<16xi32>
      %mul3A_542 = arith.mulf %scan3A_472#13, %div3A_481 : vector<16xf32>
      tpu.vector_store_idx %arg15[%iota3A, %add3A_541], %mul3A_542 : memref<16x32xf32, #tpu.memory_space<vmem>>[vector<16xi32>, vector<16xi32>], vector<16xf32>,
      %add3A_543 = arith.constant 1 : i32
      %add3A_544 = vector.broadcast %add3A_543 : i32 to vector<16xi32>
      %add3A_545 = arith.addi %add3A_541, %add3A_544 : vector<16xi32>
      %mul3A_546 = arith.mulf %scan3A_472#14, %div3A_481 : vector<16xf32>
      tpu.vector_store_idx %arg15[%iota3A, %add3A_545], %mul3A_546 : memref<16x32xf32, #tpu.memory_space<vmem>>[vector<16xi32>, vector<16xi32>], vector<16xf32>,
      %add3A_547 = arith.constant 1 : i32
      %add3A_548 = vector.broadcast %add3A_547 : i32 to vector<16xi32>
      %add3A_549 = arith.addi %add3A_545, %add3A_548 : vector<16xi32>
      %mul3A_550 = arith.mulf %scan3A_472#15, %div3A_481 : vector<16xf32>
      tpu.vector_store_idx %arg15[%iota3A, %add3A_549], %mul3A_550 : memref<16x32xf32, #tpu.memory_space<vmem>>[vector<16xi32>, vector<16xi32>], vector<16xf32>,
      %add3A_551 = arith.constant 1 : i32
      %add3A_552 = vector.broadcast %add3A_551 : i32 to vector<16xi32>
      %add3A_553 = arith.addi %add3A_549, %add3A_552 : vector<16xi32>
      %mul3A_554 = arith.mulf %scan3A_472#16, %div3A_481 : vector<16xf32>
      tpu.vector_store_idx %arg15[%iota3A, %add3A_553], %mul3A_554 : memref<16x32xf32, #tpu.memory_space<vmem>>[vector<16xi32>, vector<16xi32>], vector<16xf32>,
      %add3A_555 = arith.constant 1 : i32
      %add3A_556 = vector.broadcast %add3A_555 : i32 to vector<16xi32>
      %add3A_557 = arith.addi %add3A_553, %add3A_556 : vector<16xi32>
      %mul3A_558 = arith.mulf %scan3A_472#17, %div3A_481 : vector<16xf32>
      tpu.vector_store_idx %arg15[%iota3A, %add3A_557], %mul3A_558 : memref<16x32xf32, #tpu.memory_space<vmem>>[vector<16xi32>, vector<16xi32>], vector<16xf32>,
      %add3A_559 = arith.constant 1 : i32
      %add3A_560 = vector.broadcast %add3A_559 : i32 to vector<16xi32>
      %add3A_561 = arith.addi %add3A_557, %add3A_560 : vector<16xi32>
      %mul3A_562 = arith.mulf %scan3A_472#18, %div3A_481 : vector<16xf32>
      tpu.vector_store_idx %arg15[%iota3A, %add3A_561], %mul3A_562 : memref<16x32xf32, #tpu.memory_space<vmem>>[vector<16xi32>, vector<16xi32>], vector<16xf32>,
      %add3A_563 = arith.constant 1 : i32
      %add3A_564 = vector.broadcast %add3A_563 : i32 to vector<16xi32>
      %add3A_565 = arith.addi %add3A_561, %add3A_564 : vector<16xi32>
      %mul3A_566 = arith.mulf %scan3A_472#19, %div3A_481 : vector<16xf32>
      tpu.vector_store_idx %arg15[%iota3A, %add3A_565], %mul3A_566 : memref<16x32xf32, #tpu.memory_space<vmem>>[vector<16xi32>, vector<16xi32>], vector<16xf32>,
      %add3A_567 = arith.constant 1 : i32
      %add3A_568 = vector.broadcast %add3A_567 : i32 to vector<16xi32>
      %add3A_569 = arith.addi %add3A_565, %add3A_568 : vector<16xi32>
      %mul3A_570 = arith.mulf %scan3A_472#20, %div3A_481 : vector<16xf32>
      tpu.vector_store_idx %arg15[%iota3A, %add3A_569], %mul3A_570 : memref<16x32xf32, #tpu.memory_space<vmem>>[vector<16xi32>, vector<16xi32>], vector<16xf32>,
      %add3A_571 = arith.constant 1 : i32
      %add3A_572 = vector.broadcast %add3A_571 : i32 to vector<16xi32>
      %add3A_573 = arith.addi %add3A_569, %add3A_572 : vector<16xi32>
      %mul3A_574 = arith.mulf %scan3A_472#21, %div3A_481 : vector<16xf32>
      tpu.vector_store_idx %arg15[%iota3A, %add3A_573], %mul3A_574 : memref<16x32xf32, #tpu.memory_space<vmem>>[vector<16xi32>, vector<16xi32>], vector<16xf32>,
      %add3A_575 = arith.constant 1 : i32
      %add3A_576 = vector.broadcast %add3A_575 : i32 to vector<16xi32>
      %add3A_577 = arith.addi %add3A_573, %add3A_576 : vector<16xi32>
      %mul3A_578 = arith.mulf %scan3A_472#22, %div3A_481 : vector<16xf32>
      tpu.vector_store_idx %arg15[%iota3A, %add3A_577], %mul3A_578 : memref<16x32xf32, #tpu.memory_space<vmem>>[vector<16xi32>, vector<16xi32>], vector<16xf32>,
      %add3A_579 = arith.constant 1 : i32
      %add3A_580 = vector.broadcast %add3A_579 : i32 to vector<16xi32>
      %add3A_581 = arith.addi %add3A_577, %add3A_580 : vector<16xi32>
      %mul3A_582 = arith.mulf %scan3A_472#23, %div3A_481 : vector<16xf32>
      tpu.vector_store_idx %arg15[%iota3A, %add3A_581], %mul3A_582 : memref<16x32xf32, #tpu.memory_space<vmem>>[vector<16xi32>, vector<16xi32>], vector<16xf32>,
      %add3A_583 = arith.constant 1 : i32
      %add3A_584 = vector.broadcast %add3A_583 : i32 to vector<16xi32>
      %add3A_585 = arith.addi %add3A_581, %add3A_584 : vector<16xi32>
      %mul3A_586 = arith.mulf %scan3A_472#24, %div3A_481 : vector<16xf32>
      tpu.vector_store_idx %arg15[%iota3A, %add3A_585], %mul3A_586 : memref<16x32xf32, #tpu.memory_space<vmem>>[vector<16xi32>, vector<16xi32>], vector<16xf32>,
      %add3A_587 = arith.constant 1 : i32
      %add3A_588 = vector.broadcast %add3A_587 : i32 to vector<16xi32>
      %add3A_589 = arith.addi %add3A_585, %add3A_588 : vector<16xi32>
      %mul3A_590 = arith.mulf %scan3A_472#25, %div3A_481 : vector<16xf32>
      tpu.vector_store_idx %arg15[%iota3A, %add3A_589], %mul3A_590 : memref<16x32xf32, #tpu.memory_space<vmem>>[vector<16xi32>, vector<16xi32>], vector<16xf32>,
      %add3A_591 = arith.constant 1 : i32
      %add3A_592 = vector.broadcast %add3A_591 : i32 to vector<16xi32>
      %add3A_593 = arith.addi %add3A_589, %add3A_592 : vector<16xi32>
      %mul3A_594 = arith.mulf %scan3A_472#26, %div3A_481 : vector<16xf32>
      tpu.vector_store_idx %arg15[%iota3A, %add3A_593], %mul3A_594 : memref<16x32xf32, #tpu.memory_space<vmem>>[vector<16xi32>, vector<16xi32>], vector<16xf32>,
      %add3A_595 = arith.constant 1 : i32
      %add3A_596 = vector.broadcast %add3A_595 : i32 to vector<16xi32>
      %add3A_597 = arith.addi %add3A_593, %add3A_596 : vector<16xi32>
      %mul3A_598 = arith.mulf %scan3A_472#27, %div3A_481 : vector<16xf32>
      tpu.vector_store_idx %arg15[%iota3A, %add3A_597], %mul3A_598 : memref<16x32xf32, #tpu.memory_space<vmem>>[vector<16xi32>, vector<16xi32>], vector<16xf32>,
      %add3A_599 = arith.constant 1 : i32
      %add3A_600 = vector.broadcast %add3A_599 : i32 to vector<16xi32>
      %add3A_601 = arith.addi %add3A_597, %add3A_600 : vector<16xi32>
      %mul3A_602 = arith.mulf %scan3A_472#28, %div3A_481 : vector<16xf32>
      tpu.vector_store_idx %arg15[%iota3A, %add3A_601], %mul3A_602 : memref<16x32xf32, #tpu.memory_space<vmem>>[vector<16xi32>, vector<16xi32>], vector<16xf32>,
      %add3A_603 = arith.constant 1 : i32
      %add3A_604 = vector.broadcast %add3A_603 : i32 to vector<16xi32>
      %add3A_605 = arith.addi %add3A_601, %add3A_604 : vector<16xi32>
      %mul3A_606 = arith.mulf %scan3A_472#29, %div3A_481 : vector<16xf32>
      tpu.vector_store_idx %arg15[%iota3A, %add3A_605], %mul3A_606 : memref<16x32xf32, #tpu.memory_space<vmem>>[vector<16xi32>, vector<16xi32>], vector<16xf32>,
      %add3A_607 = arith.constant 1 : i32
      %add3A_608 = vector.broadcast %add3A_607 : i32 to vector<16xi32>
      %add3A_609 = arith.addi %add3A_605, %add3A_608 : vector<16xi32>
      %mul3A_610 = arith.mulf %scan3A_472#30, %div3A_481 : vector<16xf32>
      tpu.vector_store_idx %arg15[%iota3A, %add3A_609], %mul3A_610 : memref<16x32xf32, #tpu.memory_space<vmem>>[vector<16xi32>, vector<16xi32>], vector<16xf32>,
      %add3A_611 = arith.constant 1 : i32
      %add3A_612 = vector.broadcast %add3A_611 : i32 to vector<16xi32>
      %add3A_613 = arith.addi %add3A_609, %add3A_612 : vector<16xi32>
      %mul3A_614 = arith.mulf %scan3A_472#31, %div3A_481 : vector<16xf32>
      tpu.vector_store_idx %arg15[%iota3A, %add3A_613], %mul3A_614 : memref<16x32xf32, #tpu.memory_space<vmem>>[vector<16xi32>, vector<16xi32>], vector<16xf32>,
      %add3A_615 = arith.constant 1 : i32
      %add3A_616 = vector.broadcast %add3A_615 : i32 to vector<16xi32>
      %add3A_617 = arith.addi %add3A_613, %add3A_616 : vector<16xi32>
      %mul3A_618 = arith.constant 6 : i32
      %mul3A_619 = arith.muli %multiple_of3A, %mul3A_618 : i32
      %mul3A_620 = arith.constant 16 : i32
      %mul3A_621 = arith.muli %add3A_87, %mul3A_620 : i32
      %add3A_622 = arith.addi %mul3A_619, %mul3A_621 : i32
      %multiple_of3A_623 = tpu.assume_multiple %add3A_622, 16 : i32
      %dma_start3A_624 = arith.constant 0 : i32
      %dma_start3A_625 = tpu.memref_slice %arg6[%multiple_of3A_623, %dma_start3A_624] : memref<24576x32xf32, #tpu.memory_space<hbm>> -> memref<16x32xf32, #tpu.memory_space<hbm>>
      %dma_start3A_626 = arith.constant 0 : i32
      %dma_start3A_627 = tpu.memref_slice %arg6[%multiple_of3A_623, %dma_start3A_626] : memref<24576x32xf32, #tpu.memory_space<hbm>> -> memref<16x32xf32, #tpu.memory_space<hbm>>
      tpu.enqueue_dma source(%arg15 : memref<16x32xf32, #tpu.memory_space<vmem>>) target(%dma_start3A_627 : memref<16x32xf32, #tpu.memory_space<hbm>>) target_semaphore(%arg21 : memref<!tpu.dma_semaphore, #tpu.memory_space<semaphore_mem>>)
      %add3A_628 = arith.constant 2 : i32
      %add3A_629 = arith.addi %add3A_87, %add3A_628 : i32
      %min3A_630 = arith.constant 47 : i32
      %min3A_631 = arith.minsi %add3A_629, %min3A_630 : i32
      %mul3A_632 = arith.constant 800 : i32
      %mul3A_633 = arith.muli %min3A_631, %mul3A_632 : i32
      %add3A_634 = arith.addi %mul3A_6, %mul3A_633 : i32
      %multiple_of3A_635 = tpu.assume_multiple %add3A_634, 800 : i32
      %dma_start3A_636 = tpu.memref_slice %arg3[%multiple_of3A_635] : memref<1228800xi32, #tpu.memory_space<hbm>> -> memref<800xi32, #tpu.memory_space<hbm>>
      %dma_start3A_637 = tpu.memref_slice %arg3[%multiple_of3A_635] : memref<1228800xi32, #tpu.memory_space<hbm>> -> memref<800xi32, #tpu.memory_space<hbm>>
      tpu.enqueue_dma source(%dma_start3A_637 : memref<800xi32, #tpu.memory_space<hbm>>) target(%arg8 : memref<800xi32, #tpu.memory_space<vmem>>) target_semaphore(%arg17 : memref<!tpu.dma_semaphore, #tpu.memory_space<semaphore_mem>>)
      %dma_start3A_638 = tpu.memref_slice %arg4[%multiple_of3A_635] : memref<1228800xf32, #tpu.memory_space<hbm>> -> memref<800xf32, #tpu.memory_space<hbm>>
      %dma_start3A_639 = tpu.memref_slice %arg4[%multiple_of3A_635] : memref<1228800xf32, #tpu.memory_space<hbm>> -> memref<800xf32, #tpu.memory_space<hbm>>
      tpu.enqueue_dma source(%dma_start3A_639 : memref<800xf32, #tpu.memory_space<hbm>>) target(%arg10 : memref<800xf32, #tpu.memory_space<vmem>>) target_semaphore(%arg17 : memref<!tpu.dma_semaphore, #tpu.memory_space<semaphore_mem>>)
    }
    %scan3A_54 = arith.constant 24 : i32
    %dma_wait3A = arith.constant 0 : i32
    %dma_wait3A_55 = tpu.memref_slice %arg3[%dma_wait3A] : memref<1228800xi32, #tpu.memory_space<hbm>> -> memref<800xi32, #tpu.memory_space<hbm>>
    %dma_wait3A_56 = arith.constant 0 : i32
    %dma_wait3A_57 = tpu.memref_slice %arg3[%dma_wait3A_56] : memref<1228800xi32, #tpu.memory_space<hbm>> -> memref<800xi32, #tpu.memory_space<hbm>>
    tpu.wait_dma2 semaphore(%arg16 : memref<!tpu.dma_semaphore, #tpu.memory_space<semaphore_mem>>) src(%dma_wait3A_57 : memref<800xi32, #tpu.memory_space<hbm>>) dst(%arg7 : memref<800xi32, #tpu.memory_space<vmem>>)
    %dma_wait3A_58 = arith.constant 0 : i32
    %dma_wait3A_59 = tpu.memref_slice %arg4[%dma_wait3A_58] : memref<1228800xf32, #tpu.memory_space<hbm>> -> memref<800xf32, #tpu.memory_space<hbm>>
    %dma_wait3A_60 = arith.constant 0 : i32
    %dma_wait3A_61 = tpu.memref_slice %arg4[%dma_wait3A_60] : memref<1228800xf32, #tpu.memory_space<hbm>> -> memref<800xf32, #tpu.memory_space<hbm>>
    tpu.wait_dma2 semaphore(%arg16 : memref<!tpu.dma_semaphore, #tpu.memory_space<semaphore_mem>>) src(%dma_wait3A_61 : memref<800xf32, #tpu.memory_space<hbm>>) dst(%arg9 : memref<800xf32, #tpu.memory_space<vmem>>)
    %dma_wait3A_62 = arith.constant 0 : i32
    %dma_wait3A_63 = tpu.memref_slice %arg3[%dma_wait3A_62] : memref<1228800xi32, #tpu.memory_space<hbm>> -> memref<800xi32, #tpu.memory_space<hbm>>
    %dma_wait3A_64 = arith.constant 0 : i32
    %dma_wait3A_65 = tpu.memref_slice %arg3[%dma_wait3A_64] : memref<1228800xi32, #tpu.memory_space<hbm>> -> memref<800xi32, #tpu.memory_space<hbm>>
    tpu.wait_dma2 semaphore(%arg17 : memref<!tpu.dma_semaphore, #tpu.memory_space<semaphore_mem>>) src(%dma_wait3A_65 : memref<800xi32, #tpu.memory_space<hbm>>) dst(%arg8 : memref<800xi32, #tpu.memory_space<vmem>>)
    %dma_wait3A_66 = arith.constant 0 : i32
    %dma_wait3A_67 = tpu.memref_slice %arg4[%dma_wait3A_66] : memref<1228800xf32, #tpu.memory_space<hbm>> -> memref<800xf32, #tpu.memory_space<hbm>>
    %dma_wait3A_68 = arith.constant 0 : i32
    %dma_wait3A_69 = tpu.memref_slice %arg4[%dma_wait3A_68] : memref<1228800xf32, #tpu.memory_space<hbm>> -> memref<800xf32, #tpu.memory_space<hbm>>
    tpu.wait_dma2 semaphore(%arg17 : memref<!tpu.dma_semaphore, #tpu.memory_space<semaphore_mem>>) src(%dma_wait3A_69 : memref<800xf32, #tpu.memory_space<hbm>>) dst(%arg10 : memref<800xf32, #tpu.memory_space<vmem>>)
    %dma_wait3A_70 = arith.constant 0 : i32
    %dma_wait3A_71 = arith.constant 0 : i32
    %dma_wait3A_72 = tpu.memref_slice %arg6[%dma_wait3A_70, %dma_wait3A_71] : memref<24576x32xf32, #tpu.memory_space<hbm>> -> memref<16x32xf32, #tpu.memory_space<hbm>>
    %dma_wait3A_73 = arith.constant 0 : i32
    %dma_wait3A_74 = arith.constant 0 : i32
    %dma_wait3A_75 = tpu.memref_slice %arg6[%dma_wait3A_73, %dma_wait3A_74] : memref<24576x32xf32, #tpu.memory_space<hbm>> -> memref<16x32xf32, #tpu.memory_space<hbm>>
    tpu.wait_dma2 semaphore(%arg20 : memref<!tpu.dma_semaphore, #tpu.memory_space<semaphore_mem>>) src(%arg14 : memref<16x32xf32, #tpu.memory_space<vmem>>) dst(%dma_wait3A_75 : memref<16x32xf32, #tpu.memory_space<hbm>>)
    %dma_wait3A_76 = arith.constant 0 : i32
    %dma_wait3A_77 = arith.constant 0 : i32
    %dma_wait3A_78 = tpu.memref_slice %arg6[%dma_wait3A_76, %dma_wait3A_77] : memref<24576x32xf32, #tpu.memory_space<hbm>> -> memref<16x32xf32, #tpu.memory_space<hbm>>
    %dma_wait3A_79 = arith.constant 0 : i32
    %dma_wait3A_80 = arith.constant 0 : i32
    %dma_wait3A_81 = tpu.memref_slice %arg6[%dma_wait3A_79, %dma_wait3A_80] : memref<24576x32xf32, #tpu.memory_space<hbm>> -> memref<16x32xf32, #tpu.memory_space<hbm>>
    tpu.wait_dma2 semaphore(%arg21 : memref<!tpu.dma_semaphore, #tpu.memory_space<semaphore_mem>>) src(%arg15 : memref<16x32xf32, #tpu.memory_space<vmem>>) dst(%dma_wait3A_81 : memref<16x32xf32, #tpu.memory_space<hbm>>)
    return
  }
}

#map = affine_map<(d0, d1) -> (0, 0)>
#map1 = affine_map<(d0, d1) -> (0)>
module attributes {stable_mosaic.version = 14 : i64} {
  func.func @k(%arg0: i32, %arg1: i32, %arg2: memref<2000000x32xf32, #tpu.memory_space<hbm>>, %arg3: memref<81920xi32, #tpu.memory_space<hbm>>, %arg4: memref<81920x32xf32, #tpu.memory_space<hbm>>, %arg5: memref<2560xi32, #tpu.memory_space<vmem>>, %arg6: memref<2560x32xf32, #tpu.memory_space<vmem>>, %arg7: memref<!tpu.dma_semaphore, #tpu.memory_space<semaphore_mem>>) attributes {dimension_semantics = [#tpu.dimension_semantics<core_parallel>, #tpu.dimension_semantics<subcore_parallel>], iteration_bounds = array<i64: 2, 16>, scalar_prefetch = 0 : i64, scratch_operands = 3 : i64, tpu.core_type = #tpu.core_type<sc_vector_subcore>, window_params = [{transform_indices = #map}, {transform_indices = #map1}, {transform_indices = #map}]} {
    %mul3A = arith.constant 2 : i32
    %mul3A_0 = arith.muli %arg1, %mul3A : i32
    %add3A = arith.addi %mul3A_0, %arg0 : i32
    %mul3A_1 = arith.constant 128 : i32
    %mul3A_2 = arith.muli %add3A, %mul3A_1 : i32
    %multiple_of3A = tpu.assume_multiple %mul3A_2, 128 : i32
    %mul3A_3 = arith.constant 20 : i32
    %mul3A_4 = arith.muli %multiple_of3A, %mul3A_3 : i32
    "tpu.region"() ({
      %run_scoped3A = tpu.sem_alloc : memref<!tpu.dma_semaphore, #tpu.memory_space<semaphore_mem>>
      %dma_start3A_1029 = tpu.memref_slice %arg3[%mul3A_4] : memref<81920xi32, #tpu.memory_space<hbm>> -> memref<2560xi32, #tpu.memory_space<hbm>>
      %dma_start3A_1030 = tpu.memref_slice %arg3[%mul3A_4] : memref<81920xi32, #tpu.memory_space<hbm>> -> memref<2560xi32, #tpu.memory_space<hbm>>
      tpu.enqueue_dma source(%dma_start3A_1030 : memref<2560xi32, #tpu.memory_space<hbm>>) target(%arg5 : memref<2560xi32, #tpu.memory_space<vmem>>) target_semaphore(%run_scoped3A : memref<!tpu.dma_semaphore, #tpu.memory_space<semaphore_mem>>)
      %dma_wait3A_1031 = tpu.memref_slice %arg3[%mul3A_4] : memref<81920xi32, #tpu.memory_space<hbm>> -> memref<2560xi32, #tpu.memory_space<hbm>>
      %dma_wait3A_1032 = tpu.memref_slice %arg3[%mul3A_4] : memref<81920xi32, #tpu.memory_space<hbm>> -> memref<2560xi32, #tpu.memory_space<hbm>>
      tpu.wait_dma2 semaphore(%run_scoped3A : memref<!tpu.dma_semaphore, #tpu.memory_space<semaphore_mem>>) src(%dma_wait3A_1032 : memref<2560xi32, #tpu.memory_space<hbm>>) dst(%arg5 : memref<2560xi32, #tpu.memory_space<vmem>>)
      tpu.yield
    }) : () -> ()
    %dma_start3A = arith.constant 0 : i32
    %dma_start3A_5 = arith.constant 0 : i32
    %dma_start3A_6 = tpu.memref_slice %arg6[%dma_start3A, %dma_start3A_5] : memref<2560x32xf32, #tpu.memory_space<vmem>> -> memref<40x32xf32, #tpu.memory_space<vmem>>
    %dma_start3A_7 = arith.constant 0 : i32
    %dma_start3A_8 = tpu.memref_slice %arg5[%dma_start3A_7] : memref<2560xi32, #tpu.memory_space<vmem>> -> memref<40xi32, #tpu.memory_space<vmem>>
    %dma_start3A_9 = arith.constant 0 : i32
    %dma_start3A_10 = arith.constant 0 : i32
    %dma_start3A_11 = tpu.memref_slice %arg2[%dma_start3A_9, %dma_start3A_10] : memref<2000000x32xf32, #tpu.memory_space<hbm>> -> memref<2000000x32xf32, #tpu.memory_space<hbm>>
    tpu.enqueue_indirect_dma source(%dma_start3A_11 : memref<2000000x32xf32, #tpu.memory_space<hbm>>) target(%dma_start3A_6 : memref<40x32xf32, #tpu.memory_space<vmem>>) offsets(%dma_start3A_8 : memref<40xi32, #tpu.memory_space<vmem>>) semaphore(%arg7 : memref<!tpu.dma_semaphore, #tpu.memory_space<semaphore_mem>>)
    %dma_start3A_12 = arith.constant 40 : i32
    %dma_start3A_13 = arith.constant 0 : i32
    %dma_start3A_14 = tpu.memref_slice %arg6[%dma_start3A_12, %dma_start3A_13] : memref<2560x32xf32, #tpu.memory_space<vmem>> -> memref<40x32xf32, #tpu.memory_space<vmem>>
    %dma_start3A_15 = arith.constant 40 : i32
    %dma_start3A_16 = tpu.memref_slice %arg5[%dma_start3A_15] : memref<2560xi32, #tpu.memory_space<vmem>> -> memref<40xi32, #tpu.memory_space<vmem>>
    %dma_start3A_17 = arith.constant 0 : i32
    %dma_start3A_18 = arith.constant 0 : i32
    %dma_start3A_19 = tpu.memref_slice %arg2[%dma_start3A_17, %dma_start3A_18] : memref<2000000x32xf32, #tpu.memory_space<hbm>> -> memref<2000000x32xf32, #tpu.memory_space<hbm>>
    tpu.enqueue_indirect_dma source(%dma_start3A_19 : memref<2000000x32xf32, #tpu.memory_space<hbm>>) target(%dma_start3A_14 : memref<40x32xf32, #tpu.memory_space<vmem>>) offsets(%dma_start3A_16 : memref<40xi32, #tpu.memory_space<vmem>>) semaphore(%arg7 : memref<!tpu.dma_semaphore, #tpu.memory_space<semaphore_mem>>)
    %dma_start3A_20 = arith.constant 80 : i32
    %dma_start3A_21 = arith.constant 0 : i32
    %dma_start3A_22 = tpu.memref_slice %arg6[%dma_start3A_20, %dma_start3A_21] : memref<2560x32xf32, #tpu.memory_space<vmem>> -> memref<40x32xf32, #tpu.memory_space<vmem>>
    %dma_start3A_23 = arith.constant 80 : i32
    %dma_start3A_24 = tpu.memref_slice %arg5[%dma_start3A_23] : memref<2560xi32, #tpu.memory_space<vmem>> -> memref<40xi32, #tpu.memory_space<vmem>>
    %dma_start3A_25 = arith.constant 0 : i32
    %dma_start3A_26 = arith.constant 0 : i32
    %dma_start3A_27 = tpu.memref_slice %arg2[%dma_start3A_25, %dma_start3A_26] : memref<2000000x32xf32, #tpu.memory_space<hbm>> -> memref<2000000x32xf32, #tpu.memory_space<hbm>>
    tpu.enqueue_indirect_dma source(%dma_start3A_27 : memref<2000000x32xf32, #tpu.memory_space<hbm>>) target(%dma_start3A_22 : memref<40x32xf32, #tpu.memory_space<vmem>>) offsets(%dma_start3A_24 : memref<40xi32, #tpu.memory_space<vmem>>) semaphore(%arg7 : memref<!tpu.dma_semaphore, #tpu.memory_space<semaphore_mem>>)
    %dma_start3A_28 = arith.constant 120 : i32
    %dma_start3A_29 = arith.constant 0 : i32
    %dma_start3A_30 = tpu.memref_slice %arg6[%dma_start3A_28, %dma_start3A_29] : memref<2560x32xf32, #tpu.memory_space<vmem>> -> memref<40x32xf32, #tpu.memory_space<vmem>>
    %dma_start3A_31 = arith.constant 120 : i32
    %dma_start3A_32 = tpu.memref_slice %arg5[%dma_start3A_31] : memref<2560xi32, #tpu.memory_space<vmem>> -> memref<40xi32, #tpu.memory_space<vmem>>
    %dma_start3A_33 = arith.constant 0 : i32
    %dma_start3A_34 = arith.constant 0 : i32
    %dma_start3A_35 = tpu.memref_slice %arg2[%dma_start3A_33, %dma_start3A_34] : memref<2000000x32xf32, #tpu.memory_space<hbm>> -> memref<2000000x32xf32, #tpu.memory_space<hbm>>
    tpu.enqueue_indirect_dma source(%dma_start3A_35 : memref<2000000x32xf32, #tpu.memory_space<hbm>>) target(%dma_start3A_30 : memref<40x32xf32, #tpu.memory_space<vmem>>) offsets(%dma_start3A_32 : memref<40xi32, #tpu.memory_space<vmem>>) semaphore(%arg7 : memref<!tpu.dma_semaphore, #tpu.memory_space<semaphore_mem>>)
    %dma_start3A_36 = arith.constant 160 : i32
    %dma_start3A_37 = arith.constant 0 : i32
    %dma_start3A_38 = tpu.memref_slice %arg6[%dma_start3A_36, %dma_start3A_37] : memref<2560x32xf32, #tpu.memory_space<vmem>> -> memref<40x32xf32, #tpu.memory_space<vmem>>
    %dma_start3A_39 = arith.constant 160 : i32
    %dma_start3A_40 = tpu.memref_slice %arg5[%dma_start3A_39] : memref<2560xi32, #tpu.memory_space<vmem>> -> memref<40xi32, #tpu.memory_space<vmem>>
    %dma_start3A_41 = arith.constant 0 : i32
    %dma_start3A_42 = arith.constant 0 : i32
    %dma_start3A_43 = tpu.memref_slice %arg2[%dma_start3A_41, %dma_start3A_42] : memref<2000000x32xf32, #tpu.memory_space<hbm>> -> memref<2000000x32xf32, #tpu.memory_space<hbm>>
    tpu.enqueue_indirect_dma source(%dma_start3A_43 : memref<2000000x32xf32, #tpu.memory_space<hbm>>) target(%dma_start3A_38 : memref<40x32xf32, #tpu.memory_space<vmem>>) offsets(%dma_start3A_40 : memref<40xi32, #tpu.memory_space<vmem>>) semaphore(%arg7 : memref<!tpu.dma_semaphore, #tpu.memory_space<semaphore_mem>>)
    %dma_start3A_44 = arith.constant 200 : i32
    %dma_start3A_45 = arith.constant 0 : i32
    %dma_start3A_46 = tpu.memref_slice %arg6[%dma_start3A_44, %dma_start3A_45] : memref<2560x32xf32, #tpu.memory_space<vmem>> -> memref<40x32xf32, #tpu.memory_space<vmem>>
    %dma_start3A_47 = arith.constant 200 : i32
    %dma_start3A_48 = tpu.memref_slice %arg5[%dma_start3A_47] : memref<2560xi32, #tpu.memory_space<vmem>> -> memref<40xi32, #tpu.memory_space<vmem>>
    %dma_start3A_49 = arith.constant 0 : i32
    %dma_start3A_50 = arith.constant 0 : i32
    %dma_start3A_51 = tpu.memref_slice %arg2[%dma_start3A_49, %dma_start3A_50] : memref<2000000x32xf32, #tpu.memory_space<hbm>> -> memref<2000000x32xf32, #tpu.memory_space<hbm>>
    tpu.enqueue_indirect_dma source(%dma_start3A_51 : memref<2000000x32xf32, #tpu.memory_space<hbm>>) target(%dma_start3A_46 : memref<40x32xf32, #tpu.memory_space<vmem>>) offsets(%dma_start3A_48 : memref<40xi32, #tpu.memory_space<vmem>>) semaphore(%arg7 : memref<!tpu.dma_semaphore, #tpu.memory_space<semaphore_mem>>)
    %dma_start3A_52 = arith.constant 240 : i32
    %dma_start3A_53 = arith.constant 0 : i32
    %dma_start3A_54 = tpu.memref_slice %arg6[%dma_start3A_52, %dma_start3A_53] : memref<2560x32xf32, #tpu.memory_space<vmem>> -> memref<40x32xf32, #tpu.memory_space<vmem>>
    %dma_start3A_55 = arith.constant 240 : i32
    %dma_start3A_56 = tpu.memref_slice %arg5[%dma_start3A_55] : memref<2560xi32, #tpu.memory_space<vmem>> -> memref<40xi32, #tpu.memory_space<vmem>>
    %dma_start3A_57 = arith.constant 0 : i32
    %dma_start3A_58 = arith.constant 0 : i32
    %dma_start3A_59 = tpu.memref_slice %arg2[%dma_start3A_57, %dma_start3A_58] : memref<2000000x32xf32, #tpu.memory_space<hbm>> -> memref<2000000x32xf32, #tpu.memory_space<hbm>>
    tpu.enqueue_indirect_dma source(%dma_start3A_59 : memref<2000000x32xf32, #tpu.memory_space<hbm>>) target(%dma_start3A_54 : memref<40x32xf32, #tpu.memory_space<vmem>>) offsets(%dma_start3A_56 : memref<40xi32, #tpu.memory_space<vmem>>) semaphore(%arg7 : memref<!tpu.dma_semaphore, #tpu.memory_space<semaphore_mem>>)
    %dma_start3A_60 = arith.constant 280 : i32
    %dma_start3A_61 = arith.constant 0 : i32
    %dma_start3A_62 = tpu.memref_slice %arg6[%dma_start3A_60, %dma_start3A_61] : memref<2560x32xf32, #tpu.memory_space<vmem>> -> memref<40x32xf32, #tpu.memory_space<vmem>>
    %dma_start3A_63 = arith.constant 280 : i32
    %dma_start3A_64 = tpu.memref_slice %arg5[%dma_start3A_63] : memref<2560xi32, #tpu.memory_space<vmem>> -> memref<40xi32, #tpu.memory_space<vmem>>
    %dma_start3A_65 = arith.constant 0 : i32
    %dma_start3A_66 = arith.constant 0 : i32
    %dma_start3A_67 = tpu.memref_slice %arg2[%dma_start3A_65, %dma_start3A_66] : memref<2000000x32xf32, #tpu.memory_space<hbm>> -> memref<2000000x32xf32, #tpu.memory_space<hbm>>
    tpu.enqueue_indirect_dma source(%dma_start3A_67 : memref<2000000x32xf32, #tpu.memory_space<hbm>>) target(%dma_start3A_62 : memref<40x32xf32, #tpu.memory_space<vmem>>) offsets(%dma_start3A_64 : memref<40xi32, #tpu.memory_space<vmem>>) semaphore(%arg7 : memref<!tpu.dma_semaphore, #tpu.memory_space<semaphore_mem>>)
    %dma_start3A_68 = arith.constant 320 : i32
    %dma_start3A_69 = arith.constant 0 : i32
    %dma_start3A_70 = tpu.memref_slice %arg6[%dma_start3A_68, %dma_start3A_69] : memref<2560x32xf32, #tpu.memory_space<vmem>> -> memref<40x32xf32, #tpu.memory_space<vmem>>
    %dma_start3A_71 = arith.constant 320 : i32
    %dma_start3A_72 = tpu.memref_slice %arg5[%dma_start3A_71] : memref<2560xi32, #tpu.memory_space<vmem>> -> memref<40xi32, #tpu.memory_space<vmem>>
    %dma_start3A_73 = arith.constant 0 : i32
    %dma_start3A_74 = arith.constant 0 : i32
    %dma_start3A_75 = tpu.memref_slice %arg2[%dma_start3A_73, %dma_start3A_74] : memref<2000000x32xf32, #tpu.memory_space<hbm>> -> memref<2000000x32xf32, #tpu.memory_space<hbm>>
    tpu.enqueue_indirect_dma source(%dma_start3A_75 : memref<2000000x32xf32, #tpu.memory_space<hbm>>) target(%dma_start3A_70 : memref<40x32xf32, #tpu.memory_space<vmem>>) offsets(%dma_start3A_72 : memref<40xi32, #tpu.memory_space<vmem>>) semaphore(%arg7 : memref<!tpu.dma_semaphore, #tpu.memory_space<semaphore_mem>>)
    %dma_start3A_76 = arith.constant 360 : i32
    %dma_start3A_77 = arith.constant 0 : i32
    %dma_start3A_78 = tpu.memref_slice %arg6[%dma_start3A_76, %dma_start3A_77] : memref<2560x32xf32, #tpu.memory_space<vmem>> -> memref<40x32xf32, #tpu.memory_space<vmem>>
    %dma_start3A_79 = arith.constant 360 : i32
    %dma_start3A_80 = tpu.memref_slice %arg5[%dma_start3A_79] : memref<2560xi32, #tpu.memory_space<vmem>> -> memref<40xi32, #tpu.memory_space<vmem>>
    %dma_start3A_81 = arith.constant 0 : i32
    %dma_start3A_82 = arith.constant 0 : i32
    %dma_start3A_83 = tpu.memref_slice %arg2[%dma_start3A_81, %dma_start3A_82] : memref<2000000x32xf32, #tpu.memory_space<hbm>> -> memref<2000000x32xf32, #tpu.memory_space<hbm>>
    tpu.enqueue_indirect_dma source(%dma_start3A_83 : memref<2000000x32xf32, #tpu.memory_space<hbm>>) target(%dma_start3A_78 : memref<40x32xf32, #tpu.memory_space<vmem>>) offsets(%dma_start3A_80 : memref<40xi32, #tpu.memory_space<vmem>>) semaphore(%arg7 : memref<!tpu.dma_semaphore, #tpu.memory_space<semaphore_mem>>)
    %dma_start3A_84 = arith.constant 400 : i32
    %dma_start3A_85 = arith.constant 0 : i32
    %dma_start3A_86 = tpu.memref_slice %arg6[%dma_start3A_84, %dma_start3A_85] : memref<2560x32xf32, #tpu.memory_space<vmem>> -> memref<40x32xf32, #tpu.memory_space<vmem>>
    %dma_start3A_87 = arith.constant 400 : i32
    %dma_start3A_88 = tpu.memref_slice %arg5[%dma_start3A_87] : memref<2560xi32, #tpu.memory_space<vmem>> -> memref<40xi32, #tpu.memory_space<vmem>>
    %dma_start3A_89 = arith.constant 0 : i32
    %dma_start3A_90 = arith.constant 0 : i32
    %dma_start3A_91 = tpu.memref_slice %arg2[%dma_start3A_89, %dma_start3A_90] : memref<2000000x32xf32, #tpu.memory_space<hbm>> -> memref<2000000x32xf32, #tpu.memory_space<hbm>>
    tpu.enqueue_indirect_dma source(%dma_start3A_91 : memref<2000000x32xf32, #tpu.memory_space<hbm>>) target(%dma_start3A_86 : memref<40x32xf32, #tpu.memory_space<vmem>>) offsets(%dma_start3A_88 : memref<40xi32, #tpu.memory_space<vmem>>) semaphore(%arg7 : memref<!tpu.dma_semaphore, #tpu.memory_space<semaphore_mem>>)
    %dma_start3A_92 = arith.constant 440 : i32
    %dma_start3A_93 = arith.constant 0 : i32
    %dma_start3A_94 = tpu.memref_slice %arg6[%dma_start3A_92, %dma_start3A_93] : memref<2560x32xf32, #tpu.memory_space<vmem>> -> memref<40x32xf32, #tpu.memory_space<vmem>>
    %dma_start3A_95 = arith.constant 440 : i32
    %dma_start3A_96 = tpu.memref_slice %arg5[%dma_start3A_95] : memref<2560xi32, #tpu.memory_space<vmem>> -> memref<40xi32, #tpu.memory_space<vmem>>
    %dma_start3A_97 = arith.constant 0 : i32
    %dma_start3A_98 = arith.constant 0 : i32
    %dma_start3A_99 = tpu.memref_slice %arg2[%dma_start3A_97, %dma_start3A_98] : memref<2000000x32xf32, #tpu.memory_space<hbm>> -> memref<2000000x32xf32, #tpu.memory_space<hbm>>
    tpu.enqueue_indirect_dma source(%dma_start3A_99 : memref<2000000x32xf32, #tpu.memory_space<hbm>>) target(%dma_start3A_94 : memref<40x32xf32, #tpu.memory_space<vmem>>) offsets(%dma_start3A_96 : memref<40xi32, #tpu.memory_space<vmem>>) semaphore(%arg7 : memref<!tpu.dma_semaphore, #tpu.memory_space<semaphore_mem>>)
    %dma_start3A_100 = arith.constant 480 : i32
    %dma_start3A_101 = arith.constant 0 : i32
    %dma_start3A_102 = tpu.memref_slice %arg6[%dma_start3A_100, %dma_start3A_101] : memref<2560x32xf32, #tpu.memory_space<vmem>> -> memref<40x32xf32, #tpu.memory_space<vmem>>
    %dma_start3A_103 = arith.constant 480 : i32
    %dma_start3A_104 = tpu.memref_slice %arg5[%dma_start3A_103] : memref<2560xi32, #tpu.memory_space<vmem>> -> memref<40xi32, #tpu.memory_space<vmem>>
    %dma_start3A_105 = arith.constant 0 : i32
    %dma_start3A_106 = arith.constant 0 : i32
    %dma_start3A_107 = tpu.memref_slice %arg2[%dma_start3A_105, %dma_start3A_106] : memref<2000000x32xf32, #tpu.memory_space<hbm>> -> memref<2000000x32xf32, #tpu.memory_space<hbm>>
    tpu.enqueue_indirect_dma source(%dma_start3A_107 : memref<2000000x32xf32, #tpu.memory_space<hbm>>) target(%dma_start3A_102 : memref<40x32xf32, #tpu.memory_space<vmem>>) offsets(%dma_start3A_104 : memref<40xi32, #tpu.memory_space<vmem>>) semaphore(%arg7 : memref<!tpu.dma_semaphore, #tpu.memory_space<semaphore_mem>>)
    %dma_start3A_108 = arith.constant 520 : i32
    %dma_start3A_109 = arith.constant 0 : i32
    %dma_start3A_110 = tpu.memref_slice %arg6[%dma_start3A_108, %dma_start3A_109] : memref<2560x32xf32, #tpu.memory_space<vmem>> -> memref<40x32xf32, #tpu.memory_space<vmem>>
    %dma_start3A_111 = arith.constant 520 : i32
    %dma_start3A_112 = tpu.memref_slice %arg5[%dma_start3A_111] : memref<2560xi32, #tpu.memory_space<vmem>> -> memref<40xi32, #tpu.memory_space<vmem>>
    %dma_start3A_113 = arith.constant 0 : i32
    %dma_start3A_114 = arith.constant 0 : i32
    %dma_start3A_115 = tpu.memref_slice %arg2[%dma_start3A_113, %dma_start3A_114] : memref<2000000x32xf32, #tpu.memory_space<hbm>> -> memref<2000000x32xf32, #tpu.memory_space<hbm>>
    tpu.enqueue_indirect_dma source(%dma_start3A_115 : memref<2000000x32xf32, #tpu.memory_space<hbm>>) target(%dma_start3A_110 : memref<40x32xf32, #tpu.memory_space<vmem>>) offsets(%dma_start3A_112 : memref<40xi32, #tpu.memory_space<vmem>>) semaphore(%arg7 : memref<!tpu.dma_semaphore, #tpu.memory_space<semaphore_mem>>)
    %dma_start3A_116 = arith.constant 560 : i32
    %dma_start3A_117 = arith.constant 0 : i32
    %dma_start3A_118 = tpu.memref_slice %arg6[%dma_start3A_116, %dma_start3A_117] : memref<2560x32xf32, #tpu.memory_space<vmem>> -> memref<40x32xf32, #tpu.memory_space<vmem>>
    %dma_start3A_119 = arith.constant 560 : i32
    %dma_start3A_120 = tpu.memref_slice %arg5[%dma_start3A_119] : memref<2560xi32, #tpu.memory_space<vmem>> -> memref<40xi32, #tpu.memory_space<vmem>>
    %dma_start3A_121 = arith.constant 0 : i32
    %dma_start3A_122 = arith.constant 0 : i32
    %dma_start3A_123 = tpu.memref_slice %arg2[%dma_start3A_121, %dma_start3A_122] : memref<2000000x32xf32, #tpu.memory_space<hbm>> -> memref<2000000x32xf32, #tpu.memory_space<hbm>>
    tpu.enqueue_indirect_dma source(%dma_start3A_123 : memref<2000000x32xf32, #tpu.memory_space<hbm>>) target(%dma_start3A_118 : memref<40x32xf32, #tpu.memory_space<vmem>>) offsets(%dma_start3A_120 : memref<40xi32, #tpu.memory_space<vmem>>) semaphore(%arg7 : memref<!tpu.dma_semaphore, #tpu.memory_space<semaphore_mem>>)
    %dma_start3A_124 = arith.constant 600 : i32
    %dma_start3A_125 = arith.constant 0 : i32
    %dma_start3A_126 = tpu.memref_slice %arg6[%dma_start3A_124, %dma_start3A_125] : memref<2560x32xf32, #tpu.memory_space<vmem>> -> memref<40x32xf32, #tpu.memory_space<vmem>>
    %dma_start3A_127 = arith.constant 600 : i32
    %dma_start3A_128 = tpu.memref_slice %arg5[%dma_start3A_127] : memref<2560xi32, #tpu.memory_space<vmem>> -> memref<40xi32, #tpu.memory_space<vmem>>
    %dma_start3A_129 = arith.constant 0 : i32
    %dma_start3A_130 = arith.constant 0 : i32
    %dma_start3A_131 = tpu.memref_slice %arg2[%dma_start3A_129, %dma_start3A_130] : memref<2000000x32xf32, #tpu.memory_space<hbm>> -> memref<2000000x32xf32, #tpu.memory_space<hbm>>
    tpu.enqueue_indirect_dma source(%dma_start3A_131 : memref<2000000x32xf32, #tpu.memory_space<hbm>>) target(%dma_start3A_126 : memref<40x32xf32, #tpu.memory_space<vmem>>) offsets(%dma_start3A_128 : memref<40xi32, #tpu.memory_space<vmem>>) semaphore(%arg7 : memref<!tpu.dma_semaphore, #tpu.memory_space<semaphore_mem>>)
    %dma_start3A_132 = arith.constant 640 : i32
    %dma_start3A_133 = arith.constant 0 : i32
    %dma_start3A_134 = tpu.memref_slice %arg6[%dma_start3A_132, %dma_start3A_133] : memref<2560x32xf32, #tpu.memory_space<vmem>> -> memref<40x32xf32, #tpu.memory_space<vmem>>
    %dma_start3A_135 = arith.constant 640 : i32
    %dma_start3A_136 = tpu.memref_slice %arg5[%dma_start3A_135] : memref<2560xi32, #tpu.memory_space<vmem>> -> memref<40xi32, #tpu.memory_space<vmem>>
    %dma_start3A_137 = arith.constant 0 : i32
    %dma_start3A_138 = arith.constant 0 : i32
    %dma_start3A_139 = tpu.memref_slice %arg2[%dma_start3A_137, %dma_start3A_138] : memref<2000000x32xf32, #tpu.memory_space<hbm>> -> memref<2000000x32xf32, #tpu.memory_space<hbm>>
    tpu.enqueue_indirect_dma source(%dma_start3A_139 : memref<2000000x32xf32, #tpu.memory_space<hbm>>) target(%dma_start3A_134 : memref<40x32xf32, #tpu.memory_space<vmem>>) offsets(%dma_start3A_136 : memref<40xi32, #tpu.memory_space<vmem>>) semaphore(%arg7 : memref<!tpu.dma_semaphore, #tpu.memory_space<semaphore_mem>>)
    %dma_start3A_140 = arith.constant 680 : i32
    %dma_start3A_141 = arith.constant 0 : i32
    %dma_start3A_142 = tpu.memref_slice %arg6[%dma_start3A_140, %dma_start3A_141] : memref<2560x32xf32, #tpu.memory_space<vmem>> -> memref<40x32xf32, #tpu.memory_space<vmem>>
    %dma_start3A_143 = arith.constant 680 : i32
    %dma_start3A_144 = tpu.memref_slice %arg5[%dma_start3A_143] : memref<2560xi32, #tpu.memory_space<vmem>> -> memref<40xi32, #tpu.memory_space<vmem>>
    %dma_start3A_145 = arith.constant 0 : i32
    %dma_start3A_146 = arith.constant 0 : i32
    %dma_start3A_147 = tpu.memref_slice %arg2[%dma_start3A_145, %dma_start3A_146] : memref<2000000x32xf32, #tpu.memory_space<hbm>> -> memref<2000000x32xf32, #tpu.memory_space<hbm>>
    tpu.enqueue_indirect_dma source(%dma_start3A_147 : memref<2000000x32xf32, #tpu.memory_space<hbm>>) target(%dma_start3A_142 : memref<40x32xf32, #tpu.memory_space<vmem>>) offsets(%dma_start3A_144 : memref<40xi32, #tpu.memory_space<vmem>>) semaphore(%arg7 : memref<!tpu.dma_semaphore, #tpu.memory_space<semaphore_mem>>)
    %dma_start3A_148 = arith.constant 720 : i32
    %dma_start3A_149 = arith.constant 0 : i32
    %dma_start3A_150 = tpu.memref_slice %arg6[%dma_start3A_148, %dma_start3A_149] : memref<2560x32xf32, #tpu.memory_space<vmem>> -> memref<40x32xf32, #tpu.memory_space<vmem>>
    %dma_start3A_151 = arith.constant 720 : i32
    %dma_start3A_152 = tpu.memref_slice %arg5[%dma_start3A_151] : memref<2560xi32, #tpu.memory_space<vmem>> -> memref<40xi32, #tpu.memory_space<vmem>>
    %dma_start3A_153 = arith.constant 0 : i32
    %dma_start3A_154 = arith.constant 0 : i32
    %dma_start3A_155 = tpu.memref_slice %arg2[%dma_start3A_153, %dma_start3A_154] : memref<2000000x32xf32, #tpu.memory_space<hbm>> -> memref<2000000x32xf32, #tpu.memory_space<hbm>>
    tpu.enqueue_indirect_dma source(%dma_start3A_155 : memref<2000000x32xf32, #tpu.memory_space<hbm>>) target(%dma_start3A_150 : memref<40x32xf32, #tpu.memory_space<vmem>>) offsets(%dma_start3A_152 : memref<40xi32, #tpu.memory_space<vmem>>) semaphore(%arg7 : memref<!tpu.dma_semaphore, #tpu.memory_space<semaphore_mem>>)
    %dma_start3A_156 = arith.constant 760 : i32
    %dma_start3A_157 = arith.constant 0 : i32
    %dma_start3A_158 = tpu.memref_slice %arg6[%dma_start3A_156, %dma_start3A_157] : memref<2560x32xf32, #tpu.memory_space<vmem>> -> memref<40x32xf32, #tpu.memory_space<vmem>>
    %dma_start3A_159 = arith.constant 760 : i32
    %dma_start3A_160 = tpu.memref_slice %arg5[%dma_start3A_159] : memref<2560xi32, #tpu.memory_space<vmem>> -> memref<40xi32, #tpu.memory_space<vmem>>
    %dma_start3A_161 = arith.constant 0 : i32
    %dma_start3A_162 = arith.constant 0 : i32
    %dma_start3A_163 = tpu.memref_slice %arg2[%dma_start3A_161, %dma_start3A_162] : memref<2000000x32xf32, #tpu.memory_space<hbm>> -> memref<2000000x32xf32, #tpu.memory_space<hbm>>
    tpu.enqueue_indirect_dma source(%dma_start3A_163 : memref<2000000x32xf32, #tpu.memory_space<hbm>>) target(%dma_start3A_158 : memref<40x32xf32, #tpu.memory_space<vmem>>) offsets(%dma_start3A_160 : memref<40xi32, #tpu.memory_space<vmem>>) semaphore(%arg7 : memref<!tpu.dma_semaphore, #tpu.memory_space<semaphore_mem>>)
    %dma_start3A_164 = arith.constant 800 : i32
    %dma_start3A_165 = arith.constant 0 : i32
    %dma_start3A_166 = tpu.memref_slice %arg6[%dma_start3A_164, %dma_start3A_165] : memref<2560x32xf32, #tpu.memory_space<vmem>> -> memref<40x32xf32, #tpu.memory_space<vmem>>
    %dma_start3A_167 = arith.constant 800 : i32
    %dma_start3A_168 = tpu.memref_slice %arg5[%dma_start3A_167] : memref<2560xi32, #tpu.memory_space<vmem>> -> memref<40xi32, #tpu.memory_space<vmem>>
    %dma_start3A_169 = arith.constant 0 : i32
    %dma_start3A_170 = arith.constant 0 : i32
    %dma_start3A_171 = tpu.memref_slice %arg2[%dma_start3A_169, %dma_start3A_170] : memref<2000000x32xf32, #tpu.memory_space<hbm>> -> memref<2000000x32xf32, #tpu.memory_space<hbm>>
    tpu.enqueue_indirect_dma source(%dma_start3A_171 : memref<2000000x32xf32, #tpu.memory_space<hbm>>) target(%dma_start3A_166 : memref<40x32xf32, #tpu.memory_space<vmem>>) offsets(%dma_start3A_168 : memref<40xi32, #tpu.memory_space<vmem>>) semaphore(%arg7 : memref<!tpu.dma_semaphore, #tpu.memory_space<semaphore_mem>>)
    %dma_start3A_172 = arith.constant 840 : i32
    %dma_start3A_173 = arith.constant 0 : i32
    %dma_start3A_174 = tpu.memref_slice %arg6[%dma_start3A_172, %dma_start3A_173] : memref<2560x32xf32, #tpu.memory_space<vmem>> -> memref<40x32xf32, #tpu.memory_space<vmem>>
    %dma_start3A_175 = arith.constant 840 : i32
    %dma_start3A_176 = tpu.memref_slice %arg5[%dma_start3A_175] : memref<2560xi32, #tpu.memory_space<vmem>> -> memref<40xi32, #tpu.memory_space<vmem>>
    %dma_start3A_177 = arith.constant 0 : i32
    %dma_start3A_178 = arith.constant 0 : i32
    %dma_start3A_179 = tpu.memref_slice %arg2[%dma_start3A_177, %dma_start3A_178] : memref<2000000x32xf32, #tpu.memory_space<hbm>> -> memref<2000000x32xf32, #tpu.memory_space<hbm>>
    tpu.enqueue_indirect_dma source(%dma_start3A_179 : memref<2000000x32xf32, #tpu.memory_space<hbm>>) target(%dma_start3A_174 : memref<40x32xf32, #tpu.memory_space<vmem>>) offsets(%dma_start3A_176 : memref<40xi32, #tpu.memory_space<vmem>>) semaphore(%arg7 : memref<!tpu.dma_semaphore, #tpu.memory_space<semaphore_mem>>)
    %dma_start3A_180 = arith.constant 880 : i32
    %dma_start3A_181 = arith.constant 0 : i32
    %dma_start3A_182 = tpu.memref_slice %arg6[%dma_start3A_180, %dma_start3A_181] : memref<2560x32xf32, #tpu.memory_space<vmem>> -> memref<40x32xf32, #tpu.memory_space<vmem>>
    %dma_start3A_183 = arith.constant 880 : i32
    %dma_start3A_184 = tpu.memref_slice %arg5[%dma_start3A_183] : memref<2560xi32, #tpu.memory_space<vmem>> -> memref<40xi32, #tpu.memory_space<vmem>>
    %dma_start3A_185 = arith.constant 0 : i32
    %dma_start3A_186 = arith.constant 0 : i32
    %dma_start3A_187 = tpu.memref_slice %arg2[%dma_start3A_185, %dma_start3A_186] : memref<2000000x32xf32, #tpu.memory_space<hbm>> -> memref<2000000x32xf32, #tpu.memory_space<hbm>>
    tpu.enqueue_indirect_dma source(%dma_start3A_187 : memref<2000000x32xf32, #tpu.memory_space<hbm>>) target(%dma_start3A_182 : memref<40x32xf32, #tpu.memory_space<vmem>>) offsets(%dma_start3A_184 : memref<40xi32, #tpu.memory_space<vmem>>) semaphore(%arg7 : memref<!tpu.dma_semaphore, #tpu.memory_space<semaphore_mem>>)
    %dma_start3A_188 = arith.constant 920 : i32
    %dma_start3A_189 = arith.constant 0 : i32
    %dma_start3A_190 = tpu.memref_slice %arg6[%dma_start3A_188, %dma_start3A_189] : memref<2560x32xf32, #tpu.memory_space<vmem>> -> memref<40x32xf32, #tpu.memory_space<vmem>>
    %dma_start3A_191 = arith.constant 920 : i32
    %dma_start3A_192 = tpu.memref_slice %arg5[%dma_start3A_191] : memref<2560xi32, #tpu.memory_space<vmem>> -> memref<40xi32, #tpu.memory_space<vmem>>
    %dma_start3A_193 = arith.constant 0 : i32
    %dma_start3A_194 = arith.constant 0 : i32
    %dma_start3A_195 = tpu.memref_slice %arg2[%dma_start3A_193, %dma_start3A_194] : memref<2000000x32xf32, #tpu.memory_space<hbm>> -> memref<2000000x32xf32, #tpu.memory_space<hbm>>
    tpu.enqueue_indirect_dma source(%dma_start3A_195 : memref<2000000x32xf32, #tpu.memory_space<hbm>>) target(%dma_start3A_190 : memref<40x32xf32, #tpu.memory_space<vmem>>) offsets(%dma_start3A_192 : memref<40xi32, #tpu.memory_space<vmem>>) semaphore(%arg7 : memref<!tpu.dma_semaphore, #tpu.memory_space<semaphore_mem>>)
    %dma_start3A_196 = arith.constant 960 : i32
    %dma_start3A_197 = arith.constant 0 : i32
    %dma_start3A_198 = tpu.memref_slice %arg6[%dma_start3A_196, %dma_start3A_197] : memref<2560x32xf32, #tpu.memory_space<vmem>> -> memref<40x32xf32, #tpu.memory_space<vmem>>
    %dma_start3A_199 = arith.constant 960 : i32
    %dma_start3A_200 = tpu.memref_slice %arg5[%dma_start3A_199] : memref<2560xi32, #tpu.memory_space<vmem>> -> memref<40xi32, #tpu.memory_space<vmem>>
    %dma_start3A_201 = arith.constant 0 : i32
    %dma_start3A_202 = arith.constant 0 : i32
    %dma_start3A_203 = tpu.memref_slice %arg2[%dma_start3A_201, %dma_start3A_202] : memref<2000000x32xf32, #tpu.memory_space<hbm>> -> memref<2000000x32xf32, #tpu.memory_space<hbm>>
    tpu.enqueue_indirect_dma source(%dma_start3A_203 : memref<2000000x32xf32, #tpu.memory_space<hbm>>) target(%dma_start3A_198 : memref<40x32xf32, #tpu.memory_space<vmem>>) offsets(%dma_start3A_200 : memref<40xi32, #tpu.memory_space<vmem>>) semaphore(%arg7 : memref<!tpu.dma_semaphore, #tpu.memory_space<semaphore_mem>>)
    %dma_start3A_204 = arith.constant 1000 : i32
    %dma_start3A_205 = arith.constant 0 : i32
    %dma_start3A_206 = tpu.memref_slice %arg6[%dma_start3A_204, %dma_start3A_205] : memref<2560x32xf32, #tpu.memory_space<vmem>> -> memref<40x32xf32, #tpu.memory_space<vmem>>
    %dma_start3A_207 = arith.constant 1000 : i32
    %dma_start3A_208 = tpu.memref_slice %arg5[%dma_start3A_207] : memref<2560xi32, #tpu.memory_space<vmem>> -> memref<40xi32, #tpu.memory_space<vmem>>
    %dma_start3A_209 = arith.constant 0 : i32
    %dma_start3A_210 = arith.constant 0 : i32
    %dma_start3A_211 = tpu.memref_slice %arg2[%dma_start3A_209, %dma_start3A_210] : memref<2000000x32xf32, #tpu.memory_space<hbm>> -> memref<2000000x32xf32, #tpu.memory_space<hbm>>
    tpu.enqueue_indirect_dma source(%dma_start3A_211 : memref<2000000x32xf32, #tpu.memory_space<hbm>>) target(%dma_start3A_206 : memref<40x32xf32, #tpu.memory_space<vmem>>) offsets(%dma_start3A_208 : memref<40xi32, #tpu.memory_space<vmem>>) semaphore(%arg7 : memref<!tpu.dma_semaphore, #tpu.memory_space<semaphore_mem>>)
    %dma_start3A_212 = arith.constant 1040 : i32
    %dma_start3A_213 = arith.constant 0 : i32
    %dma_start3A_214 = tpu.memref_slice %arg6[%dma_start3A_212, %dma_start3A_213] : memref<2560x32xf32, #tpu.memory_space<vmem>> -> memref<40x32xf32, #tpu.memory_space<vmem>>
    %dma_start3A_215 = arith.constant 1040 : i32
    %dma_start3A_216 = tpu.memref_slice %arg5[%dma_start3A_215] : memref<2560xi32, #tpu.memory_space<vmem>> -> memref<40xi32, #tpu.memory_space<vmem>>
    %dma_start3A_217 = arith.constant 0 : i32
    %dma_start3A_218 = arith.constant 0 : i32
    %dma_start3A_219 = tpu.memref_slice %arg2[%dma_start3A_217, %dma_start3A_218] : memref<2000000x32xf32, #tpu.memory_space<hbm>> -> memref<2000000x32xf32, #tpu.memory_space<hbm>>
    tpu.enqueue_indirect_dma source(%dma_start3A_219 : memref<2000000x32xf32, #tpu.memory_space<hbm>>) target(%dma_start3A_214 : memref<40x32xf32, #tpu.memory_space<vmem>>) offsets(%dma_start3A_216 : memref<40xi32, #tpu.memory_space<vmem>>) semaphore(%arg7 : memref<!tpu.dma_semaphore, #tpu.memory_space<semaphore_mem>>)
    %dma_start3A_220 = arith.constant 1080 : i32
    %dma_start3A_221 = arith.constant 0 : i32
    %dma_start3A_222 = tpu.memref_slice %arg6[%dma_start3A_220, %dma_start3A_221] : memref<2560x32xf32, #tpu.memory_space<vmem>> -> memref<40x32xf32, #tpu.memory_space<vmem>>
    %dma_start3A_223 = arith.constant 1080 : i32
    %dma_start3A_224 = tpu.memref_slice %arg5[%dma_start3A_223] : memref<2560xi32, #tpu.memory_space<vmem>> -> memref<40xi32, #tpu.memory_space<vmem>>
    %dma_start3A_225 = arith.constant 0 : i32
    %dma_start3A_226 = arith.constant 0 : i32
    %dma_start3A_227 = tpu.memref_slice %arg2[%dma_start3A_225, %dma_start3A_226] : memref<2000000x32xf32, #tpu.memory_space<hbm>> -> memref<2000000x32xf32, #tpu.memory_space<hbm>>
    tpu.enqueue_indirect_dma source(%dma_start3A_227 : memref<2000000x32xf32, #tpu.memory_space<hbm>>) target(%dma_start3A_222 : memref<40x32xf32, #tpu.memory_space<vmem>>) offsets(%dma_start3A_224 : memref<40xi32, #tpu.memory_space<vmem>>) semaphore(%arg7 : memref<!tpu.dma_semaphore, #tpu.memory_space<semaphore_mem>>)
    %dma_start3A_228 = arith.constant 1120 : i32
    %dma_start3A_229 = arith.constant 0 : i32
    %dma_start3A_230 = tpu.memref_slice %arg6[%dma_start3A_228, %dma_start3A_229] : memref<2560x32xf32, #tpu.memory_space<vmem>> -> memref<40x32xf32, #tpu.memory_space<vmem>>
    %dma_start3A_231 = arith.constant 1120 : i32
    %dma_start3A_232 = tpu.memref_slice %arg5[%dma_start3A_231] : memref<2560xi32, #tpu.memory_space<vmem>> -> memref<40xi32, #tpu.memory_space<vmem>>
    %dma_start3A_233 = arith.constant 0 : i32
    %dma_start3A_234 = arith.constant 0 : i32
    %dma_start3A_235 = tpu.memref_slice %arg2[%dma_start3A_233, %dma_start3A_234] : memref<2000000x32xf32, #tpu.memory_space<hbm>> -> memref<2000000x32xf32, #tpu.memory_space<hbm>>
    tpu.enqueue_indirect_dma source(%dma_start3A_235 : memref<2000000x32xf32, #tpu.memory_space<hbm>>) target(%dma_start3A_230 : memref<40x32xf32, #tpu.memory_space<vmem>>) offsets(%dma_start3A_232 : memref<40xi32, #tpu.memory_space<vmem>>) semaphore(%arg7 : memref<!tpu.dma_semaphore, #tpu.memory_space<semaphore_mem>>)
    %dma_start3A_236 = arith.constant 1160 : i32
    %dma_start3A_237 = arith.constant 0 : i32
    %dma_start3A_238 = tpu.memref_slice %arg6[%dma_start3A_236, %dma_start3A_237] : memref<2560x32xf32, #tpu.memory_space<vmem>> -> memref<40x32xf32, #tpu.memory_space<vmem>>
    %dma_start3A_239 = arith.constant 1160 : i32
    %dma_start3A_240 = tpu.memref_slice %arg5[%dma_start3A_239] : memref<2560xi32, #tpu.memory_space<vmem>> -> memref<40xi32, #tpu.memory_space<vmem>>
    %dma_start3A_241 = arith.constant 0 : i32
    %dma_start3A_242 = arith.constant 0 : i32
    %dma_start3A_243 = tpu.memref_slice %arg2[%dma_start3A_241, %dma_start3A_242] : memref<2000000x32xf32, #tpu.memory_space<hbm>> -> memref<2000000x32xf32, #tpu.memory_space<hbm>>
    tpu.enqueue_indirect_dma source(%dma_start3A_243 : memref<2000000x32xf32, #tpu.memory_space<hbm>>) target(%dma_start3A_238 : memref<40x32xf32, #tpu.memory_space<vmem>>) offsets(%dma_start3A_240 : memref<40xi32, #tpu.memory_space<vmem>>) semaphore(%arg7 : memref<!tpu.dma_semaphore, #tpu.memory_space<semaphore_mem>>)
    %dma_start3A_244 = arith.constant 1200 : i32
    %dma_start3A_245 = arith.constant 0 : i32
    %dma_start3A_246 = tpu.memref_slice %arg6[%dma_start3A_244, %dma_start3A_245] : memref<2560x32xf32, #tpu.memory_space<vmem>> -> memref<40x32xf32, #tpu.memory_space<vmem>>
    %dma_start3A_247 = arith.constant 1200 : i32
    %dma_start3A_248 = tpu.memref_slice %arg5[%dma_start3A_247] : memref<2560xi32, #tpu.memory_space<vmem>> -> memref<40xi32, #tpu.memory_space<vmem>>
    %dma_start3A_249 = arith.constant 0 : i32
    %dma_start3A_250 = arith.constant 0 : i32
    %dma_start3A_251 = tpu.memref_slice %arg2[%dma_start3A_249, %dma_start3A_250] : memref<2000000x32xf32, #tpu.memory_space<hbm>> -> memref<2000000x32xf32, #tpu.memory_space<hbm>>
    tpu.enqueue_indirect_dma source(%dma_start3A_251 : memref<2000000x32xf32, #tpu.memory_space<hbm>>) target(%dma_start3A_246 : memref<40x32xf32, #tpu.memory_space<vmem>>) offsets(%dma_start3A_248 : memref<40xi32, #tpu.memory_space<vmem>>) semaphore(%arg7 : memref<!tpu.dma_semaphore, #tpu.memory_space<semaphore_mem>>)
    %dma_start3A_252 = arith.constant 1240 : i32
    %dma_start3A_253 = arith.constant 0 : i32
    %dma_start3A_254 = tpu.memref_slice %arg6[%dma_start3A_252, %dma_start3A_253] : memref<2560x32xf32, #tpu.memory_space<vmem>> -> memref<40x32xf32, #tpu.memory_space<vmem>>
    %dma_start3A_255 = arith.constant 1240 : i32
    %dma_start3A_256 = tpu.memref_slice %arg5[%dma_start3A_255] : memref<2560xi32, #tpu.memory_space<vmem>> -> memref<40xi32, #tpu.memory_space<vmem>>
    %dma_start3A_257 = arith.constant 0 : i32
    %dma_start3A_258 = arith.constant 0 : i32
    %dma_start3A_259 = tpu.memref_slice %arg2[%dma_start3A_257, %dma_start3A_258] : memref<2000000x32xf32, #tpu.memory_space<hbm>> -> memref<2000000x32xf32, #tpu.memory_space<hbm>>
    tpu.enqueue_indirect_dma source(%dma_start3A_259 : memref<2000000x32xf32, #tpu.memory_space<hbm>>) target(%dma_start3A_254 : memref<40x32xf32, #tpu.memory_space<vmem>>) offsets(%dma_start3A_256 : memref<40xi32, #tpu.memory_space<vmem>>) semaphore(%arg7 : memref<!tpu.dma_semaphore, #tpu.memory_space<semaphore_mem>>)
    %dma_start3A_260 = arith.constant 1280 : i32
    %dma_start3A_261 = arith.constant 0 : i32
    %dma_start3A_262 = tpu.memref_slice %arg6[%dma_start3A_260, %dma_start3A_261] : memref<2560x32xf32, #tpu.memory_space<vmem>> -> memref<40x32xf32, #tpu.memory_space<vmem>>
    %dma_start3A_263 = arith.constant 1280 : i32
    %dma_start3A_264 = tpu.memref_slice %arg5[%dma_start3A_263] : memref<2560xi32, #tpu.memory_space<vmem>> -> memref<40xi32, #tpu.memory_space<vmem>>
    %dma_start3A_265 = arith.constant 0 : i32
    %dma_start3A_266 = arith.constant 0 : i32
    %dma_start3A_267 = tpu.memref_slice %arg2[%dma_start3A_265, %dma_start3A_266] : memref<2000000x32xf32, #tpu.memory_space<hbm>> -> memref<2000000x32xf32, #tpu.memory_space<hbm>>
    tpu.enqueue_indirect_dma source(%dma_start3A_267 : memref<2000000x32xf32, #tpu.memory_space<hbm>>) target(%dma_start3A_262 : memref<40x32xf32, #tpu.memory_space<vmem>>) offsets(%dma_start3A_264 : memref<40xi32, #tpu.memory_space<vmem>>) semaphore(%arg7 : memref<!tpu.dma_semaphore, #tpu.memory_space<semaphore_mem>>)
    %dma_start3A_268 = arith.constant 1320 : i32
    %dma_start3A_269 = arith.constant 0 : i32
    %dma_start3A_270 = tpu.memref_slice %arg6[%dma_start3A_268, %dma_start3A_269] : memref<2560x32xf32, #tpu.memory_space<vmem>> -> memref<40x32xf32, #tpu.memory_space<vmem>>
    %dma_start3A_271 = arith.constant 1320 : i32
    %dma_start3A_272 = tpu.memref_slice %arg5[%dma_start3A_271] : memref<2560xi32, #tpu.memory_space<vmem>> -> memref<40xi32, #tpu.memory_space<vmem>>
    %dma_start3A_273 = arith.constant 0 : i32
    %dma_start3A_274 = arith.constant 0 : i32
    %dma_start3A_275 = tpu.memref_slice %arg2[%dma_start3A_273, %dma_start3A_274] : memref<2000000x32xf32, #tpu.memory_space<hbm>> -> memref<2000000x32xf32, #tpu.memory_space<hbm>>
    tpu.enqueue_indirect_dma source(%dma_start3A_275 : memref<2000000x32xf32, #tpu.memory_space<hbm>>) target(%dma_start3A_270 : memref<40x32xf32, #tpu.memory_space<vmem>>) offsets(%dma_start3A_272 : memref<40xi32, #tpu.memory_space<vmem>>) semaphore(%arg7 : memref<!tpu.dma_semaphore, #tpu.memory_space<semaphore_mem>>)
    %dma_start3A_276 = arith.constant 1360 : i32
    %dma_start3A_277 = arith.constant 0 : i32
    %dma_start3A_278 = tpu.memref_slice %arg6[%dma_start3A_276, %dma_start3A_277] : memref<2560x32xf32, #tpu.memory_space<vmem>> -> memref<40x32xf32, #tpu.memory_space<vmem>>
    %dma_start3A_279 = arith.constant 1360 : i32
    %dma_start3A_280 = tpu.memref_slice %arg5[%dma_start3A_279] : memref<2560xi32, #tpu.memory_space<vmem>> -> memref<40xi32, #tpu.memory_space<vmem>>
    %dma_start3A_281 = arith.constant 0 : i32
    %dma_start3A_282 = arith.constant 0 : i32
    %dma_start3A_283 = tpu.memref_slice %arg2[%dma_start3A_281, %dma_start3A_282] : memref<2000000x32xf32, #tpu.memory_space<hbm>> -> memref<2000000x32xf32, #tpu.memory_space<hbm>>
    tpu.enqueue_indirect_dma source(%dma_start3A_283 : memref<2000000x32xf32, #tpu.memory_space<hbm>>) target(%dma_start3A_278 : memref<40x32xf32, #tpu.memory_space<vmem>>) offsets(%dma_start3A_280 : memref<40xi32, #tpu.memory_space<vmem>>) semaphore(%arg7 : memref<!tpu.dma_semaphore, #tpu.memory_space<semaphore_mem>>)
    %dma_start3A_284 = arith.constant 1400 : i32
    %dma_start3A_285 = arith.constant 0 : i32
    %dma_start3A_286 = tpu.memref_slice %arg6[%dma_start3A_284, %dma_start3A_285] : memref<2560x32xf32, #tpu.memory_space<vmem>> -> memref<40x32xf32, #tpu.memory_space<vmem>>
    %dma_start3A_287 = arith.constant 1400 : i32
    %dma_start3A_288 = tpu.memref_slice %arg5[%dma_start3A_287] : memref<2560xi32, #tpu.memory_space<vmem>> -> memref<40xi32, #tpu.memory_space<vmem>>
    %dma_start3A_289 = arith.constant 0 : i32
    %dma_start3A_290 = arith.constant 0 : i32
    %dma_start3A_291 = tpu.memref_slice %arg2[%dma_start3A_289, %dma_start3A_290] : memref<2000000x32xf32, #tpu.memory_space<hbm>> -> memref<2000000x32xf32, #tpu.memory_space<hbm>>
    tpu.enqueue_indirect_dma source(%dma_start3A_291 : memref<2000000x32xf32, #tpu.memory_space<hbm>>) target(%dma_start3A_286 : memref<40x32xf32, #tpu.memory_space<vmem>>) offsets(%dma_start3A_288 : memref<40xi32, #tpu.memory_space<vmem>>) semaphore(%arg7 : memref<!tpu.dma_semaphore, #tpu.memory_space<semaphore_mem>>)
    %dma_start3A_292 = arith.constant 1440 : i32
    %dma_start3A_293 = arith.constant 0 : i32
    %dma_start3A_294 = tpu.memref_slice %arg6[%dma_start3A_292, %dma_start3A_293] : memref<2560x32xf32, #tpu.memory_space<vmem>> -> memref<40x32xf32, #tpu.memory_space<vmem>>
    %dma_start3A_295 = arith.constant 1440 : i32
    %dma_start3A_296 = tpu.memref_slice %arg5[%dma_start3A_295] : memref<2560xi32, #tpu.memory_space<vmem>> -> memref<40xi32, #tpu.memory_space<vmem>>
    %dma_start3A_297 = arith.constant 0 : i32
    %dma_start3A_298 = arith.constant 0 : i32
    %dma_start3A_299 = tpu.memref_slice %arg2[%dma_start3A_297, %dma_start3A_298] : memref<2000000x32xf32, #tpu.memory_space<hbm>> -> memref<2000000x32xf32, #tpu.memory_space<hbm>>
    tpu.enqueue_indirect_dma source(%dma_start3A_299 : memref<2000000x32xf32, #tpu.memory_space<hbm>>) target(%dma_start3A_294 : memref<40x32xf32, #tpu.memory_space<vmem>>) offsets(%dma_start3A_296 : memref<40xi32, #tpu.memory_space<vmem>>) semaphore(%arg7 : memref<!tpu.dma_semaphore, #tpu.memory_space<semaphore_mem>>)
    %dma_start3A_300 = arith.constant 1480 : i32
    %dma_start3A_301 = arith.constant 0 : i32
    %dma_start3A_302 = tpu.memref_slice %arg6[%dma_start3A_300, %dma_start3A_301] : memref<2560x32xf32, #tpu.memory_space<vmem>> -> memref<40x32xf32, #tpu.memory_space<vmem>>
    %dma_start3A_303 = arith.constant 1480 : i32
    %dma_start3A_304 = tpu.memref_slice %arg5[%dma_start3A_303] : memref<2560xi32, #tpu.memory_space<vmem>> -> memref<40xi32, #tpu.memory_space<vmem>>
    %dma_start3A_305 = arith.constant 0 : i32
    %dma_start3A_306 = arith.constant 0 : i32
    %dma_start3A_307 = tpu.memref_slice %arg2[%dma_start3A_305, %dma_start3A_306] : memref<2000000x32xf32, #tpu.memory_space<hbm>> -> memref<2000000x32xf32, #tpu.memory_space<hbm>>
    tpu.enqueue_indirect_dma source(%dma_start3A_307 : memref<2000000x32xf32, #tpu.memory_space<hbm>>) target(%dma_start3A_302 : memref<40x32xf32, #tpu.memory_space<vmem>>) offsets(%dma_start3A_304 : memref<40xi32, #tpu.memory_space<vmem>>) semaphore(%arg7 : memref<!tpu.dma_semaphore, #tpu.memory_space<semaphore_mem>>)
    %dma_start3A_308 = arith.constant 1520 : i32
    %dma_start3A_309 = arith.constant 0 : i32
    %dma_start3A_310 = tpu.memref_slice %arg6[%dma_start3A_308, %dma_start3A_309] : memref<2560x32xf32, #tpu.memory_space<vmem>> -> memref<40x32xf32, #tpu.memory_space<vmem>>
    %dma_start3A_311 = arith.constant 1520 : i32
    %dma_start3A_312 = tpu.memref_slice %arg5[%dma_start3A_311] : memref<2560xi32, #tpu.memory_space<vmem>> -> memref<40xi32, #tpu.memory_space<vmem>>
    %dma_start3A_313 = arith.constant 0 : i32
    %dma_start3A_314 = arith.constant 0 : i32
    %dma_start3A_315 = tpu.memref_slice %arg2[%dma_start3A_313, %dma_start3A_314] : memref<2000000x32xf32, #tpu.memory_space<hbm>> -> memref<2000000x32xf32, #tpu.memory_space<hbm>>
    tpu.enqueue_indirect_dma source(%dma_start3A_315 : memref<2000000x32xf32, #tpu.memory_space<hbm>>) target(%dma_start3A_310 : memref<40x32xf32, #tpu.memory_space<vmem>>) offsets(%dma_start3A_312 : memref<40xi32, #tpu.memory_space<vmem>>) semaphore(%arg7 : memref<!tpu.dma_semaphore, #tpu.memory_space<semaphore_mem>>)
    %dma_start3A_316 = arith.constant 1560 : i32
    %dma_start3A_317 = arith.constant 0 : i32
    %dma_start3A_318 = tpu.memref_slice %arg6[%dma_start3A_316, %dma_start3A_317] : memref<2560x32xf32, #tpu.memory_space<vmem>> -> memref<40x32xf32, #tpu.memory_space<vmem>>
    %dma_start3A_319 = arith.constant 1560 : i32
    %dma_start3A_320 = tpu.memref_slice %arg5[%dma_start3A_319] : memref<2560xi32, #tpu.memory_space<vmem>> -> memref<40xi32, #tpu.memory_space<vmem>>
    %dma_start3A_321 = arith.constant 0 : i32
    %dma_start3A_322 = arith.constant 0 : i32
    %dma_start3A_323 = tpu.memref_slice %arg2[%dma_start3A_321, %dma_start3A_322] : memref<2000000x32xf32, #tpu.memory_space<hbm>> -> memref<2000000x32xf32, #tpu.memory_space<hbm>>
    tpu.enqueue_indirect_dma source(%dma_start3A_323 : memref<2000000x32xf32, #tpu.memory_space<hbm>>) target(%dma_start3A_318 : memref<40x32xf32, #tpu.memory_space<vmem>>) offsets(%dma_start3A_320 : memref<40xi32, #tpu.memory_space<vmem>>) semaphore(%arg7 : memref<!tpu.dma_semaphore, #tpu.memory_space<semaphore_mem>>)
    %dma_start3A_324 = arith.constant 1600 : i32
    %dma_start3A_325 = arith.constant 0 : i32
    %dma_start3A_326 = tpu.memref_slice %arg6[%dma_start3A_324, %dma_start3A_325] : memref<2560x32xf32, #tpu.memory_space<vmem>> -> memref<40x32xf32, #tpu.memory_space<vmem>>
    %dma_start3A_327 = arith.constant 1600 : i32
    %dma_start3A_328 = tpu.memref_slice %arg5[%dma_start3A_327] : memref<2560xi32, #tpu.memory_space<vmem>> -> memref<40xi32, #tpu.memory_space<vmem>>
    %dma_start3A_329 = arith.constant 0 : i32
    %dma_start3A_330 = arith.constant 0 : i32
    %dma_start3A_331 = tpu.memref_slice %arg2[%dma_start3A_329, %dma_start3A_330] : memref<2000000x32xf32, #tpu.memory_space<hbm>> -> memref<2000000x32xf32, #tpu.memory_space<hbm>>
    tpu.enqueue_indirect_dma source(%dma_start3A_331 : memref<2000000x32xf32, #tpu.memory_space<hbm>>) target(%dma_start3A_326 : memref<40x32xf32, #tpu.memory_space<vmem>>) offsets(%dma_start3A_328 : memref<40xi32, #tpu.memory_space<vmem>>) semaphore(%arg7 : memref<!tpu.dma_semaphore, #tpu.memory_space<semaphore_mem>>)
    %dma_start3A_332 = arith.constant 1640 : i32
    %dma_start3A_333 = arith.constant 0 : i32
    %dma_start3A_334 = tpu.memref_slice %arg6[%dma_start3A_332, %dma_start3A_333] : memref<2560x32xf32, #tpu.memory_space<vmem>> -> memref<40x32xf32, #tpu.memory_space<vmem>>
    %dma_start3A_335 = arith.constant 1640 : i32
    %dma_start3A_336 = tpu.memref_slice %arg5[%dma_start3A_335] : memref<2560xi32, #tpu.memory_space<vmem>> -> memref<40xi32, #tpu.memory_space<vmem>>
    %dma_start3A_337 = arith.constant 0 : i32
    %dma_start3A_338 = arith.constant 0 : i32
    %dma_start3A_339 = tpu.memref_slice %arg2[%dma_start3A_337, %dma_start3A_338] : memref<2000000x32xf32, #tpu.memory_space<hbm>> -> memref<2000000x32xf32, #tpu.memory_space<hbm>>
    tpu.enqueue_indirect_dma source(%dma_start3A_339 : memref<2000000x32xf32, #tpu.memory_space<hbm>>) target(%dma_start3A_334 : memref<40x32xf32, #tpu.memory_space<vmem>>) offsets(%dma_start3A_336 : memref<40xi32, #tpu.memory_space<vmem>>) semaphore(%arg7 : memref<!tpu.dma_semaphore, #tpu.memory_space<semaphore_mem>>)
    %dma_start3A_340 = arith.constant 1680 : i32
    %dma_start3A_341 = arith.constant 0 : i32
    %dma_start3A_342 = tpu.memref_slice %arg6[%dma_start3A_340, %dma_start3A_341] : memref<2560x32xf32, #tpu.memory_space<vmem>> -> memref<40x32xf32, #tpu.memory_space<vmem>>
    %dma_start3A_343 = arith.constant 1680 : i32
    %dma_start3A_344 = tpu.memref_slice %arg5[%dma_start3A_343] : memref<2560xi32, #tpu.memory_space<vmem>> -> memref<40xi32, #tpu.memory_space<vmem>>
    %dma_start3A_345 = arith.constant 0 : i32
    %dma_start3A_346 = arith.constant 0 : i32
    %dma_start3A_347 = tpu.memref_slice %arg2[%dma_start3A_345, %dma_start3A_346] : memref<2000000x32xf32, #tpu.memory_space<hbm>> -> memref<2000000x32xf32, #tpu.memory_space<hbm>>
    tpu.enqueue_indirect_dma source(%dma_start3A_347 : memref<2000000x32xf32, #tpu.memory_space<hbm>>) target(%dma_start3A_342 : memref<40x32xf32, #tpu.memory_space<vmem>>) offsets(%dma_start3A_344 : memref<40xi32, #tpu.memory_space<vmem>>) semaphore(%arg7 : memref<!tpu.dma_semaphore, #tpu.memory_space<semaphore_mem>>)
    %dma_start3A_348 = arith.constant 1720 : i32
    %dma_start3A_349 = arith.constant 0 : i32
    %dma_start3A_350 = tpu.memref_slice %arg6[%dma_start3A_348, %dma_start3A_349] : memref<2560x32xf32, #tpu.memory_space<vmem>> -> memref<40x32xf32, #tpu.memory_space<vmem>>
    %dma_start3A_351 = arith.constant 1720 : i32
    %dma_start3A_352 = tpu.memref_slice %arg5[%dma_start3A_351] : memref<2560xi32, #tpu.memory_space<vmem>> -> memref<40xi32, #tpu.memory_space<vmem>>
    %dma_start3A_353 = arith.constant 0 : i32
    %dma_start3A_354 = arith.constant 0 : i32
    %dma_start3A_355 = tpu.memref_slice %arg2[%dma_start3A_353, %dma_start3A_354] : memref<2000000x32xf32, #tpu.memory_space<hbm>> -> memref<2000000x32xf32, #tpu.memory_space<hbm>>
    tpu.enqueue_indirect_dma source(%dma_start3A_355 : memref<2000000x32xf32, #tpu.memory_space<hbm>>) target(%dma_start3A_350 : memref<40x32xf32, #tpu.memory_space<vmem>>) offsets(%dma_start3A_352 : memref<40xi32, #tpu.memory_space<vmem>>) semaphore(%arg7 : memref<!tpu.dma_semaphore, #tpu.memory_space<semaphore_mem>>)
    %dma_start3A_356 = arith.constant 1760 : i32
    %dma_start3A_357 = arith.constant 0 : i32
    %dma_start3A_358 = tpu.memref_slice %arg6[%dma_start3A_356, %dma_start3A_357] : memref<2560x32xf32, #tpu.memory_space<vmem>> -> memref<40x32xf32, #tpu.memory_space<vmem>>
    %dma_start3A_359 = arith.constant 1760 : i32
    %dma_start3A_360 = tpu.memref_slice %arg5[%dma_start3A_359] : memref<2560xi32, #tpu.memory_space<vmem>> -> memref<40xi32, #tpu.memory_space<vmem>>
    %dma_start3A_361 = arith.constant 0 : i32
    %dma_start3A_362 = arith.constant 0 : i32
    %dma_start3A_363 = tpu.memref_slice %arg2[%dma_start3A_361, %dma_start3A_362] : memref<2000000x32xf32, #tpu.memory_space<hbm>> -> memref<2000000x32xf32, #tpu.memory_space<hbm>>
    tpu.enqueue_indirect_dma source(%dma_start3A_363 : memref<2000000x32xf32, #tpu.memory_space<hbm>>) target(%dma_start3A_358 : memref<40x32xf32, #tpu.memory_space<vmem>>) offsets(%dma_start3A_360 : memref<40xi32, #tpu.memory_space<vmem>>) semaphore(%arg7 : memref<!tpu.dma_semaphore, #tpu.memory_space<semaphore_mem>>)
    %dma_start3A_364 = arith.constant 1800 : i32
    %dma_start3A_365 = arith.constant 0 : i32
    %dma_start3A_366 = tpu.memref_slice %arg6[%dma_start3A_364, %dma_start3A_365] : memref<2560x32xf32, #tpu.memory_space<vmem>> -> memref<40x32xf32, #tpu.memory_space<vmem>>
    %dma_start3A_367 = arith.constant 1800 : i32
    %dma_start3A_368 = tpu.memref_slice %arg5[%dma_start3A_367] : memref<2560xi32, #tpu.memory_space<vmem>> -> memref<40xi32, #tpu.memory_space<vmem>>
    %dma_start3A_369 = arith.constant 0 : i32
    %dma_start3A_370 = arith.constant 0 : i32
    %dma_start3A_371 = tpu.memref_slice %arg2[%dma_start3A_369, %dma_start3A_370] : memref<2000000x32xf32, #tpu.memory_space<hbm>> -> memref<2000000x32xf32, #tpu.memory_space<hbm>>
    tpu.enqueue_indirect_dma source(%dma_start3A_371 : memref<2000000x32xf32, #tpu.memory_space<hbm>>) target(%dma_start3A_366 : memref<40x32xf32, #tpu.memory_space<vmem>>) offsets(%dma_start3A_368 : memref<40xi32, #tpu.memory_space<vmem>>) semaphore(%arg7 : memref<!tpu.dma_semaphore, #tpu.memory_space<semaphore_mem>>)
    %dma_start3A_372 = arith.constant 1840 : i32
    %dma_start3A_373 = arith.constant 0 : i32
    %dma_start3A_374 = tpu.memref_slice %arg6[%dma_start3A_372, %dma_start3A_373] : memref<2560x32xf32, #tpu.memory_space<vmem>> -> memref<40x32xf32, #tpu.memory_space<vmem>>
    %dma_start3A_375 = arith.constant 1840 : i32
    %dma_start3A_376 = tpu.memref_slice %arg5[%dma_start3A_375] : memref<2560xi32, #tpu.memory_space<vmem>> -> memref<40xi32, #tpu.memory_space<vmem>>
    %dma_start3A_377 = arith.constant 0 : i32
    %dma_start3A_378 = arith.constant 0 : i32
    %dma_start3A_379 = tpu.memref_slice %arg2[%dma_start3A_377, %dma_start3A_378] : memref<2000000x32xf32, #tpu.memory_space<hbm>> -> memref<2000000x32xf32, #tpu.memory_space<hbm>>
    tpu.enqueue_indirect_dma source(%dma_start3A_379 : memref<2000000x32xf32, #tpu.memory_space<hbm>>) target(%dma_start3A_374 : memref<40x32xf32, #tpu.memory_space<vmem>>) offsets(%dma_start3A_376 : memref<40xi32, #tpu.memory_space<vmem>>) semaphore(%arg7 : memref<!tpu.dma_semaphore, #tpu.memory_space<semaphore_mem>>)
    %dma_start3A_380 = arith.constant 1880 : i32
    %dma_start3A_381 = arith.constant 0 : i32
    %dma_start3A_382 = tpu.memref_slice %arg6[%dma_start3A_380, %dma_start3A_381] : memref<2560x32xf32, #tpu.memory_space<vmem>> -> memref<40x32xf32, #tpu.memory_space<vmem>>
    %dma_start3A_383 = arith.constant 1880 : i32
    %dma_start3A_384 = tpu.memref_slice %arg5[%dma_start3A_383] : memref<2560xi32, #tpu.memory_space<vmem>> -> memref<40xi32, #tpu.memory_space<vmem>>
    %dma_start3A_385 = arith.constant 0 : i32
    %dma_start3A_386 = arith.constant 0 : i32
    %dma_start3A_387 = tpu.memref_slice %arg2[%dma_start3A_385, %dma_start3A_386] : memref<2000000x32xf32, #tpu.memory_space<hbm>> -> memref<2000000x32xf32, #tpu.memory_space<hbm>>
    tpu.enqueue_indirect_dma source(%dma_start3A_387 : memref<2000000x32xf32, #tpu.memory_space<hbm>>) target(%dma_start3A_382 : memref<40x32xf32, #tpu.memory_space<vmem>>) offsets(%dma_start3A_384 : memref<40xi32, #tpu.memory_space<vmem>>) semaphore(%arg7 : memref<!tpu.dma_semaphore, #tpu.memory_space<semaphore_mem>>)
    %dma_start3A_388 = arith.constant 1920 : i32
    %dma_start3A_389 = arith.constant 0 : i32
    %dma_start3A_390 = tpu.memref_slice %arg6[%dma_start3A_388, %dma_start3A_389] : memref<2560x32xf32, #tpu.memory_space<vmem>> -> memref<40x32xf32, #tpu.memory_space<vmem>>
    %dma_start3A_391 = arith.constant 1920 : i32
    %dma_start3A_392 = tpu.memref_slice %arg5[%dma_start3A_391] : memref<2560xi32, #tpu.memory_space<vmem>> -> memref<40xi32, #tpu.memory_space<vmem>>
    %dma_start3A_393 = arith.constant 0 : i32
    %dma_start3A_394 = arith.constant 0 : i32
    %dma_start3A_395 = tpu.memref_slice %arg2[%dma_start3A_393, %dma_start3A_394] : memref<2000000x32xf32, #tpu.memory_space<hbm>> -> memref<2000000x32xf32, #tpu.memory_space<hbm>>
    tpu.enqueue_indirect_dma source(%dma_start3A_395 : memref<2000000x32xf32, #tpu.memory_space<hbm>>) target(%dma_start3A_390 : memref<40x32xf32, #tpu.memory_space<vmem>>) offsets(%dma_start3A_392 : memref<40xi32, #tpu.memory_space<vmem>>) semaphore(%arg7 : memref<!tpu.dma_semaphore, #tpu.memory_space<semaphore_mem>>)
    %dma_start3A_396 = arith.constant 1960 : i32
    %dma_start3A_397 = arith.constant 0 : i32
    %dma_start3A_398 = tpu.memref_slice %arg6[%dma_start3A_396, %dma_start3A_397] : memref<2560x32xf32, #tpu.memory_space<vmem>> -> memref<40x32xf32, #tpu.memory_space<vmem>>
    %dma_start3A_399 = arith.constant 1960 : i32
    %dma_start3A_400 = tpu.memref_slice %arg5[%dma_start3A_399] : memref<2560xi32, #tpu.memory_space<vmem>> -> memref<40xi32, #tpu.memory_space<vmem>>
    %dma_start3A_401 = arith.constant 0 : i32
    %dma_start3A_402 = arith.constant 0 : i32
    %dma_start3A_403 = tpu.memref_slice %arg2[%dma_start3A_401, %dma_start3A_402] : memref<2000000x32xf32, #tpu.memory_space<hbm>> -> memref<2000000x32xf32, #tpu.memory_space<hbm>>
    tpu.enqueue_indirect_dma source(%dma_start3A_403 : memref<2000000x32xf32, #tpu.memory_space<hbm>>) target(%dma_start3A_398 : memref<40x32xf32, #tpu.memory_space<vmem>>) offsets(%dma_start3A_400 : memref<40xi32, #tpu.memory_space<vmem>>) semaphore(%arg7 : memref<!tpu.dma_semaphore, #tpu.memory_space<semaphore_mem>>)
    %dma_start3A_404 = arith.constant 2000 : i32
    %dma_start3A_405 = arith.constant 0 : i32
    %dma_start3A_406 = tpu.memref_slice %arg6[%dma_start3A_404, %dma_start3A_405] : memref<2560x32xf32, #tpu.memory_space<vmem>> -> memref<40x32xf32, #tpu.memory_space<vmem>>
    %dma_start3A_407 = arith.constant 2000 : i32
    %dma_start3A_408 = tpu.memref_slice %arg5[%dma_start3A_407] : memref<2560xi32, #tpu.memory_space<vmem>> -> memref<40xi32, #tpu.memory_space<vmem>>
    %dma_start3A_409 = arith.constant 0 : i32
    %dma_start3A_410 = arith.constant 0 : i32
    %dma_start3A_411 = tpu.memref_slice %arg2[%dma_start3A_409, %dma_start3A_410] : memref<2000000x32xf32, #tpu.memory_space<hbm>> -> memref<2000000x32xf32, #tpu.memory_space<hbm>>
    tpu.enqueue_indirect_dma source(%dma_start3A_411 : memref<2000000x32xf32, #tpu.memory_space<hbm>>) target(%dma_start3A_406 : memref<40x32xf32, #tpu.memory_space<vmem>>) offsets(%dma_start3A_408 : memref<40xi32, #tpu.memory_space<vmem>>) semaphore(%arg7 : memref<!tpu.dma_semaphore, #tpu.memory_space<semaphore_mem>>)
    %dma_start3A_412 = arith.constant 2040 : i32
    %dma_start3A_413 = arith.constant 0 : i32
    %dma_start3A_414 = tpu.memref_slice %arg6[%dma_start3A_412, %dma_start3A_413] : memref<2560x32xf32, #tpu.memory_space<vmem>> -> memref<40x32xf32, #tpu.memory_space<vmem>>
    %dma_start3A_415 = arith.constant 2040 : i32
    %dma_start3A_416 = tpu.memref_slice %arg5[%dma_start3A_415] : memref<2560xi32, #tpu.memory_space<vmem>> -> memref<40xi32, #tpu.memory_space<vmem>>
    %dma_start3A_417 = arith.constant 0 : i32
    %dma_start3A_418 = arith.constant 0 : i32
    %dma_start3A_419 = tpu.memref_slice %arg2[%dma_start3A_417, %dma_start3A_418] : memref<2000000x32xf32, #tpu.memory_space<hbm>> -> memref<2000000x32xf32, #tpu.memory_space<hbm>>
    tpu.enqueue_indirect_dma source(%dma_start3A_419 : memref<2000000x32xf32, #tpu.memory_space<hbm>>) target(%dma_start3A_414 : memref<40x32xf32, #tpu.memory_space<vmem>>) offsets(%dma_start3A_416 : memref<40xi32, #tpu.memory_space<vmem>>) semaphore(%arg7 : memref<!tpu.dma_semaphore, #tpu.memory_space<semaphore_mem>>)
    %dma_start3A_420 = arith.constant 2080 : i32
    %dma_start3A_421 = arith.constant 0 : i32
    %dma_start3A_422 = tpu.memref_slice %arg6[%dma_start3A_420, %dma_start3A_421] : memref<2560x32xf32, #tpu.memory_space<vmem>> -> memref<40x32xf32, #tpu.memory_space<vmem>>
    %dma_start3A_423 = arith.constant 2080 : i32
    %dma_start3A_424 = tpu.memref_slice %arg5[%dma_start3A_423] : memref<2560xi32, #tpu.memory_space<vmem>> -> memref<40xi32, #tpu.memory_space<vmem>>
    %dma_start3A_425 = arith.constant 0 : i32
    %dma_start3A_426 = arith.constant 0 : i32
    %dma_start3A_427 = tpu.memref_slice %arg2[%dma_start3A_425, %dma_start3A_426] : memref<2000000x32xf32, #tpu.memory_space<hbm>> -> memref<2000000x32xf32, #tpu.memory_space<hbm>>
    tpu.enqueue_indirect_dma source(%dma_start3A_427 : memref<2000000x32xf32, #tpu.memory_space<hbm>>) target(%dma_start3A_422 : memref<40x32xf32, #tpu.memory_space<vmem>>) offsets(%dma_start3A_424 : memref<40xi32, #tpu.memory_space<vmem>>) semaphore(%arg7 : memref<!tpu.dma_semaphore, #tpu.memory_space<semaphore_mem>>)
    %dma_start3A_428 = arith.constant 2120 : i32
    %dma_start3A_429 = arith.constant 0 : i32
    %dma_start3A_430 = tpu.memref_slice %arg6[%dma_start3A_428, %dma_start3A_429] : memref<2560x32xf32, #tpu.memory_space<vmem>> -> memref<40x32xf32, #tpu.memory_space<vmem>>
    %dma_start3A_431 = arith.constant 2120 : i32
    %dma_start3A_432 = tpu.memref_slice %arg5[%dma_start3A_431] : memref<2560xi32, #tpu.memory_space<vmem>> -> memref<40xi32, #tpu.memory_space<vmem>>
    %dma_start3A_433 = arith.constant 0 : i32
    %dma_start3A_434 = arith.constant 0 : i32
    %dma_start3A_435 = tpu.memref_slice %arg2[%dma_start3A_433, %dma_start3A_434] : memref<2000000x32xf32, #tpu.memory_space<hbm>> -> memref<2000000x32xf32, #tpu.memory_space<hbm>>
    tpu.enqueue_indirect_dma source(%dma_start3A_435 : memref<2000000x32xf32, #tpu.memory_space<hbm>>) target(%dma_start3A_430 : memref<40x32xf32, #tpu.memory_space<vmem>>) offsets(%dma_start3A_432 : memref<40xi32, #tpu.memory_space<vmem>>) semaphore(%arg7 : memref<!tpu.dma_semaphore, #tpu.memory_space<semaphore_mem>>)
    %dma_start3A_436 = arith.constant 2160 : i32
    %dma_start3A_437 = arith.constant 0 : i32
    %dma_start3A_438 = tpu.memref_slice %arg6[%dma_start3A_436, %dma_start3A_437] : memref<2560x32xf32, #tpu.memory_space<vmem>> -> memref<40x32xf32, #tpu.memory_space<vmem>>
    %dma_start3A_439 = arith.constant 2160 : i32
    %dma_start3A_440 = tpu.memref_slice %arg5[%dma_start3A_439] : memref<2560xi32, #tpu.memory_space<vmem>> -> memref<40xi32, #tpu.memory_space<vmem>>
    %dma_start3A_441 = arith.constant 0 : i32
    %dma_start3A_442 = arith.constant 0 : i32
    %dma_start3A_443 = tpu.memref_slice %arg2[%dma_start3A_441, %dma_start3A_442] : memref<2000000x32xf32, #tpu.memory_space<hbm>> -> memref<2000000x32xf32, #tpu.memory_space<hbm>>
    tpu.enqueue_indirect_dma source(%dma_start3A_443 : memref<2000000x32xf32, #tpu.memory_space<hbm>>) target(%dma_start3A_438 : memref<40x32xf32, #tpu.memory_space<vmem>>) offsets(%dma_start3A_440 : memref<40xi32, #tpu.memory_space<vmem>>) semaphore(%arg7 : memref<!tpu.dma_semaphore, #tpu.memory_space<semaphore_mem>>)
    %dma_start3A_444 = arith.constant 2200 : i32
    %dma_start3A_445 = arith.constant 0 : i32
    %dma_start3A_446 = tpu.memref_slice %arg6[%dma_start3A_444, %dma_start3A_445] : memref<2560x32xf32, #tpu.memory_space<vmem>> -> memref<40x32xf32, #tpu.memory_space<vmem>>
    %dma_start3A_447 = arith.constant 2200 : i32
    %dma_start3A_448 = tpu.memref_slice %arg5[%dma_start3A_447] : memref<2560xi32, #tpu.memory_space<vmem>> -> memref<40xi32, #tpu.memory_space<vmem>>
    %dma_start3A_449 = arith.constant 0 : i32
    %dma_start3A_450 = arith.constant 0 : i32
    %dma_start3A_451 = tpu.memref_slice %arg2[%dma_start3A_449, %dma_start3A_450] : memref<2000000x32xf32, #tpu.memory_space<hbm>> -> memref<2000000x32xf32, #tpu.memory_space<hbm>>
    tpu.enqueue_indirect_dma source(%dma_start3A_451 : memref<2000000x32xf32, #tpu.memory_space<hbm>>) target(%dma_start3A_446 : memref<40x32xf32, #tpu.memory_space<vmem>>) offsets(%dma_start3A_448 : memref<40xi32, #tpu.memory_space<vmem>>) semaphore(%arg7 : memref<!tpu.dma_semaphore, #tpu.memory_space<semaphore_mem>>)
    %dma_start3A_452 = arith.constant 2240 : i32
    %dma_start3A_453 = arith.constant 0 : i32
    %dma_start3A_454 = tpu.memref_slice %arg6[%dma_start3A_452, %dma_start3A_453] : memref<2560x32xf32, #tpu.memory_space<vmem>> -> memref<40x32xf32, #tpu.memory_space<vmem>>
    %dma_start3A_455 = arith.constant 2240 : i32
    %dma_start3A_456 = tpu.memref_slice %arg5[%dma_start3A_455] : memref<2560xi32, #tpu.memory_space<vmem>> -> memref<40xi32, #tpu.memory_space<vmem>>
    %dma_start3A_457 = arith.constant 0 : i32
    %dma_start3A_458 = arith.constant 0 : i32
    %dma_start3A_459 = tpu.memref_slice %arg2[%dma_start3A_457, %dma_start3A_458] : memref<2000000x32xf32, #tpu.memory_space<hbm>> -> memref<2000000x32xf32, #tpu.memory_space<hbm>>
    tpu.enqueue_indirect_dma source(%dma_start3A_459 : memref<2000000x32xf32, #tpu.memory_space<hbm>>) target(%dma_start3A_454 : memref<40x32xf32, #tpu.memory_space<vmem>>) offsets(%dma_start3A_456 : memref<40xi32, #tpu.memory_space<vmem>>) semaphore(%arg7 : memref<!tpu.dma_semaphore, #tpu.memory_space<semaphore_mem>>)
    %dma_start3A_460 = arith.constant 2280 : i32
    %dma_start3A_461 = arith.constant 0 : i32
    %dma_start3A_462 = tpu.memref_slice %arg6[%dma_start3A_460, %dma_start3A_461] : memref<2560x32xf32, #tpu.memory_space<vmem>> -> memref<40x32xf32, #tpu.memory_space<vmem>>
    %dma_start3A_463 = arith.constant 2280 : i32
    %dma_start3A_464 = tpu.memref_slice %arg5[%dma_start3A_463] : memref<2560xi32, #tpu.memory_space<vmem>> -> memref<40xi32, #tpu.memory_space<vmem>>
    %dma_start3A_465 = arith.constant 0 : i32
    %dma_start3A_466 = arith.constant 0 : i32
    %dma_start3A_467 = tpu.memref_slice %arg2[%dma_start3A_465, %dma_start3A_466] : memref<2000000x32xf32, #tpu.memory_space<hbm>> -> memref<2000000x32xf32, #tpu.memory_space<hbm>>
    tpu.enqueue_indirect_dma source(%dma_start3A_467 : memref<2000000x32xf32, #tpu.memory_space<hbm>>) target(%dma_start3A_462 : memref<40x32xf32, #tpu.memory_space<vmem>>) offsets(%dma_start3A_464 : memref<40xi32, #tpu.memory_space<vmem>>) semaphore(%arg7 : memref<!tpu.dma_semaphore, #tpu.memory_space<semaphore_mem>>)
    %dma_start3A_468 = arith.constant 2320 : i32
    %dma_start3A_469 = arith.constant 0 : i32
    %dma_start3A_470 = tpu.memref_slice %arg6[%dma_start3A_468, %dma_start3A_469] : memref<2560x32xf32, #tpu.memory_space<vmem>> -> memref<40x32xf32, #tpu.memory_space<vmem>>
    %dma_start3A_471 = arith.constant 2320 : i32
    %dma_start3A_472 = tpu.memref_slice %arg5[%dma_start3A_471] : memref<2560xi32, #tpu.memory_space<vmem>> -> memref<40xi32, #tpu.memory_space<vmem>>
    %dma_start3A_473 = arith.constant 0 : i32
    %dma_start3A_474 = arith.constant 0 : i32
    %dma_start3A_475 = tpu.memref_slice %arg2[%dma_start3A_473, %dma_start3A_474] : memref<2000000x32xf32, #tpu.memory_space<hbm>> -> memref<2000000x32xf32, #tpu.memory_space<hbm>>
    tpu.enqueue_indirect_dma source(%dma_start3A_475 : memref<2000000x32xf32, #tpu.memory_space<hbm>>) target(%dma_start3A_470 : memref<40x32xf32, #tpu.memory_space<vmem>>) offsets(%dma_start3A_472 : memref<40xi32, #tpu.memory_space<vmem>>) semaphore(%arg7 : memref<!tpu.dma_semaphore, #tpu.memory_space<semaphore_mem>>)
    %dma_start3A_476 = arith.constant 2360 : i32
    %dma_start3A_477 = arith.constant 0 : i32
    %dma_start3A_478 = tpu.memref_slice %arg6[%dma_start3A_476, %dma_start3A_477] : memref<2560x32xf32, #tpu.memory_space<vmem>> -> memref<40x32xf32, #tpu.memory_space<vmem>>
    %dma_start3A_479 = arith.constant 2360 : i32
    %dma_start3A_480 = tpu.memref_slice %arg5[%dma_start3A_479] : memref<2560xi32, #tpu.memory_space<vmem>> -> memref<40xi32, #tpu.memory_space<vmem>>
    %dma_start3A_481 = arith.constant 0 : i32
    %dma_start3A_482 = arith.constant 0 : i32
    %dma_start3A_483 = tpu.memref_slice %arg2[%dma_start3A_481, %dma_start3A_482] : memref<2000000x32xf32, #tpu.memory_space<hbm>> -> memref<2000000x32xf32, #tpu.memory_space<hbm>>
    tpu.enqueue_indirect_dma source(%dma_start3A_483 : memref<2000000x32xf32, #tpu.memory_space<hbm>>) target(%dma_start3A_478 : memref<40x32xf32, #tpu.memory_space<vmem>>) offsets(%dma_start3A_480 : memref<40xi32, #tpu.memory_space<vmem>>) semaphore(%arg7 : memref<!tpu.dma_semaphore, #tpu.memory_space<semaphore_mem>>)
    %dma_start3A_484 = arith.constant 2400 : i32
    %dma_start3A_485 = arith.constant 0 : i32
    %dma_start3A_486 = tpu.memref_slice %arg6[%dma_start3A_484, %dma_start3A_485] : memref<2560x32xf32, #tpu.memory_space<vmem>> -> memref<40x32xf32, #tpu.memory_space<vmem>>
    %dma_start3A_487 = arith.constant 2400 : i32
    %dma_start3A_488 = tpu.memref_slice %arg5[%dma_start3A_487] : memref<2560xi32, #tpu.memory_space<vmem>> -> memref<40xi32, #tpu.memory_space<vmem>>
    %dma_start3A_489 = arith.constant 0 : i32
    %dma_start3A_490 = arith.constant 0 : i32
    %dma_start3A_491 = tpu.memref_slice %arg2[%dma_start3A_489, %dma_start3A_490] : memref<2000000x32xf32, #tpu.memory_space<hbm>> -> memref<2000000x32xf32, #tpu.memory_space<hbm>>
    tpu.enqueue_indirect_dma source(%dma_start3A_491 : memref<2000000x32xf32, #tpu.memory_space<hbm>>) target(%dma_start3A_486 : memref<40x32xf32, #tpu.memory_space<vmem>>) offsets(%dma_start3A_488 : memref<40xi32, #tpu.memory_space<vmem>>) semaphore(%arg7 : memref<!tpu.dma_semaphore, #tpu.memory_space<semaphore_mem>>)
    %dma_start3A_492 = arith.constant 2440 : i32
    %dma_start3A_493 = arith.constant 0 : i32
    %dma_start3A_494 = tpu.memref_slice %arg6[%dma_start3A_492, %dma_start3A_493] : memref<2560x32xf32, #tpu.memory_space<vmem>> -> memref<40x32xf32, #tpu.memory_space<vmem>>
    %dma_start3A_495 = arith.constant 2440 : i32
    %dma_start3A_496 = tpu.memref_slice %arg5[%dma_start3A_495] : memref<2560xi32, #tpu.memory_space<vmem>> -> memref<40xi32, #tpu.memory_space<vmem>>
    %dma_start3A_497 = arith.constant 0 : i32
    %dma_start3A_498 = arith.constant 0 : i32
    %dma_start3A_499 = tpu.memref_slice %arg2[%dma_start3A_497, %dma_start3A_498] : memref<2000000x32xf32, #tpu.memory_space<hbm>> -> memref<2000000x32xf32, #tpu.memory_space<hbm>>
    tpu.enqueue_indirect_dma source(%dma_start3A_499 : memref<2000000x32xf32, #tpu.memory_space<hbm>>) target(%dma_start3A_494 : memref<40x32xf32, #tpu.memory_space<vmem>>) offsets(%dma_start3A_496 : memref<40xi32, #tpu.memory_space<vmem>>) semaphore(%arg7 : memref<!tpu.dma_semaphore, #tpu.memory_space<semaphore_mem>>)
    %dma_start3A_500 = arith.constant 2480 : i32
    %dma_start3A_501 = arith.constant 0 : i32
    %dma_start3A_502 = tpu.memref_slice %arg6[%dma_start3A_500, %dma_start3A_501] : memref<2560x32xf32, #tpu.memory_space<vmem>> -> memref<40x32xf32, #tpu.memory_space<vmem>>
    %dma_start3A_503 = arith.constant 2480 : i32
    %dma_start3A_504 = tpu.memref_slice %arg5[%dma_start3A_503] : memref<2560xi32, #tpu.memory_space<vmem>> -> memref<40xi32, #tpu.memory_space<vmem>>
    %dma_start3A_505 = arith.constant 0 : i32
    %dma_start3A_506 = arith.constant 0 : i32
    %dma_start3A_507 = tpu.memref_slice %arg2[%dma_start3A_505, %dma_start3A_506] : memref<2000000x32xf32, #tpu.memory_space<hbm>> -> memref<2000000x32xf32, #tpu.memory_space<hbm>>
    tpu.enqueue_indirect_dma source(%dma_start3A_507 : memref<2000000x32xf32, #tpu.memory_space<hbm>>) target(%dma_start3A_502 : memref<40x32xf32, #tpu.memory_space<vmem>>) offsets(%dma_start3A_504 : memref<40xi32, #tpu.memory_space<vmem>>) semaphore(%arg7 : memref<!tpu.dma_semaphore, #tpu.memory_space<semaphore_mem>>)
    %dma_start3A_508 = arith.constant 2520 : i32
    %dma_start3A_509 = arith.constant 0 : i32
    %dma_start3A_510 = tpu.memref_slice %arg6[%dma_start3A_508, %dma_start3A_509] : memref<2560x32xf32, #tpu.memory_space<vmem>> -> memref<40x32xf32, #tpu.memory_space<vmem>>
    %dma_start3A_511 = arith.constant 2520 : i32
    %dma_start3A_512 = tpu.memref_slice %arg5[%dma_start3A_511] : memref<2560xi32, #tpu.memory_space<vmem>> -> memref<40xi32, #tpu.memory_space<vmem>>
    %dma_start3A_513 = arith.constant 0 : i32
    %dma_start3A_514 = arith.constant 0 : i32
    %dma_start3A_515 = tpu.memref_slice %arg2[%dma_start3A_513, %dma_start3A_514] : memref<2000000x32xf32, #tpu.memory_space<hbm>> -> memref<2000000x32xf32, #tpu.memory_space<hbm>>
    tpu.enqueue_indirect_dma source(%dma_start3A_515 : memref<2000000x32xf32, #tpu.memory_space<hbm>>) target(%dma_start3A_510 : memref<40x32xf32, #tpu.memory_space<vmem>>) offsets(%dma_start3A_512 : memref<40xi32, #tpu.memory_space<vmem>>) semaphore(%arg7 : memref<!tpu.dma_semaphore, #tpu.memory_space<semaphore_mem>>)
    %dma_wait3A = arith.constant 0 : i32
    %dma_wait3A_516 = arith.constant 0 : i32
    %dma_wait3A_517 = tpu.memref_slice %arg6[%dma_wait3A, %dma_wait3A_516] : memref<2560x32xf32, #tpu.memory_space<vmem>> -> memref<40x32xf32, #tpu.memory_space<vmem>>
    %dma_wait3A_518 = arith.constant 0 : i32
    %dma_wait3A_519 = tpu.memref_slice %arg5[%dma_wait3A_518] : memref<2560xi32, #tpu.memory_space<vmem>> -> memref<40xi32, #tpu.memory_space<vmem>>
    %dma_wait3A_520 = arith.constant 0 : i32
    %dma_wait3A_521 = arith.constant 0 : i32
    %dma_wait3A_522 = tpu.memref_slice %arg2[%dma_wait3A_520, %dma_wait3A_521] : memref<2000000x32xf32, #tpu.memory_space<hbm>> -> memref<2000000x32xf32, #tpu.memory_space<hbm>>
    tpu.wait_indirect_dma semaphore(%arg7 : memref<!tpu.dma_semaphore, #tpu.memory_space<semaphore_mem>>) src(%dma_wait3A_522 : memref<2000000x32xf32, #tpu.memory_space<hbm>>) dst(%dma_wait3A_517 : memref<40x32xf32, #tpu.memory_space<vmem>>)
    %dma_wait3A_523 = arith.constant 40 : i32
    %dma_wait3A_524 = arith.constant 0 : i32
    %dma_wait3A_525 = tpu.memref_slice %arg6[%dma_wait3A_523, %dma_wait3A_524] : memref<2560x32xf32, #tpu.memory_space<vmem>> -> memref<40x32xf32, #tpu.memory_space<vmem>>
    %dma_wait3A_526 = arith.constant 40 : i32
    %dma_wait3A_527 = tpu.memref_slice %arg5[%dma_wait3A_526] : memref<2560xi32, #tpu.memory_space<vmem>> -> memref<40xi32, #tpu.memory_space<vmem>>
    %dma_wait3A_528 = arith.constant 0 : i32
    %dma_wait3A_529 = arith.constant 0 : i32
    %dma_wait3A_530 = tpu.memref_slice %arg2[%dma_wait3A_528, %dma_wait3A_529] : memref<2000000x32xf32, #tpu.memory_space<hbm>> -> memref<2000000x32xf32, #tpu.memory_space<hbm>>
    tpu.wait_indirect_dma semaphore(%arg7 : memref<!tpu.dma_semaphore, #tpu.memory_space<semaphore_mem>>) src(%dma_wait3A_530 : memref<2000000x32xf32, #tpu.memory_space<hbm>>) dst(%dma_wait3A_525 : memref<40x32xf32, #tpu.memory_space<vmem>>)
    %dma_wait3A_531 = arith.constant 80 : i32
    %dma_wait3A_532 = arith.constant 0 : i32
    %dma_wait3A_533 = tpu.memref_slice %arg6[%dma_wait3A_531, %dma_wait3A_532] : memref<2560x32xf32, #tpu.memory_space<vmem>> -> memref<40x32xf32, #tpu.memory_space<vmem>>
    %dma_wait3A_534 = arith.constant 80 : i32
    %dma_wait3A_535 = tpu.memref_slice %arg5[%dma_wait3A_534] : memref<2560xi32, #tpu.memory_space<vmem>> -> memref<40xi32, #tpu.memory_space<vmem>>
    %dma_wait3A_536 = arith.constant 0 : i32
    %dma_wait3A_537 = arith.constant 0 : i32
    %dma_wait3A_538 = tpu.memref_slice %arg2[%dma_wait3A_536, %dma_wait3A_537] : memref<2000000x32xf32, #tpu.memory_space<hbm>> -> memref<2000000x32xf32, #tpu.memory_space<hbm>>
    tpu.wait_indirect_dma semaphore(%arg7 : memref<!tpu.dma_semaphore, #tpu.memory_space<semaphore_mem>>) src(%dma_wait3A_538 : memref<2000000x32xf32, #tpu.memory_space<hbm>>) dst(%dma_wait3A_533 : memref<40x32xf32, #tpu.memory_space<vmem>>)
    %dma_wait3A_539 = arith.constant 120 : i32
    %dma_wait3A_540 = arith.constant 0 : i32
    %dma_wait3A_541 = tpu.memref_slice %arg6[%dma_wait3A_539, %dma_wait3A_540] : memref<2560x32xf32, #tpu.memory_space<vmem>> -> memref<40x32xf32, #tpu.memory_space<vmem>>
    %dma_wait3A_542 = arith.constant 120 : i32
    %dma_wait3A_543 = tpu.memref_slice %arg5[%dma_wait3A_542] : memref<2560xi32, #tpu.memory_space<vmem>> -> memref<40xi32, #tpu.memory_space<vmem>>
    %dma_wait3A_544 = arith.constant 0 : i32
    %dma_wait3A_545 = arith.constant 0 : i32
    %dma_wait3A_546 = tpu.memref_slice %arg2[%dma_wait3A_544, %dma_wait3A_545] : memref<2000000x32xf32, #tpu.memory_space<hbm>> -> memref<2000000x32xf32, #tpu.memory_space<hbm>>
    tpu.wait_indirect_dma semaphore(%arg7 : memref<!tpu.dma_semaphore, #tpu.memory_space<semaphore_mem>>) src(%dma_wait3A_546 : memref<2000000x32xf32, #tpu.memory_space<hbm>>) dst(%dma_wait3A_541 : memref<40x32xf32, #tpu.memory_space<vmem>>)
    %dma_wait3A_547 = arith.constant 160 : i32
    %dma_wait3A_548 = arith.constant 0 : i32
    %dma_wait3A_549 = tpu.memref_slice %arg6[%dma_wait3A_547, %dma_wait3A_548] : memref<2560x32xf32, #tpu.memory_space<vmem>> -> memref<40x32xf32, #tpu.memory_space<vmem>>
    %dma_wait3A_550 = arith.constant 160 : i32
    %dma_wait3A_551 = tpu.memref_slice %arg5[%dma_wait3A_550] : memref<2560xi32, #tpu.memory_space<vmem>> -> memref<40xi32, #tpu.memory_space<vmem>>
    %dma_wait3A_552 = arith.constant 0 : i32
    %dma_wait3A_553 = arith.constant 0 : i32
    %dma_wait3A_554 = tpu.memref_slice %arg2[%dma_wait3A_552, %dma_wait3A_553] : memref<2000000x32xf32, #tpu.memory_space<hbm>> -> memref<2000000x32xf32, #tpu.memory_space<hbm>>
    tpu.wait_indirect_dma semaphore(%arg7 : memref<!tpu.dma_semaphore, #tpu.memory_space<semaphore_mem>>) src(%dma_wait3A_554 : memref<2000000x32xf32, #tpu.memory_space<hbm>>) dst(%dma_wait3A_549 : memref<40x32xf32, #tpu.memory_space<vmem>>)
    %dma_wait3A_555 = arith.constant 200 : i32
    %dma_wait3A_556 = arith.constant 0 : i32
    %dma_wait3A_557 = tpu.memref_slice %arg6[%dma_wait3A_555, %dma_wait3A_556] : memref<2560x32xf32, #tpu.memory_space<vmem>> -> memref<40x32xf32, #tpu.memory_space<vmem>>
    %dma_wait3A_558 = arith.constant 200 : i32
    %dma_wait3A_559 = tpu.memref_slice %arg5[%dma_wait3A_558] : memref<2560xi32, #tpu.memory_space<vmem>> -> memref<40xi32, #tpu.memory_space<vmem>>
    %dma_wait3A_560 = arith.constant 0 : i32
    %dma_wait3A_561 = arith.constant 0 : i32
    %dma_wait3A_562 = tpu.memref_slice %arg2[%dma_wait3A_560, %dma_wait3A_561] : memref<2000000x32xf32, #tpu.memory_space<hbm>> -> memref<2000000x32xf32, #tpu.memory_space<hbm>>
    tpu.wait_indirect_dma semaphore(%arg7 : memref<!tpu.dma_semaphore, #tpu.memory_space<semaphore_mem>>) src(%dma_wait3A_562 : memref<2000000x32xf32, #tpu.memory_space<hbm>>) dst(%dma_wait3A_557 : memref<40x32xf32, #tpu.memory_space<vmem>>)
    %dma_wait3A_563 = arith.constant 240 : i32
    %dma_wait3A_564 = arith.constant 0 : i32
    %dma_wait3A_565 = tpu.memref_slice %arg6[%dma_wait3A_563, %dma_wait3A_564] : memref<2560x32xf32, #tpu.memory_space<vmem>> -> memref<40x32xf32, #tpu.memory_space<vmem>>
    %dma_wait3A_566 = arith.constant 240 : i32
    %dma_wait3A_567 = tpu.memref_slice %arg5[%dma_wait3A_566] : memref<2560xi32, #tpu.memory_space<vmem>> -> memref<40xi32, #tpu.memory_space<vmem>>
    %dma_wait3A_568 = arith.constant 0 : i32
    %dma_wait3A_569 = arith.constant 0 : i32
    %dma_wait3A_570 = tpu.memref_slice %arg2[%dma_wait3A_568, %dma_wait3A_569] : memref<2000000x32xf32, #tpu.memory_space<hbm>> -> memref<2000000x32xf32, #tpu.memory_space<hbm>>
    tpu.wait_indirect_dma semaphore(%arg7 : memref<!tpu.dma_semaphore, #tpu.memory_space<semaphore_mem>>) src(%dma_wait3A_570 : memref<2000000x32xf32, #tpu.memory_space<hbm>>) dst(%dma_wait3A_565 : memref<40x32xf32, #tpu.memory_space<vmem>>)
    %dma_wait3A_571 = arith.constant 280 : i32
    %dma_wait3A_572 = arith.constant 0 : i32
    %dma_wait3A_573 = tpu.memref_slice %arg6[%dma_wait3A_571, %dma_wait3A_572] : memref<2560x32xf32, #tpu.memory_space<vmem>> -> memref<40x32xf32, #tpu.memory_space<vmem>>
    %dma_wait3A_574 = arith.constant 280 : i32
    %dma_wait3A_575 = tpu.memref_slice %arg5[%dma_wait3A_574] : memref<2560xi32, #tpu.memory_space<vmem>> -> memref<40xi32, #tpu.memory_space<vmem>>
    %dma_wait3A_576 = arith.constant 0 : i32
    %dma_wait3A_577 = arith.constant 0 : i32
    %dma_wait3A_578 = tpu.memref_slice %arg2[%dma_wait3A_576, %dma_wait3A_577] : memref<2000000x32xf32, #tpu.memory_space<hbm>> -> memref<2000000x32xf32, #tpu.memory_space<hbm>>
    tpu.wait_indirect_dma semaphore(%arg7 : memref<!tpu.dma_semaphore, #tpu.memory_space<semaphore_mem>>) src(%dma_wait3A_578 : memref<2000000x32xf32, #tpu.memory_space<hbm>>) dst(%dma_wait3A_573 : memref<40x32xf32, #tpu.memory_space<vmem>>)
    %dma_wait3A_579 = arith.constant 320 : i32
    %dma_wait3A_580 = arith.constant 0 : i32
    %dma_wait3A_581 = tpu.memref_slice %arg6[%dma_wait3A_579, %dma_wait3A_580] : memref<2560x32xf32, #tpu.memory_space<vmem>> -> memref<40x32xf32, #tpu.memory_space<vmem>>
    %dma_wait3A_582 = arith.constant 320 : i32
    %dma_wait3A_583 = tpu.memref_slice %arg5[%dma_wait3A_582] : memref<2560xi32, #tpu.memory_space<vmem>> -> memref<40xi32, #tpu.memory_space<vmem>>
    %dma_wait3A_584 = arith.constant 0 : i32
    %dma_wait3A_585 = arith.constant 0 : i32
    %dma_wait3A_586 = tpu.memref_slice %arg2[%dma_wait3A_584, %dma_wait3A_585] : memref<2000000x32xf32, #tpu.memory_space<hbm>> -> memref<2000000x32xf32, #tpu.memory_space<hbm>>
    tpu.wait_indirect_dma semaphore(%arg7 : memref<!tpu.dma_semaphore, #tpu.memory_space<semaphore_mem>>) src(%dma_wait3A_586 : memref<2000000x32xf32, #tpu.memory_space<hbm>>) dst(%dma_wait3A_581 : memref<40x32xf32, #tpu.memory_space<vmem>>)
    %dma_wait3A_587 = arith.constant 360 : i32
    %dma_wait3A_588 = arith.constant 0 : i32
    %dma_wait3A_589 = tpu.memref_slice %arg6[%dma_wait3A_587, %dma_wait3A_588] : memref<2560x32xf32, #tpu.memory_space<vmem>> -> memref<40x32xf32, #tpu.memory_space<vmem>>
    %dma_wait3A_590 = arith.constant 360 : i32
    %dma_wait3A_591 = tpu.memref_slice %arg5[%dma_wait3A_590] : memref<2560xi32, #tpu.memory_space<vmem>> -> memref<40xi32, #tpu.memory_space<vmem>>
    %dma_wait3A_592 = arith.constant 0 : i32
    %dma_wait3A_593 = arith.constant 0 : i32
    %dma_wait3A_594 = tpu.memref_slice %arg2[%dma_wait3A_592, %dma_wait3A_593] : memref<2000000x32xf32, #tpu.memory_space<hbm>> -> memref<2000000x32xf32, #tpu.memory_space<hbm>>
    tpu.wait_indirect_dma semaphore(%arg7 : memref<!tpu.dma_semaphore, #tpu.memory_space<semaphore_mem>>) src(%dma_wait3A_594 : memref<2000000x32xf32, #tpu.memory_space<hbm>>) dst(%dma_wait3A_589 : memref<40x32xf32, #tpu.memory_space<vmem>>)
    %dma_wait3A_595 = arith.constant 400 : i32
    %dma_wait3A_596 = arith.constant 0 : i32
    %dma_wait3A_597 = tpu.memref_slice %arg6[%dma_wait3A_595, %dma_wait3A_596] : memref<2560x32xf32, #tpu.memory_space<vmem>> -> memref<40x32xf32, #tpu.memory_space<vmem>>
    %dma_wait3A_598 = arith.constant 400 : i32
    %dma_wait3A_599 = tpu.memref_slice %arg5[%dma_wait3A_598] : memref<2560xi32, #tpu.memory_space<vmem>> -> memref<40xi32, #tpu.memory_space<vmem>>
    %dma_wait3A_600 = arith.constant 0 : i32
    %dma_wait3A_601 = arith.constant 0 : i32
    %dma_wait3A_602 = tpu.memref_slice %arg2[%dma_wait3A_600, %dma_wait3A_601] : memref<2000000x32xf32, #tpu.memory_space<hbm>> -> memref<2000000x32xf32, #tpu.memory_space<hbm>>
    tpu.wait_indirect_dma semaphore(%arg7 : memref<!tpu.dma_semaphore, #tpu.memory_space<semaphore_mem>>) src(%dma_wait3A_602 : memref<2000000x32xf32, #tpu.memory_space<hbm>>) dst(%dma_wait3A_597 : memref<40x32xf32, #tpu.memory_space<vmem>>)
    %dma_wait3A_603 = arith.constant 440 : i32
    %dma_wait3A_604 = arith.constant 0 : i32
    %dma_wait3A_605 = tpu.memref_slice %arg6[%dma_wait3A_603, %dma_wait3A_604] : memref<2560x32xf32, #tpu.memory_space<vmem>> -> memref<40x32xf32, #tpu.memory_space<vmem>>
    %dma_wait3A_606 = arith.constant 440 : i32
    %dma_wait3A_607 = tpu.memref_slice %arg5[%dma_wait3A_606] : memref<2560xi32, #tpu.memory_space<vmem>> -> memref<40xi32, #tpu.memory_space<vmem>>
    %dma_wait3A_608 = arith.constant 0 : i32
    %dma_wait3A_609 = arith.constant 0 : i32
    %dma_wait3A_610 = tpu.memref_slice %arg2[%dma_wait3A_608, %dma_wait3A_609] : memref<2000000x32xf32, #tpu.memory_space<hbm>> -> memref<2000000x32xf32, #tpu.memory_space<hbm>>
    tpu.wait_indirect_dma semaphore(%arg7 : memref<!tpu.dma_semaphore, #tpu.memory_space<semaphore_mem>>) src(%dma_wait3A_610 : memref<2000000x32xf32, #tpu.memory_space<hbm>>) dst(%dma_wait3A_605 : memref<40x32xf32, #tpu.memory_space<vmem>>)
    %dma_wait3A_611 = arith.constant 480 : i32
    %dma_wait3A_612 = arith.constant 0 : i32
    %dma_wait3A_613 = tpu.memref_slice %arg6[%dma_wait3A_611, %dma_wait3A_612] : memref<2560x32xf32, #tpu.memory_space<vmem>> -> memref<40x32xf32, #tpu.memory_space<vmem>>
    %dma_wait3A_614 = arith.constant 480 : i32
    %dma_wait3A_615 = tpu.memref_slice %arg5[%dma_wait3A_614] : memref<2560xi32, #tpu.memory_space<vmem>> -> memref<40xi32, #tpu.memory_space<vmem>>
    %dma_wait3A_616 = arith.constant 0 : i32
    %dma_wait3A_617 = arith.constant 0 : i32
    %dma_wait3A_618 = tpu.memref_slice %arg2[%dma_wait3A_616, %dma_wait3A_617] : memref<2000000x32xf32, #tpu.memory_space<hbm>> -> memref<2000000x32xf32, #tpu.memory_space<hbm>>
    tpu.wait_indirect_dma semaphore(%arg7 : memref<!tpu.dma_semaphore, #tpu.memory_space<semaphore_mem>>) src(%dma_wait3A_618 : memref<2000000x32xf32, #tpu.memory_space<hbm>>) dst(%dma_wait3A_613 : memref<40x32xf32, #tpu.memory_space<vmem>>)
    %dma_wait3A_619 = arith.constant 520 : i32
    %dma_wait3A_620 = arith.constant 0 : i32
    %dma_wait3A_621 = tpu.memref_slice %arg6[%dma_wait3A_619, %dma_wait3A_620] : memref<2560x32xf32, #tpu.memory_space<vmem>> -> memref<40x32xf32, #tpu.memory_space<vmem>>
    %dma_wait3A_622 = arith.constant 520 : i32
    %dma_wait3A_623 = tpu.memref_slice %arg5[%dma_wait3A_622] : memref<2560xi32, #tpu.memory_space<vmem>> -> memref<40xi32, #tpu.memory_space<vmem>>
    %dma_wait3A_624 = arith.constant 0 : i32
    %dma_wait3A_625 = arith.constant 0 : i32
    %dma_wait3A_626 = tpu.memref_slice %arg2[%dma_wait3A_624, %dma_wait3A_625] : memref<2000000x32xf32, #tpu.memory_space<hbm>> -> memref<2000000x32xf32, #tpu.memory_space<hbm>>
    tpu.wait_indirect_dma semaphore(%arg7 : memref<!tpu.dma_semaphore, #tpu.memory_space<semaphore_mem>>) src(%dma_wait3A_626 : memref<2000000x32xf32, #tpu.memory_space<hbm>>) dst(%dma_wait3A_621 : memref<40x32xf32, #tpu.memory_space<vmem>>)
    %dma_wait3A_627 = arith.constant 560 : i32
    %dma_wait3A_628 = arith.constant 0 : i32
    %dma_wait3A_629 = tpu.memref_slice %arg6[%dma_wait3A_627, %dma_wait3A_628] : memref<2560x32xf32, #tpu.memory_space<vmem>> -> memref<40x32xf32, #tpu.memory_space<vmem>>
    %dma_wait3A_630 = arith.constant 560 : i32
    %dma_wait3A_631 = tpu.memref_slice %arg5[%dma_wait3A_630] : memref<2560xi32, #tpu.memory_space<vmem>> -> memref<40xi32, #tpu.memory_space<vmem>>
    %dma_wait3A_632 = arith.constant 0 : i32
    %dma_wait3A_633 = arith.constant 0 : i32
    %dma_wait3A_634 = tpu.memref_slice %arg2[%dma_wait3A_632, %dma_wait3A_633] : memref<2000000x32xf32, #tpu.memory_space<hbm>> -> memref<2000000x32xf32, #tpu.memory_space<hbm>>
    tpu.wait_indirect_dma semaphore(%arg7 : memref<!tpu.dma_semaphore, #tpu.memory_space<semaphore_mem>>) src(%dma_wait3A_634 : memref<2000000x32xf32, #tpu.memory_space<hbm>>) dst(%dma_wait3A_629 : memref<40x32xf32, #tpu.memory_space<vmem>>)
    %dma_wait3A_635 = arith.constant 600 : i32
    %dma_wait3A_636 = arith.constant 0 : i32
    %dma_wait3A_637 = tpu.memref_slice %arg6[%dma_wait3A_635, %dma_wait3A_636] : memref<2560x32xf32, #tpu.memory_space<vmem>> -> memref<40x32xf32, #tpu.memory_space<vmem>>
    %dma_wait3A_638 = arith.constant 600 : i32
    %dma_wait3A_639 = tpu.memref_slice %arg5[%dma_wait3A_638] : memref<2560xi32, #tpu.memory_space<vmem>> -> memref<40xi32, #tpu.memory_space<vmem>>
    %dma_wait3A_640 = arith.constant 0 : i32
    %dma_wait3A_641 = arith.constant 0 : i32
    %dma_wait3A_642 = tpu.memref_slice %arg2[%dma_wait3A_640, %dma_wait3A_641] : memref<2000000x32xf32, #tpu.memory_space<hbm>> -> memref<2000000x32xf32, #tpu.memory_space<hbm>>
    tpu.wait_indirect_dma semaphore(%arg7 : memref<!tpu.dma_semaphore, #tpu.memory_space<semaphore_mem>>) src(%dma_wait3A_642 : memref<2000000x32xf32, #tpu.memory_space<hbm>>) dst(%dma_wait3A_637 : memref<40x32xf32, #tpu.memory_space<vmem>>)
    %dma_wait3A_643 = arith.constant 640 : i32
    %dma_wait3A_644 = arith.constant 0 : i32
    %dma_wait3A_645 = tpu.memref_slice %arg6[%dma_wait3A_643, %dma_wait3A_644] : memref<2560x32xf32, #tpu.memory_space<vmem>> -> memref<40x32xf32, #tpu.memory_space<vmem>>
    %dma_wait3A_646 = arith.constant 640 : i32
    %dma_wait3A_647 = tpu.memref_slice %arg5[%dma_wait3A_646] : memref<2560xi32, #tpu.memory_space<vmem>> -> memref<40xi32, #tpu.memory_space<vmem>>
    %dma_wait3A_648 = arith.constant 0 : i32
    %dma_wait3A_649 = arith.constant 0 : i32
    %dma_wait3A_650 = tpu.memref_slice %arg2[%dma_wait3A_648, %dma_wait3A_649] : memref<2000000x32xf32, #tpu.memory_space<hbm>> -> memref<2000000x32xf32, #tpu.memory_space<hbm>>
    tpu.wait_indirect_dma semaphore(%arg7 : memref<!tpu.dma_semaphore, #tpu.memory_space<semaphore_mem>>) src(%dma_wait3A_650 : memref<2000000x32xf32, #tpu.memory_space<hbm>>) dst(%dma_wait3A_645 : memref<40x32xf32, #tpu.memory_space<vmem>>)
    %dma_wait3A_651 = arith.constant 680 : i32
    %dma_wait3A_652 = arith.constant 0 : i32
    %dma_wait3A_653 = tpu.memref_slice %arg6[%dma_wait3A_651, %dma_wait3A_652] : memref<2560x32xf32, #tpu.memory_space<vmem>> -> memref<40x32xf32, #tpu.memory_space<vmem>>
    %dma_wait3A_654 = arith.constant 680 : i32
    %dma_wait3A_655 = tpu.memref_slice %arg5[%dma_wait3A_654] : memref<2560xi32, #tpu.memory_space<vmem>> -> memref<40xi32, #tpu.memory_space<vmem>>
    %dma_wait3A_656 = arith.constant 0 : i32
    %dma_wait3A_657 = arith.constant 0 : i32
    %dma_wait3A_658 = tpu.memref_slice %arg2[%dma_wait3A_656, %dma_wait3A_657] : memref<2000000x32xf32, #tpu.memory_space<hbm>> -> memref<2000000x32xf32, #tpu.memory_space<hbm>>
    tpu.wait_indirect_dma semaphore(%arg7 : memref<!tpu.dma_semaphore, #tpu.memory_space<semaphore_mem>>) src(%dma_wait3A_658 : memref<2000000x32xf32, #tpu.memory_space<hbm>>) dst(%dma_wait3A_653 : memref<40x32xf32, #tpu.memory_space<vmem>>)
    %dma_wait3A_659 = arith.constant 720 : i32
    %dma_wait3A_660 = arith.constant 0 : i32
    %dma_wait3A_661 = tpu.memref_slice %arg6[%dma_wait3A_659, %dma_wait3A_660] : memref<2560x32xf32, #tpu.memory_space<vmem>> -> memref<40x32xf32, #tpu.memory_space<vmem>>
    %dma_wait3A_662 = arith.constant 720 : i32
    %dma_wait3A_663 = tpu.memref_slice %arg5[%dma_wait3A_662] : memref<2560xi32, #tpu.memory_space<vmem>> -> memref<40xi32, #tpu.memory_space<vmem>>
    %dma_wait3A_664 = arith.constant 0 : i32
    %dma_wait3A_665 = arith.constant 0 : i32
    %dma_wait3A_666 = tpu.memref_slice %arg2[%dma_wait3A_664, %dma_wait3A_665] : memref<2000000x32xf32, #tpu.memory_space<hbm>> -> memref<2000000x32xf32, #tpu.memory_space<hbm>>
    tpu.wait_indirect_dma semaphore(%arg7 : memref<!tpu.dma_semaphore, #tpu.memory_space<semaphore_mem>>) src(%dma_wait3A_666 : memref<2000000x32xf32, #tpu.memory_space<hbm>>) dst(%dma_wait3A_661 : memref<40x32xf32, #tpu.memory_space<vmem>>)
    %dma_wait3A_667 = arith.constant 760 : i32
    %dma_wait3A_668 = arith.constant 0 : i32
    %dma_wait3A_669 = tpu.memref_slice %arg6[%dma_wait3A_667, %dma_wait3A_668] : memref<2560x32xf32, #tpu.memory_space<vmem>> -> memref<40x32xf32, #tpu.memory_space<vmem>>
    %dma_wait3A_670 = arith.constant 760 : i32
    %dma_wait3A_671 = tpu.memref_slice %arg5[%dma_wait3A_670] : memref<2560xi32, #tpu.memory_space<vmem>> -> memref<40xi32, #tpu.memory_space<vmem>>
    %dma_wait3A_672 = arith.constant 0 : i32
    %dma_wait3A_673 = arith.constant 0 : i32
    %dma_wait3A_674 = tpu.memref_slice %arg2[%dma_wait3A_672, %dma_wait3A_673] : memref<2000000x32xf32, #tpu.memory_space<hbm>> -> memref<2000000x32xf32, #tpu.memory_space<hbm>>
    tpu.wait_indirect_dma semaphore(%arg7 : memref<!tpu.dma_semaphore, #tpu.memory_space<semaphore_mem>>) src(%dma_wait3A_674 : memref<2000000x32xf32, #tpu.memory_space<hbm>>) dst(%dma_wait3A_669 : memref<40x32xf32, #tpu.memory_space<vmem>>)
    %dma_wait3A_675 = arith.constant 800 : i32
    %dma_wait3A_676 = arith.constant 0 : i32
    %dma_wait3A_677 = tpu.memref_slice %arg6[%dma_wait3A_675, %dma_wait3A_676] : memref<2560x32xf32, #tpu.memory_space<vmem>> -> memref<40x32xf32, #tpu.memory_space<vmem>>
    %dma_wait3A_678 = arith.constant 800 : i32
    %dma_wait3A_679 = tpu.memref_slice %arg5[%dma_wait3A_678] : memref<2560xi32, #tpu.memory_space<vmem>> -> memref<40xi32, #tpu.memory_space<vmem>>
    %dma_wait3A_680 = arith.constant 0 : i32
    %dma_wait3A_681 = arith.constant 0 : i32
    %dma_wait3A_682 = tpu.memref_slice %arg2[%dma_wait3A_680, %dma_wait3A_681] : memref<2000000x32xf32, #tpu.memory_space<hbm>> -> memref<2000000x32xf32, #tpu.memory_space<hbm>>
    tpu.wait_indirect_dma semaphore(%arg7 : memref<!tpu.dma_semaphore, #tpu.memory_space<semaphore_mem>>) src(%dma_wait3A_682 : memref<2000000x32xf32, #tpu.memory_space<hbm>>) dst(%dma_wait3A_677 : memref<40x32xf32, #tpu.memory_space<vmem>>)
    %dma_wait3A_683 = arith.constant 840 : i32
    %dma_wait3A_684 = arith.constant 0 : i32
    %dma_wait3A_685 = tpu.memref_slice %arg6[%dma_wait3A_683, %dma_wait3A_684] : memref<2560x32xf32, #tpu.memory_space<vmem>> -> memref<40x32xf32, #tpu.memory_space<vmem>>
    %dma_wait3A_686 = arith.constant 840 : i32
    %dma_wait3A_687 = tpu.memref_slice %arg5[%dma_wait3A_686] : memref<2560xi32, #tpu.memory_space<vmem>> -> memref<40xi32, #tpu.memory_space<vmem>>
    %dma_wait3A_688 = arith.constant 0 : i32
    %dma_wait3A_689 = arith.constant 0 : i32
    %dma_wait3A_690 = tpu.memref_slice %arg2[%dma_wait3A_688, %dma_wait3A_689] : memref<2000000x32xf32, #tpu.memory_space<hbm>> -> memref<2000000x32xf32, #tpu.memory_space<hbm>>
    tpu.wait_indirect_dma semaphore(%arg7 : memref<!tpu.dma_semaphore, #tpu.memory_space<semaphore_mem>>) src(%dma_wait3A_690 : memref<2000000x32xf32, #tpu.memory_space<hbm>>) dst(%dma_wait3A_685 : memref<40x32xf32, #tpu.memory_space<vmem>>)
    %dma_wait3A_691 = arith.constant 880 : i32
    %dma_wait3A_692 = arith.constant 0 : i32
    %dma_wait3A_693 = tpu.memref_slice %arg6[%dma_wait3A_691, %dma_wait3A_692] : memref<2560x32xf32, #tpu.memory_space<vmem>> -> memref<40x32xf32, #tpu.memory_space<vmem>>
    %dma_wait3A_694 = arith.constant 880 : i32
    %dma_wait3A_695 = tpu.memref_slice %arg5[%dma_wait3A_694] : memref<2560xi32, #tpu.memory_space<vmem>> -> memref<40xi32, #tpu.memory_space<vmem>>
    %dma_wait3A_696 = arith.constant 0 : i32
    %dma_wait3A_697 = arith.constant 0 : i32
    %dma_wait3A_698 = tpu.memref_slice %arg2[%dma_wait3A_696, %dma_wait3A_697] : memref<2000000x32xf32, #tpu.memory_space<hbm>> -> memref<2000000x32xf32, #tpu.memory_space<hbm>>
    tpu.wait_indirect_dma semaphore(%arg7 : memref<!tpu.dma_semaphore, #tpu.memory_space<semaphore_mem>>) src(%dma_wait3A_698 : memref<2000000x32xf32, #tpu.memory_space<hbm>>) dst(%dma_wait3A_693 : memref<40x32xf32, #tpu.memory_space<vmem>>)
    %dma_wait3A_699 = arith.constant 920 : i32
    %dma_wait3A_700 = arith.constant 0 : i32
    %dma_wait3A_701 = tpu.memref_slice %arg6[%dma_wait3A_699, %dma_wait3A_700] : memref<2560x32xf32, #tpu.memory_space<vmem>> -> memref<40x32xf32, #tpu.memory_space<vmem>>
    %dma_wait3A_702 = arith.constant 920 : i32
    %dma_wait3A_703 = tpu.memref_slice %arg5[%dma_wait3A_702] : memref<2560xi32, #tpu.memory_space<vmem>> -> memref<40xi32, #tpu.memory_space<vmem>>
    %dma_wait3A_704 = arith.constant 0 : i32
    %dma_wait3A_705 = arith.constant 0 : i32
    %dma_wait3A_706 = tpu.memref_slice %arg2[%dma_wait3A_704, %dma_wait3A_705] : memref<2000000x32xf32, #tpu.memory_space<hbm>> -> memref<2000000x32xf32, #tpu.memory_space<hbm>>
    tpu.wait_indirect_dma semaphore(%arg7 : memref<!tpu.dma_semaphore, #tpu.memory_space<semaphore_mem>>) src(%dma_wait3A_706 : memref<2000000x32xf32, #tpu.memory_space<hbm>>) dst(%dma_wait3A_701 : memref<40x32xf32, #tpu.memory_space<vmem>>)
    %dma_wait3A_707 = arith.constant 960 : i32
    %dma_wait3A_708 = arith.constant 0 : i32
    %dma_wait3A_709 = tpu.memref_slice %arg6[%dma_wait3A_707, %dma_wait3A_708] : memref<2560x32xf32, #tpu.memory_space<vmem>> -> memref<40x32xf32, #tpu.memory_space<vmem>>
    %dma_wait3A_710 = arith.constant 960 : i32
    %dma_wait3A_711 = tpu.memref_slice %arg5[%dma_wait3A_710] : memref<2560xi32, #tpu.memory_space<vmem>> -> memref<40xi32, #tpu.memory_space<vmem>>
    %dma_wait3A_712 = arith.constant 0 : i32
    %dma_wait3A_713 = arith.constant 0 : i32
    %dma_wait3A_714 = tpu.memref_slice %arg2[%dma_wait3A_712, %dma_wait3A_713] : memref<2000000x32xf32, #tpu.memory_space<hbm>> -> memref<2000000x32xf32, #tpu.memory_space<hbm>>
    tpu.wait_indirect_dma semaphore(%arg7 : memref<!tpu.dma_semaphore, #tpu.memory_space<semaphore_mem>>) src(%dma_wait3A_714 : memref<2000000x32xf32, #tpu.memory_space<hbm>>) dst(%dma_wait3A_709 : memref<40x32xf32, #tpu.memory_space<vmem>>)
    %dma_wait3A_715 = arith.constant 1000 : i32
    %dma_wait3A_716 = arith.constant 0 : i32
    %dma_wait3A_717 = tpu.memref_slice %arg6[%dma_wait3A_715, %dma_wait3A_716] : memref<2560x32xf32, #tpu.memory_space<vmem>> -> memref<40x32xf32, #tpu.memory_space<vmem>>
    %dma_wait3A_718 = arith.constant 1000 : i32
    %dma_wait3A_719 = tpu.memref_slice %arg5[%dma_wait3A_718] : memref<2560xi32, #tpu.memory_space<vmem>> -> memref<40xi32, #tpu.memory_space<vmem>>
    %dma_wait3A_720 = arith.constant 0 : i32
    %dma_wait3A_721 = arith.constant 0 : i32
    %dma_wait3A_722 = tpu.memref_slice %arg2[%dma_wait3A_720, %dma_wait3A_721] : memref<2000000x32xf32, #tpu.memory_space<hbm>> -> memref<2000000x32xf32, #tpu.memory_space<hbm>>
    tpu.wait_indirect_dma semaphore(%arg7 : memref<!tpu.dma_semaphore, #tpu.memory_space<semaphore_mem>>) src(%dma_wait3A_722 : memref<2000000x32xf32, #tpu.memory_space<hbm>>) dst(%dma_wait3A_717 : memref<40x32xf32, #tpu.memory_space<vmem>>)
    %dma_wait3A_723 = arith.constant 1040 : i32
    %dma_wait3A_724 = arith.constant 0 : i32
    %dma_wait3A_725 = tpu.memref_slice %arg6[%dma_wait3A_723, %dma_wait3A_724] : memref<2560x32xf32, #tpu.memory_space<vmem>> -> memref<40x32xf32, #tpu.memory_space<vmem>>
    %dma_wait3A_726 = arith.constant 1040 : i32
    %dma_wait3A_727 = tpu.memref_slice %arg5[%dma_wait3A_726] : memref<2560xi32, #tpu.memory_space<vmem>> -> memref<40xi32, #tpu.memory_space<vmem>>
    %dma_wait3A_728 = arith.constant 0 : i32
    %dma_wait3A_729 = arith.constant 0 : i32
    %dma_wait3A_730 = tpu.memref_slice %arg2[%dma_wait3A_728, %dma_wait3A_729] : memref<2000000x32xf32, #tpu.memory_space<hbm>> -> memref<2000000x32xf32, #tpu.memory_space<hbm>>
    tpu.wait_indirect_dma semaphore(%arg7 : memref<!tpu.dma_semaphore, #tpu.memory_space<semaphore_mem>>) src(%dma_wait3A_730 : memref<2000000x32xf32, #tpu.memory_space<hbm>>) dst(%dma_wait3A_725 : memref<40x32xf32, #tpu.memory_space<vmem>>)
    %dma_wait3A_731 = arith.constant 1080 : i32
    %dma_wait3A_732 = arith.constant 0 : i32
    %dma_wait3A_733 = tpu.memref_slice %arg6[%dma_wait3A_731, %dma_wait3A_732] : memref<2560x32xf32, #tpu.memory_space<vmem>> -> memref<40x32xf32, #tpu.memory_space<vmem>>
    %dma_wait3A_734 = arith.constant 1080 : i32
    %dma_wait3A_735 = tpu.memref_slice %arg5[%dma_wait3A_734] : memref<2560xi32, #tpu.memory_space<vmem>> -> memref<40xi32, #tpu.memory_space<vmem>>
    %dma_wait3A_736 = arith.constant 0 : i32
    %dma_wait3A_737 = arith.constant 0 : i32
    %dma_wait3A_738 = tpu.memref_slice %arg2[%dma_wait3A_736, %dma_wait3A_737] : memref<2000000x32xf32, #tpu.memory_space<hbm>> -> memref<2000000x32xf32, #tpu.memory_space<hbm>>
    tpu.wait_indirect_dma semaphore(%arg7 : memref<!tpu.dma_semaphore, #tpu.memory_space<semaphore_mem>>) src(%dma_wait3A_738 : memref<2000000x32xf32, #tpu.memory_space<hbm>>) dst(%dma_wait3A_733 : memref<40x32xf32, #tpu.memory_space<vmem>>)
    %dma_wait3A_739 = arith.constant 1120 : i32
    %dma_wait3A_740 = arith.constant 0 : i32
    %dma_wait3A_741 = tpu.memref_slice %arg6[%dma_wait3A_739, %dma_wait3A_740] : memref<2560x32xf32, #tpu.memory_space<vmem>> -> memref<40x32xf32, #tpu.memory_space<vmem>>
    %dma_wait3A_742 = arith.constant 1120 : i32
    %dma_wait3A_743 = tpu.memref_slice %arg5[%dma_wait3A_742] : memref<2560xi32, #tpu.memory_space<vmem>> -> memref<40xi32, #tpu.memory_space<vmem>>
    %dma_wait3A_744 = arith.constant 0 : i32
    %dma_wait3A_745 = arith.constant 0 : i32
    %dma_wait3A_746 = tpu.memref_slice %arg2[%dma_wait3A_744, %dma_wait3A_745] : memref<2000000x32xf32, #tpu.memory_space<hbm>> -> memref<2000000x32xf32, #tpu.memory_space<hbm>>
    tpu.wait_indirect_dma semaphore(%arg7 : memref<!tpu.dma_semaphore, #tpu.memory_space<semaphore_mem>>) src(%dma_wait3A_746 : memref<2000000x32xf32, #tpu.memory_space<hbm>>) dst(%dma_wait3A_741 : memref<40x32xf32, #tpu.memory_space<vmem>>)
    %dma_wait3A_747 = arith.constant 1160 : i32
    %dma_wait3A_748 = arith.constant 0 : i32
    %dma_wait3A_749 = tpu.memref_slice %arg6[%dma_wait3A_747, %dma_wait3A_748] : memref<2560x32xf32, #tpu.memory_space<vmem>> -> memref<40x32xf32, #tpu.memory_space<vmem>>
    %dma_wait3A_750 = arith.constant 1160 : i32
    %dma_wait3A_751 = tpu.memref_slice %arg5[%dma_wait3A_750] : memref<2560xi32, #tpu.memory_space<vmem>> -> memref<40xi32, #tpu.memory_space<vmem>>
    %dma_wait3A_752 = arith.constant 0 : i32
    %dma_wait3A_753 = arith.constant 0 : i32
    %dma_wait3A_754 = tpu.memref_slice %arg2[%dma_wait3A_752, %dma_wait3A_753] : memref<2000000x32xf32, #tpu.memory_space<hbm>> -> memref<2000000x32xf32, #tpu.memory_space<hbm>>
    tpu.wait_indirect_dma semaphore(%arg7 : memref<!tpu.dma_semaphore, #tpu.memory_space<semaphore_mem>>) src(%dma_wait3A_754 : memref<2000000x32xf32, #tpu.memory_space<hbm>>) dst(%dma_wait3A_749 : memref<40x32xf32, #tpu.memory_space<vmem>>)
    %dma_wait3A_755 = arith.constant 1200 : i32
    %dma_wait3A_756 = arith.constant 0 : i32
    %dma_wait3A_757 = tpu.memref_slice %arg6[%dma_wait3A_755, %dma_wait3A_756] : memref<2560x32xf32, #tpu.memory_space<vmem>> -> memref<40x32xf32, #tpu.memory_space<vmem>>
    %dma_wait3A_758 = arith.constant 1200 : i32
    %dma_wait3A_759 = tpu.memref_slice %arg5[%dma_wait3A_758] : memref<2560xi32, #tpu.memory_space<vmem>> -> memref<40xi32, #tpu.memory_space<vmem>>
    %dma_wait3A_760 = arith.constant 0 : i32
    %dma_wait3A_761 = arith.constant 0 : i32
    %dma_wait3A_762 = tpu.memref_slice %arg2[%dma_wait3A_760, %dma_wait3A_761] : memref<2000000x32xf32, #tpu.memory_space<hbm>> -> memref<2000000x32xf32, #tpu.memory_space<hbm>>
    tpu.wait_indirect_dma semaphore(%arg7 : memref<!tpu.dma_semaphore, #tpu.memory_space<semaphore_mem>>) src(%dma_wait3A_762 : memref<2000000x32xf32, #tpu.memory_space<hbm>>) dst(%dma_wait3A_757 : memref<40x32xf32, #tpu.memory_space<vmem>>)
    %dma_wait3A_763 = arith.constant 1240 : i32
    %dma_wait3A_764 = arith.constant 0 : i32
    %dma_wait3A_765 = tpu.memref_slice %arg6[%dma_wait3A_763, %dma_wait3A_764] : memref<2560x32xf32, #tpu.memory_space<vmem>> -> memref<40x32xf32, #tpu.memory_space<vmem>>
    %dma_wait3A_766 = arith.constant 1240 : i32
    %dma_wait3A_767 = tpu.memref_slice %arg5[%dma_wait3A_766] : memref<2560xi32, #tpu.memory_space<vmem>> -> memref<40xi32, #tpu.memory_space<vmem>>
    %dma_wait3A_768 = arith.constant 0 : i32
    %dma_wait3A_769 = arith.constant 0 : i32
    %dma_wait3A_770 = tpu.memref_slice %arg2[%dma_wait3A_768, %dma_wait3A_769] : memref<2000000x32xf32, #tpu.memory_space<hbm>> -> memref<2000000x32xf32, #tpu.memory_space<hbm>>
    tpu.wait_indirect_dma semaphore(%arg7 : memref<!tpu.dma_semaphore, #tpu.memory_space<semaphore_mem>>) src(%dma_wait3A_770 : memref<2000000x32xf32, #tpu.memory_space<hbm>>) dst(%dma_wait3A_765 : memref<40x32xf32, #tpu.memory_space<vmem>>)
    %dma_wait3A_771 = arith.constant 1280 : i32
    %dma_wait3A_772 = arith.constant 0 : i32
    %dma_wait3A_773 = tpu.memref_slice %arg6[%dma_wait3A_771, %dma_wait3A_772] : memref<2560x32xf32, #tpu.memory_space<vmem>> -> memref<40x32xf32, #tpu.memory_space<vmem>>
    %dma_wait3A_774 = arith.constant 1280 : i32
    %dma_wait3A_775 = tpu.memref_slice %arg5[%dma_wait3A_774] : memref<2560xi32, #tpu.memory_space<vmem>> -> memref<40xi32, #tpu.memory_space<vmem>>
    %dma_wait3A_776 = arith.constant 0 : i32
    %dma_wait3A_777 = arith.constant 0 : i32
    %dma_wait3A_778 = tpu.memref_slice %arg2[%dma_wait3A_776, %dma_wait3A_777] : memref<2000000x32xf32, #tpu.memory_space<hbm>> -> memref<2000000x32xf32, #tpu.memory_space<hbm>>
    tpu.wait_indirect_dma semaphore(%arg7 : memref<!tpu.dma_semaphore, #tpu.memory_space<semaphore_mem>>) src(%dma_wait3A_778 : memref<2000000x32xf32, #tpu.memory_space<hbm>>) dst(%dma_wait3A_773 : memref<40x32xf32, #tpu.memory_space<vmem>>)
    %dma_wait3A_779 = arith.constant 1320 : i32
    %dma_wait3A_780 = arith.constant 0 : i32
    %dma_wait3A_781 = tpu.memref_slice %arg6[%dma_wait3A_779, %dma_wait3A_780] : memref<2560x32xf32, #tpu.memory_space<vmem>> -> memref<40x32xf32, #tpu.memory_space<vmem>>
    %dma_wait3A_782 = arith.constant 1320 : i32
    %dma_wait3A_783 = tpu.memref_slice %arg5[%dma_wait3A_782] : memref<2560xi32, #tpu.memory_space<vmem>> -> memref<40xi32, #tpu.memory_space<vmem>>
    %dma_wait3A_784 = arith.constant 0 : i32
    %dma_wait3A_785 = arith.constant 0 : i32
    %dma_wait3A_786 = tpu.memref_slice %arg2[%dma_wait3A_784, %dma_wait3A_785] : memref<2000000x32xf32, #tpu.memory_space<hbm>> -> memref<2000000x32xf32, #tpu.memory_space<hbm>>
    tpu.wait_indirect_dma semaphore(%arg7 : memref<!tpu.dma_semaphore, #tpu.memory_space<semaphore_mem>>) src(%dma_wait3A_786 : memref<2000000x32xf32, #tpu.memory_space<hbm>>) dst(%dma_wait3A_781 : memref<40x32xf32, #tpu.memory_space<vmem>>)
    %dma_wait3A_787 = arith.constant 1360 : i32
    %dma_wait3A_788 = arith.constant 0 : i32
    %dma_wait3A_789 = tpu.memref_slice %arg6[%dma_wait3A_787, %dma_wait3A_788] : memref<2560x32xf32, #tpu.memory_space<vmem>> -> memref<40x32xf32, #tpu.memory_space<vmem>>
    %dma_wait3A_790 = arith.constant 1360 : i32
    %dma_wait3A_791 = tpu.memref_slice %arg5[%dma_wait3A_790] : memref<2560xi32, #tpu.memory_space<vmem>> -> memref<40xi32, #tpu.memory_space<vmem>>
    %dma_wait3A_792 = arith.constant 0 : i32
    %dma_wait3A_793 = arith.constant 0 : i32
    %dma_wait3A_794 = tpu.memref_slice %arg2[%dma_wait3A_792, %dma_wait3A_793] : memref<2000000x32xf32, #tpu.memory_space<hbm>> -> memref<2000000x32xf32, #tpu.memory_space<hbm>>
    tpu.wait_indirect_dma semaphore(%arg7 : memref<!tpu.dma_semaphore, #tpu.memory_space<semaphore_mem>>) src(%dma_wait3A_794 : memref<2000000x32xf32, #tpu.memory_space<hbm>>) dst(%dma_wait3A_789 : memref<40x32xf32, #tpu.memory_space<vmem>>)
    %dma_wait3A_795 = arith.constant 1400 : i32
    %dma_wait3A_796 = arith.constant 0 : i32
    %dma_wait3A_797 = tpu.memref_slice %arg6[%dma_wait3A_795, %dma_wait3A_796] : memref<2560x32xf32, #tpu.memory_space<vmem>> -> memref<40x32xf32, #tpu.memory_space<vmem>>
    %dma_wait3A_798 = arith.constant 1400 : i32
    %dma_wait3A_799 = tpu.memref_slice %arg5[%dma_wait3A_798] : memref<2560xi32, #tpu.memory_space<vmem>> -> memref<40xi32, #tpu.memory_space<vmem>>
    %dma_wait3A_800 = arith.constant 0 : i32
    %dma_wait3A_801 = arith.constant 0 : i32
    %dma_wait3A_802 = tpu.memref_slice %arg2[%dma_wait3A_800, %dma_wait3A_801] : memref<2000000x32xf32, #tpu.memory_space<hbm>> -> memref<2000000x32xf32, #tpu.memory_space<hbm>>
    tpu.wait_indirect_dma semaphore(%arg7 : memref<!tpu.dma_semaphore, #tpu.memory_space<semaphore_mem>>) src(%dma_wait3A_802 : memref<2000000x32xf32, #tpu.memory_space<hbm>>) dst(%dma_wait3A_797 : memref<40x32xf32, #tpu.memory_space<vmem>>)
    %dma_wait3A_803 = arith.constant 1440 : i32
    %dma_wait3A_804 = arith.constant 0 : i32
    %dma_wait3A_805 = tpu.memref_slice %arg6[%dma_wait3A_803, %dma_wait3A_804] : memref<2560x32xf32, #tpu.memory_space<vmem>> -> memref<40x32xf32, #tpu.memory_space<vmem>>
    %dma_wait3A_806 = arith.constant 1440 : i32
    %dma_wait3A_807 = tpu.memref_slice %arg5[%dma_wait3A_806] : memref<2560xi32, #tpu.memory_space<vmem>> -> memref<40xi32, #tpu.memory_space<vmem>>
    %dma_wait3A_808 = arith.constant 0 : i32
    %dma_wait3A_809 = arith.constant 0 : i32
    %dma_wait3A_810 = tpu.memref_slice %arg2[%dma_wait3A_808, %dma_wait3A_809] : memref<2000000x32xf32, #tpu.memory_space<hbm>> -> memref<2000000x32xf32, #tpu.memory_space<hbm>>
    tpu.wait_indirect_dma semaphore(%arg7 : memref<!tpu.dma_semaphore, #tpu.memory_space<semaphore_mem>>) src(%dma_wait3A_810 : memref<2000000x32xf32, #tpu.memory_space<hbm>>) dst(%dma_wait3A_805 : memref<40x32xf32, #tpu.memory_space<vmem>>)
    %dma_wait3A_811 = arith.constant 1480 : i32
    %dma_wait3A_812 = arith.constant 0 : i32
    %dma_wait3A_813 = tpu.memref_slice %arg6[%dma_wait3A_811, %dma_wait3A_812] : memref<2560x32xf32, #tpu.memory_space<vmem>> -> memref<40x32xf32, #tpu.memory_space<vmem>>
    %dma_wait3A_814 = arith.constant 1480 : i32
    %dma_wait3A_815 = tpu.memref_slice %arg5[%dma_wait3A_814] : memref<2560xi32, #tpu.memory_space<vmem>> -> memref<40xi32, #tpu.memory_space<vmem>>
    %dma_wait3A_816 = arith.constant 0 : i32
    %dma_wait3A_817 = arith.constant 0 : i32
    %dma_wait3A_818 = tpu.memref_slice %arg2[%dma_wait3A_816, %dma_wait3A_817] : memref<2000000x32xf32, #tpu.memory_space<hbm>> -> memref<2000000x32xf32, #tpu.memory_space<hbm>>
    tpu.wait_indirect_dma semaphore(%arg7 : memref<!tpu.dma_semaphore, #tpu.memory_space<semaphore_mem>>) src(%dma_wait3A_818 : memref<2000000x32xf32, #tpu.memory_space<hbm>>) dst(%dma_wait3A_813 : memref<40x32xf32, #tpu.memory_space<vmem>>)
    %dma_wait3A_819 = arith.constant 1520 : i32
    %dma_wait3A_820 = arith.constant 0 : i32
    %dma_wait3A_821 = tpu.memref_slice %arg6[%dma_wait3A_819, %dma_wait3A_820] : memref<2560x32xf32, #tpu.memory_space<vmem>> -> memref<40x32xf32, #tpu.memory_space<vmem>>
    %dma_wait3A_822 = arith.constant 1520 : i32
    %dma_wait3A_823 = tpu.memref_slice %arg5[%dma_wait3A_822] : memref<2560xi32, #tpu.memory_space<vmem>> -> memref<40xi32, #tpu.memory_space<vmem>>
    %dma_wait3A_824 = arith.constant 0 : i32
    %dma_wait3A_825 = arith.constant 0 : i32
    %dma_wait3A_826 = tpu.memref_slice %arg2[%dma_wait3A_824, %dma_wait3A_825] : memref<2000000x32xf32, #tpu.memory_space<hbm>> -> memref<2000000x32xf32, #tpu.memory_space<hbm>>
    tpu.wait_indirect_dma semaphore(%arg7 : memref<!tpu.dma_semaphore, #tpu.memory_space<semaphore_mem>>) src(%dma_wait3A_826 : memref<2000000x32xf32, #tpu.memory_space<hbm>>) dst(%dma_wait3A_821 : memref<40x32xf32, #tpu.memory_space<vmem>>)
    %dma_wait3A_827 = arith.constant 1560 : i32
    %dma_wait3A_828 = arith.constant 0 : i32
    %dma_wait3A_829 = tpu.memref_slice %arg6[%dma_wait3A_827, %dma_wait3A_828] : memref<2560x32xf32, #tpu.memory_space<vmem>> -> memref<40x32xf32, #tpu.memory_space<vmem>>
    %dma_wait3A_830 = arith.constant 1560 : i32
    %dma_wait3A_831 = tpu.memref_slice %arg5[%dma_wait3A_830] : memref<2560xi32, #tpu.memory_space<vmem>> -> memref<40xi32, #tpu.memory_space<vmem>>
    %dma_wait3A_832 = arith.constant 0 : i32
    %dma_wait3A_833 = arith.constant 0 : i32
    %dma_wait3A_834 = tpu.memref_slice %arg2[%dma_wait3A_832, %dma_wait3A_833] : memref<2000000x32xf32, #tpu.memory_space<hbm>> -> memref<2000000x32xf32, #tpu.memory_space<hbm>>
    tpu.wait_indirect_dma semaphore(%arg7 : memref<!tpu.dma_semaphore, #tpu.memory_space<semaphore_mem>>) src(%dma_wait3A_834 : memref<2000000x32xf32, #tpu.memory_space<hbm>>) dst(%dma_wait3A_829 : memref<40x32xf32, #tpu.memory_space<vmem>>)
    %dma_wait3A_835 = arith.constant 1600 : i32
    %dma_wait3A_836 = arith.constant 0 : i32
    %dma_wait3A_837 = tpu.memref_slice %arg6[%dma_wait3A_835, %dma_wait3A_836] : memref<2560x32xf32, #tpu.memory_space<vmem>> -> memref<40x32xf32, #tpu.memory_space<vmem>>
    %dma_wait3A_838 = arith.constant 1600 : i32
    %dma_wait3A_839 = tpu.memref_slice %arg5[%dma_wait3A_838] : memref<2560xi32, #tpu.memory_space<vmem>> -> memref<40xi32, #tpu.memory_space<vmem>>
    %dma_wait3A_840 = arith.constant 0 : i32
    %dma_wait3A_841 = arith.constant 0 : i32
    %dma_wait3A_842 = tpu.memref_slice %arg2[%dma_wait3A_840, %dma_wait3A_841] : memref<2000000x32xf32, #tpu.memory_space<hbm>> -> memref<2000000x32xf32, #tpu.memory_space<hbm>>
    tpu.wait_indirect_dma semaphore(%arg7 : memref<!tpu.dma_semaphore, #tpu.memory_space<semaphore_mem>>) src(%dma_wait3A_842 : memref<2000000x32xf32, #tpu.memory_space<hbm>>) dst(%dma_wait3A_837 : memref<40x32xf32, #tpu.memory_space<vmem>>)
    %dma_wait3A_843 = arith.constant 1640 : i32
    %dma_wait3A_844 = arith.constant 0 : i32
    %dma_wait3A_845 = tpu.memref_slice %arg6[%dma_wait3A_843, %dma_wait3A_844] : memref<2560x32xf32, #tpu.memory_space<vmem>> -> memref<40x32xf32, #tpu.memory_space<vmem>>
    %dma_wait3A_846 = arith.constant 1640 : i32
    %dma_wait3A_847 = tpu.memref_slice %arg5[%dma_wait3A_846] : memref<2560xi32, #tpu.memory_space<vmem>> -> memref<40xi32, #tpu.memory_space<vmem>>
    %dma_wait3A_848 = arith.constant 0 : i32
    %dma_wait3A_849 = arith.constant 0 : i32
    %dma_wait3A_850 = tpu.memref_slice %arg2[%dma_wait3A_848, %dma_wait3A_849] : memref<2000000x32xf32, #tpu.memory_space<hbm>> -> memref<2000000x32xf32, #tpu.memory_space<hbm>>
    tpu.wait_indirect_dma semaphore(%arg7 : memref<!tpu.dma_semaphore, #tpu.memory_space<semaphore_mem>>) src(%dma_wait3A_850 : memref<2000000x32xf32, #tpu.memory_space<hbm>>) dst(%dma_wait3A_845 : memref<40x32xf32, #tpu.memory_space<vmem>>)
    %dma_wait3A_851 = arith.constant 1680 : i32
    %dma_wait3A_852 = arith.constant 0 : i32
    %dma_wait3A_853 = tpu.memref_slice %arg6[%dma_wait3A_851, %dma_wait3A_852] : memref<2560x32xf32, #tpu.memory_space<vmem>> -> memref<40x32xf32, #tpu.memory_space<vmem>>
    %dma_wait3A_854 = arith.constant 1680 : i32
    %dma_wait3A_855 = tpu.memref_slice %arg5[%dma_wait3A_854] : memref<2560xi32, #tpu.memory_space<vmem>> -> memref<40xi32, #tpu.memory_space<vmem>>
    %dma_wait3A_856 = arith.constant 0 : i32
    %dma_wait3A_857 = arith.constant 0 : i32
    %dma_wait3A_858 = tpu.memref_slice %arg2[%dma_wait3A_856, %dma_wait3A_857] : memref<2000000x32xf32, #tpu.memory_space<hbm>> -> memref<2000000x32xf32, #tpu.memory_space<hbm>>
    tpu.wait_indirect_dma semaphore(%arg7 : memref<!tpu.dma_semaphore, #tpu.memory_space<semaphore_mem>>) src(%dma_wait3A_858 : memref<2000000x32xf32, #tpu.memory_space<hbm>>) dst(%dma_wait3A_853 : memref<40x32xf32, #tpu.memory_space<vmem>>)
    %dma_wait3A_859 = arith.constant 1720 : i32
    %dma_wait3A_860 = arith.constant 0 : i32
    %dma_wait3A_861 = tpu.memref_slice %arg6[%dma_wait3A_859, %dma_wait3A_860] : memref<2560x32xf32, #tpu.memory_space<vmem>> -> memref<40x32xf32, #tpu.memory_space<vmem>>
    %dma_wait3A_862 = arith.constant 1720 : i32
    %dma_wait3A_863 = tpu.memref_slice %arg5[%dma_wait3A_862] : memref<2560xi32, #tpu.memory_space<vmem>> -> memref<40xi32, #tpu.memory_space<vmem>>
    %dma_wait3A_864 = arith.constant 0 : i32
    %dma_wait3A_865 = arith.constant 0 : i32
    %dma_wait3A_866 = tpu.memref_slice %arg2[%dma_wait3A_864, %dma_wait3A_865] : memref<2000000x32xf32, #tpu.memory_space<hbm>> -> memref<2000000x32xf32, #tpu.memory_space<hbm>>
    tpu.wait_indirect_dma semaphore(%arg7 : memref<!tpu.dma_semaphore, #tpu.memory_space<semaphore_mem>>) src(%dma_wait3A_866 : memref<2000000x32xf32, #tpu.memory_space<hbm>>) dst(%dma_wait3A_861 : memref<40x32xf32, #tpu.memory_space<vmem>>)
    %dma_wait3A_867 = arith.constant 1760 : i32
    %dma_wait3A_868 = arith.constant 0 : i32
    %dma_wait3A_869 = tpu.memref_slice %arg6[%dma_wait3A_867, %dma_wait3A_868] : memref<2560x32xf32, #tpu.memory_space<vmem>> -> memref<40x32xf32, #tpu.memory_space<vmem>>
    %dma_wait3A_870 = arith.constant 1760 : i32
    %dma_wait3A_871 = tpu.memref_slice %arg5[%dma_wait3A_870] : memref<2560xi32, #tpu.memory_space<vmem>> -> memref<40xi32, #tpu.memory_space<vmem>>
    %dma_wait3A_872 = arith.constant 0 : i32
    %dma_wait3A_873 = arith.constant 0 : i32
    %dma_wait3A_874 = tpu.memref_slice %arg2[%dma_wait3A_872, %dma_wait3A_873] : memref<2000000x32xf32, #tpu.memory_space<hbm>> -> memref<2000000x32xf32, #tpu.memory_space<hbm>>
    tpu.wait_indirect_dma semaphore(%arg7 : memref<!tpu.dma_semaphore, #tpu.memory_space<semaphore_mem>>) src(%dma_wait3A_874 : memref<2000000x32xf32, #tpu.memory_space<hbm>>) dst(%dma_wait3A_869 : memref<40x32xf32, #tpu.memory_space<vmem>>)
    %dma_wait3A_875 = arith.constant 1800 : i32
    %dma_wait3A_876 = arith.constant 0 : i32
    %dma_wait3A_877 = tpu.memref_slice %arg6[%dma_wait3A_875, %dma_wait3A_876] : memref<2560x32xf32, #tpu.memory_space<vmem>> -> memref<40x32xf32, #tpu.memory_space<vmem>>
    %dma_wait3A_878 = arith.constant 1800 : i32
    %dma_wait3A_879 = tpu.memref_slice %arg5[%dma_wait3A_878] : memref<2560xi32, #tpu.memory_space<vmem>> -> memref<40xi32, #tpu.memory_space<vmem>>
    %dma_wait3A_880 = arith.constant 0 : i32
    %dma_wait3A_881 = arith.constant 0 : i32
    %dma_wait3A_882 = tpu.memref_slice %arg2[%dma_wait3A_880, %dma_wait3A_881] : memref<2000000x32xf32, #tpu.memory_space<hbm>> -> memref<2000000x32xf32, #tpu.memory_space<hbm>>
    tpu.wait_indirect_dma semaphore(%arg7 : memref<!tpu.dma_semaphore, #tpu.memory_space<semaphore_mem>>) src(%dma_wait3A_882 : memref<2000000x32xf32, #tpu.memory_space<hbm>>) dst(%dma_wait3A_877 : memref<40x32xf32, #tpu.memory_space<vmem>>)
    %dma_wait3A_883 = arith.constant 1840 : i32
    %dma_wait3A_884 = arith.constant 0 : i32
    %dma_wait3A_885 = tpu.memref_slice %arg6[%dma_wait3A_883, %dma_wait3A_884] : memref<2560x32xf32, #tpu.memory_space<vmem>> -> memref<40x32xf32, #tpu.memory_space<vmem>>
    %dma_wait3A_886 = arith.constant 1840 : i32
    %dma_wait3A_887 = tpu.memref_slice %arg5[%dma_wait3A_886] : memref<2560xi32, #tpu.memory_space<vmem>> -> memref<40xi32, #tpu.memory_space<vmem>>
    %dma_wait3A_888 = arith.constant 0 : i32
    %dma_wait3A_889 = arith.constant 0 : i32
    %dma_wait3A_890 = tpu.memref_slice %arg2[%dma_wait3A_888, %dma_wait3A_889] : memref<2000000x32xf32, #tpu.memory_space<hbm>> -> memref<2000000x32xf32, #tpu.memory_space<hbm>>
    tpu.wait_indirect_dma semaphore(%arg7 : memref<!tpu.dma_semaphore, #tpu.memory_space<semaphore_mem>>) src(%dma_wait3A_890 : memref<2000000x32xf32, #tpu.memory_space<hbm>>) dst(%dma_wait3A_885 : memref<40x32xf32, #tpu.memory_space<vmem>>)
    %dma_wait3A_891 = arith.constant 1880 : i32
    %dma_wait3A_892 = arith.constant 0 : i32
    %dma_wait3A_893 = tpu.memref_slice %arg6[%dma_wait3A_891, %dma_wait3A_892] : memref<2560x32xf32, #tpu.memory_space<vmem>> -> memref<40x32xf32, #tpu.memory_space<vmem>>
    %dma_wait3A_894 = arith.constant 1880 : i32
    %dma_wait3A_895 = tpu.memref_slice %arg5[%dma_wait3A_894] : memref<2560xi32, #tpu.memory_space<vmem>> -> memref<40xi32, #tpu.memory_space<vmem>>
    %dma_wait3A_896 = arith.constant 0 : i32
    %dma_wait3A_897 = arith.constant 0 : i32
    %dma_wait3A_898 = tpu.memref_slice %arg2[%dma_wait3A_896, %dma_wait3A_897] : memref<2000000x32xf32, #tpu.memory_space<hbm>> -> memref<2000000x32xf32, #tpu.memory_space<hbm>>
    tpu.wait_indirect_dma semaphore(%arg7 : memref<!tpu.dma_semaphore, #tpu.memory_space<semaphore_mem>>) src(%dma_wait3A_898 : memref<2000000x32xf32, #tpu.memory_space<hbm>>) dst(%dma_wait3A_893 : memref<40x32xf32, #tpu.memory_space<vmem>>)
    %dma_wait3A_899 = arith.constant 1920 : i32
    %dma_wait3A_900 = arith.constant 0 : i32
    %dma_wait3A_901 = tpu.memref_slice %arg6[%dma_wait3A_899, %dma_wait3A_900] : memref<2560x32xf32, #tpu.memory_space<vmem>> -> memref<40x32xf32, #tpu.memory_space<vmem>>
    %dma_wait3A_902 = arith.constant 1920 : i32
    %dma_wait3A_903 = tpu.memref_slice %arg5[%dma_wait3A_902] : memref<2560xi32, #tpu.memory_space<vmem>> -> memref<40xi32, #tpu.memory_space<vmem>>
    %dma_wait3A_904 = arith.constant 0 : i32
    %dma_wait3A_905 = arith.constant 0 : i32
    %dma_wait3A_906 = tpu.memref_slice %arg2[%dma_wait3A_904, %dma_wait3A_905] : memref<2000000x32xf32, #tpu.memory_space<hbm>> -> memref<2000000x32xf32, #tpu.memory_space<hbm>>
    tpu.wait_indirect_dma semaphore(%arg7 : memref<!tpu.dma_semaphore, #tpu.memory_space<semaphore_mem>>) src(%dma_wait3A_906 : memref<2000000x32xf32, #tpu.memory_space<hbm>>) dst(%dma_wait3A_901 : memref<40x32xf32, #tpu.memory_space<vmem>>)
    %dma_wait3A_907 = arith.constant 1960 : i32
    %dma_wait3A_908 = arith.constant 0 : i32
    %dma_wait3A_909 = tpu.memref_slice %arg6[%dma_wait3A_907, %dma_wait3A_908] : memref<2560x32xf32, #tpu.memory_space<vmem>> -> memref<40x32xf32, #tpu.memory_space<vmem>>
    %dma_wait3A_910 = arith.constant 1960 : i32
    %dma_wait3A_911 = tpu.memref_slice %arg5[%dma_wait3A_910] : memref<2560xi32, #tpu.memory_space<vmem>> -> memref<40xi32, #tpu.memory_space<vmem>>
    %dma_wait3A_912 = arith.constant 0 : i32
    %dma_wait3A_913 = arith.constant 0 : i32
    %dma_wait3A_914 = tpu.memref_slice %arg2[%dma_wait3A_912, %dma_wait3A_913] : memref<2000000x32xf32, #tpu.memory_space<hbm>> -> memref<2000000x32xf32, #tpu.memory_space<hbm>>
    tpu.wait_indirect_dma semaphore(%arg7 : memref<!tpu.dma_semaphore, #tpu.memory_space<semaphore_mem>>) src(%dma_wait3A_914 : memref<2000000x32xf32, #tpu.memory_space<hbm>>) dst(%dma_wait3A_909 : memref<40x32xf32, #tpu.memory_space<vmem>>)
    %dma_wait3A_915 = arith.constant 2000 : i32
    %dma_wait3A_916 = arith.constant 0 : i32
    %dma_wait3A_917 = tpu.memref_slice %arg6[%dma_wait3A_915, %dma_wait3A_916] : memref<2560x32xf32, #tpu.memory_space<vmem>> -> memref<40x32xf32, #tpu.memory_space<vmem>>
    %dma_wait3A_918 = arith.constant 2000 : i32
    %dma_wait3A_919 = tpu.memref_slice %arg5[%dma_wait3A_918] : memref<2560xi32, #tpu.memory_space<vmem>> -> memref<40xi32, #tpu.memory_space<vmem>>
    %dma_wait3A_920 = arith.constant 0 : i32
    %dma_wait3A_921 = arith.constant 0 : i32
    %dma_wait3A_922 = tpu.memref_slice %arg2[%dma_wait3A_920, %dma_wait3A_921] : memref<2000000x32xf32, #tpu.memory_space<hbm>> -> memref<2000000x32xf32, #tpu.memory_space<hbm>>
    tpu.wait_indirect_dma semaphore(%arg7 : memref<!tpu.dma_semaphore, #tpu.memory_space<semaphore_mem>>) src(%dma_wait3A_922 : memref<2000000x32xf32, #tpu.memory_space<hbm>>) dst(%dma_wait3A_917 : memref<40x32xf32, #tpu.memory_space<vmem>>)
    %dma_wait3A_923 = arith.constant 2040 : i32
    %dma_wait3A_924 = arith.constant 0 : i32
    %dma_wait3A_925 = tpu.memref_slice %arg6[%dma_wait3A_923, %dma_wait3A_924] : memref<2560x32xf32, #tpu.memory_space<vmem>> -> memref<40x32xf32, #tpu.memory_space<vmem>>
    %dma_wait3A_926 = arith.constant 2040 : i32
    %dma_wait3A_927 = tpu.memref_slice %arg5[%dma_wait3A_926] : memref<2560xi32, #tpu.memory_space<vmem>> -> memref<40xi32, #tpu.memory_space<vmem>>
    %dma_wait3A_928 = arith.constant 0 : i32
    %dma_wait3A_929 = arith.constant 0 : i32
    %dma_wait3A_930 = tpu.memref_slice %arg2[%dma_wait3A_928, %dma_wait3A_929] : memref<2000000x32xf32, #tpu.memory_space<hbm>> -> memref<2000000x32xf32, #tpu.memory_space<hbm>>
    tpu.wait_indirect_dma semaphore(%arg7 : memref<!tpu.dma_semaphore, #tpu.memory_space<semaphore_mem>>) src(%dma_wait3A_930 : memref<2000000x32xf32, #tpu.memory_space<hbm>>) dst(%dma_wait3A_925 : memref<40x32xf32, #tpu.memory_space<vmem>>)
    %dma_wait3A_931 = arith.constant 2080 : i32
    %dma_wait3A_932 = arith.constant 0 : i32
    %dma_wait3A_933 = tpu.memref_slice %arg6[%dma_wait3A_931, %dma_wait3A_932] : memref<2560x32xf32, #tpu.memory_space<vmem>> -> memref<40x32xf32, #tpu.memory_space<vmem>>
    %dma_wait3A_934 = arith.constant 2080 : i32
    %dma_wait3A_935 = tpu.memref_slice %arg5[%dma_wait3A_934] : memref<2560xi32, #tpu.memory_space<vmem>> -> memref<40xi32, #tpu.memory_space<vmem>>
    %dma_wait3A_936 = arith.constant 0 : i32
    %dma_wait3A_937 = arith.constant 0 : i32
    %dma_wait3A_938 = tpu.memref_slice %arg2[%dma_wait3A_936, %dma_wait3A_937] : memref<2000000x32xf32, #tpu.memory_space<hbm>> -> memref<2000000x32xf32, #tpu.memory_space<hbm>>
    tpu.wait_indirect_dma semaphore(%arg7 : memref<!tpu.dma_semaphore, #tpu.memory_space<semaphore_mem>>) src(%dma_wait3A_938 : memref<2000000x32xf32, #tpu.memory_space<hbm>>) dst(%dma_wait3A_933 : memref<40x32xf32, #tpu.memory_space<vmem>>)
    %dma_wait3A_939 = arith.constant 2120 : i32
    %dma_wait3A_940 = arith.constant 0 : i32
    %dma_wait3A_941 = tpu.memref_slice %arg6[%dma_wait3A_939, %dma_wait3A_940] : memref<2560x32xf32, #tpu.memory_space<vmem>> -> memref<40x32xf32, #tpu.memory_space<vmem>>
    %dma_wait3A_942 = arith.constant 2120 : i32
    %dma_wait3A_943 = tpu.memref_slice %arg5[%dma_wait3A_942] : memref<2560xi32, #tpu.memory_space<vmem>> -> memref<40xi32, #tpu.memory_space<vmem>>
    %dma_wait3A_944 = arith.constant 0 : i32
    %dma_wait3A_945 = arith.constant 0 : i32
    %dma_wait3A_946 = tpu.memref_slice %arg2[%dma_wait3A_944, %dma_wait3A_945] : memref<2000000x32xf32, #tpu.memory_space<hbm>> -> memref<2000000x32xf32, #tpu.memory_space<hbm>>
    tpu.wait_indirect_dma semaphore(%arg7 : memref<!tpu.dma_semaphore, #tpu.memory_space<semaphore_mem>>) src(%dma_wait3A_946 : memref<2000000x32xf32, #tpu.memory_space<hbm>>) dst(%dma_wait3A_941 : memref<40x32xf32, #tpu.memory_space<vmem>>)
    %dma_wait3A_947 = arith.constant 2160 : i32
    %dma_wait3A_948 = arith.constant 0 : i32
    %dma_wait3A_949 = tpu.memref_slice %arg6[%dma_wait3A_947, %dma_wait3A_948] : memref<2560x32xf32, #tpu.memory_space<vmem>> -> memref<40x32xf32, #tpu.memory_space<vmem>>
    %dma_wait3A_950 = arith.constant 2160 : i32
    %dma_wait3A_951 = tpu.memref_slice %arg5[%dma_wait3A_950] : memref<2560xi32, #tpu.memory_space<vmem>> -> memref<40xi32, #tpu.memory_space<vmem>>
    %dma_wait3A_952 = arith.constant 0 : i32
    %dma_wait3A_953 = arith.constant 0 : i32
    %dma_wait3A_954 = tpu.memref_slice %arg2[%dma_wait3A_952, %dma_wait3A_953] : memref<2000000x32xf32, #tpu.memory_space<hbm>> -> memref<2000000x32xf32, #tpu.memory_space<hbm>>
    tpu.wait_indirect_dma semaphore(%arg7 : memref<!tpu.dma_semaphore, #tpu.memory_space<semaphore_mem>>) src(%dma_wait3A_954 : memref<2000000x32xf32, #tpu.memory_space<hbm>>) dst(%dma_wait3A_949 : memref<40x32xf32, #tpu.memory_space<vmem>>)
    %dma_wait3A_955 = arith.constant 2200 : i32
    %dma_wait3A_956 = arith.constant 0 : i32
    %dma_wait3A_957 = tpu.memref_slice %arg6[%dma_wait3A_955, %dma_wait3A_956] : memref<2560x32xf32, #tpu.memory_space<vmem>> -> memref<40x32xf32, #tpu.memory_space<vmem>>
    %dma_wait3A_958 = arith.constant 2200 : i32
    %dma_wait3A_959 = tpu.memref_slice %arg5[%dma_wait3A_958] : memref<2560xi32, #tpu.memory_space<vmem>> -> memref<40xi32, #tpu.memory_space<vmem>>
    %dma_wait3A_960 = arith.constant 0 : i32
    %dma_wait3A_961 = arith.constant 0 : i32
    %dma_wait3A_962 = tpu.memref_slice %arg2[%dma_wait3A_960, %dma_wait3A_961] : memref<2000000x32xf32, #tpu.memory_space<hbm>> -> memref<2000000x32xf32, #tpu.memory_space<hbm>>
    tpu.wait_indirect_dma semaphore(%arg7 : memref<!tpu.dma_semaphore, #tpu.memory_space<semaphore_mem>>) src(%dma_wait3A_962 : memref<2000000x32xf32, #tpu.memory_space<hbm>>) dst(%dma_wait3A_957 : memref<40x32xf32, #tpu.memory_space<vmem>>)
    %dma_wait3A_963 = arith.constant 2240 : i32
    %dma_wait3A_964 = arith.constant 0 : i32
    %dma_wait3A_965 = tpu.memref_slice %arg6[%dma_wait3A_963, %dma_wait3A_964] : memref<2560x32xf32, #tpu.memory_space<vmem>> -> memref<40x32xf32, #tpu.memory_space<vmem>>
    %dma_wait3A_966 = arith.constant 2240 : i32
    %dma_wait3A_967 = tpu.memref_slice %arg5[%dma_wait3A_966] : memref<2560xi32, #tpu.memory_space<vmem>> -> memref<40xi32, #tpu.memory_space<vmem>>
    %dma_wait3A_968 = arith.constant 0 : i32
    %dma_wait3A_969 = arith.constant 0 : i32
    %dma_wait3A_970 = tpu.memref_slice %arg2[%dma_wait3A_968, %dma_wait3A_969] : memref<2000000x32xf32, #tpu.memory_space<hbm>> -> memref<2000000x32xf32, #tpu.memory_space<hbm>>
    tpu.wait_indirect_dma semaphore(%arg7 : memref<!tpu.dma_semaphore, #tpu.memory_space<semaphore_mem>>) src(%dma_wait3A_970 : memref<2000000x32xf32, #tpu.memory_space<hbm>>) dst(%dma_wait3A_965 : memref<40x32xf32, #tpu.memory_space<vmem>>)
    %dma_wait3A_971 = arith.constant 2280 : i32
    %dma_wait3A_972 = arith.constant 0 : i32
    %dma_wait3A_973 = tpu.memref_slice %arg6[%dma_wait3A_971, %dma_wait3A_972] : memref<2560x32xf32, #tpu.memory_space<vmem>> -> memref<40x32xf32, #tpu.memory_space<vmem>>
    %dma_wait3A_974 = arith.constant 2280 : i32
    %dma_wait3A_975 = tpu.memref_slice %arg5[%dma_wait3A_974] : memref<2560xi32, #tpu.memory_space<vmem>> -> memref<40xi32, #tpu.memory_space<vmem>>
    %dma_wait3A_976 = arith.constant 0 : i32
    %dma_wait3A_977 = arith.constant 0 : i32
    %dma_wait3A_978 = tpu.memref_slice %arg2[%dma_wait3A_976, %dma_wait3A_977] : memref<2000000x32xf32, #tpu.memory_space<hbm>> -> memref<2000000x32xf32, #tpu.memory_space<hbm>>
    tpu.wait_indirect_dma semaphore(%arg7 : memref<!tpu.dma_semaphore, #tpu.memory_space<semaphore_mem>>) src(%dma_wait3A_978 : memref<2000000x32xf32, #tpu.memory_space<hbm>>) dst(%dma_wait3A_973 : memref<40x32xf32, #tpu.memory_space<vmem>>)
    %dma_wait3A_979 = arith.constant 2320 : i32
    %dma_wait3A_980 = arith.constant 0 : i32
    %dma_wait3A_981 = tpu.memref_slice %arg6[%dma_wait3A_979, %dma_wait3A_980] : memref<2560x32xf32, #tpu.memory_space<vmem>> -> memref<40x32xf32, #tpu.memory_space<vmem>>
    %dma_wait3A_982 = arith.constant 2320 : i32
    %dma_wait3A_983 = tpu.memref_slice %arg5[%dma_wait3A_982] : memref<2560xi32, #tpu.memory_space<vmem>> -> memref<40xi32, #tpu.memory_space<vmem>>
    %dma_wait3A_984 = arith.constant 0 : i32
    %dma_wait3A_985 = arith.constant 0 : i32
    %dma_wait3A_986 = tpu.memref_slice %arg2[%dma_wait3A_984, %dma_wait3A_985] : memref<2000000x32xf32, #tpu.memory_space<hbm>> -> memref<2000000x32xf32, #tpu.memory_space<hbm>>
    tpu.wait_indirect_dma semaphore(%arg7 : memref<!tpu.dma_semaphore, #tpu.memory_space<semaphore_mem>>) src(%dma_wait3A_986 : memref<2000000x32xf32, #tpu.memory_space<hbm>>) dst(%dma_wait3A_981 : memref<40x32xf32, #tpu.memory_space<vmem>>)
    %dma_wait3A_987 = arith.constant 2360 : i32
    %dma_wait3A_988 = arith.constant 0 : i32
    %dma_wait3A_989 = tpu.memref_slice %arg6[%dma_wait3A_987, %dma_wait3A_988] : memref<2560x32xf32, #tpu.memory_space<vmem>> -> memref<40x32xf32, #tpu.memory_space<vmem>>
    %dma_wait3A_990 = arith.constant 2360 : i32
    %dma_wait3A_991 = tpu.memref_slice %arg5[%dma_wait3A_990] : memref<2560xi32, #tpu.memory_space<vmem>> -> memref<40xi32, #tpu.memory_space<vmem>>
    %dma_wait3A_992 = arith.constant 0 : i32
    %dma_wait3A_993 = arith.constant 0 : i32
    %dma_wait3A_994 = tpu.memref_slice %arg2[%dma_wait3A_992, %dma_wait3A_993] : memref<2000000x32xf32, #tpu.memory_space<hbm>> -> memref<2000000x32xf32, #tpu.memory_space<hbm>>
    tpu.wait_indirect_dma semaphore(%arg7 : memref<!tpu.dma_semaphore, #tpu.memory_space<semaphore_mem>>) src(%dma_wait3A_994 : memref<2000000x32xf32, #tpu.memory_space<hbm>>) dst(%dma_wait3A_989 : memref<40x32xf32, #tpu.memory_space<vmem>>)
    %dma_wait3A_995 = arith.constant 2400 : i32
    %dma_wait3A_996 = arith.constant 0 : i32
    %dma_wait3A_997 = tpu.memref_slice %arg6[%dma_wait3A_995, %dma_wait3A_996] : memref<2560x32xf32, #tpu.memory_space<vmem>> -> memref<40x32xf32, #tpu.memory_space<vmem>>
    %dma_wait3A_998 = arith.constant 2400 : i32
    %dma_wait3A_999 = tpu.memref_slice %arg5[%dma_wait3A_998] : memref<2560xi32, #tpu.memory_space<vmem>> -> memref<40xi32, #tpu.memory_space<vmem>>
    %dma_wait3A_1000 = arith.constant 0 : i32
    %dma_wait3A_1001 = arith.constant 0 : i32
    %dma_wait3A_1002 = tpu.memref_slice %arg2[%dma_wait3A_1000, %dma_wait3A_1001] : memref<2000000x32xf32, #tpu.memory_space<hbm>> -> memref<2000000x32xf32, #tpu.memory_space<hbm>>
    tpu.wait_indirect_dma semaphore(%arg7 : memref<!tpu.dma_semaphore, #tpu.memory_space<semaphore_mem>>) src(%dma_wait3A_1002 : memref<2000000x32xf32, #tpu.memory_space<hbm>>) dst(%dma_wait3A_997 : memref<40x32xf32, #tpu.memory_space<vmem>>)
    %dma_wait3A_1003 = arith.constant 2440 : i32
    %dma_wait3A_1004 = arith.constant 0 : i32
    %dma_wait3A_1005 = tpu.memref_slice %arg6[%dma_wait3A_1003, %dma_wait3A_1004] : memref<2560x32xf32, #tpu.memory_space<vmem>> -> memref<40x32xf32, #tpu.memory_space<vmem>>
    %dma_wait3A_1006 = arith.constant 2440 : i32
    %dma_wait3A_1007 = tpu.memref_slice %arg5[%dma_wait3A_1006] : memref<2560xi32, #tpu.memory_space<vmem>> -> memref<40xi32, #tpu.memory_space<vmem>>
    %dma_wait3A_1008 = arith.constant 0 : i32
    %dma_wait3A_1009 = arith.constant 0 : i32
    %dma_wait3A_1010 = tpu.memref_slice %arg2[%dma_wait3A_1008, %dma_wait3A_1009] : memref<2000000x32xf32, #tpu.memory_space<hbm>> -> memref<2000000x32xf32, #tpu.memory_space<hbm>>
    tpu.wait_indirect_dma semaphore(%arg7 : memref<!tpu.dma_semaphore, #tpu.memory_space<semaphore_mem>>) src(%dma_wait3A_1010 : memref<2000000x32xf32, #tpu.memory_space<hbm>>) dst(%dma_wait3A_1005 : memref<40x32xf32, #tpu.memory_space<vmem>>)
    %dma_wait3A_1011 = arith.constant 2480 : i32
    %dma_wait3A_1012 = arith.constant 0 : i32
    %dma_wait3A_1013 = tpu.memref_slice %arg6[%dma_wait3A_1011, %dma_wait3A_1012] : memref<2560x32xf32, #tpu.memory_space<vmem>> -> memref<40x32xf32, #tpu.memory_space<vmem>>
    %dma_wait3A_1014 = arith.constant 2480 : i32
    %dma_wait3A_1015 = tpu.memref_slice %arg5[%dma_wait3A_1014] : memref<2560xi32, #tpu.memory_space<vmem>> -> memref<40xi32, #tpu.memory_space<vmem>>
    %dma_wait3A_1016 = arith.constant 0 : i32
    %dma_wait3A_1017 = arith.constant 0 : i32
    %dma_wait3A_1018 = tpu.memref_slice %arg2[%dma_wait3A_1016, %dma_wait3A_1017] : memref<2000000x32xf32, #tpu.memory_space<hbm>> -> memref<2000000x32xf32, #tpu.memory_space<hbm>>
    tpu.wait_indirect_dma semaphore(%arg7 : memref<!tpu.dma_semaphore, #tpu.memory_space<semaphore_mem>>) src(%dma_wait3A_1018 : memref<2000000x32xf32, #tpu.memory_space<hbm>>) dst(%dma_wait3A_1013 : memref<40x32xf32, #tpu.memory_space<vmem>>)
    %dma_wait3A_1019 = arith.constant 2520 : i32
    %dma_wait3A_1020 = arith.constant 0 : i32
    %dma_wait3A_1021 = tpu.memref_slice %arg6[%dma_wait3A_1019, %dma_wait3A_1020] : memref<2560x32xf32, #tpu.memory_space<vmem>> -> memref<40x32xf32, #tpu.memory_space<vmem>>
    %dma_wait3A_1022 = arith.constant 2520 : i32
    %dma_wait3A_1023 = tpu.memref_slice %arg5[%dma_wait3A_1022] : memref<2560xi32, #tpu.memory_space<vmem>> -> memref<40xi32, #tpu.memory_space<vmem>>
    %dma_wait3A_1024 = arith.constant 0 : i32
    %dma_wait3A_1025 = arith.constant 0 : i32
    %dma_wait3A_1026 = tpu.memref_slice %arg2[%dma_wait3A_1024, %dma_wait3A_1025] : memref<2000000x32xf32, #tpu.memory_space<hbm>> -> memref<2000000x32xf32, #tpu.memory_space<hbm>>
    tpu.wait_indirect_dma semaphore(%arg7 : memref<!tpu.dma_semaphore, #tpu.memory_space<semaphore_mem>>) src(%dma_wait3A_1026 : memref<2000000x32xf32, #tpu.memory_space<hbm>>) dst(%dma_wait3A_1021 : memref<40x32xf32, #tpu.memory_space<vmem>>)
    %mul3A_1027 = arith.constant 20 : i32
    %mul3A_1028 = arith.muli %multiple_of3A, %mul3A_1027 : i32
    "tpu.region"() ({
      %run_scoped3A = tpu.sem_alloc : memref<!tpu.dma_semaphore, #tpu.memory_space<semaphore_mem>>
      %dma_start3A_1029 = arith.constant 0 : i32
      %dma_start3A_1030 = tpu.memref_slice %arg4[%mul3A_1028, %dma_start3A_1029] : memref<81920x32xf32, #tpu.memory_space<hbm>> -> memref<2560x32xf32, #tpu.memory_space<hbm>>
      %dma_start3A_1031 = arith.constant 0 : i32
      %dma_start3A_1032 = tpu.memref_slice %arg4[%mul3A_1028, %dma_start3A_1031] : memref<81920x32xf32, #tpu.memory_space<hbm>> -> memref<2560x32xf32, #tpu.memory_space<hbm>>
      tpu.enqueue_dma source(%arg6 : memref<2560x32xf32, #tpu.memory_space<vmem>>) target(%dma_start3A_1032 : memref<2560x32xf32, #tpu.memory_space<hbm>>) target_semaphore(%run_scoped3A : memref<!tpu.dma_semaphore, #tpu.memory_space<semaphore_mem>>)
      %dma_wait3A_1033 = arith.constant 0 : i32
      %dma_wait3A_1034 = tpu.memref_slice %arg4[%mul3A_1028, %dma_wait3A_1033] : memref<81920x32xf32, #tpu.memory_space<hbm>> -> memref<2560x32xf32, #tpu.memory_space<hbm>>
      %dma_wait3A_1035 = arith.constant 0 : i32
      %dma_wait3A_1036 = tpu.memref_slice %arg4[%mul3A_1028, %dma_wait3A_1035] : memref<81920x32xf32, #tpu.memory_space<hbm>> -> memref<2560x32xf32, #tpu.memory_space<hbm>>
      tpu.wait_dma2 semaphore(%run_scoped3A : memref<!tpu.dma_semaphore, #tpu.memory_space<semaphore_mem>>) src(%arg6 : memref<2560x32xf32, #tpu.memory_space<vmem>>) dst(%dma_wait3A_1036 : memref<2560x32xf32, #tpu.memory_space<hbm>>)
      tpu.yield
    }) : () -> ()
    return
  }
}

</mosaic_0001>

<sc_bundles>
// kernel: kernel.4.cloned.1.call-start
scs
__scs_entry_jumppad:
0x0: {  	(pc) =	sbr.rel $0x88, $3  }
0x1: {  	(tag) =	ssettag $0x0;
	lr =	simm.s32 $0x1  }
0x2: {  	[smem:$0x3F9B] =	sst lr;
	_ =	strace $0xD0000000  }
0x3: {  	_ = 	snop  }
0x4: {  	_ = 	snop  }
0x5: {  	_ = 	snop  }
0x6: {  	_ = 	snop  }
0x7: {  	_ = 	snop  }
__scs_overlays_trampoline_lowered:
0x8: {  	[smem:$0x3FAA] =	sst s0  }
0x9: {  	[smem:$0x3FAB] =	sst s1  }
0xa: {  	[smem:$0x3FAC] =	sst s2  }
0xb: {  	[smem:$0x3FAD] =	sst s3  }
0xc: {  	[smem:$0x3FAE] =	sst s4  }
0xd: {  	[smem:$0x3FAF] =	sst s5  }
0xe: {  	[smem:$0x3FB0] =	sst s6  }
0xf: {  	[smem:$0x3FB1] =	sst s7  }
0x10: {  	[smem:$0x3FB2] =	sst s8  }
0x11: {  	[smem:$0x3FB3] =	sst s9;
	s0 =	simm.s32 @!p0 $0x0  }
0x12: {  	s1 =	sld [smem:$0x3F99];
	s0 =	simm.s32 @p0 $0x1  }
0x13: {  	[smem:$0x3FB4] =	sst s0;
	s0 =	simm.s32 @!p1 $0x0  }
0x14: {  	s2 =	sld [smem:$0x3F98];
	s0 =	simm.s32 @p1 $0x1  }
0x15: {  	[smem:$0x3FB5] =	sst s0;
	s0 =	simm.s32 @!p2 $0x0  }
0x16: {  	s3 =	sld [smem:$0x3FDB];
	s0 =	simm.s32 @p2 $0x1  }
0x17: {  	s4 =	simm.s32 $0x1BF5;
	[smem:$0x3FB7] =	sst s0  }
0x18: {  	s0 =	sld [smem:$0x3F9A];
	_ =	swait.ge [sflag:s4], $0x0  }
0x19: {  	s7 =	sld [smem:$0x3F9B]  }
0x1a: {  	s8 =	sadd.s32 $0xFFFFE003, lr  }
0x1b: {  	s9 =	sadd.s32 $0xFFFFFEF7, lr;
	s5 =	simm.s32 $0xFFFFFFFF;
	p2 =	slt.u32 s8, $0xFFFFF086  }
0x1c: {  	p1 =	slt.u32 s9, $0xF7A;
	s5 =	simm.s32 @!p2 $0x0  }
0x1d: {  	s5 =	simm.s32 @p1 $0x1;
	p0 =	seq.s32 s7, s2  }
0x1e: {  	s7 =	smul.u32 @!p0 $0xF7A, s2;
	p2 =	seq.s32 @!p0 s5, $0x0  }
0x1f: {  	s9 =	smul.u32 $0xF7A, s1;
	s8 =	simm.s32 @!p0 $0x1BF5;
	p2 =	por !p2, p0  }
0x20: {  	[sflag:s8] =	ssyncset.s32 @!p0 $0xFFFFF086;
	s6 =	sadd.s32 @!p0 s3, s7;
	s7 =	simm.s32 @!p0 $0x108  }
0x21: {  	s3 =	sadd.s32 s3, s9;
	s6 =	sadd.s32 @!p0 $0x88, s6;
	s7 =	simm.s32 @p2 $0x1082  }
0x22: {  	[simem:s7], [sflag:s8] =	dma.local @!p0 [hbm:s6], $0xF7A  }
0x23: {  	s9 =	sor.u32 $0xD0000000, s2;
	s6 =	simm.s32 $0x108;
	_ =	swait.ge @!p0 [sflag:s8], $0x0  }
0x24: {  	s3 =	sadd.s32 $0x88, s3;
	s6 =	simm.s32 @!p1 $0x1082;
	[sflag:s4] =	ssyncset.s32 $0xFFFFF086  }
0x25: {  	[simem:s6], [sflag:s4] =	dma.local [hbm:s3], $0xF7A  }
0x26: {  	[smem:$0x3F9B] =	sst s1;
	(tag) =	ssettag s2;
	_ =	strace s9  }
0x27: {  	s1 =	sld [smem:$0x3FAB]  }
0x28: {  	s2 =	sld [smem:$0x3FAC]  }
0x29: {  	s4 =	sld [smem:$0x3FAE]  }
0x2a: {  	p0 =	seq.s32 s5, $0x0;
	s5 =	sld [smem:$0x3FAF]  }
0x2b: {  	s6 =	sld [smem:$0x3FB0]  }
0x2c: {  	s7 =	sld [smem:$0x3FB1]  }
0x2d: {  	s3 =	simm.s32 $0x108;
	s8 =	sld [smem:$0x3FB2]  }
0x2e: {  	s3 =	simm.s32 @!p0 $0x1082;
	s9 =	sld [smem:$0x3FB3]  }
0x2f: {  	lr =	sadd.s32 s0, s3;
	s0 =	sld [smem:$0x3FAA]  }
0x30: {  	s3 =	sld [smem:$0x3FAD]  }
0x31: {  	[smem:$0x3FB6] =	sst s10  }
0x32: {  	s10 =	sld [smem:$0x3FB4];
	_ =	sdelay $0x3  }
0x33: {  	p0 =	seq.s32 s10, $0x1;
	s10 =	sld [smem:$0x3FB6];
	_ =	sdelay $0x3  }
0x34: {  	[smem:$0x3FB6] =	sst s10  }
0x35: {  	s10 =	sld [smem:$0x3FB5];
	_ =	sdelay $0x3  }
0x36: {  	p1 =	seq.s32 s10, $0x1;
	s10 =	sld [smem:$0x3FB6];
	_ =	sdelay $0x3  }
0x37: {  	[smem:$0x3FB6] =	sst s10  }
0x38: {  	s10 =	sld [smem:$0x3FB7]  }
0x39: {  	_ = 	snop;
	(pc) =	sbr.ind lr, $3  }
0x3a: {  	_ = 	snop  }
0x3b: {  	_ = 	snop  }
0x3c: {  	p2 =	seq.s32 s10, $0x1;
	s10 =	sld [smem:$0x3FB6]  }
0x3d: {  	_ =	shalt  }
0x3e: {  	_ =	shalt  }
0x3f: {  	_ =	shalt  }
0x40: {  	_ =	shalt  }
0x41: {  	_ =	shalt  }
0x42: {  	_ =	shalt  }
0x43: {  	_ =	shalt  }
0x44: {  	_ =	shalt  }
0x45: {  	_ =	shalt  }
0x46: {  	_ =	shalt  }
0x47: {  	_ =	shalt  }
0x48: {  	_ =	shalt  }
0x49: {  	_ =	shalt  }
0x4a: {  	_ =	shalt  }
0x4b: {  	_ =	shalt  }
0x4c: {  	_ =	shalt  }
0x4d: {  	_ =	shalt  }
0x4e: {  	_ =	shalt  }
0x4f: {  	_ =	shalt  }
0x50: {  	_ =	shalt  }
0x51: {  	_ =	shalt  }
0x52: {  	_ =	shalt  }
0x53: {  	_ =	shalt  }
0x54: {  	_ =	shalt  }
0x55: {  	_ =	shalt  }
0x56: {  	_ =	shalt  }
0x57: {  	_ =	shalt  }
0x58: {  	_ =	shalt  }
0x59: {  	_ =	shalt  }
0x5a: {  	_ =	shalt  }
0x5b: {  	_ =	shalt  }
0x5c: {  	_ =	shalt  }
0x5d: {  	_ =	shalt  }
0x5e: {  	_ =	shalt  }
0x5f: {  	_ =	shalt  }
0x60: {  	_ =	shalt  }
0x61: {  	_ =	shalt  }
0x62: {  	_ =	shalt  }
0x63: {  	_ =	shalt  }
0x64: {  	_ =	shalt  }
0x65: {  	_ =	shalt  }
0x66: {  	_ =	shalt  }
0x67: {  	_ =	shalt  }
0x68: {  	_ =	shalt  }
0x69: {  	_ =	shalt  }
0x6a: {  	_ =	shalt  }
0x6b: {  	_ =	shalt  }
0x6c: {  	_ =	shalt  }
0x6d: {  	_ =	shalt  }
0x6e: {  	_ =	shalt  }
0x6f: {  	_ =	shalt  }
0x70: {  	_ =	shalt  }
0x71: {  	_ =	shalt  }
0x72: {  	_ =	shalt  }
0x73: {  	_ =	shalt  }
0x74: {  	_ =	shalt  }
0x75: {  	_ =	shalt  }
0x76: {  	_ =	shalt  }
0x77: {  	_ =	shalt  }
0x78: {  	_ =	shalt  }
0x79: {  	_ =	shalt  }
0x7a: {  	_ =	shalt  }
0x7b: {  	_ =	shalt  }
0x7c: {  	_ =	shalt  }
0x7d: {  	_ =	shalt  }
0x7e: {  	_ =	shalt  }
0x7f: {  	_ =	shalt  }
0x80: {  	_ =	shalt  }
0x81: {  	_ =	shalt  }
0x82: {  	_ =	shalt  }
0x83: {  	_ =	shalt  }
0x84: {  	_ =	shalt  }
0x85: {  	_ =	shalt  }
0x86: {  	_ =	shalt  }
0x87: {  	_ =	shalt  }
.Lfunc_end0:
.L_simem_size_0:
called_computation_lowered:
.L_overlay_start_0:
0x88: {  	s2 =	sld [smem:$0x3FD9]  }
0x89: {  	s3 =	sld [smem:$0x3FFE];
	_ =	sdelay $0x1  }
0x8a: {  	s1 =	srdreg.scid  }
0x8b: {  	s0 =	sand.u32 $0x1, s1  }
0x8c: {  	s17 =	sshll.u32 s0, $0xA;
	s2 =	sadd.s32 s3, s2  }
0x8d: {  	s2 =	sadd.s32 s2, s17  }
0x8e: {  	[smem:$0x3FC2] =	sst s2  }
0x8f: {  	_ = 	snop  }
0x90: {  	(tm) =	ssettm $0x1  }
0x91: {  	s18 =	sld [smem:$0x3FFB];
	_ =	sdelay $0x3  }
0x92: {  	_ =	strace s18  }
0x93: {  	s2 =	sld [smem:$0x3FFC];
	_ =	sdelay $0x3  }
0x94: {  	_ =	strace s2  }
0x95: {  	s2 =	sld [smem:$0x3FFD];
	_ =	sdelay $0x3  }
0x96: {  	_ =	strace s2  }
0x97: {  	_ =	strace $0x8FFFFFFF  }
0x98: {  	s19 =	sld [smem:$0x3FDB];
	_ =	sdelay $0x1  }
0x99: {  	s20 =	simm.s32 $_scs_section_size  }
0x9a: {  	s4 =	simm.s32 $_size__tile_overlayer_lowered;
	s5 =	simm.s32 $_tile_overlayer_lowered  }
0x9b: {  	s6 =	simm.s32 $0x1BFF;
	s21 =	sshll.u32 s5, $0x1;
	s3 =	sadd.s32 s20, s19  }
0x9c: {  	s22 =	simm.s32 $0x0;
	s4 =	sshll.u32 s4, $0x1;
	s5 =	sadd.s32 s21, s3  }
0x9d: {  	[timem:s22], [sflag:s6] =	dma.local [hbm:s5], s4  }
0x9e: {  	_ =	swait.ge [sflag:s6], s4  }
0x9f: {  	s4 =	ssub.s32 $0x0, s4;
	[sflag:s6] =	ssyncset.done $0x0  }
0xa0: {  	[sflag:s6] =	ssyncadd.s32 s4;
	_ =	sdelay $0x1  }
0xa1: {  	s23 =	simm.s32 $0x1B8B  }
0xa2: {  	_ =	swait.ge [sflag:s23], $0x1  }
0xa3: {  	[sflag:s23] =	ssyncset.done $0x0  }
0xa4: {  	[sflag:s23] =	ssyncadd.s32 $0xFFFFFFFF  }
0xa5: {  	s4 =	sld [smem:$0x0]  }
0xa6: {  	s5 =	sand.u32 $0xFFFFFFFE, s1  }
0xa7: {  	p0 =	sne.s32 s1, s5  }
0xa8: {  	s5 =	sshll.u32 @p0 s5, $0xE  }
0xa9: {  	s5 =	sadd.s32 @p0 $0x11B8D, s5;
	s6 =	sshll.u32 @p0 s4, $0x11  }
0xaa: {  	s5 =	sor.u32 @p0 s6, s5  }
0xab: {  	[sflag:s5] =	ssyncadd.remote.s32 @p0 $0x1;
	_ =	sdelay $0x1  }
0xac: {  	s5 =	simm.s32 @p0 $0x1B8D  }
0xad: {  	_ =	swait.eq @p0 [sflag:s5], $0x1  }
0xae: {  	[sflag:s5] =	ssyncadd.s32 @p0 $0xFFFFFFFF  }
0xaf: {  	s6 =	sshll.u32 @!p0 s1, $0xE  }
0xb0: {  	s6 =	sor.u32 @!p0 $0x4000, s6;
	s5 =	simm.s32 @!p0 $0x1B8D  }
0xb1: {  	s4 =	sshll.u32 @!p0 s4, $0x11;
	s6 =	sadd.s32 @!p0 $0x11B8D, s6;
	_ =	swait.eq @!p0 [sflag:s5], $0x1  }
0xb2: {  	s4 =	sor.u32 @!p0 s4, s6;
	[sflag:s5] =	ssyncadd.s32 @!p0 $0xFFFFFFFF  }
0xb3: {  	s25 =	simm.s32 $0x1B8E;
	s24 =	sld [smem:$0x3FFE];
	[sflag:s4] =	ssyncadd.remote.s32 @!p0 $0x1  }
0xb4: {  	s26 =	simm.s32 $execute0_lowered;
	[smem:$0x3FD2] =	sst s25  }
0xb5: {  	s5 =	sshll.u32 s26, $0x1;
	_ =	strace $0x80000049;
	[dreg:$0x1] =	wrdreg $0xFFFFFFFF  }
0xb6: {  	s28 =	simm.s32 $_size_execute0_lowered;
	s3 =	sadd.s32 s3, s5;
	[dreg:$0x0] =	wrdreg $0x0  }
0xb7: {  	s5 =	sshll.u32 s28, $0x1;
	[dreg:$0x2] =	wrdreg s3  }
0xb8: {  	[dreg:$0x3] =	wrdreg s5  }
0xb9: {  	[dreg:$0x4] =	wrdreg $0xC0  }
0xba: {  	_ =	task [dreg:s22], $0x5FFFF  }
0xbb: {  	[dreg:$0x1] =	wrdreg $0xFFFFFFFF  }
0xbc: {  	[dreg:$0x0] =	wrdreg $0x60  }
0xbd: {  	[dreg:$0x2] =	wrdreg s24  }
0xbe: {  	[dreg:$0x3] =	wrdreg $0x9  }
0xbf: {  	_ =	task.clear_ibuf [dreg:s22], $0x4FFFF;
	_ =	strace $0x90000049  }
0xc0: {  	s29 =	simm.s32 $0x9;
	_ =	strace $0x8000004B  }
0xc1: {  	_ =	swait.ge [sflag:s29], $0x1  }
0xc2: {  	[sflag:s29] =	ssyncadd.s32 $0xFFFFFFFF  }
0xc3: {  	_ =	strace $0x9000004B  }
0xc4: {  	_ =	sfence  }
0xc5: {  	s30 =	sld [smem:$0x0];
	_ =	sdelay $0x2  }
0xc6: {  	s31 =	sshll.u32 s1, $0xD;
	s1 =	sshrl.u32 s1, $0x2  }
0xc7: {  	s4 =	sand.u32 $0x4000, s31;
	s1 =	sadd.s32 s1, s30  }
0xc8: {  	s0 =	sor.u32 s4, s0;
	s1 =	sshll.u32 s1, $0x11  }
0xc9: {  	s0 =	sor.u32 s1, s0  }
0xca: {  	s0 =	sadd.s32 $0x8F2B, s0  }
0xcb: {  	[sflag:s0] =	ssyncadd.remote.s32 $0x1  }
0xcc: {  	_ =	sfence.sel $0xFFFF  }
0xcd: {  	[dreg:$0x0] =	wrdreg $0xFFFFFFFF;
	(pc) =	sbr.abs _section_cstart, $3  }
0xce: {  	[dreg:$0x1] =	wrdreg $0xFFFFFFFF  }
0xcf: {  	_ =	task.clear_ibuf [dreg:s22], $0x2FFFF;
	_ =	strace $0x9FFFFFFF  }
0xd0: {  	(tm) =	ssettm $0x7FFFFFFF  }
0xd1: {  	_ =	shalt  }
tec
execute0_lowered:
.L_overlay_start_1:
0x0: {  	(tag) =	ssettag $0x1  }
0x1: {  	s2 =	simm.s32 $0x0;
	v50 =	vlaneseq.u32  }
0x2: {  	[smem:$0x7FF] =	sst s2;
	v0 =	vmul.u32 $0x20, v50;
	v1 =	vor.u32 $0xFFFFFFE8, v50  }
0x3: {  	s0 =	rddreg [dreg:$0x0];
	v63 =	vmul.u32 $0x32, v50;
	_ =	strace $0x8000004A;
	[tilespmem:$0x1FE40] =	vst v1  }
0x4: {  	[tilespmem:$0x1FFD0] =	vst v0  }
0x5: {  	v38 =	vor.u32 $0x1, v0;
	[tilespmem:$0x1FFF0] =	vst v63  }
0x6: {  	v39 =	vor.u32 $0x2, v0;
	[tilespmem:$0x1FE50] =	vst v38  }
0x7: {  	v40 =	vor.u32 $0x3, v0;
	[tilespmem:$0x1FE60] =	vst v39  }
0x8: {  	v41 =	vor.u32 $0x4, v0;
	[tilespmem:$0x1FE70] =	vst v40  }
0x9: {  	v42 =	vor.u32 $0x5, v0;
	[tilespmem:$0x1FE80] =	vst v41  }
0xa: {  	v43 =	vor.u32 $0x6, v0;
	[tilespmem:$0x1FE90] =	vst v42  }
0xb: {  	v44 =	vor.u32 $0x7, v0;
	[tilespmem:$0x1FEA0] =	vst v43  }
0xc: {  	v45 =	vor.u32 $0x8, v0;
	[tilespmem:$0x1FEB0] =	vst v44  }
0xd: {  	s1 =	srdreg.scid;
	s3 =	stileid.u32;
	s18 =	simm.s32 $0xC80;
	v46 =	vor.u32 $0x9, v0;
	[tilespmem:$0x1FEC0] =	vst v45  }
0xe: {  	s19 =	simm.s32 $0x7;
	s28 =	simm.s32 $0x2;
	s1 =	sand.u32 $0x1, s1;
	v47 =	vor.u32 $0xA, v0;
	[tilespmem:$0x1FED0] =	vst v46  }
0xf: {  	s29 =	simm.s32 $0x7380;
	s3 =	sshll.u32 s3, $0x8;
	s4 =	sshll.u32 s1, $0x7;
	v48 =	vor.u32 $0xB, v0;
	[tilespmem:$0x1FEE0] =	vst v47  }
0x10: {  	s30 =	simm.s32 $0x3;
	s31 =	simm.s32 $0x5;
	s8 =	sor.u32 s4, s3;
	v49 =	vor.u32 $0xC, v0;
	[tilespmem:$0x1FEF0] =	vst v48  }
0x11: {  	s14 =	simm.s32 $0x0;
	s5 =	sadd.s32 $0x4000, s0;
	v51 =	vor.u32 $0xD, v0;
	s3 =	smul.u32 $0x6, s8;
	[tilespmem:$0x1FF00] =	vst v49  }
0x12: {  	s6 =	sadd.s32 $0x29800, s0;
	s1 =	ssub.s32 $0x2, s1;
	v52 =	vor.u32 $0xE, v0;
	s9 =	smul.u32 $0x12C, s8;
	[tilespmem:$0x1FF10] =	vst v51  }
0x13: {  	s4 =	sadd.s32 $0x92BC00, s0;
	s20 =	sshrl.u32 s1, $0x1;
	v53 =	vor.u32 $0xF, v0;
	s8 =	smul.u32 $0x18, s8;
	[tilespmem:$0x1FF20] =	vst v52  }
0x14: {  	v54 =	vor.u32 $0x10, v0;
	[tilespmem:$0x1FF30] =	vst v53;
	s7 =	sshrl.u32 s3, $0x3;
	s21 =	sshrl.u32 s9, $0x3;
	s15 =	sadd.s32 $0x640, s9  }
0x15: {  	v55 =	vor.u32 $0x11, v0;
	[tilespmem:$0x1FF40] =	vst v54;
	s16 =	sadd.s32 $0x960, s9;
	s10 =	sadd.s32 s7, s0;
	s7 =	sadd.s32 $0x4FC00, s0  }
0x16: {  	v56 =	vor.u32 $0x12, v0;
	[tilespmem:$0x1FF50] =	vst v55;
	s0 =	ssub.s32 s1, s20;
	s22 =	sadd.s32 s5, s21;
	s23 =	sadd.s32 $0x64, s21  }
0x17: {  	v57 =	vor.u32 $0x13, v0;
	[tilespmem:$0x1FF60] =	vst v56;
	s1 =	sadd.s32 s6, s21;
	s20 =	simm.s32 $0x640;
	[dreg:$0x3] =	wrdreg s22  }
0x18: {  	v58 =	vor.u32 $0x14, v0;
	[tilespmem:$0x1FF70] =	vst v57;
	s21 =	simm.s32 $0x320;
	s10 =	sadd.s32 $0x4F000, s10;
	[dreg:$0x4] =	wrdreg s1  }
0x19: {  	v59 =	vor.u32 $0x15, v0;
	[tilespmem:$0x1FF80] =	vst v58;
	s24 =	sadd.s32 s5, s23;
	s12 =	sadd.s32 s7, s8;
	s25 =	sadd.s32 s6, s23  }
0x1a: {  	v60 =	vor.u32 $0x16, v0;
	[tilespmem:$0x1FF90] =	vst v59;
	s0 =	smax.u32 s0, $0x1;
	s22 =	simm.s32 $0x960;
	[dreg:$0x2] =	wrdreg s10  }
0x1b: {  	v61 =	vor.u32 $0x17, v0;
	[tilespmem:$0x1FFA0] =	vst v60;
	s23 =	simm.s32 $0xD780;
	s1 =	simm.s32 $0x6;
	[dreg:$0x5] =	wrdreg s24  }
0x1c: {  	v62 =	vor.u32 $0x18, v0;
	[tilespmem:$0x1FFB0] =	vst v61;
	s8 =	simm.s32 $0x0;
	[dreg:$0x6] =	wrdreg s25;
	s26 =	sadd.s32 $0x40, s12  }
0x1d: {  	v0 =	vor.u32 $0x19, v0;
	[tilespmem:$0x1FFC0] =	vst v62;
	[dreg:$0x8] =	wrdreg s0;
	s24 =	simm.s32 $0xD980;
	s25 =	simm.s32 $0x1  }
0x1e: {  	[tilespmem:$0x1FFE0] =	vst v0;
	s0 =	simm.s32 $0x4;
	[dreg:$0x7] =	wrdreg s26;
	s26 =	simm.s32 $0xF80  }
.LBB2_1:
0x1f: {  	s9 =	rddreg [dreg:$0x2]  }
0x20: {  	[tilespmem:s18], [sflag:$0x7] =	stream.linear.gather [hbm4b:s9+s2], $0x300, $0x38;
	[tilespmem:$0xDB80] =	vst v63  }
0x21: {  	_ =	swait.ge [sflag:s19], $0x300  }
0x22: {  	[sflag:s19] =	ssyncset.done $0x0  }
0x23: {  	s17 =	rddreg [dreg:$0x3];
	[sflag:s19] =	ssyncadd.s32 $0xFFFFFD00  }
0x24: {  	[tilespmem:s2], [sflag:$0x1] =	stream.linear.gather [hbm4b:s17+s2], $0x320, $0x38;
	[tilespmem:$0xDB80] =	vst v63  }
0x25: {  	s10 =	rddreg [dreg:$0x4]  }
0x26: {  	[tilespmem:s20], [sflag:$0x1] =	stream.linear.gather [hbm4b:s10+s2], $0x320, $0x38;
	[tilespmem:$0xDB80] =	vst v63  }
0x27: {  	s11 =	rddreg [dreg:$0x5]  }
0x28: {  	[tilespmem:s21], [sflag:$0x2] =	stream.linear.gather [hbm4b:s11+s2], $0x320, $0x38;
	[tilespmem:$0xDB80] =	vst v63  }
0x29: {  	s13 =	rddreg [dreg:$0x6]  }
0x2a: {  	[tilespmem:s22], [sflag:$0x2] =	stream.linear.gather [hbm4b:s13+s2], $0x320, $0x38;
	[tilespmem:$0xDB80] =	vst v63  }
0x2b: {  	_ = 	snop  }
0x2c: {  	[hbm4b:s12+s2] =	stream.linear.scatter [tilespmem:s23], [sflag:$0x5], $0x200, $0x38;
	[tilespmem:$0xDB80] =	vst v63  }
0x2d: {  	s9 =	simm.s32 $0x0;
	s17 =	rddreg [dreg:$0x7]  }
0x2e: {  	[hbm4b:s17+s2] =	stream.linear.scatter [tilespmem:s24], [sflag:$0x6], $0x200, $0x38;
	[tilespmem:$0xDB80] =	vst v63  }
.LBB2_2:
0x2f: {  	_ =	swait.ge [sflag:s25], $0x320  }
0x30: {  	[sflag:s25] =	ssyncset.done $0x0  }
0x31: {  	[sflag:s25] =	ssyncadd.s32 $0xFFFFFCE0  }
0x32: {  	_ =	swait.ge [sflag:s25], $0x320  }
0x33: {  	[sflag:s25] =	ssyncset.done $0x0  }
0x34: {  	s10 =	simm.s32 $0x0;
	[sflag:s25] =	ssyncadd.s32 $0xFFFFFCE0  }
0x35: {  	[tilespmem:s26], [sflag:$0x3] =	stream.indirect.gather [hbm4b:s4+s21], $0x20, s10, s21, $0xb8;
	[tilespmem:$0xDB80] =	vst v63  }
0x36: {  	_ =	swait.ge [sflag:s28], $0x320  }
0x37: {  	[sflag:s28] =	ssyncset.done $0x0  }
0x38: {  	[sflag:s28] =	ssyncadd.s32 $0xFFFFFCE0  }
0x39: {  	_ =	swait.ge [sflag:s28], $0x320  }
0x3a: {  	[sflag:s28] =	ssyncset.done $0x0  }
0x3b: {  	v0 =	vadd.s32 s10, v63;
	[sflag:s28] =	ssyncadd.s32 $0xFFFFFCE0  }
0x3c: {  	v46 =	vshll.u32 v0, $0x5;
	[tilespmem:s29], [sflag:$0x4] =	stream.indirect.gather [hbm4b:s4+s21], $0x20, s21, s21, $0xb8;
	[tilespmem:$0xDB80] =	vst v63  }
0x3d: {  	v3 =	vor.u32 $0x1F, v46;
	_ =	swait.ge [sflag:s30], $0x6400  }
0x3e: {  	v4 =	vor.u32 $0x1, v46;
	[sflag:s30] =	ssyncset.done $0x0  }
0x3f: {  	v5 =	vor.u32 $0x2, v46;
	s10 =	sshll.u32 s9, $0x5;
	[sflag:s30] =	ssyncadd.s32 $0xFFFF9C00  }
0x40: {  	v6 =	vor.u32 $0x3, v46;
	v1 =	vor.u32 s10, v50;
	v7 =	vld.idx.msk [tilespmem:v0+s2+$0x0], $0xffff  }
0x41: {  	v9 =	vor.u32 $0x4, v46;
	v8 =	vmulhi.u32 $0x2AAAAAAB, v1;
	v0 =	vld.idx.msk [tilespmem:v0+s20+$0x0], $0xffff  }
0x42: {  	v49 =	vimm.f32 $0.0e+00;
	v10 =	vor.u32 $0x5, v46;
	v11 =	vld.idx.msk [tilespmem:v3+s26+$0x0], $0xffff  }
0x43: {  	v60 =	vimm.f32 $0.0e+00;
	v12 =	vor.u32 $0x7, v46;
	v3 =	vmul.u32 $0x6, v8;
	v4 =	vld.idx.msk [tilespmem:v4+s26+$0x0], $0xffff  }
0x44: {  	v59 =	vimm.f32 $0.0e+00;
	v58 =	vimm.f32 $0.0e+00;
	v13 =	vor.u32 $0x8, v46;
	v5 =	vld.idx.msk [tilespmem:v5+s26+$0x0], $0xffff  }
0x45: {  	v15 =	vor.u32 $0xB, v46;
	v8 =	vor.u32 $0x6, v46;
	v14 =	vld.idx.msk [tilespmem:v6+s26+$0x0], $0xffff;
	v3 =	vsub.s32 v1, v3  }
0x46: {  	v16 =	vor.u32 $0xC, v46;
	[tilespmem:$0x1FDC0] =	vst v1;
	v9 =	vld.idx.msk [tilespmem:v9+s26+$0x0], $0xffff;
	v1 =	vmul.u32 $0x186A0, v3;
	v3 =	vor.u32 $0x9, v46  }
0x47: {  	v17 =	vor.u32 $0xD, v46;
	v18 =	vor.u32 $0xE, v46;
	v19 =	vor.u32 $0xF, v46;
	v10 =	vld.idx.msk [tilespmem:v10+s26+$0x0], $0xffff  }
0x48: {  	v20 =	vor.u32 $0x10, v46;
	v29 =	vor.u32 $0x11, v46;
	v6 =	vor.u32 $0xA, v46;
	v12 =	vld.idx.msk [tilespmem:v12+s26+$0x0], $0xffff  }
0x49: {  	v30 =	vor.u32 $0x12, v46;
	v31 =	vor.u32 $0x13, v46;
	v32 =	vor.u32 $0x14, v46;
	v13 =	vld.idx.msk [tilespmem:v13+s26+$0x0], $0xffff  }
0x4a: {  	v33 =	vor.u32 $0x15, v46;
	v45 =	vor.u32 $0x16, v46;
	v8 =	vld.idx.msk [tilespmem:v8+s26+$0x0], $0xffff;
	vm0 =	veq.s32 v7, v1  }
0x4b: {  	v48 =	vor.u32 $0x17, v46;
	v52 =	vor.u32 $0x18, v46;
	v36 =	vld.idx.msk [tilespmem:v3+s26+$0x0], $0xffff;
	v3 =	vsel vm0, $0x0, v0  }
0x4c: {  	v53 =	vor.u32 $0x19, v46;
	v55 =	vor.u32 $0x1A, v46;
	v15 =	vld.idx.msk [tilespmem:v15+s26+$0x0], $0xffff;
	v4 =	vmul.f32 v4, v3  }
0x4d: {  	v61 =	vor.u32 $0x1B, v46;
	v0 =	vld.idx.msk [tilespmem:v6+s26+$0x0], $0xffff;
	v11 =	vmul.f32 v11, v3;
	v5 =	vmul.f32 v5, v3  }
0x4e: {  	v16 =	vld.idx.msk [tilespmem:v16+s26+$0x0], $0xffff;
	[tilespmem:$0x1FDD0] =	vst v1;
	v7 =	vor.u32 $0x1D, v46;
	v57 =	vadd.f32 v4, v49;
	v4 =	vmul.f32 v9, v3  }
0x4f: {  	v1 =	vadd.f32 v11, v49;
	v11 =	vld.idx.msk [tilespmem:v17+s26+$0x0], $0xffff;
	v56 =	vadd.f32 v5, v49;
	v5 =	vmul.f32 v10, v3  }
0x50: {  	v8 =	vmul.f32 v8, v3;
	v9 =	vld.idx.msk [tilespmem:v18+s26+$0x0], $0xffff;
	v51 =	vadd.f32 v4, v49;
	v4 =	vmul.f32 v12, v3  }
0x51: {  	v14 =	vmul.f32 v14, v3;
	v10 =	vld.idx.msk [tilespmem:v19+s26+$0x0], $0xffff;
	v50 =	vadd.f32 v5, v49;
	v5 =	vmul.f32 v13, v3  }
0x52: {  	v47 =	vadd.f32 v8, v49;
	v8 =	vld.idx.msk [tilespmem:v29+s26+$0x0], $0xffff;
	v0 =	vmul.f32 v0, v3;
	v41 =	vadd.f32 v4, v49  }
0x53: {  	v12 =	vld.idx.msk [tilespmem:v20+s26+$0x0], $0xffff;
	v4 =	vmul.f32 v36, v3;
	v42 =	vadd.f32 v5, v49;
	v5 =	vmul.f32 v15, v3  }
0x54: {  	v54 =	vadd.f32 v14, v49;
	v13 =	vld.idx.msk [tilespmem:v30+s26+$0x0], $0xffff;
	v40 =	vadd.f32 v0, v49;
	v0 =	vmul.f32 v11, v3  }
0x55: {  	v43 =	vadd.f32 v4, v49;
	v39 =	vadd.f32 v5, v49;
	v4 =	vmul.f32 v9, v3;
	v5 =	vld.idx.msk [tilespmem:v32+s26+$0x0], $0xffff  }
0x56: {  	v14 =	vmul.f32 v16, v3;
	v9 =	vld.idx.msk [tilespmem:v33+s26+$0x0], $0xffff;
	v32 =	vadd.f32 v0, v49;
	v0 =	vmul.f32 v10, v3  }
0x57: {  	s11 =	simm.s32 $0x1;
	v6 =	vor.u32 $0x1C, v46;
	[tilespmem:$0x1FDE0] =	vst v1;
	v15 =	vld.idx.msk [tilespmem:v31+s26+$0x0], $0xffff;
	v1 =	vadd.f32 v4, v49;
	v4 =	vmul.f32 v8, v3  }
0x58: {  	v16 =	vadd.s32 s11, v63;
	v10 =	vmul.f32 v12, v3;
	v0 =	vadd.f32 v0, v49  }
0x59: {  	v38 =	vadd.f32 v14, v49;
	v11 =	vld.idx.msk [tilespmem:v55+s26+$0x0], $0xffff;
	v55 =	vimm.f32 $0.0e+00;
	[tilespmem:$0x1FDF0] =	vst v1;
	v1 =	vadd.f32 v4, v49  }
0x5a: {  	v12 =	vld.idx.msk [tilespmem:v61+s26+$0x0], $0xffff;
	v8 =	vmul.f32 v13, v3;
	v13 =	vor.u32 $0x1E, v46;
	[tilespmem:$0x1FE00] =	vst v0;
	v0 =	vadd.f32 v10, v49  }
0x5b: {  	v4 =	vimm.f32 $0.0e+00;
	v17 =	vmul.f32 v5, v3;
	v10 =	vld.idx.msk [tilespmem:v52+s26+$0x0], $0xffff;
	v14 =	vmul.f32 v9, v3;
	[tilespmem:$0x1FE20] =	vst v1  }
0x5c: {  	v5 =	vimm.f32 $0.0e+00;
	v9 =	vld.idx.msk [tilespmem:v53+s26+$0x0], $0xffff;
	v1 =	vadd.f32 v8, v49;
	[tilespmem:$0x1FE10] =	vst v0;
	v0 =	vmul.f32 v15, v3  }
0x5d: {  	v53 =	vimm.f32 $0.0e+00;
	v52 =	vimm.f32 $0.0e+00;
	v8 =	vld.idx.msk [tilespmem:v48+s26+$0x0], $0xffff;
	v48 =	vimm.f32 $0.0e+00  }
0x5e: {  	s11 =	simm.s32 $0x2;
	v15 =	vld.idx.msk [tilespmem:v45+s26+$0x0], $0xffff;
	v45 =	vimm.f32 $0.0e+00;
	[tilespmem:$0x1FE30] =	vst v1;
	v62 =	vadd.f32 v0, v49;
	v0 =	vimm.f32 $0.0e+00  }
.LBB2_3:
0x5f: {  	_ =	sdelay $0x1  }
0x60: {  	v18 =	vshll.u32 v16, $0x5  }
0x61: {  	v49 =	vadd.f32 v17, v49;
	v17 =	vld.idx.msk [tilespmem:v6+s26+$0x0], $0xffff;
	v6 =	vor.u32 $0x1, v18;
	_ =	sdelay $0x3  }
0x62: {  	v25 =	vld.idx.msk [tilespmem:v46+s26+$0x0], $0xffff;
	v46 =	vmov v18  }
0x63: {  	v29 =	vld.idx.msk [tilespmem:v6+s26+$0x0], $0xffff;
	v6 =	vor.u32 $0x14, v46  }
0x64: {  	[tilespmem:$0x1FD40] =	vst v6;
	v6 =	vor.u32 $0x15, v46  }
0x65: {  	[tilespmem:$0x1FD50] =	vst v6;
	v6 =	vor.u32 $0x16, v46  }
0x66: {  	[tilespmem:$0x1FD60] =	vst v6;
	v6 =	vor.u32 $0x17, v46  }
0x67: {  	v61 =	vld.idx.msk [tilespmem:v7+s26+$0x0], $0xffff;
	v28 =	vor.u32 $0xC, v46;
	[tilespmem:$0x1FD70] =	vst v6;
	v6 =	vor.u32 $0x18, v46  }
0x68: {  	v21 =	vld.idx.msk [tilespmem:v13+s26+$0x0], $0xffff;
	[tilespmem:$0x1FD80] =	vst v6;
	v6 =	vor.u32 $0x19, v46  }
0x69: {  	v13 =	vld.idx.msk [tilespmem:v16+s2+$0x0], $0xffff;
	v20 =	vor.u32 $0x1F, v18;
	[tilespmem:$0x1FD90] =	vst v6;
	v6 =	vor.u32 $0x1A, v46  }
0x6a: {  	v19 =	vor.u32 $0x2, v18;
	[tilespmem:$0x1FDA0] =	vst v6;
	v6 =	vld [tilespmem:$0x1FDD0]  }
0x6b: {  	v16 =	vld.idx.msk [tilespmem:v16+s20+$0x0], $0xffff;
	v7 =	vor.u32 $0x3, v18  }
0x6c: {  	v36 =	vmov v63;
	v63 =	vor.u32 $0x5, v18;
	v28 =	vld.idx.msk [tilespmem:v28+s26+$0x0], $0xffff;
	_ =	sdelay $0x1  }
0x6d: {  	v20 =	vld.idx.msk [tilespmem:v20+s26+$0x0], $0xffff  }
0x6e: {  	v37 =	vmovc v62;
	v10 =	vmul.f32 v10, v3;
	v62 =	vor.u32 $0x4, v18;
	v19 =	vld.idx.msk [tilespmem:v19+s26+$0x0], $0xffff;
	vm0 =	veq.s32 v13, v6  }
0x6f: {  	v24 =	vor.u32 $0x8, v18;
	v33 =	vld.idx.msk [tilespmem:v7+s26+$0x0], $0xffff;
	v16 =	vsel vm0, $0x0, v16  }
0x70: {  	v23 =	vor.u32 $0x7, v18;
	v59 =	vadd.f32 v10, v59;
	v63 =	vld.idx.msk [tilespmem:v63+s26+$0x0], $0xffff;
	v10 =	vmul.f32 v28, v16  }
0x71: {  	v5 =	vadd.f32 v14, v5;
	v14 =	vmul.f32 v29, v16;
	v29 =	vld [tilespmem:$0x1FDE0]  }
0x72: {  	v15 =	vmul.f32 v15, v3;
	v27 =	vor.u32 $0xB, v46;
	v38 =	vadd.f32 v10, v38;
	v10 =	vld [tilespmem:$0x1FD40]  }
0x73: {  	v22 =	vor.u32 $0x6, v18;
	v18 =	vor.u32 $0x9, v46;
	v62 =	vld.idx.msk [tilespmem:v62+s26+$0x0], $0xffff  }
0x74: {  	v34 =	vor.u32 $0xE, v46;
	v4 =	vadd.f32 v15, v4;
	v15 =	vmul.f32 v19, v16;
	v19 =	vld.idx.msk [tilespmem:v24+s26+$0x0], $0xffff  }
0x75: {  	v44 =	vor.u32 $0x10, v46;
	v23 =	vld.idx.msk [tilespmem:v23+s26+$0x0], $0xffff;
	v20 =	vmul.f32 v20, v16  }
0x76: {  	v8 =	vmul.f32 v8, v3;
	v9 =	vmul.f32 v9, v3;
	v56 =	vadd.f32 v15, v56  }
0x77: {  	v15 =	vmul.f32 v63, v16;
	v24 =	vadd.f32 v20, v29;
	v29 =	vmul.f32 v33, v16;
	v33 =	vld.idx.msk [tilespmem:v27+s26+$0x0], $0xffff  }
0x78: {  	v11 =	vmul.f32 v11, v3;
	v18 =	vld.idx.msk [tilespmem:v18+s26+$0x0], $0xffff;
	v57 =	vadd.f32 v14, v57;
	v14 =	vmul.f32 v62, v16  }
0x79: {  	v12 =	vmul.f32 v12, v3;
	v50 =	vadd.f32 v15, v50;
	v15 =	vmul.f32 v19, v16;
	v19 =	vld.idx.msk [tilespmem:v34+s26+$0x0], $0xffff  }
0x7a: {  	v55 =	vadd.f32 v11, v55;
	v51 =	vadd.f32 v14, v51;
	v14 =	vmul.f32 v23, v16;
	v11 =	vld.idx.msk [tilespmem:v10+s26+$0x0], $0xffff  }
0x7b: {  	v26 =	vor.u32 $0xA, v46;
	v25 =	vmul.f32 v25, v3;
	v17 =	vmul.f32 v17, v3;
	v10 =	vld [tilespmem:$0x1FDF0]  }
0x7c: {  	v60 =	vadd.f32 v8, v60;
	v41 =	vadd.f32 v14, v41;
	v8 =	vmul.f32 v33, v16  }
0x7d: {  	v54 =	vadd.f32 v29, v54;
	v29 =	vmul.f32 v61, v3;
	v3 =	vmul.f32 v21, v3  }
0x7e: {  	v14 =	vmul.f32 v18, v16;
	v18 =	vld.idx.msk [tilespmem:v44+s26+$0x0], $0xffff;
	v39 =	vadd.f32 v8, v39;
	v8 =	vmul.f32 v19, v16  }
0x7f: {  	v1 =	vor.u32 $0xD, v46;
	v45 =	vadd.f32 v3, v45;
	v3 =	vld [tilespmem:$0x1FE10]  }
0x80: {  	v2 =	vor.u32 $0xF, v46;
	v10 =	vadd.f32 v8, v10;
	v8 =	vld [tilespmem:$0x1FD60]  }
0x81: {  	v35 =	vor.u32 $0x11, v46;
	[tilespmem:$0x1FDE0] =	vst v24;
	v24 =	vld.idx.msk [tilespmem:v26+s26+$0x0], $0xffff;
	_ =	sdelay $0x1  }
0x82: {  	[tilespmem:$0x1FDF0] =	vst v10;
	v10 =	vmul.f32 v18, v16  }
0x83: {  	v1 =	vld.idx.msk [tilespmem:v1+s26+$0x0], $0xffff  }
0x84: {  	v2 =	vld.idx.msk [tilespmem:v2+s26+$0x0], $0xffff;
	v3 =	vadd.f32 v10, v3  }
0x85: {  	v42 =	vadd.f32 v15, v42;
	v43 =	vadd.f32 v14, v43;
	v14 =	vld.idx.msk [tilespmem:v35+s26+$0x0], $0xffff;
	v15 =	vmul.f32 v24, v16  }
0x86: {  	[tilespmem:$0x1FE10] =	vst v3;
	v3 =	vld [tilespmem:$0x1FD80]  }
0x87: {  	v31 =	vor.u32 $0x13, v46;
	v40 =	vadd.f32 v15, v40;
	v15 =	vld.idx.msk [tilespmem:v8+s26+$0x0], $0xffff  }
0x88: {  	v8 =	vld [tilespmem:$0x1FE00]  }
0x89: {  	v30 =	vor.u32 $0x12, v46;
	v1 =	vmul.f32 v1, v16;
	_ =	sdelay $0x1  }
0x8a: {  	v22 =	vld.idx.msk [tilespmem:v22+s26+$0x0], $0xffff;
	v32 =	vadd.f32 v1, v32;
	v1 =	vmul.f32 v2, v16  }
0x8b: {  	v58 =	vadd.f32 v9, v58;
	v9 =	vld.idx.msk [tilespmem:v31+s26+$0x0], $0xffff  }
0x8c: {  	v8 =	vadd.f32 v1, v8;
	v1 =	vmul.f32 v14, v16;
	v14 =	vld [tilespmem:$0x1FE20]  }
0x8d: {  	v62 =	vld.idx.msk [tilespmem:v30+s26+$0x0], $0xffff  }
0x8e: {  	v2 =	vld [tilespmem:$0x1FD50]  }
0x8f: {  	v10 =	vld.idx.msk [tilespmem:v3+s26+$0x0], $0xffff  }
0x90: {  	v52 =	vadd.f32 v17, v52;
	v6 =	vor.u32 $0x1B, v46;
	v3 =	vmov v16;
	[tilespmem:$0x1FE00] =	vst v8;
	v8 =	vld [tilespmem:$0x1FD70]  }
0x91: {  	v17 =	vmul.f32 v11, v3;
	v11 =	vld [tilespmem:$0x1FDA0];
	v14 =	vadd.f32 v1, v14;
	v1 =	vmul.f32 v9, v3  }
0x92: {  	[tilespmem:$0x1FDB0] =	vst v6;
	v9 =	vld [tilespmem:$0x1FD90]  }
0x93: {  	v53 =	vadd.f32 v12, v53;
	v12 =	vmul.f32 v62, v16;
	v62 =	vadd.f32 v1, v37;
	v1 =	vld [tilespmem:$0x1FDB0]  }
0x94: {  	[tilespmem:$0x1FE20] =	vst v14;
	v14 =	vld [tilespmem:$0x1FE30];
	_ =	sdelay $0x1  }
0x95: {  	p0 =	sne.s32 s11, $0x31;
	v2 =	vld.idx.msk [tilespmem:v2+s26+$0x0], $0xffff  }
.Ltmp0:
0x96: {  	_ = 	snop;
	(pc) =	sbr.rel @p0 .LBB2_3-.Ltmp0, $4  }
0x97: {  	v27 =	vmul.f32 v22, v16;
	v8 =	vld.idx.msk [tilespmem:v8+s26+$0x0], $0xffff  }
0x98: {  	v7 =	vor.u32 $0x1D, v46;
	v0 =	vadd.f32 v25, v0;
	v11 =	vld.idx.msk [tilespmem:v11+s26+$0x0], $0xffff;
	v14 =	vadd.f32 v12, v14  }
0x99: {  	v13 =	vor.u32 $0x1E, v46;
	v6 =	vor.u32 $0x1C, v46;
	v63 =	vmovc v36;
	v47 =	vadd.f32 v27, v47;
	v9 =	vld.idx.msk [tilespmem:v9+s26+$0x0], $0xffff  }
0x9a: {  	v48 =	vadd.f32 v29, v48;
	v16 =	vadd.s32 s11, v36;
	s11 =	sadd.s32 $0x1, s11;
	[tilespmem:$0x1FE30] =	vst v14;
	v14 =	vmul.f32 v2, v3;
	v12 =	vld.idx.msk [tilespmem:v1+s26+$0x0], $0xffff  }
0x9b: {  	_ =	sdelay $0x3  }
0x9c: {  	v2 =	vld.idx.msk [tilespmem:v6+s26+$0x0], $0xffff  }
0x9d: {  	v18 =	vld.idx.msk [tilespmem:v7+s26+$0x0], $0xffff  }
0x9e: {  	v13 =	vld.idx.msk [tilespmem:v13+s26+$0x0], $0xffff  }
0x9f: {  	v1 =	vshll.u32 v16, $0x5;
	v20 =	vld.idx.msk [tilespmem:v46+s26+$0x0], $0xffff  }
0xa0: {  	v22 =	vld.idx.msk [tilespmem:v16+s2+$0x0], $0xffff  }
0xa1: {  	v16 =	vld.idx.msk [tilespmem:v16+s20+$0x0], $0xffff;
	v6 =	vor.u32 $0x1F, v1  }
0xa2: {  	v35 =	vld [tilespmem:$0x1FE40];
	v7 =	vor.u32 $0x1, v1;
	v8 =	vmul.f32 v8, v3  }
0xa3: {  	v37 =	vld [tilespmem:$0x1FDC0];
	v19 =	vor.u32 $0x2, v1;
	v9 =	vmul.f32 v9, v3  }
0xa4: {  	v21 =	vor.u32 $0x3, v1;
	v8 =	vadd.f32 v8, v60;
	v60 =	vld.idx.msk [tilespmem:v1+s26+$0x0], $0xffff  }
0xa5: {  	v23 =	vor.u32 $0x4, v1;
	v9 =	vadd.f32 v9, v58;
	v58 =	vld [tilespmem:$0x1FDF0]  }
0xa6: {  	v24 =	vor.u32 $0x5, v1;
	v25 =	vld.idx.msk [tilespmem:v6+s26+$0x0], $0xffff  }
0xa7: {  	v27 =	vor.u32 $0x8, v1;
	v26 =	vld.idx.msk [tilespmem:v7+s26+$0x0], $0xffff  }
0xa8: {  	v28 =	vor.u32 $0x9, v1;
	v19 =	vld.idx.msk [tilespmem:v19+s26+$0x0], $0xffff  }
0xa9: {  	v29 =	vor.u32 $0xA, v1;
	v21 =	vld.idx.msk [tilespmem:v21+s26+$0x0], $0xffff  }
0xaa: {  	v6 =	vor.u32 $0x6, v1;
	v23 =	vld.idx.msk [tilespmem:v23+s26+$0x0], $0xffff  }
0xab: {  	v24 =	vld.idx.msk [tilespmem:v24+s26+$0x0], $0xffff  }
0xac: {  	v30 =	vor.u32 $0xB, v1;
	v27 =	vld.idx.msk [tilespmem:v27+s26+$0x0], $0xffff  }
0xad: {  	v36 =	vor.u32 $0xC, v1;
	v28 =	vld.idx.msk [tilespmem:v28+s26+$0x0], $0xffff  }
0xae: {  	v35 =	vand.u32 v35, v37;
	v29 =	vld.idx.msk [tilespmem:v29+s26+$0x0], $0xffff  }
0xaf: {  	v34 =	vor.u32 $0xE, v1;
	v31 =	vld.idx.msk [tilespmem:v6+s26+$0x0], $0xffff  }
0xb0: {  	v15 =	vmul.f32 v15, v3;
	v5 =	vadd.f32 v14, v5;
	v14 =	vor.u32 $0x11, v1;
	v6 =	vld [tilespmem:$0x1FDD0]  }
0xb1: {  	v10 =	vmul.f32 v10, v3;
	v44 =	vor.u32 $0x14, v1;
	v7 =	vor.u32 $0x7, v1;
	v30 =	vld.idx.msk [tilespmem:v30+s26+$0x0], $0xffff  }
0xb2: {  	v4 =	vadd.f32 v15, v4;
	v11 =	vmul.f32 v11, v3;
	v12 =	vmul.f32 v12, v3;
	v36 =	vld.idx.msk [tilespmem:v36+s26+$0x0], $0xffff  }
0xb3: {  	v15 =	vor.u32 $0x12, v1;
	v20 =	vmul.f32 v20, v3;
	v2 =	vmul.f32 v2, v3;
	v35 =	vld.idx.msk [tilespmem:v35+s18+$0x0], $0xffff  }
0xb4: {  	v18 =	vmul.f32 v18, v3;
	v3 =	vmul.f32 v13, v3;
	v13 =	vor.u32 $0x18, v1;
	v34 =	vld.idx.msk [tilespmem:v34+s26+$0x0], $0xffff  }
0xb5: {  	v14 =	vld.idx.msk [tilespmem:v14+s26+$0x0], $0xffff;
	v0 =	vadd.f32 v20, v0;
	v20 =	vor.u32 $0x13, v1;
	vm0 =	veq.s32 v22, v6  }
0xb6: {  	v33 =	vld.idx.msk [tilespmem:v7+s26+$0x0], $0xffff;
	v7 =	vadd.f32 v17, v49;
	v17 =	vor.u32 $0xD, v1;
	v6 =	vsel vm0, $0x0, v16  }
0xb7: {  	v61 =	vor.u32 $0x17, v1;
	v44 =	vld.idx.msk [tilespmem:v44+s26+$0x0], $0xffff;
	v19 =	vmul.f32 v19, v6  }
0xb8: {  	v37 =	vor.u32 $0x19, v1;
	v15 =	vld.idx.msk [tilespmem:v15+s26+$0x0], $0xffff;
	v35 =	vcvt.s32.f32 v35;
	v26 =	vmul.f32 v26, v6  }
0xb9: {  	v13 =	vld.idx.msk [tilespmem:v13+s26+$0x0], $0xffff;
	v22 =	vor.u32 $0xF, v1;
	v19 =	vadd.f32 v19, v56;
	v56 =	vor.u32 $0x15, v1  }
0xba: {  	v20 =	vld.idx.msk [tilespmem:v20+s26+$0x0], $0xffff;
	v24 =	vmul.f32 v24, v6;
	v26 =	vadd.f32 v26, v57;
	v57 =	vor.u32 $0x16, v1  }
0xbb: {  	v17 =	vld.idx.msk [tilespmem:v17+s26+$0x0], $0xffff;
	v35 =	vmax.f32 v35, $1.000000000e+00;
	v21 =	vmul.f32 v21, v6;
	v31 =	vmul.f32 v31, v6  }
0xbc: {  	v16 =	vor.u32 $0x10, v1;
	(erf) = vrcp.f32 v35;
	v24 =	vadd.f32 v24, v50;
	v50 =	vld.idx.msk [tilespmem:v61+s26+$0x0], $0xffff  }
0xbd: {  	v21 =	vadd.f32 v21, v54;
	v31 =	vadd.f32 v31, v47;
	v54 =	vor.u32 $0x1A, v1;
	v47 =	vld.idx.msk [tilespmem:v37+s26+$0x0], $0xffff  }
0xbe: {  	v46 =	vld.idx.msk [tilespmem:v56+s26+$0x0], $0xffff;
	v56 =	vor.u32 $0x1B, v1  }
0xbf: {  	v49 =	vld.idx.msk [tilespmem:v57+s26+$0x0], $0xffff;
	v57 =	vor.u32 $0x1C, v1  }
0xc0: {  	v61 =	vor.u32 $0x1D, v1;
	v22 =	vld.idx.msk [tilespmem:v22+s26+$0x0], $0xffff  }
0xc1: {  	v30 =	vmul.f32 v30, v6;
	v16 =	vld.idx.msk [tilespmem:v16+s26+$0x0], $0xffff;
	v1 =	vor.u32 $0x1E, v1  }
0xc2: {  	v35 =	vld.idx.msk [tilespmem:v54+s26+$0x0], $0xffff  }
0xc3: {  	v30 =	vadd.f32 v30, v39;
	v39 =	vld.idx.msk [tilespmem:v56+s26+$0x0], $0xffff  }
0xc4: {  	v54 =	vld.idx.msk [tilespmem:v57+s26+$0x0], $0xffff  }
0xc5: {  	v56 =	vld.idx.msk [tilespmem:v61+s26+$0x0], $0xffff;
	v57 =	vpop (erf)  }
0xc6: {  	v1 =	vld.idx.msk [tilespmem:v1+s26+$0x0], $0xffff;
	_ =	swait.ge [sflag:s31], $0x200  }
0xc7: {  	v61 =	vld [tilespmem:$0x1FFD0];
	_ =	sdelay $0x1  }
0xc8: {  	v11 =	vadd.f32 v11, v55;
	v55 =	vmul.f32 v60, v6;
	_ =	sdelay $0x1  }
0xc9: {  	v0 =	vadd.f32 v55, v0;
	_ =	sdelay $0x1  }
0xca: {  	v0 =	vmul.f32 v57, v0;
	[sflag:s31] =	ssyncset.done $0x0  }
0xcb: {  	[sflag:s31] =	ssyncadd.s32 $0xFFFFFE00  }
0xcc: {  	[tilespmem:v61+s23+$0x0] =	vst.idx.msk $0xffff, v0;
	v0 =	vmul.f32 v57, v19;
	v19 =	vld [tilespmem:$0x1FE20];
	_ =	sdelay $0x2  }
0xcd: {  	v14 =	vmul.f32 v14, v6;
	_ =	sdelay $0x1  }
0xce: {  	v14 =	vadd.f32 v14, v19;
	v19 =	vld [tilespmem:$0x1FE50];
	_ =	sdelay $0x5  }
0xcf: {  	v26 =	vmul.f32 v57, v26;
	_ =	sdelay $0x1  }
0xd0: {  	[tilespmem:v19+s23+$0x0] =	vst.idx.msk $0xffff, v26;
	v19 =	vmul.f32 v57, v21;
	v21 =	vld [tilespmem:$0x1FE60];
	_ =	sdelay $0x7  }
0xd1: {  	[tilespmem:v21+s23+$0x0] =	vst.idx.msk $0xffff, v0;
	v21 =	vld [tilespmem:$0x1FE30];
	_ =	sdelay $0x1  }
0xd2: {  	v23 =	vmul.f32 v23, v6  }
0xd3: {  	v15 =	vmul.f32 v15, v6  }
0xd4: {  	v23 =	vadd.f32 v23, v51  }
0xd5: {  	v15 =	vadd.f32 v15, v21;
	v21 =	vld [tilespmem:$0x1FE70]  }
0xd6: {  	v0 =	vmul.f32 v57, v23;
	v23 =	vld [tilespmem:$0x1FE80];
	_ =	sdelay $0x6  }
0xd7: {  	v20 =	vmul.f32 v20, v6;
	[tilespmem:v21+s23+$0x0] =	vst.idx.msk $0xffff, v19  }
0xd8: {  	v21 =	vmul.f32 v44, v6;
	[tilespmem:v23+s23+$0x0] =	vst.idx.msk $0xffff, v0;
	v23 =	vld [tilespmem:$0x1FE90]  }
0xd9: {  	v20 =	vadd.f32 v20, v62;
	v62 =	vld [tilespmem:$0x1FEA0]  }
0xda: {  	v7 =	vadd.f32 v21, v7;
	v21 =	vld [tilespmem:$0x1FEB0];
	_ =	sdelay $0x1  }
0xdb: {  	v33 =	vmul.f32 v33, v6;
	_ =	sdelay $0x1  }
0xdc: {  	v28 =	vmul.f32 v28, v6;
	v33 =	vadd.f32 v33, v41;
	v19 =	vmul.f32 v57, v24  }
0xdd: {  	v0 =	vmul.f32 v57, v31  }
0xde: {  	v28 =	vadd.f32 v28, v43;
	[tilespmem:v23+s23+$0x0] =	vst.idx.msk $0xffff, v19;
	v19 =	vmul.f32 v57, v33  }
0xdf: {  	v23 =	vmul.f32 v46, v6;
	[tilespmem:v62+s23+$0x0] =	vst.idx.msk $0xffff, v0  }
0xe0: {  	[tilespmem:v21+s23+$0x0] =	vst.idx.msk $0xffff, v19;
	v19 =	vmul.f32 v57, v28;
	v28 =	vld [tilespmem:$0x1FEC0]  }
0xe1: {  	v5 =	vadd.f32 v23, v5;
	v23 =	vld [tilespmem:$0x1FED0]  }
0xe2: {  	v27 =	vmul.f32 v27, v6;
	_ =	sdelay $0x1  }
0xe3: {  	v27 =	vadd.f32 v27, v42;
	_ =	sdelay $0x1  }
0xe4: {  	v0 =	vmul.f32 v57, v27;
	v21 =	vmul.f32 v49, v6;
	_ =	sdelay $0x1  }
0xe5: {  	v4 =	vadd.f32 v21, v4;
	v21 =	vld [tilespmem:$0x1FEE0];
	[tilespmem:v28+s23+$0x0] =	vst.idx.msk $0xffff, v0  }
0xe6: {  	[tilespmem:v23+s23+$0x0] =	vst.idx.msk $0xffff, v19;
	v23 =	vld [tilespmem:$0x1FEF0]  }
0xe7: {  	v29 =	vmul.f32 v29, v6;
	_ =	sdelay $0x1  }
0xe8: {  	v29 =	vadd.f32 v29, v40;
	_ =	sdelay $0x1  }
0xe9: {  	v0 =	vmul.f32 v57, v29  }
0xea: {  	v19 =	vmul.f32 v57, v30  }
0xeb: {  	[tilespmem:v21+s23+$0x0] =	vst.idx.msk $0xffff, v0  }
0xec: {  	[tilespmem:v23+s23+$0x0] =	vst.idx.msk $0xffff, v19;
	v19 =	vld [tilespmem:$0x1FF00]  }
0xed: {  	v23 =	vld [tilespmem:$0x1FF10]  }
0xee: {  	v36 =	vmul.f32 v36, v6  }
0xef: {  	v17 =	vmul.f32 v17, v6  }
0xf0: {  	v41 =	vadd.f32 v36, v38  }
0xf1: {  	v17 =	vadd.f32 v17, v32  }
0xf2: {  	v0 =	vmul.f32 v57, v41  }
0xf3: {  	v17 =	vmul.f32 v57, v17  }
0xf4: {  	[tilespmem:v19+s23+$0x0] =	vst.idx.msk $0xffff, v0  }
0xf5: {  	[tilespmem:v23+s23+$0x0] =	vst.idx.msk $0xffff, v17;
	v23 =	vld [tilespmem:$0x1FF20];
	_ =	sdelay $0x1  }
0xf6: {  	v34 =	vmul.f32 v34, v6;
	_ =	sdelay $0x1  }
0xf7: {  	v34 =	vadd.f32 v34, v58;
	_ =	sdelay $0x1  }
0xf8: {  	v0 =	vmul.f32 v57, v34  }
0xf9: {  	v10 =	vadd.f32 v10, v59;
	v59 =	vld [tilespmem:$0x1FE00]  }
0xfa: {  	[tilespmem:v23+s23+$0x0] =	vst.idx.msk $0xffff, v0;
	v23 =	vld [tilespmem:$0x1FF30];
	_ =	sdelay $0x1  }
0xfb: {  	v22 =	vmul.f32 v22, v6;
	_ =	sdelay $0x1  }
0xfc: {  	v22 =	vadd.f32 v22, v59;
	_ =	sdelay $0x1  }
0xfd: {  	v17 =	vmul.f32 v57, v22  }
0xfe: {  	v60 =	vld [tilespmem:$0x1FE10]  }
0xff: {  	[tilespmem:v23+s23+$0x0] =	vst.idx.msk $0xffff, v17;
	v23 =	vld [tilespmem:$0x1FF40];
	_ =	sdelay $0x1  }
0x100: {  	v16 =	vmul.f32 v16, v6;
	_ =	sdelay $0x1  }
0x101: {  	v25 =	vmul.f32 v25, v6;
	v16 =	vadd.f32 v16, v60  }
0x102: {  	v13 =	vmul.f32 v13, v6;
	v1 =	vmul.f32 v1, v6  }
0x103: {  	v21 =	vmul.f32 v50, v6;
	v0 =	vmul.f32 v57, v16  }
0x104: {  	v19 =	vmul.f32 v47, v6;
	v22 =	vmul.f32 v35, v6  }
0x105: {  	v16 =	vmul.f32 v39, v6;
	v17 =	vmul.f32 v54, v6;
	[tilespmem:v23+s23+$0x0] =	vst.idx.msk $0xffff, v0;
	v23 =	vld [tilespmem:$0x1FF50]  }
0x106: {  	v0 =	vmul.f32 v57, v15;
	v15 =	vmul.f32 v56, v6;
	v6 =	vld [tilespmem:$0x1FF60];
	_ =	sdelay $0x4  }
0x107: {  	v14 =	vmul.f32 v57, v14;
	_ =	sdelay $0x1  }
0x108: {  	[tilespmem:v23+s23+$0x0] =	vst.idx.msk $0xffff, v14  }
0x109: {  	[tilespmem:v6+s23+$0x0] =	vst.idx.msk $0xffff, v0;
	v0 =	vmul.f32 v57, v7;
	v7 =	vld [tilespmem:$0x1FF70]  }
0x10a: {  	v6 =	vadd.f32 v21, v8;
	v8 =	vld [tilespmem:$0x1FF80];
	_ =	sdelay $0x4  }
0x10b: {  	v14 =	vmul.f32 v57, v20;
	_ =	sdelay $0x1  }
0x10c: {  	[tilespmem:v7+s23+$0x0] =	vst.idx.msk $0xffff, v14  }
0x10d: {  	[tilespmem:v8+s23+$0x0] =	vst.idx.msk $0xffff, v0;
	v8 =	vld [tilespmem:$0x1FF90];
	_ =	sdelay $0x5  }
0x10e: {  	v5 =	vmul.f32 v57, v5;
	_ =	sdelay $0x1  }
0x10f: {  	[tilespmem:v8+s23+$0x0] =	vst.idx.msk $0xffff, v5;
	v8 =	vld [tilespmem:$0x1FFA0];
	_ =	sdelay $0x5  }
0x110: {  	v0 =	vmul.f32 v57, v4;
	_ =	sdelay $0x1  }
0x111: {  	[tilespmem:v8+s23+$0x0] =	vst.idx.msk $0xffff, v0;
	v8 =	vld [tilespmem:$0x1FFB0];
	_ =	sdelay $0x5  }
0x112: {  	v5 =	vmul.f32 v57, v6;
	_ =	sdelay $0x1  }
0x113: {  	[tilespmem:v8+s23+$0x0] =	vst.idx.msk $0xffff, v5;
	v5 =	vld [tilespmem:$0x1FFC0];
	_ =	sdelay $0x3  }
0x114: {  	v7 =	vadd.f32 v13, v10;
	_ =	sdelay $0x1  }
0x115: {  	v6 =	vadd.f32 v22, v11;
	v0 =	vmul.f32 v57, v7;
	_ =	sdelay $0x1  }
0x116: {  	[tilespmem:v5+s23+$0x0] =	vst.idx.msk $0xffff, v0;
	v0 =	vmul.f32 v57, v6;
	v6 =	vld [tilespmem:$0x1FFE0];
	_ =	sdelay $0x3  }
0x117: {  	v4 =	vadd.f32 v19, v9;
	v9 =	vor.u32 $0x1A, v61  }
0x118: {  	v2 =	vadd.f32 v2, v52  }
0x119: {  	v4 =	vmul.f32 v57, v4  }
0x11a: {  	v2 =	vadd.f32 v17, v2  }
0x11b: {  	v12 =	vadd.f32 v12, v53;
	[tilespmem:v6+s23+$0x0] =	vst.idx.msk $0xffff, v4  }
0x11c: {  	v10 =	vor.u32 $0x1B, v61;
	[tilespmem:v9+s23+$0x0] =	vst.idx.msk $0xffff, v0;
	v0 =	vmul.f32 v57, v2;
	v2 =	vld [tilespmem:$0x1FDE0]  }
0x11d: {  	v18 =	vadd.f32 v18, v48;
	v7 =	vadd.f32 v16, v12;
	v8 =	vor.u32 $0x1C, v61  }
0x11e: {  	v3 =	vadd.f32 v3, v45;
	[tilespmem:$0x1FC60] =	vst v10;
	v11 =	vor.u32 $0x1D, v61  }
0x11f: {  	[tilespmem:$0x1FC50] =	vst v9;
	v5 =	vadd.f32 v15, v18;
	v4 =	vmul.f32 v57, v7;
	v6 =	vor.u32 $0x1E, v61  }
0x120: {  	v1 =	vadd.f32 v1, v3;
	[tilespmem:$0x1FC80] =	vst v11;
	v7 =	vor.u32 $0x1F, v61  }
0x121: {  	s11 =	sshll.u32 s9, $0x1;
	v3 =	vmul.f32 v57, v5;
	[tilespmem:v10+s23+$0x0] =	vst.idx.msk $0xffff, v4;
	v2 =	vadd.f32 v25, v2  }
0x122: {  	s11 =	smin.u32 s11, $0x2C;
	[tilespmem:v8+s23+$0x0] =	vst.idx.msk $0xffff, v0;
	v0 =	vmul.f32 v57, v1  }
0x123: {  	s13 =	sadd.s32 s3, s10;
	s11 =	smul.u32 $0x320, s11;
	[tilespmem:v11+s23+$0x0] =	vst.idx.msk $0xffff, v3;
	v1 =	vmul.f32 v57, v2  }
0x124: {  	s13 =	sshll.u32 s13, $0x2;
	[tilespmem:v6+s23+$0x0] =	vst.idx.msk $0xffff, v0  }
0x125: {  	s13 =	sadd.s32 s7, s13;
	s17 =	sadd.s32 s11, s15;
	[tilespmem:v7+s23+$0x0] =	vst.idx.msk $0xffff, v1  }
0x126: {  	[hbm4b:s13+s14] =	stream.linear.scatter [tilespmem:s23], [sflag:$0x5], $0x200, $0x38;
	[tilespmem:$0xDB80] =	vst v63  }
0x127: {  	[tilespmem:$0x1FC70] =	vst v8;
	s13 =	sshrl.u32 s17, $0x3  }
0x128: {  	[tilespmem:$0x1FC90] =	vst v6;
	s17 =	sadd.s32 s5, s13  }
0x129: {  	[tilespmem:s14], [sflag:$0x1] =	stream.linear.gather [hbm4b:s17+s14], $0x320, $0x38;
	[tilespmem:$0xDB80] =	vst v63  }
0x12a: {  	[tilespmem:$0x1FCA0] =	vst v7;
	v0 =	vadd.s32 s14, v63;
	s13 =	sadd.s32 s6, s13  }
0x12b: {  	v48 =	vshll.u32 v0, $0x5;
	[tilespmem:s20], [sflag:$0x1] =	stream.linear.gather [hbm4b:s13+s14], $0x320, $0x38;
	[tilespmem:$0xDB80] =	vst v63  }
0x12c: {  	v1 =	vor.u32 $0x1F, v48;
	_ =	swait.ge [sflag:s0], $0x6400  }
0x12d: {  	s10 =	sor.u32 $0x10, s10;
	v4 =	vlaneseq.u32;
	v2 =	vor.u32 $0x1, v48;
	[sflag:s0] =	ssyncset.done $0x0  }
0x12e: {  	v11 =	vor.u32 s10, v4;
	v3 =	vor.u32 $0x2, v48;
	[sflag:s0] =	ssyncadd.s32 $0xFFFF9C00  }
0x12f: {  	v6 =	vmulhi.u32 $0x2AAAAAAB, v11;
	v4 =	vor.u32 $0x3, v48;
	v5 =	vld.idx.msk [tilespmem:v0+s21+$0x0], $0xffff  }
0x130: {  	v7 =	vor.u32 $0x4, v48;
	v0 =	vld.idx.msk [tilespmem:v0+s22+$0x0], $0xffff  }
0x131: {  	v8 =	vor.u32 $0x5, v48;
	v6 =	vmul.u32 $0x6, v6;
	v1 =	vld.idx.msk [tilespmem:v1+s29+$0x0], $0xffff  }
0x132: {  	v53 =	vimm.f32 $0.0e+00;
	v52 =	vimm.f32 $0.0e+00;
	v9 =	vor.u32 $0x6, v48;
	v2 =	vld.idx.msk [tilespmem:v2+s29+$0x0], $0xffff  }
0x133: {  	v51 =	vimm.f32 $0.0e+00;
	v10 =	vor.u32 $0x7, v48;
	v6 =	vsub.s32 v11, v6;
	v3 =	vld.idx.msk [tilespmem:v3+s29+$0x0], $0xffff  }
0x134: {  	v59 =	vimm.f32 $0.0e+00;
	v31 =	vmul.u32 $0x186A0, v6;
	[tilespmem:$0x1FCB0] =	vst v11;
	v11 =	vor.u32 $0x8, v48;
	v4 =	vld.idx.msk [tilespmem:v4+s29+$0x0], $0xffff  }
0x135: {  	v12 =	vor.u32 $0xA, v48;
	v13 =	vor.u32 $0xB, v48;
	v14 =	vor.u32 $0xC, v48;
	v7 =	vld.idx.msk [tilespmem:v7+s29+$0x0], $0xffff  }
0x136: {  	v15 =	vor.u32 $0xD, v48;
	v6 =	vor.u32 $0x9, v48;
	v8 =	vld.idx.msk [tilespmem:v8+s29+$0x0], $0xffff;
	vm15 =	veq.s32 v5, v31  }
0x137: {  	v16 =	vor.u32 $0xE, v48;
	v17 =	vor.u32 $0xF, v48;
	v9 =	vld.idx.msk [tilespmem:v9+s29+$0x0], $0xffff;
	v42 =	vsel vm15, $0x0, v0  }
0x138: {  	v18 =	vor.u32 $0x10, v48;
	v19 =	vor.u32 $0x11, v48;
	v10 =	vld.idx.msk [tilespmem:v10+s29+$0x0], $0xffff;
	v1 =	vmul.f32 v1, v42  }
0x139: {  	v20 =	vor.u32 $0x12, v48;
	v21 =	vor.u32 $0x13, v48;
	v22 =	vor.u32 $0x14, v48;
	v23 =	vld.idx.msk [tilespmem:v11+s29+$0x0], $0xffff  }
0x13a: {  	v32 =	vor.u32 $0x15, v48;
	v33 =	vor.u32 $0x16, v48;
	v0 =	vld.idx.msk [tilespmem:v12+s29+$0x0], $0xffff;
	v1 =	vadd.f32 v1, v52  }
0x13b: {  	v34 =	vor.u32 $0x18, v48;
	v35 =	vor.u32 $0x19, v48;
	v5 =	vld.idx.msk [tilespmem:v6+s29+$0x0], $0xffff;
	v2 =	vmul.f32 v2, v42  }
0x13c: {  	v40 =	vor.u32 $0x1A, v48;
	v41 =	vor.u32 $0x1B, v48;
	v62 =	vmul.f32 v3, v42;
	[tilespmem:$0x1FCD0] =	vst v1;
	v1 =	vld.idx.msk [tilespmem:v15+s29+$0x0], $0xffff  }
0x13d: {  	v4 =	vmul.f32 v4, v42;
	v3 =	vadd.f32 v2, v52;
	v2 =	vmul.f32 v7, v42;
	v7 =	vld.idx.msk [tilespmem:v16+s29+$0x0], $0xffff  }
0x13e: {  	v57 =	vimm.f32 $0.0e+00;
	v8 =	vmul.f32 v8, v42;
	v9 =	vmul.f32 v9, v42;
	v15 =	vld.idx.msk [tilespmem:v17+s29+$0x0], $0xffff  }
0x13f: {  	v13 =	vld.idx.msk [tilespmem:v13+s29+$0x0], $0xffff;
	v58 =	vadd.f32 v62, v52;
	v61 =	vadd.f32 v4, v52;
	v0 =	vmul.f32 v0, v42  }
0x140: {  	v4 =	vld.idx.msk [tilespmem:v18+s29+$0x0], $0xffff;
	v62 =	vadd.f32 v8, v52;
	v60 =	vadd.f32 v2, v52;
	v2 =	vmul.f32 v10, v42  }
0x141: {  	v55 =	vadd.f32 v9, v52;
	v9 =	vld.idx.msk [tilespmem:v19+s29+$0x0], $0xffff;
	v47 =	vadd.f32 v0, v52;
	v0 =	vmul.f32 v1, v42  }
0x142: {  	v14 =	vld.idx.msk [tilespmem:v14+s29+$0x0], $0xffff;
	v8 =	vmul.f32 v23, v42;
	v54 =	vadd.f32 v2, v52;
	v1 =	vmul.f32 v7, v42  }
0x143: {  	v2 =	vmul.f32 v5, v42;
	v5 =	vld.idx.msk [tilespmem:v20+s29+$0x0], $0xffff;
	v44 =	vadd.f32 v0, v52;
	v0 =	vmul.f32 v15, v42  }
0x144: {  	v56 =	vadd.f32 v8, v52;
	v8 =	vmul.f32 v13, v42;
	v13 =	vld.idx.msk [tilespmem:v21+s29+$0x0], $0xffff;
	v1 =	vadd.f32 v1, v52  }
0x145: {  	v11 =	vor.u32 $0x1C, v48;
	v4 =	vmul.f32 v4, v42;
	v0 =	vadd.f32 v0, v52  }
0x146: {  	v6 =	vor.u32 $0x17, v48;
	v49 =	vadd.f32 v2, v52;
	v2 =	vld.idx.msk [tilespmem:v22+s29+$0x0], $0xffff;
	[tilespmem:$0x1FCE0] =	vst v1;
	v1 =	vmul.f32 v9, v42  }
0x147: {  	v12 =	vor.u32 $0x1D, v48;
	v16 =	vor.u32 $0x1E, v48;
	v7 =	vld.idx.msk [tilespmem:v32+s29+$0x0], $0xffff;
	[tilespmem:$0x1FCF0] =	vst v0;
	v0 =	vadd.f32 v4, v52  }
0x148: {  	s17 =	simm.s32 $0x1;
	v18 =	vld.idx.msk [tilespmem:v33+s29+$0x0], $0xffff;
	v10 =	vmul.f32 v14, v42;
	v5 =	vmul.f32 v5, v42;
	v1 =	vadd.f32 v1, v52  }
0x149: {  	v19 =	vadd.s32 s17, v63;
	v14 =	vld.idx.msk [tilespmem:v35+s29+$0x0], $0xffff;
	v46 =	vadd.f32 v8, v52;
	[tilespmem:$0x1FD00] =	vst v0;
	v0 =	vmul.f32 v13, v42  }
0x14a: {  	v63 =	vimm.f32 $0.0e+00;
	v45 =	vadd.f32 v10, v52;
	v10 =	vld.idx.msk [tilespmem:v41+s29+$0x0], $0xffff;
	[tilespmem:$0x1FD10] =	vst v1;
	v1 =	vadd.f32 v5, v52  }
0x14b: {  	[tilespmem:$0x1FCC0] =	vst v31;
	v8 =	vimm.f32 $0.0e+00;
	v15 =	vld.idx.msk [tilespmem:v6+s29+$0x0], $0xffff;
	v6 =	vimm.f32 $0.0e+00;
	v0 =	vadd.f32 v0, v52  }
0x14c: {  	v20 =	vmul.f32 v2, v42;
	v9 =	vld.idx.msk [tilespmem:v40+s29+$0x0], $0xffff;
	v17 =	vmul.f32 v7, v42;
	v7 =	vimm.f32 $0.0e+00;
	[tilespmem:$0x1FD20] =	vst v1  }
0x14d: {  	s13 =	simm.s32 $0x2;
	v4 =	vimm.f32 $0.0e+00;
	v13 =	vld.idx.msk [tilespmem:v34+s29+$0x0], $0xffff;
	v5 =	vimm.f32 $0.0e+00;
	[tilespmem:$0x1FD30] =	vst v0;
	v0 =	vimm.f32 $0.0e+00  }
.LBB2_5:
0x14e: {  	_ =	sdelay $0x1  }
0x14f: {  	v1 =	vshll.u32 v19, $0x5  }
0x150: {  	v2 =	vmul.f32 v18, v42;
	v18 =	vld.idx.msk [tilespmem:v11+s29+$0x0], $0xffff;
	v11 =	vor.u32 $0x1, v1;
	_ =	sdelay $0x3  }
0x151: {  	v29 =	vld.idx.msk [tilespmem:v48+s29+$0x0], $0xffff;
	v48 =	vmov v1  }
0x152: {  	v36 =	vld.idx.msk [tilespmem:v11+s29+$0x0], $0xffff;
	v11 =	vor.u32 $0x15, v48  }
0x153: {  	v52 =	vadd.f32 v20, v52;
	[tilespmem:$0x1FBF0] =	vst v11;
	v11 =	vor.u32 $0x16, v48  }
0x154: {  	v20 =	vor.u32 $0x2, v1;
	v21 =	vor.u32 $0x1F, v1;
	[tilespmem:$0x1FC00] =	vst v11;
	v11 =	vor.u32 $0x17, v48  }
0x155: {  	v22 =	vld.idx.msk [tilespmem:v12+s29+$0x0], $0xffff;
	v12 =	vor.u32 $0x3, v1;
	v23 =	vor.u32 $0x4, v1;
	[tilespmem:$0x1FC10] =	vst v11;
	v11 =	vor.u32 $0x18, v48  }
0x156: {  	v25 =	vld.idx.msk [tilespmem:v16+s29+$0x0], $0xffff;
	v24 =	vor.u32 $0x5, v1;
	v26 =	vor.u32 $0x6, v1;
	[tilespmem:$0x1FC20] =	vst v11;
	v11 =	vor.u32 $0x19, v48  }
0x157: {  	v27 =	vor.u32 $0x7, v1;
	v28 =	vor.u32 $0x8, v1;
	v1 =	vld.idx.msk [tilespmem:v19+s21+$0x0], $0xffff;
	[tilespmem:$0x1FC30] =	vst v11;
	v11 =	vor.u32 $0x1A, v48  }
0x158: {  	[tilespmem:$0x1FC40] =	vst v11;
	v11 =	vld [tilespmem:$0x1FCC0]  }
0x159: {  	v16 =	vld.idx.msk [tilespmem:v19+s22+$0x0], $0xffff;
	v19 =	vor.u32 $0xC, v48  }
0x15a: {  	v20 =	vld.idx.msk [tilespmem:v20+s29+$0x0], $0xffff;
	_ =	sdelay $0x2  }
0x15b: {  	v24 =	vld.idx.msk [tilespmem:v24+s29+$0x0], $0xffff;
	vm0 =	veq.s32 v1, v11  }
0x15c: {  	v34 =	vor.u32 $0xE, v48;
	v19 =	vld.idx.msk [tilespmem:v19+s29+$0x0], $0xffff;
	v41 =	vsel vm0, $0x0, v16  }
0x15d: {  	v8 =	vadd.f32 v2, v8;
	v2 =	vmul.f32 v15, v42;
	v15 =	vmul.f32 v20, v41;
	v20 =	vld.idx.msk [tilespmem:v28+s29+$0x0], $0xffff;
	_ =	sdelay $0x1  }
0x15e: {  	v13 =	vmul.f32 v13, v42  }
0x15f: {  	v58 =	vadd.f32 v15, v58;
	v15 =	vmul.f32 v24, v41  }
0x160: {  	v4 =	vadd.f32 v13, v4  }
0x161: {  	v13 =	vmul.f32 v19, v41;
	v62 =	vadd.f32 v15, v62;
	v15 =	vmul.f32 v20, v41;
	v20 =	vld.idx.msk [tilespmem:v34+s29+$0x0], $0xffff  }
0x162: {  	v21 =	vld.idx.msk [tilespmem:v21+s29+$0x0], $0xffff  }
0x163: {  	v45 =	vadd.f32 v13, v45;
	v13 =	vld [tilespmem:$0x1FCE0]  }
0x164: {  	v9 =	vmul.f32 v9, v42;
	v7 =	vadd.f32 v17, v7;
	v17 =	vmul.f32 v36, v41;
	v36 =	vld [tilespmem:$0x1FCD0];
	_ =	sdelay $0x1  }
0x165: {  	v30 =	vor.u32 $0x9, v48;
	v63 =	vadd.f32 v9, v63;
	v40 =	vld.idx.msk [tilespmem:v12+s29+$0x0], $0xffff;
	v9 =	vmul.f32 v20, v41  }
0x166: {  	v1 =	vld.idx.msk [tilespmem:v23+s29+$0x0], $0xffff;
	v21 =	vmul.f32 v21, v41  }
0x167: {  	v32 =	vor.u32 $0xB, v48;
	v26 =	vld.idx.msk [tilespmem:v26+s29+$0x0], $0xffff;
	v13 =	vadd.f32 v9, v13  }
0x168: {  	v27 =	vld.idx.msk [tilespmem:v27+s29+$0x0], $0xffff;
	v28 =	vadd.f32 v21, v36  }
0x169: {  	v33 =	vor.u32 $0xD, v48;
	[tilespmem:$0x1FCE0] =	vst v13;
	v13 =	vld [tilespmem:$0x1FC00]  }
0x16a: {  	v35 =	vor.u32 $0x11, v48;
	[tilespmem:$0x1FCD0] =	vst v28;
	v28 =	vld.idx.msk [tilespmem:v30+s29+$0x0], $0xffff  }
0x16b: {  	v43 =	vor.u32 $0xF, v48;
	v1 =	vmul.f32 v1, v41  }
0x16c: {  	v21 =	vmul.f32 v40, v41;
	v36 =	vld.idx.msk [tilespmem:v32+s29+$0x0], $0xffff  }
0x16d: {  	v60 =	vadd.f32 v1, v60;
	v1 =	vmul.f32 v27, v41  }
0x16e: {  	v5 =	vadd.f32 v2, v5;
	v40 =	vld.idx.msk [tilespmem:v33+s29+$0x0], $0xffff;
	v61 =	vadd.f32 v21, v61;
	v21 =	vmul.f32 v26, v41  }
0x16f: {  	v18 =	vmul.f32 v18, v42;
	v2 =	vld.idx.msk [tilespmem:v35+s29+$0x0], $0xffff;
	v54 =	vadd.f32 v1, v54;
	v1 =	vmul.f32 v28, v41  }
0x170: {  	v55 =	vadd.f32 v21, v55;
	v21 =	vld.idx.msk [tilespmem:v43+s29+$0x0], $0xffff  }
0x171: {  	v57 =	vadd.f32 v18, v57;
	v49 =	vadd.f32 v1, v49;
	v1 =	vmul.f32 v36, v41;
	v18 =	vld.idx.msk [tilespmem:v13+s29+$0x0], $0xffff  }
0x172: {  	v13 =	vld [tilespmem:$0x1FCF0]  }
0x173: {  	v31 =	vor.u32 $0xA, v48;
	v46 =	vadd.f32 v1, v46;
	v1 =	vmul.f32 v40, v41;
	_ =	sdelay $0x1  }
0x174: {  	v44 =	vadd.f32 v1, v44;
	v1 =	vmul.f32 v21, v41;
	_ =	sdelay $0x1  }
0x175: {  	v13 =	vadd.f32 v1, v13;
	v1 =	vmul.f32 v2, v41;
	v2 =	vld [tilespmem:$0x1FC10]  }
0x176: {  	v3 =	vadd.f32 v17, v3;
	v17 =	vld.idx.msk [tilespmem:v31+s29+$0x0], $0xffff  }
0x177: {  	v50 =	vor.u32 $0x10, v48;
	_ =	sdelay $0x3  }
0x178: {  	v56 =	vadd.f32 v15, v56;
	v15 =	vmul.f32 v17, v41  }
0x179: {  	v17 =	vld.idx.msk [tilespmem:v50+s29+$0x0], $0xffff  }
0x17a: {  	v47 =	vadd.f32 v15, v47;
	v15 =	vld.idx.msk [tilespmem:v2+s29+$0x0], $0xffff  }
0x17b: {  	v2 =	vld [tilespmem:$0x1FD00];
	_ =	sdelay $0x2  }
0x17c: {  	v9 =	vmul.f32 v17, v41;
	_ =	sdelay $0x1  }
0x17d: {  	v2 =	vadd.f32 v9, v2;
	v9 =	vld [tilespmem:$0x1FC20];
	_ =	sdelay $0x7  }
0x17e: {  	[tilespmem:$0x1FCF0] =	vst v13;
	v13 =	vld.idx.msk [tilespmem:v9+s29+$0x0], $0xffff  }
0x17f: {  	v9 =	vld [tilespmem:$0x1FD10];
	_ =	sdelay $0x4  }
0x180: {  	v38 =	vor.u32 $0x13, v48;
	v9 =	vadd.f32 v1, v9;
	_ =	sdelay $0x1  }
0x181: {  	[tilespmem:$0x1FD10] =	vst v9;
	v9 =	vld [tilespmem:$0x1FC30]  }
0x182: {  	v14 =	vmul.f32 v14, v42  }
0x183: {  	v37 =	vor.u32 $0x12, v48  }
0x184: {  	v0 =	vadd.f32 v14, v0;
	v14 =	vld.idx.msk [tilespmem:v38+s29+$0x0], $0xffff;
	_ =	sdelay $0x2  }
0x185: {  	v10 =	vmul.f32 v10, v42;
	v29 =	vmul.f32 v29, v42  }
0x186: {  	v22 =	vmul.f32 v22, v42;
	v25 =	vmul.f32 v25, v42;
	v19 =	vld.idx.msk [tilespmem:v37+s29+$0x0], $0xffff;
	v42 =	vmov v41  }
0x187: {  	v1 =	vmul.f32 v14, v42;
	v14 =	vld.idx.msk [tilespmem:v9+s29+$0x0], $0xffff  }
0x188: {  	v9 =	vld [tilespmem:$0x1FD20];
	_ =	sdelay $0x2  }
0x189: {  	[tilespmem:$0x1FD00] =	vst v2;
	v2 =	vmul.f32 v19, v41;
	_ =	sdelay $0x1  }
0x18a: {  	v9 =	vadd.f32 v2, v9;
	v2 =	vld [tilespmem:$0x1FC40];
	_ =	sdelay $0x6  }
0x18b: {  	v59 =	vadd.f32 v10, v59;
	v10 =	vld [tilespmem:$0x1FBF0]  }
0x18c: {  	[tilespmem:$0x1FD20] =	vst v9;
	v9 =	vld.idx.msk [tilespmem:v2+s29+$0x0], $0xffff  }
0x18d: {  	v2 =	vld [tilespmem:$0x1FFF0];
	_ =	sdelay $0x1  }
0x18e: {  	v39 =	vor.u32 $0x14, v48;
	_ =	sdelay $0x2  }
0x18f: {  	v19 =	vadd.s32 s13, v2;
	v2 =	vld [tilespmem:$0x1FD30]  }
0x190: {  	v10 =	vld.idx.msk [tilespmem:v10+s29+$0x0], $0xffff  }
0x191: {  	p0 =	sne.s32 s13, $0x31;
	v23 =	vor.u32 $0x1B, v48;
	v20 =	vld.idx.msk [tilespmem:v39+s29+$0x0], $0xffff  }
.Ltmp1:
0x192: {  	_ = 	snop;
	(pc) =	sbr.rel @p0 .LBB2_5-.Ltmp1, $4  }
0x193: {  	_ = 	snop  }
0x194: {  	v12 =	vor.u32 $0x1D, v48;
	v6 =	vadd.f32 v29, v6;
	v2 =	vadd.f32 v1, v2  }
0x195: {  	v53 =	vadd.f32 v22, v53;
	v51 =	vadd.f32 v25, v51;
	v11 =	vor.u32 $0x1C, v48  }
0x196: {  	v16 =	vor.u32 $0x1E, v48;
	v17 =	vmul.f32 v10, v42;
	v10 =	vld.idx.msk [tilespmem:v23+s29+$0x0], $0xffff;
	v20 =	vmul.f32 v20, v42;
	s13 =	sadd.s32 $0x1, s13;
	[tilespmem:$0x1FD30] =	vst v2  }
0x197: {  	_ =	sdelay $0x3  }
0x198: {  	v2 =	vld.idx.msk [tilespmem:v11+s29+$0x0], $0xffff  }
0x199: {  	v21 =	vld.idx.msk [tilespmem:v12+s29+$0x0], $0xffff  }
0x19a: {  	v16 =	vld.idx.msk [tilespmem:v16+s29+$0x0], $0xffff  }
0x19b: {  	v1 =	vshll.u32 v19, $0x5;
	v24 =	vld.idx.msk [tilespmem:v48+s29+$0x0], $0xffff  }
0x19c: {  	v26 =	vld.idx.msk [tilespmem:v19+s21+$0x0], $0xffff;
	v39 =	vor.u32 $0x1F, v1  }
0x19d: {  	v19 =	vld.idx.msk [tilespmem:v19+s22+$0x0], $0xffff;
	v22 =	vor.u32 $0x1, v1  }
0x19e: {  	v36 =	vld [tilespmem:$0x1FCC0];
	v9 =	vmul.f32 v9, v42;
	v23 =	vor.u32 $0x2, v1  }
0x19f: {  	v43 =	vld [tilespmem:$0x1FCB0];
	v25 =	vor.u32 $0x3, v1  }
0x1a0: {  	v27 =	vor.u32 $0x4, v1;
	v9 =	vadd.f32 v9, v63;
	v63 =	vld [tilespmem:$0x1FCF0]  }
0x1a1: {  	v28 =	vor.u32 $0x5, v1;
	v12 =	vld.idx.msk [tilespmem:v39+s29+$0x0], $0xffff  }
0x1a2: {  	v40 =	vor.u32 $0x6, v1;
	v22 =	vld.idx.msk [tilespmem:v22+s29+$0x0], $0xffff  }
0x1a3: {  	v29 =	vor.u32 $0x7, v1;
	v23 =	vld.idx.msk [tilespmem:v23+s29+$0x0], $0xffff  }
0x1a4: {  	v30 =	vor.u32 $0x8, v1;
	v25 =	vld.idx.msk [tilespmem:v25+s29+$0x0], $0xffff  }
0x1a5: {  	v31 =	vor.u32 $0x9, v1;
	v27 =	vld.idx.msk [tilespmem:v27+s29+$0x0], $0xffff  }
0x1a6: {  	v32 =	vor.u32 $0xA, v1;
	v28 =	vld.idx.msk [tilespmem:v28+s29+$0x0], $0xffff  }
0x1a7: {  	v34 =	vor.u32 $0xB, v1;
	v33 =	vld.idx.msk [tilespmem:v40+s29+$0x0], $0xffff  }
0x1a8: {  	v50 =	vlaneseq.u32;
	v48 =	vor.u32 $0xD, v1;
	v29 =	vld.idx.msk [tilespmem:v29+s29+$0x0], $0xffff  }
0x1a9: {  	v20 =	vadd.f32 v20, v52;
	v52 =	vor.u32 $0xE, v1;
	vm0 =	veq.s32 v26, v36;
	v30 =	vld.idx.msk [tilespmem:v30+s29+$0x0], $0xffff  }
0x1aa: {  	v41 =	vor.u32 $0xFFFFFFF8, v50;
	v37 =	vor.u32 $0x13, v1;
	v11 =	vsel vm0, $0x0, v19;
	v19 =	vld.idx.msk [tilespmem:v31+s29+$0x0], $0xffff  }
0x1ab: {  	v26 =	vand.u32 v41, v43;
	v32 =	vld.idx.msk [tilespmem:v32+s29+$0x0], $0xffff  }
0x1ac: {  	v7 =	vadd.f32 v17, v7;
	v38 =	vor.u32 $0x14, v1;
	v17 =	vld.idx.msk [tilespmem:v34+s29+$0x0], $0xffff  }
0x1ad: {  	v41 =	vor.u32 $0x10, v1;
	v31 =	vld.idx.msk [tilespmem:v48+s29+$0x0], $0xffff  }
0x1ae: {  	v43 =	vor.u32 $0x11, v1;
	v36 =	vld.idx.msk [tilespmem:v52+s29+$0x0], $0xffff  }
0x1af: {  	v15 =	vmul.f32 v15, v42;
	v40 =	vor.u32 $0xF, v1;
	v37 =	vld.idx.msk [tilespmem:v37+s29+$0x0], $0xffff  }
0x1b0: {  	v18 =	vmul.f32 v18, v42;
	v24 =	vmul.f32 v24, v42;
	v39 =	vor.u32 $0x15, v1;
	v26 =	vld.idx.msk [tilespmem:v26+s18+$0x0], $0xffff  }
0x1b1: {  	v13 =	vmul.f32 v13, v42;
	v35 =	vor.u32 $0xC, v1;
	v5 =	vadd.f32 v15, v5;
	v15 =	vld.idx.msk [tilespmem:v38+s29+$0x0], $0xffff  }
0x1b2: {  	v48 =	vor.u32 $0x12, v1;
	v6 =	vadd.f32 v24, v6;
	v24 =	vld.idx.msk [tilespmem:v41+s29+$0x0], $0xffff  }
0x1b3: {  	v8 =	vadd.f32 v18, v8;
	v4 =	vadd.f32 v13, v4;
	v34 =	vld.idx.msk [tilespmem:v43+s29+$0x0], $0xffff  }
0x1b4: {  	v52 =	vor.u32 $0x18, v1;
	v41 =	vor.u32 $0x17, v1;
	v22 =	vmul.f32 v22, v11;
	v18 =	vld.idx.msk [tilespmem:v40+s29+$0x0], $0xffff  }
0x1b5: {  	v43 =	vor.u32 $0x1A, v1;
	v23 =	vmul.f32 v23, v11;
	v38 =	vld.idx.msk [tilespmem:v39+s29+$0x0], $0xffff;
	v26 =	vcvt.s32.f32 v26  }
0x1b6: {  	v28 =	vmul.f32 v28, v11;
	v33 =	vmul.f32 v33, v11;
	v3 =	vadd.f32 v22, v3;
	v22 =	vld.idx.msk [tilespmem:v35+s29+$0x0], $0xffff  }
0x1b7: {  	v29 =	vmul.f32 v29, v11;
	v40 =	vor.u32 $0x16, v1;
	v35 =	vld.idx.msk [tilespmem:v48+s29+$0x0], $0xffff;
	v26 =	vmax.f32 v26, $1.000000000e+00  }
0x1b8: {  	v30 =	vmul.f32 v30, v11;
	v23 =	vadd.f32 v23, v58;
	v58 =	vld.idx.msk [tilespmem:v1+s29+$0x0], $0xffff;
	(erf) = vrcp.f32 v26  }
0x1b9: {  	v28 =	vadd.f32 v28, v62;
	v29 =	vadd.f32 v29, v54;
	v54 =	vor.u32 $0x19, v1;
	v62 =	vld [tilespmem:$0x1FCE0]  }
0x1ba: {  	v27 =	vmul.f32 v27, v11;
	v33 =	vadd.f32 v33, v55;
	v55 =	vor.u32 $0x1B, v1;
	v13 =	vld.idx.msk [tilespmem:v41+s29+$0x0], $0xffff  }
0x1bb: {  	v30 =	vadd.f32 v30, v56;
	v56 =	vor.u32 $0x1C, v1;
	v43 =	vld.idx.msk [tilespmem:v43+s29+$0x0], $0xffff  }
0x1bc: {  	v27 =	vadd.f32 v27, v60;
	v60 =	vor.u32 $0x1D, v1;
	v1 =	vor.u32 $0x1E, v1;
	v40 =	vld.idx.msk [tilespmem:v40+s29+$0x0], $0xffff  }
0x1bd: {  	v26 =	vld.idx.msk [tilespmem:v52+s29+$0x0], $0xffff  }
0x1be: {  	v14 =	vmul.f32 v14, v42;
	v39 =	vld.idx.msk [tilespmem:v54+s29+$0x0], $0xffff  }
0x1bf: {  	v10 =	vmul.f32 v10, v42;
	v41 =	vld.idx.msk [tilespmem:v55+s29+$0x0], $0xffff  }
0x1c0: {  	v0 =	vadd.f32 v14, v0;
	v2 =	vmul.f32 v2, v42;
	v22 =	vmul.f32 v22, v11;
	v14 =	vld.idx.msk [tilespmem:v56+s29+$0x0], $0xffff  }
0x1c1: {  	v21 =	vmul.f32 v21, v42;
	v16 =	vmul.f32 v16, v42;
	v1 =	vld.idx.msk [tilespmem:v1+s29+$0x0], $0xffff;
	v42 =	vpop (erf)  }
0x1c2: {  	v19 =	vmul.f32 v19, v11;
	v22 =	vadd.f32 v22, v45;
	v45 =	vld.idx.msk [tilespmem:v60+s29+$0x0], $0xffff;
	_ =	swait.ge [sflag:s1], $0x200  }
0x1c3: {  	v48 =	vld [tilespmem:$0x1FD00]  }
0x1c4: {  	v19 =	vadd.f32 v19, v49;
	v49 =	vld [tilespmem:$0x1FD10]  }
0x1c5: {  	v16 =	vadd.f32 v16, v51;
	v51 =	vld [tilespmem:$0x1FFD0]  }
0x1c6: {  	v21 =	vadd.f32 v21, v53;
	v53 =	vld [tilespmem:$0x1FD20]  }
0x1c7: {  	v25 =	vmul.f32 v25, v11;
	v54 =	vld [tilespmem:$0x1FE50]  }
0x1c8: {  	v10 =	vadd.f32 v10, v59;
	v36 =	vmul.f32 v36, v11;
	v56 =	vld [tilespmem:$0x1FE60]  }
0x1c9: {  	v25 =	vadd.f32 v25, v61;
	v18 =	vmul.f32 v18, v11;
	v61 =	vmul.f32 v58, v11;
	v59 =	vld [tilespmem:$0x1FE70]  }
0x1ca: {  	v31 =	vmul.f32 v31, v11;
	v36 =	vadd.f32 v36, v62;
	v62 =	vld [tilespmem:$0x1FD30]  }
0x1cb: {  	v18 =	vadd.f32 v18, v63;
	v35 =	vmul.f32 v35, v11;
	v6 =	vadd.f32 v61, v6;
	v63 =	vld [tilespmem:$0x1FE80]  }
0x1cc: {  	v31 =	vadd.f32 v31, v44;
	v24 =	vmul.f32 v24, v11;
	v44 =	vld [tilespmem:$0x1FEA0]  }
0x1cd: {  	v6 =	vmul.f32 v42, v6;
	v52 =	vmul.f32 v42, v23;
	[sflag:s1] =	ssyncset.done $0x0;
	v23 =	vadd.f32 v35, v53;
	v35 =	vld [tilespmem:$0x1FE90]  }
0x1ce: {  	v2 =	vadd.f32 v2, v57;
	v3 =	vmul.f32 v42, v3;
	v61 =	vmul.f32 v42, v28;
	v28 =	vld [tilespmem:$0x1FF20];
	[sflag:s1] =	ssyncadd.s32 $0xFFFFFE00  }
0x1cf: {  	v17 =	vmul.f32 v17, v11;
	v24 =	vadd.f32 v24, v48;
	v48 =	vld [tilespmem:$0x1FEB0];
	[tilespmem:v51+s24+$0x0] =	vst.idx.msk $0xffff, v6  }
0x1d0: {  	v32 =	vmul.f32 v32, v11;
	v55 =	vmul.f32 v42, v25;
	v51 =	vld [tilespmem:$0x1FEC0];
	[tilespmem:v54+s24+$0x0] =	vst.idx.msk $0xffff, v3  }
0x1d1: {  	v57 =	vmul.f32 v37, v11;
	v17 =	vadd.f32 v17, v46;
	v53 =	vld [tilespmem:$0x1FED0];
	[tilespmem:v56+s24+$0x0] =	vst.idx.msk $0xffff, v52  }
0x1d2: {  	v46 =	vmul.f32 v38, v11;
	v58 =	vmul.f32 v42, v27;
	[tilespmem:v59+s24+$0x0] =	vst.idx.msk $0xffff, v55;
	v55 =	vld [tilespmem:$0x1FEE0]  }
0x1d3: {  	v32 =	vadd.f32 v32, v47;
	v34 =	vmul.f32 v34, v11;
	v6 =	vadd.f32 v57, v62;
	v57 =	vld [tilespmem:$0x1FEF0]  }
0x1d4: {  	v7 =	vadd.f32 v46, v7;
	v33 =	vmul.f32 v42, v33;
	v59 =	vld [tilespmem:$0x1FF00];
	[tilespmem:v63+s24+$0x0] =	vst.idx.msk $0xffff, v58  }
0x1d5: {  	v60 =	vmul.f32 v15, v11;
	v37 =	vmul.f32 v42, v29;
	v62 =	vld [tilespmem:$0x1FF10];
	[tilespmem:v35+s24+$0x0] =	vst.idx.msk $0xffff, v61  }
0x1d6: {  	v47 =	vmul.f32 v42, v30;
	v38 =	vld [tilespmem:$0x1FF60];
	v34 =	vadd.f32 v34, v49;
	[tilespmem:v44+s24+$0x0] =	vst.idx.msk $0xffff, v33  }
0x1d7: {  	v19 =	vmul.f32 v42, v19;
	v58 =	vmul.f32 v42, v31;
	v31 =	vld [tilespmem:$0x1FF30];
	[tilespmem:v48+s24+$0x0] =	vst.idx.msk $0xffff, v37  }
0x1d8: {  	v52 =	vmul.f32 v42, v32;
	v33 =	vmul.f32 v42, v34;
	v34 =	vld [tilespmem:$0x1FF40];
	[tilespmem:v51+s24+$0x0] =	vst.idx.msk $0xffff, v47  }
0x1d9: {  	v54 =	vmul.f32 v42, v17;
	v61 =	vmul.f32 v42, v36;
	v36 =	vld [tilespmem:$0x1FF50];
	[tilespmem:v53+s24+$0x0] =	vst.idx.msk $0xffff, v19  }
0x1da: {  	v13 =	vmul.f32 v13, v11;
	v46 =	vld [tilespmem:$0x1FFA0];
	v56 =	vmul.f32 v42, v22;
	[tilespmem:v55+s24+$0x0] =	vst.idx.msk $0xffff, v52  }
0x1db: {  	v18 =	vmul.f32 v42, v18;
	v63 =	vmul.f32 v39, v11;
	v39 =	vld [tilespmem:$0x1FF70];
	[tilespmem:v57+s24+$0x0] =	vst.idx.msk $0xffff, v54  }
0x1dc: {  	v49 =	vmul.f32 v40, v11;
	v32 =	vmul.f32 v41, v11;
	v41 =	vld [tilespmem:$0x1FF80];
	[tilespmem:v59+s24+$0x0] =	vst.idx.msk $0xffff, v56  }
0x1dd: {  	v3 =	vadd.f32 v60, v20;
	v60 =	vmul.f32 v26, v11;
	v44 =	vld [tilespmem:$0x1FF90];
	[tilespmem:v62+s24+$0x0] =	vst.idx.msk $0xffff, v58  }
0x1de: {  	v8 =	vadd.f32 v49, v8;
	v30 =	vmul.f32 v42, v24;
	v49 =	vld [tilespmem:$0x1FFB0];
	[tilespmem:v28+s24+$0x0] =	vst.idx.msk $0xffff, v61  }
0x1df: {  	v12 =	vmul.f32 v12, v11;
	v4 =	vadd.f32 v60, v4;
	v60 =	vld [tilespmem:$0x1FC70];
	[tilespmem:v31+s24+$0x0] =	vst.idx.msk $0xffff, v18  }
0x1e0: {  	v5 =	vadd.f32 v13, v5;
	v35 =	vmul.f32 v42, v23;
	v51 =	vld [tilespmem:$0x1FFC0];
	[tilespmem:v34+s24+$0x0] =	vst.idx.msk $0xffff, v30  }
0x1e1: {  	v14 =	vmul.f32 v14, v11;
	v6 =	vmul.f32 v42, v6;
	v54 =	vld [tilespmem:$0x1FFE0];
	[tilespmem:v36+s24+$0x0] =	vst.idx.msk $0xffff, v33  }
0x1e2: {  	v1 =	vmul.f32 v1, v11;
	v3 =	vmul.f32 v42, v3;
	v56 =	vld [tilespmem:$0x1FC50];
	[tilespmem:v38+s24+$0x0] =	vst.idx.msk $0xffff, v35  }
0x1e3: {  	v29 =	vmul.f32 v43, v11;
	v40 =	vmul.f32 v42, v7;
	v57 =	vld [tilespmem:$0x1FC60];
	[tilespmem:v39+s24+$0x0] =	vst.idx.msk $0xffff, v6  }
0x1e4: {  	v5 =	vmul.f32 v42, v5;
	v43 =	vmul.f32 v42, v8;
	v58 =	vld [tilespmem:$0x1FCD0];
	[tilespmem:v41+s24+$0x0] =	vst.idx.msk $0xffff, v3  }
0x1e5: {  	v0 =	vadd.f32 v63, v0;
	v37 =	vmul.f32 v45, v11;
	v61 =	vld [tilespmem:$0x1FC80];
	[tilespmem:v44+s24+$0x0] =	vst.idx.msk $0xffff, v40  }
0x1e6: {  	v45 =	vadd.f32 v29, v9;
	v47 =	vmul.f32 v42, v4;
	v62 =	vld [tilespmem:$0x1FC90];
	[tilespmem:v46+s24+$0x0] =	vst.idx.msk $0xffff, v43  }
0x1e7: {  	v63 =	vld [tilespmem:$0x1FCA0];
	v48 =	vadd.f32 v32, v10;
	v0 =	vmul.f32 v42, v0;
	[tilespmem:v49+s24+$0x0] =	vst.idx.msk $0xffff, v5  }
0x1e8: {  	v2 =	vadd.f32 v14, v2;
	v52 =	vmul.f32 v42, v45;
	[tilespmem:v51+s24+$0x0] =	vst.idx.msk $0xffff, v47  }
0x1e9: {  	v53 =	vadd.f32 v37, v21;
	v55 =	vmul.f32 v42, v48;
	[tilespmem:v54+s24+$0x0] =	vst.idx.msk $0xffff, v0  }
0x1ea: {  	v1 =	vadd.f32 v1, v16;
	v2 =	vmul.f32 v42, v2;
	[tilespmem:v56+s24+$0x0] =	vst.idx.msk $0xffff, v52  }
0x1eb: {  	v59 =	vmul.f32 v42, v53;
	v0 =	vadd.f32 v12, v58;
	[tilespmem:v57+s24+$0x0] =	vst.idx.msk $0xffff, v55  }
0x1ec: {  	s10 =	sadd.s32 s3, s10;
	v1 =	vmul.f32 v42, v1;
	[tilespmem:v60+s24+$0x0] =	vst.idx.msk $0xffff, v2  }
0x1ed: {  	s10 =	sshll.u32 s10, $0x2;
	v0 =	vmul.f32 v42, v0;
	[tilespmem:v61+s24+$0x0] =	vst.idx.msk $0xffff, v59  }
0x1ee: {  	s9 =	sadd.s32 $0x1, s9;
	s10 =	sand.u32 $0x1FFFFFC0, s10;
	[tilespmem:v62+s24+$0x0] =	vst.idx.msk $0xffff, v1  }
0x1ef: {  	s13 =	sadd.s32 s11, s16;
	p0 =	sne.s32 s9, $0x18;
	s10 =	sadd.s32 s7, s10;
	[tilespmem:v63+s24+$0x0] =	vst.idx.msk $0xffff, v0  }
0x1f0: {  	[hbm4b:s10+s2] =	stream.linear.scatter [tilespmem:s24], [sflag:$0x6], $0x200, $0x38;
	[tilespmem:$0xDB80] =	vst v63  }
.Ltmp2:
0x1f1: {  	s10 =	sshrl.u32 s13, $0x3;
	(pc) =	sbr.rel @p0 .LBB2_2-.Ltmp2, $4  }
0x1f2: {  	s17 =	sadd.s32 s5, s10  }
0x1f3: {  	[tilespmem:s21], [sflag:$0x2] =	stream.linear.gather [hbm4b:s17+s2], $0x320, $0x38;
	[tilespmem:$0xDB80] =	vst v63  }
0x1f4: {  	s10 =	sadd.s32 s6, s10  }
0x1f5: {  	v63 =	vld [tilespmem:$0x1FFF0];
	[tilespmem:s22], [sflag:$0x2] =	stream.linear.gather [hbm4b:s10+s2], $0x320, $0x38  }
0x1f6: {  	_ =	swait.ge [sflag:s25], $0x320  }
0x1f7: {  	[sflag:s25] =	ssyncset.done $0x0  }
0x1f8: {  	[sflag:s25] =	ssyncadd.s32 $0xFFFFFCE0  }
0x1f9: {  	_ =	swait.ge [sflag:s25], $0x320  }
0x1fa: {  	[sflag:s25] =	ssyncset.done $0x0  }
0x1fb: {  	[sflag:s25] =	ssyncadd.s32 $0xFFFFFCE0  }
0x1fc: {  	_ =	swait.ge [sflag:s28], $0x320  }
0x1fd: {  	[sflag:s28] =	ssyncset.done $0x0  }
0x1fe: {  	[sflag:s28] =	ssyncadd.s32 $0xFFFFFCE0  }
0x1ff: {  	_ =	swait.ge [sflag:s28], $0x320  }
0x200: {  	[sflag:s28] =	ssyncset.done $0x0  }
0x201: {  	[sflag:s28] =	ssyncadd.s32 $0xFFFFFCE0  }
0x202: {  	_ =	swait.ge [sflag:s31], $0x200  }
0x203: {  	[sflag:s31] =	ssyncset.done $0x0  }
0x204: {  	[sflag:s31] =	ssyncadd.s32 $0xFFFFFE00  }
0x205: {  	_ =	swait.ge [sflag:s1], $0x200  }
0x206: {  	s8 =	sadd.s32 $0x1, s8;
	s9 =	rddreg [dreg:$0x8]  }
0x207: {  	p0 =	sne.s32 s8, s9  }
.Ltmp3:
0x208: {  	_ = 	snop;
	(pc) =	sbr.rel @p0 .LBB2_1-.Ltmp3, $3  }
0x209: {  	_ =	sdelay $0x1  }
0x20a: {  	[sflag:s1] =	ssyncset.done $0x0  }
0x20b: {  	[sflag:s1] =	ssyncadd.s32 $0xFFFFFE00  }
0x20c: {  	_ =	sfence.sel $0x180000  }
0x20d: {  	[bflag:$0x0] =	sbarrier.arrive $0xFFFF  }
0x20e: {  	_ =	strace $0x9000004A  }
0x20f: {  	s0 =	stileid.u32;
	[bflag:$0x2] =	sbarrier.arrive $0xFFFF  }
0x210: {  	p0 =	sne.s32 s0, $0x0;
	s0 =	rddreg [dreg:$0x1]  }
0x211: {  	s0 =	sadd.s32 @!p0 $0x100000, s0  }
0x212: {  	[sflag:s0] =	ssyncadd.tile.s32 @!p0 $0x1;
	_ =	shalt  }
.Lfunc_end2:
_tile_overlayer_lowered:
.L_overlay_start_2:
0x213: {  	(tag) =	ssettag $0x2  }
0x214: {  	s0 =	rddreg [dreg:$0x0];
	s2 =	stileid.u32  }
0x215: {  	s1 =	rddreg [dreg:$0x1];
	p0 =	sne.s32 s2, $0x0  }
0x216: {  	s3 =	rddreg [dreg:$0x2];
	[bflag:$0x3] =	sbarrier.arrive $0xFFFF;
	s2 =	simm.s32 @!p0 $0x1C07  }
0x217: {  	[timem:s3], [sflag:s2] =	dma.local @!p0 [hbm:s0], s1  }
0x218: {  	s0 =	simm.s32 @!p0 $0x7  }
0x219: {  	_ =	swait.ge @!p0 [sflag:s0], s1  }
0x21a: {  	s1 =	ssub.s32 @!p0 $0x0, s1;
	[sflag:s0] =	ssyncset.done @!p0 $0x0  }
0x21b: {  	[sflag:s0] =	ssyncadd.s32 @!p0 s1  }
0x21c: {  	[bflag:$0x3] =	sbarrier.arrive $0xFFFF  }
0x21d: {  	_ =	shalt  }

// kernel: kernel.7.cloned.1.call-start
scs
__scs_entry_jumppad:
0x0: {  	(pc) =	sbr.rel $0x88, $3  }
0x1: {  	(tag) =	ssettag $0x0;
	lr =	simm.s32 $0x1  }
0x2: {  	[smem:$0x3F9B] =	sst lr;
	_ =	strace $0xD0000000  }
0x3: {  	_ = 	snop  }
0x4: {  	_ = 	snop  }
0x5: {  	_ = 	snop  }
0x6: {  	_ = 	snop  }
0x7: {  	_ = 	snop  }
__scs_overlays_trampoline_lowered:
0x8: {  	[smem:$0x3FAA] =	sst s0  }
0x9: {  	[smem:$0x3FAB] =	sst s1  }
0xa: {  	[smem:$0x3FAC] =	sst s2  }
0xb: {  	[smem:$0x3FAD] =	sst s3  }
0xc: {  	[smem:$0x3FAE] =	sst s4  }
0xd: {  	[smem:$0x3FAF] =	sst s5  }
0xe: {  	[smem:$0x3FB0] =	sst s6  }
0xf: {  	[smem:$0x3FB1] =	sst s7  }
0x10: {  	[smem:$0x3FB2] =	sst s8  }
0x11: {  	[smem:$0x3FB3] =	sst s9;
	s0 =	simm.s32 @!p0 $0x0  }
0x12: {  	s1 =	sld [smem:$0x3F99];
	s0 =	simm.s32 @p0 $0x1  }
0x13: {  	[smem:$0x3FB4] =	sst s0;
	s0 =	simm.s32 @!p1 $0x0  }
0x14: {  	s2 =	sld [smem:$0x3F98];
	s0 =	simm.s32 @p1 $0x1  }
0x15: {  	[smem:$0x3FB5] =	sst s0;
	s0 =	simm.s32 @!p2 $0x0  }
0x16: {  	s3 =	sld [smem:$0x3FDB];
	s0 =	simm.s32 @p2 $0x1  }
0x17: {  	s4 =	simm.s32 $0x1BF5;
	[smem:$0x3FB7] =	sst s0  }
0x18: {  	s0 =	sld [smem:$0x3F9A];
	_ =	swait.ge [sflag:s4], $0x0  }
0x19: {  	s7 =	sld [smem:$0x3F9B]  }
0x1a: {  	s8 =	sadd.s32 $0xFFFFE003, lr  }
0x1b: {  	s9 =	sadd.s32 $0xFFFFFEF7, lr;
	s5 =	simm.s32 $0xFFFFFFFF;
	p2 =	slt.u32 s8, $0xFFFFF086  }
0x1c: {  	p1 =	slt.u32 s9, $0xF7A;
	s5 =	simm.s32 @!p2 $0x0  }
0x1d: {  	s5 =	simm.s32 @p1 $0x1;
	p0 =	seq.s32 s7, s2  }
0x1e: {  	s7 =	smul.u32 @!p0 $0xF7A, s2;
	p2 =	seq.s32 @!p0 s5, $0x0  }
0x1f: {  	s9 =	smul.u32 $0xF7A, s1;
	s8 =	simm.s32 @!p0 $0x1BF5;
	p2 =	por !p2, p0  }
0x20: {  	[sflag:s8] =	ssyncset.s32 @!p0 $0xFFFFF086;
	s6 =	sadd.s32 @!p0 s3, s7;
	s7 =	simm.s32 @!p0 $0x108  }
0x21: {  	s3 =	sadd.s32 s3, s9;
	s6 =	sadd.s32 @!p0 $0x88, s6;
	s7 =	simm.s32 @p2 $0x1082  }
0x22: {  	[simem:s7], [sflag:s8] =	dma.local @!p0 [hbm:s6], $0xF7A  }
0x23: {  	s9 =	sor.u32 $0xD0000000, s2;
	s6 =	simm.s32 $0x108;
	_ =	swait.ge @!p0 [sflag:s8], $0x0  }
0x24: {  	s3 =	sadd.s32 $0x88, s3;
	s6 =	simm.s32 @!p1 $0x1082;
	[sflag:s4] =	ssyncset.s32 $0xFFFFF086  }
0x25: {  	[simem:s6], [sflag:s4] =	dma.local [hbm:s3], $0xF7A  }
0x26: {  	[smem:$0x3F9B] =	sst s1;
	(tag) =	ssettag s2;
	_ =	strace s9  }
0x27: {  	s1 =	sld [smem:$0x3FAB]  }
0x28: {  	s2 =	sld [smem:$0x3FAC]  }
0x29: {  	s4 =	sld [smem:$0x3FAE]  }
0x2a: {  	p0 =	seq.s32 s5, $0x0;
	s5 =	sld [smem:$0x3FAF]  }
0x2b: {  	s6 =	sld [smem:$0x3FB0]  }
0x2c: {  	s7 =	sld [smem:$0x3FB1]  }
0x2d: {  	s3 =	simm.s32 $0x108;
	s8 =	sld [smem:$0x3FB2]  }
0x2e: {  	s3 =	simm.s32 @!p0 $0x1082;
	s9 =	sld [smem:$0x3FB3]  }
0x2f: {  	lr =	sadd.s32 s0, s3;
	s0 =	sld [smem:$0x3FAA]  }
0x30: {  	s3 =	sld [smem:$0x3FAD]  }
0x31: {  	[smem:$0x3FB6] =	sst s10  }
0x32: {  	s10 =	sld [smem:$0x3FB4];
	_ =	sdelay $0x3  }
0x33: {  	p0 =	seq.s32 s10, $0x1;
	s10 =	sld [smem:$0x3FB6];
	_ =	sdelay $0x3  }
0x34: {  	[smem:$0x3FB6] =	sst s10  }
0x35: {  	s10 =	sld [smem:$0x3FB5];
	_ =	sdelay $0x3  }
0x36: {  	p1 =	seq.s32 s10, $0x1;
	s10 =	sld [smem:$0x3FB6];
	_ =	sdelay $0x3  }
0x37: {  	[smem:$0x3FB6] =	sst s10  }
0x38: {  	s10 =	sld [smem:$0x3FB7]  }
0x39: {  	_ = 	snop;
	(pc) =	sbr.ind lr, $3  }
0x3a: {  	_ = 	snop  }
0x3b: {  	_ = 	snop  }
0x3c: {  	p2 =	seq.s32 s10, $0x1;
	s10 =	sld [smem:$0x3FB6]  }
0x3d: {  	_ =	shalt  }
0x3e: {  	_ =	shalt  }
0x3f: {  	_ =	shalt  }
0x40: {  	_ =	shalt  }
0x41: {  	_ =	shalt  }
0x42: {  	_ =	shalt  }
0x43: {  	_ =	shalt  }
0x44: {  	_ =	shalt  }
0x45: {  	_ =	shalt  }
0x46: {  	_ =	shalt  }
0x47: {  	_ =	shalt  }
0x48: {  	_ =	shalt  }
0x49: {  	_ =	shalt  }
0x4a: {  	_ =	shalt  }
0x4b: {  	_ =	shalt  }
0x4c: {  	_ =	shalt  }
0x4d: {  	_ =	shalt  }
0x4e: {  	_ =	shalt  }
0x4f: {  	_ =	shalt  }
0x50: {  	_ =	shalt  }
0x51: {  	_ =	shalt  }
0x52: {  	_ =	shalt  }
0x53: {  	_ =	shalt  }
0x54: {  	_ =	shalt  }
0x55: {  	_ =	shalt  }
0x56: {  	_ =	shalt  }
0x57: {  	_ =	shalt  }
0x58: {  	_ =	shalt  }
0x59: {  	_ =	shalt  }
0x5a: {  	_ =	shalt  }
0x5b: {  	_ =	shalt  }
0x5c: {  	_ =	shalt  }
0x5d: {  	_ =	shalt  }
0x5e: {  	_ =	shalt  }
0x5f: {  	_ =	shalt  }
0x60: {  	_ =	shalt  }
0x61: {  	_ =	shalt  }
0x62: {  	_ =	shalt  }
0x63: {  	_ =	shalt  }
0x64: {  	_ =	shalt  }
0x65: {  	_ =	shalt  }
0x66: {  	_ =	shalt  }
0x67: {  	_ =	shalt  }
0x68: {  	_ =	shalt  }
0x69: {  	_ =	shalt  }
0x6a: {  	_ =	shalt  }
0x6b: {  	_ =	shalt  }
0x6c: {  	_ =	shalt  }
0x6d: {  	_ =	shalt  }
0x6e: {  	_ =	shalt  }
0x6f: {  	_ =	shalt  }
0x70: {  	_ =	shalt  }
0x71: {  	_ =	shalt  }
0x72: {  	_ =	shalt  }
0x73: {  	_ =	shalt  }
0x74: {  	_ =	shalt  }
0x75: {  	_ =	shalt  }
0x76: {  	_ =	shalt  }
0x77: {  	_ =	shalt  }
0x78: {  	_ =	shalt  }
0x79: {  	_ =	shalt  }
0x7a: {  	_ =	shalt  }
0x7b: {  	_ =	shalt  }
0x7c: {  	_ =	shalt  }
0x7d: {  	_ =	shalt  }
0x7e: {  	_ =	shalt  }
0x7f: {  	_ =	shalt  }
0x80: {  	_ =	shalt  }
0x81: {  	_ =	shalt  }
0x82: {  	_ =	shalt  }
0x83: {  	_ =	shalt  }
0x84: {  	_ =	shalt  }
0x85: {  	_ =	shalt  }
0x86: {  	_ =	shalt  }
0x87: {  	_ =	shalt  }
.Lfunc_end0:
.L_simem_size_0:
called_computation.1_lowered:
.L_overlay_start_0:
0x88: {  	s2 =	sld [smem:$0x3FD9]  }
0x89: {  	s3 =	sld [smem:$0x3FFE];
	_ =	sdelay $0x1  }
0x8a: {  	s1 =	srdreg.scid  }
0x8b: {  	s0 =	sand.u32 $0x1, s1  }
0x8c: {  	s17 =	sshll.u32 s0, $0xA;
	s2 =	sadd.s32 s3, s2  }
0x8d: {  	s2 =	sadd.s32 s2, s17  }
0x8e: {  	[smem:$0x3FC2] =	sst s2  }
0x8f: {  	_ = 	snop  }
0x90: {  	s2 =	sld [smem:$0x3FD0];
	(tm) =	ssettm $0x1  }
0x91: {  	s18 =	sld [smem:$0x3FFB];
	_ =	sdelay $0x3  }
0x92: {  	_ =	strace s18  }
0x93: {  	s3 =	sld [smem:$0x3FFC];
	_ =	sdelay $0x3  }
0x94: {  	_ =	strace s3  }
0x95: {  	s3 =	sld [smem:$0x3FFD];
	_ =	sdelay $0x3  }
0x96: {  	_ =	strace s3  }
0x97: {  	_ =	strace $0x8FFFFFFF  }
0x98: {  	s19 =	sld [smem:$0x3FDB];
	_ =	sdelay $0x1  }
0x99: {  	s4 =	simm.s32 $_scs_section_size  }
0x9a: {  	s5 =	simm.s32 $_size__tile_overlayer_lowered;
	s6 =	simm.s32 $_tile_overlayer_lowered  }
0x9b: {  	s22 =	simm.s32 $0x1BFF;
	s21 =	sshll.u32 s6, $0x1;
	s3 =	sadd.s32 s4, s19  }
0x9c: {  	s7 =	simm.s32 $0x0;
	s20 =	sshll.u32 s5, $0x1;
	s5 =	sadd.s32 s21, s3  }
0x9d: {  	[timem:s7], [sflag:s22] =	dma.local [hbm:s5], s20  }
0x9e: {  	_ =	swait.ge [sflag:s22], s20  }
0x9f: {  	s4 =	ssub.s32 $0x0, s20;
	[sflag:s22] =	ssyncset.done $0x0  }
0xa0: {  	[sflag:s22] =	ssyncadd.s32 s4;
	_ =	sdelay $0x1  }
0xa1: {  	s23 =	simm.s32 $0x1B8B  }
0xa2: {  	_ =	swait.ge [sflag:s23], $0x1  }
0xa3: {  	[sflag:s23] =	ssyncset.done $0x0  }
0xa4: {  	s25 =	simm.s32 $0x1B8E;
	s24 =	sld [smem:$0x3FFE];
	[sflag:s23] =	ssyncadd.s32 $0xFFFFFFFF  }
0xa5: {  	s26 =	simm.s32 $execute0_lowered;
	[smem:$0x3FD2] =	sst s25  }
0xa6: {  	s5 =	sshll.u32 s26, $0x1;
	_ =	strace $0x80000046;
	[dreg:$0x1] =	wrdreg $0xFFFFFFFF  }
0xa7: {  	s28 =	simm.s32 $_size_execute0_lowered;
	s3 =	sadd.s32 s3, s5;
	[dreg:$0x0] =	wrdreg $0x0  }
0xa8: {  	s5 =	sshll.u32 s28, $0x1;
	[dreg:$0x2] =	wrdreg s3  }
0xa9: {  	[dreg:$0x3] =	wrdreg s5  }
0xaa: {  	[dreg:$0x4] =	wrdreg $0xC0  }
0xab: {  	_ =	task [dreg:s7], $0x5FFFF  }
0xac: {  	[dreg:$0x1] =	wrdreg $0xFFFFFFFF  }
0xad: {  	[dreg:$0x0] =	wrdreg $0x60  }
0xae: {  	[dreg:$0x2] =	wrdreg s24  }
0xaf: {  	[dreg:$0x3] =	wrdreg s2  }
0xb0: {  	[dreg:$0x4] =	wrdreg $0xA  }
0xb1: {  	_ =	task.clear_ibuf [dreg:s7], $0x5FFFF;
	_ =	strace $0x90000046  }
0xb2: {  	s29 =	simm.s32 $0xA;
	_ =	strace $0x80000048  }
0xb3: {  	_ =	swait.ge [sflag:s29], $0x1  }
0xb4: {  	[sflag:s29] =	ssyncadd.s32 $0xFFFFFFFF  }
0xb5: {  	_ =	strace $0x90000048  }
0xb6: {  	_ =	sfence  }
0xb7: {  	s30 =	sld [smem:$0x0];
	_ =	sdelay $0x2  }
0xb8: {  	s31 =	sshll.u32 s1, $0xD;
	s1 =	sshrl.u32 s1, $0x2  }
0xb9: {  	s3 =	sand.u32 $0x4000, s31;
	s1 =	sadd.s32 s1, s30  }
0xba: {  	s0 =	sor.u32 s3, s0;
	s1 =	sshll.u32 s1, $0x11  }
0xbb: {  	s0 =	sor.u32 s1, s0  }
0xbc: {  	s0 =	sadd.s32 $0x8F2B, s0  }
0xbd: {  	[sflag:s0] =	ssyncadd.remote.s32 $0x1  }
0xbe: {  	_ =	sfence.sel $0xFFFF  }
0xbf: {  	[dreg:$0x0] =	wrdreg $0xFFFFFFFF;
	(pc) =	sbr.abs _section_cstart, $3  }
0xc0: {  	[dreg:$0x1] =	wrdreg $0xFFFFFFFF  }
0xc1: {  	_ =	task.clear_ibuf [dreg:s7], $0x2FFFF;
	_ =	strace $0x9FFFFFFF  }
0xc2: {  	(tm) =	ssettm $0x7FFFFFFF  }
0xc3: {  	_ =	shalt  }
tec
execute0_lowered:
.L_overlay_start_1:
0x0: {  	(tag) =	ssettag $0x1  }
0x1: {  	s1 =	srdreg.scid  }
0x2: {  	s0 =	stileid.u32;
	s1 =	sand.u32 $0x1, s1  }
0x3: {  	s6 =	rddreg [dreg:$0x1];
	s2 =	sshll.u32 s0, $0x8;
	s3 =	sshll.u32 s1, $0x7  }
0x4: {  	s4 =	sor.u32 s3, s2;
	s3 =	rddreg [dreg:$0x0];
	s2 =	simm.s32 $0x0  }
0x5: {  	s16 =	simm.s32 $0xF00;
	[smem:$0x7FF] =	sst s2  }
0x6: {  	s17 =	simm.s32 $0x50;
	_ =	strace $0x80000047;
	[dreg:$0x5] =	wrdreg s16  }
0x7: {  	s18 =	simm.s32 $0x1400;
	[dreg:$0x6] =	wrdreg s17  }
0x8: {  	s19 =	simm.s32 $0x78;
	[dreg:$0x7] =	wrdreg s18  }
0x9: {  	s20 =	simm.s32 $0x1900;
	[dreg:$0x8] =	wrdreg s19  }
0xa: {  	s21 =	simm.s32 $0xA0;
	[dreg:$0x9] =	wrdreg s20  }
0xb: {  	s22 =	simm.s32 $0x1E00;
	[dreg:$0xa] =	wrdreg s21  }
0xc: {  	s23 =	simm.s32 $0xC8;
	[dreg:$0xb] =	wrdreg s22  }
0xd: {  	s24 =	simm.s32 $0x2300;
	[dreg:$0xc] =	wrdreg s23  }
0xe: {  	s25 =	simm.s32 $0xF0;
	[dreg:$0xd] =	wrdreg s24  }
0xf: {  	s26 =	simm.s32 $0x2800;
	[dreg:$0xe] =	wrdreg s25  }
0x10: {  	s0 =	simm.s32 $0x118;
	[dreg:$0xf] =	wrdreg s26  }
0x11: {  	s7 =	simm.s32 $0x3200;
	[dreg:$0x10] =	wrdreg s0  }
0x12: {  	s8 =	simm.s32 $0x168;
	[dreg:$0x13] =	wrdreg s7  }
0x13: {  	s9 =	simm.s32 $0x3700;
	[dreg:$0x14] =	wrdreg s8  }
0x14: {  	s10 =	simm.s32 $0x190;
	[dreg:$0x15] =	wrdreg s9  }
0x15: {  	s11 =	simm.s32 $0x3C00;
	[dreg:$0x16] =	wrdreg s10  }
0x16: {  	s12 =	simm.s32 $0x1B8;
	[dreg:$0x17] =	wrdreg s11  }
0x17: {  	s13 =	simm.s32 $0x4100;
	[dreg:$0x18] =	wrdreg s12  }
0x18: {  	s14 =	simm.s32 $0x1E0;
	[dreg:$0x19] =	wrdreg s13  }
0x19: {  	s15 =	simm.s32 $0x4600;
	[dreg:$0x1a] =	wrdreg s14  }
0x1a: {  	[dreg:$0x1b] =	wrdreg s15;
	s16 =	simm.s32 $0x208  }
0x1b: {  	s17 =	simm.s32 $0x4B00;
	[dreg:$0x1c] =	wrdreg s16  }
0x1c: {  	s18 =	simm.s32 $0x230;
	[dreg:$0x1d] =	wrdreg s17  }
0x1d: {  	s19 =	simm.s32 $0x5000;
	[dreg:$0x1e] =	wrdreg s18  }
0x1e: {  	s20 =	simm.s32 $0x258;
	[dreg:$0x1f] =	wrdreg s19  }
0x1f: {  	s21 =	simm.s32 $0x5500;
	[smem:$0x7B3] =	sst s20  }
0x20: {  	s22 =	simm.s32 $0x280;
	[smem:$0x7B4] =	sst s21  }
0x21: {  	s23 =	simm.s32 $0x5A00;
	[smem:$0x7B5] =	sst s22  }
0x22: {  	s24 =	simm.s32 $0x2A8;
	[smem:$0x7B6] =	sst s23  }
0x23: {  	s25 =	simm.s32 $0x5F00;
	[smem:$0x7B7] =	sst s24  }
0x24: {  	s26 =	simm.s32 $0x2D0;
	[smem:$0x7B8] =	sst s25  }
0x25: {  	s0 =	simm.s32 $0x6400;
	[smem:$0x7B9] =	sst s26  }
0x26: {  	s7 =	simm.s32 $0x320;
	[smem:$0x7BA] =	sst s0  }
0x27: {  	s8 =	simm.s32 $0x6E00;
	[smem:$0x7BD] =	sst s7  }
0x28: {  	s9 =	simm.s32 $0x348;
	[smem:$0x7BE] =	sst s8  }
0x29: {  	s10 =	simm.s32 $0x7300;
	[smem:$0x7BF] =	sst s9  }
0x2a: {  	s11 =	simm.s32 $0x370;
	[smem:$0x7C0] =	sst s10  }
0x2b: {  	s12 =	simm.s32 $0x7800;
	[smem:$0x7C1] =	sst s11  }
0x2c: {  	s5 =	smul.u32 $0x14, s4;
	s13 =	simm.s32 $0x398;
	[smem:$0x7C2] =	sst s12  }
0x2d: {  	s4 =	smul.u32 $0x50, s4;
	s14 =	simm.s32 $0x7D00;
	[smem:$0x7C3] =	sst s13  }
0x2e: {  	s15 =	simm.s32 $0x3C0;
	[smem:$0x7C4] =	sst s14  }
0x2f: {  	s4 =	sadd.s32 s6, s4;
	[smem:$0x7C5] =	sst s15  }
0x30: {  	s6 =	simm.s32 $0x140;
	[dreg:$0x4] =	wrdreg s4  }
0x31: {  	s16 =	simm.s32 $0x8200;
	[dreg:$0x12] =	wrdreg s6  }
0x32: {  	s17 =	simm.s32 $0x3E8;
	[smem:$0x7C6] =	sst s16  }
0x33: {  	s18 =	simm.s32 $0x8700;
	[smem:$0x7C7] =	sst s17  }
0x34: {  	s19 =	simm.s32 $0x410;
	[smem:$0x7C8] =	sst s18  }
0x35: {  	s20 =	simm.s32 $0x8C00;
	[smem:$0x7C9] =	sst s19  }
0x36: {  	s21 =	simm.s32 $0x438;
	[smem:$0x7CA] =	sst s20  }
0x37: {  	s22 =	simm.s32 $0x9100;
	[smem:$0x7CB] =	sst s21  }
0x38: {  	s23 =	simm.s32 $0x460;
	[smem:$0x7CC] =	sst s22  }
0x39: {  	s24 =	simm.s32 $0x9600;
	[smem:$0x7CD] =	sst s23  }
0x3a: {  	s25 =	simm.s32 $0x488;
	[smem:$0x7CE] =	sst s24  }
0x3b: {  	s26 =	simm.s32 $0x9B00;
	[smem:$0x7CF] =	sst s25  }
0x3c: {  	s0 =	simm.s32 $0x4B0;
	[smem:$0x7D0] =	sst s26  }
0x3d: {  	s7 =	simm.s32 $0xA500;
	[smem:$0x7D1] =	sst s0  }
0x3e: {  	s8 =	simm.s32 $0x500;
	[smem:$0x7D4] =	sst s7  }
0x3f: {  	s9 =	simm.s32 $0xAA00;
	[smem:$0x7D5] =	sst s8  }
0x40: {  	s10 =	simm.s32 $0x528;
	[smem:$0x7D6] =	sst s9  }
0x41: {  	s11 =	simm.s32 $0xAF00;
	[smem:$0x7D7] =	sst s10  }
0x42: {  	s12 =	simm.s32 $0x550;
	[smem:$0x7D8] =	sst s11  }
0x43: {  	s13 =	simm.s32 $0xB400;
	[smem:$0x7D9] =	sst s12  }
0x44: {  	s14 =	simm.s32 $0x578;
	[smem:$0x7DA] =	sst s13  }
0x45: {  	s15 =	simm.s32 $0xB900;
	[smem:$0x7DB] =	sst s14  }
0x46: {  	s6 =	simm.s32 $0x6900;
	[smem:$0x7DC] =	sst s15  }
0x47: {  	s16 =	simm.s32 $0x5A0;
	[smem:$0x7BC] =	sst s6  }
0x48: {  	s17 =	simm.s32 $0xBE00;
	[smem:$0x7DD] =	sst s16  }
0x49: {  	s18 =	simm.s32 $0x5C8;
	[smem:$0x7DE] =	sst s17  }
0x4a: {  	s19 =	simm.s32 $0xC300;
	[smem:$0x7DF] =	sst s18  }
0x4b: {  	s20 =	simm.s32 $0x5F0;
	[smem:$0x7E0] =	sst s19  }
0x4c: {  	s21 =	simm.s32 $0xC800;
	[smem:$0x7E1] =	sst s20  }
0x4d: {  	s22 =	simm.s32 $0x618;
	[smem:$0x7E2] =	sst s21  }
0x4e: {  	s23 =	simm.s32 $0xCD00;
	[smem:$0x7E3] =	sst s22  }
0x4f: {  	s24 =	simm.s32 $0x640;
	[smem:$0x7E4] =	sst s23  }
0x50: {  	s25 =	simm.s32 $0xD200;
	[smem:$0x7E5] =	sst s24  }
0x51: {  	s26 =	simm.s32 $0x668;
	[smem:$0x7E6] =	sst s25  }
0x52: {  	s0 =	simm.s32 $0xD700;
	[smem:$0x7E7] =	sst s26  }
0x53: {  	s7 =	simm.s32 $0x6B8;
	[smem:$0x7E8] =	sst s0  }
0x54: {  	s8 =	simm.s32 $0xE100;
	[smem:$0x7EB] =	sst s7  }
0x55: {  	s9 =	simm.s32 $0x6E0;
	[smem:$0x7EC] =	sst s8  }
0x56: {  	s28 =	simm.s32 $0x9B0;
	s10 =	simm.s32 $0xE600;
	[smem:$0x7ED] =	sst s9  }
0x57: {  	s29 =	simm.s32 $0x14000;
	s11 =	simm.s32 $0x708;
	[smem:$0x7EE] =	sst s10  }
0x58: {  	s30 =	simm.s32 $0x9D8;
	s12 =	simm.s32 $0xEB00;
	[smem:$0x7EF] =	sst s11  }
0x59: {  	s31 =	simm.s32 $0x14500;
	s13 =	simm.s32 $0x730;
	[smem:$0x7F0] =	sst s12  }
0x5a: {  	s5 =	sshrl.u32 s5, $0x3;
	s14 =	simm.s32 $0xF000;
	[smem:$0x7F1] =	sst s13  }
0x5b: {  	s5 =	sadd.s32 s5, s3;
	s15 =	simm.s32 $0x758;
	[smem:$0x7F2] =	sst s14  }
0x5c: {  	s1 =	ssub.s32 $0x2, s1;
	s5 =	sadd.s32 $0x1800, s5;
	[smem:$0x7F3] =	sst s15  }
0x5d: {  	s3 =	sadd.s32 $0x1E86000, s3;
	s6 =	simm.s32 $0x4D8;
	[dreg:$0x3] =	wrdreg s5  }
0x5e: {  	s16 =	simm.s32 $0xF500;
	s17 =	simm.s32 $0x780;
	[smem:$0x7D3] =	sst s6  }
0x5f: {  	s18 =	simm.s32 $0xFA00;
	s19 =	simm.s32 $0x7A8;
	[smem:$0x7F4] =	sst s16  }
0x60: {  	s20 =	simm.s32 $0xFF00;
	s21 =	simm.s32 $0x7D0;
	[smem:$0x7F5] =	sst s17  }
0x61: {  	s22 =	sshrl.u32 s1, $0x1;
	s23 =	simm.s32 $0x10400;
	[smem:$0x7F6] =	sst s18  }
0x62: {  	s24 =	simm.s32 $0x7F8;
	s25 =	simm.s32 $0x10900;
	[smem:$0x7F7] =	sst s19  }
0x63: {  	s26 =	simm.s32 $0x820;
	s7 =	simm.s32 $0xA00;
	[smem:$0x7F8] =	sst s20  }
0x64: {  	s11 =	simm.s32 $0x870;
	s12 =	simm.s32 $0x11800;
	[smem:$0x7F9] =	sst s21  }
0x65: {  	s13 =	simm.s32 $0x898;
	s14 =	simm.s32 $0x11D00;
	[smem:$0x7FA] =	sst s23  }
0x66: {  	s15 =	simm.s32 $0x8C0;
	s5 =	simm.s32 $0x2D00;
	[smem:$0x7FB] =	sst s24  }
0x67: {  	s6 =	simm.s32 $0xDC00;
	s1 =	ssub.s32 s1, s22;
	[smem:$0x7FC] =	sst s25  }
0x68: {  	[smem:$0x7FD] =	sst s26;
	s16 =	simm.s32 $0x12200;
	s17 =	simm.s32 $0x8E8  }
0x69: {  	s18 =	simm.s32 $0x12700;
	s19 =	simm.s32 $0x910;
	s20 =	simm.s32 $0x12C00  }
0x6a: {  	s21 =	simm.s32 $0x938;
	s22 =	simm.s32 $0x13100;
	s23 =	simm.s32 $0x960  }
0x6b: {  	s24 =	simm.s32 $0x13600;
	s25 =	simm.s32 $0x988;
	[dreg:$0x11] =	wrdreg s5  }
0x6c: {  	s26 =	simm.s32 $0x13B00;
	s5 =	simm.s32 $0x2F8;
	[smem:$0x7EA] =	sst s6  }
0x6d: {  	s4 =	smax.u32 s1, $0x1;
	[smem:$0x7BB] =	sst s5;
	s5 =	simm.s32 $0xA000  }
0x6e: {  	s6 =	simm.s32 $0x28;
	[smem:$0x7D2] =	sst s5;
	s5 =	simm.s32 $0x690  }
0x6f: {  	s1 =	simm.s32 $0x1;
	[smem:$0x7E9] =	sst s5;
	s5 =	simm.s32 $0x2  }
.LBB2_1:
0x70: {  	s0 =	rddreg [dreg:$0x3]  }
0x71: {  	[tilespmem:s2], [sflag:$0x2] =	stream.linear.gather [hbm4b:s0+s2], $0xA00, $0x38;
	[tilespmem:$0x14A00] =	vst v63  }
0x72: {  	_ =	swait.ge [sflag:s5], $0xA00  }
0x73: {  	s10 =	rddreg [dreg:$0x5]  }
0x74: {  	[sflag:s5] =	ssyncset.done $0x0;
	s0 =	rddreg [dreg:$0x6]  }
0x75: {  	s8 =	rddreg [dreg:$0x7];
	[sflag:s5] =	ssyncadd.s32 $0xFFFFF600  }
0x76: {  	[tilespmem:s7], [sflag:$0x1] =	stream.indirect.gather [hbm4b:s3+s6], $0x20, s2, s6, $0xb8;
	[tilespmem:$0x14A00] =	vst v63  }
0x77: {  	s9 =	rddreg [dreg:$0x8]  }
0x78: {  	[tilespmem:s10], [sflag:$0x1] =	stream.indirect.gather [hbm4b:s3+s6], $0x20, s6, s6, $0xb8;
	[tilespmem:$0x14A00] =	vst v63  }
0x79: {  	s10 =	rddreg [dreg:$0x9]  }
0x7a: {  	[tilespmem:s8], [sflag:$0x1] =	stream.indirect.gather [hbm4b:s3+s6], $0x20, s0, s6, $0xb8;
	[tilespmem:$0x14A00] =	vst v63  }
0x7b: {  	s0 =	rddreg [dreg:$0xa]  }
0x7c: {  	s8 =	rddreg [dreg:$0xb]  }
0x7d: {  	[tilespmem:s10], [sflag:$0x1] =	stream.indirect.gather [hbm4b:s3+s6], $0x20, s9, s6, $0xb8;
	[tilespmem:$0x14A00] =	vst v63  }
0x7e: {  	s9 =	rddreg [dreg:$0xc]  }
0x7f: {  	s10 =	rddreg [dreg:$0xd]  }
0x80: {  	[tilespmem:s8], [sflag:$0x1] =	stream.indirect.gather [hbm4b:s3+s6], $0x20, s0, s6, $0xb8;
	[tilespmem:$0x14A00] =	vst v63  }
0x81: {  	s0 =	rddreg [dreg:$0xe]  }
0x82: {  	s8 =	rddreg [dreg:$0xf]  }
0x83: {  	[tilespmem:s10], [sflag:$0x1] =	stream.indirect.gather [hbm4b:s3+s6], $0x20, s9, s6, $0xb8;
	[tilespmem:$0x14A00] =	vst v63  }
0x84: {  	s9 =	rddreg [dreg:$0x10]  }
0x85: {  	s10 =	rddreg [dreg:$0x11]  }
0x86: {  	[tilespmem:s8], [sflag:$0x1] =	stream.indirect.gather [hbm4b:s3+s6], $0x20, s0, s6, $0xb8;
	[tilespmem:$0x14A00] =	vst v63  }
0x87: {  	s0 =	rddreg [dreg:$0x12]  }
0x88: {  	s8 =	rddreg [dreg:$0x13]  }
0x89: {  	[tilespmem:s10], [sflag:$0x1] =	stream.indirect.gather [hbm4b:s3+s6], $0x20, s9, s6, $0xb8;
	[tilespmem:$0x14A00] =	vst v63  }
0x8a: {  	s9 =	rddreg [dreg:$0x14]  }
0x8b: {  	s10 =	rddreg [dreg:$0x15]  }
0x8c: {  	[tilespmem:s8], [sflag:$0x1] =	stream.indirect.gather [hbm4b:s3+s6], $0x20, s0, s6, $0xb8;
	[tilespmem:$0x14A00] =	vst v63  }
0x8d: {  	s0 =	rddreg [dreg:$0x16]  }
0x8e: {  	s8 =	rddreg [dreg:$0x17]  }
0x8f: {  	[tilespmem:s10], [sflag:$0x1] =	stream.indirect.gather [hbm4b:s3+s6], $0x20, s9, s6, $0xb8;
	[tilespmem:$0x14A00] =	vst v63  }
0x90: {  	s9 =	rddreg [dreg:$0x18]  }
0x91: {  	s10 =	rddreg [dreg:$0x19]  }
0x92: {  	[tilespmem:s8], [sflag:$0x1] =	stream.indirect.gather [hbm4b:s3+s6], $0x20, s0, s6, $0xb8;
	[tilespmem:$0x14A00] =	vst v63  }
0x93: {  	s0 =	rddreg [dreg:$0x1a]  }
0x94: {  	s8 =	rddreg [dreg:$0x1b]  }
0x95: {  	[tilespmem:s10], [sflag:$0x1] =	stream.indirect.gather [hbm4b:s3+s6], $0x20, s9, s6, $0xb8;
	[tilespmem:$0x14A00] =	vst v63  }
0x96: {  	s9 =	rddreg [dreg:$0x1c]  }
0x97: {  	s10 =	rddreg [dreg:$0x1d]  }
0x98: {  	[tilespmem:s8], [sflag:$0x1] =	stream.indirect.gather [hbm4b:s3+s6], $0x20, s0, s6, $0xb8;
	[tilespmem:$0x14A00] =	vst v63  }
0x99: {  	s0 =	rddreg [dreg:$0x1e]  }
0x9a: {  	s8 =	rddreg [dreg:$0x1f]  }
0x9b: {  	[tilespmem:s10], [sflag:$0x1] =	stream.indirect.gather [hbm4b:s3+s6], $0x20, s9, s6, $0xb8;
	[tilespmem:$0x14A00] =	vst v63  }
0x9c: {  	s9 =	sld [smem:$0x7B3]  }
0x9d: {  	s10 =	sld [smem:$0x7B4]  }
0x9e: {  	[tilespmem:s8], [sflag:$0x1] =	stream.indirect.gather [hbm4b:s3+s6], $0x20, s0, s6, $0xb8;
	[tilespmem:$0x14A00] =	vst v63  }
0x9f: {  	s0 =	sld [smem:$0x7B5]  }
0xa0: {  	s8 =	sld [smem:$0x7B6]  }
0xa1: {  	[tilespmem:s10], [sflag:$0x1] =	stream.indirect.gather [hbm4b:s3+s6], $0x20, s9, s6, $0xb8;
	[tilespmem:$0x14A00] =	vst v63  }
0xa2: {  	s9 =	sld [smem:$0x7B7]  }
0xa3: {  	s10 =	sld [smem:$0x7B8]  }
0xa4: {  	[tilespmem:s8], [sflag:$0x1] =	stream.indirect.gather [hbm4b:s3+s6], $0x20, s0, s6, $0xb8;
	[tilespmem:$0x14A00] =	vst v63  }
0xa5: {  	s0 =	sld [smem:$0x7B9]  }
0xa6: {  	s8 =	sld [smem:$0x7BA]  }
0xa7: {  	[tilespmem:s10], [sflag:$0x1] =	stream.indirect.gather [hbm4b:s3+s6], $0x20, s9, s6, $0xb8;
	[tilespmem:$0x14A00] =	vst v63  }
0xa8: {  	s9 =	sld [smem:$0x7BB]  }
0xa9: {  	s10 =	sld [smem:$0x7BC]  }
0xaa: {  	[tilespmem:s8], [sflag:$0x1] =	stream.indirect.gather [hbm4b:s3+s6], $0x20, s0, s6, $0xb8;
	[tilespmem:$0x14A00] =	vst v63  }
0xab: {  	s0 =	sld [smem:$0x7BD]  }
0xac: {  	s8 =	sld [smem:$0x7BE]  }
0xad: {  	[tilespmem:s10], [sflag:$0x1] =	stream.indirect.gather [hbm4b:s3+s6], $0x20, s9, s6, $0xb8;
	[tilespmem:$0x14A00] =	vst v63  }
0xae: {  	s9 =	sld [smem:$0x7BF]  }
0xaf: {  	s10 =	sld [smem:$0x7C0]  }
0xb0: {  	[tilespmem:s8], [sflag:$0x1] =	stream.indirect.gather [hbm4b:s3+s6], $0x20, s0, s6, $0xb8;
	[tilespmem:$0x14A00] =	vst v63  }
0xb1: {  	s0 =	sld [smem:$0x7C1]  }
0xb2: {  	s8 =	sld [smem:$0x7C2]  }
0xb3: {  	[tilespmem:s10], [sflag:$0x1] =	stream.indirect.gather [hbm4b:s3+s6], $0x20, s9, s6, $0xb8;
	[tilespmem:$0x14A00] =	vst v63  }
0xb4: {  	s9 =	sld [smem:$0x7C3]  }
0xb5: {  	s10 =	sld [smem:$0x7C4]  }
0xb6: {  	[tilespmem:s8], [sflag:$0x1] =	stream.indirect.gather [hbm4b:s3+s6], $0x20, s0, s6, $0xb8;
	[tilespmem:$0x14A00] =	vst v63  }
0xb7: {  	s0 =	sld [smem:$0x7C5]  }
0xb8: {  	s8 =	sld [smem:$0x7C6]  }
0xb9: {  	[tilespmem:s10], [sflag:$0x1] =	stream.indirect.gather [hbm4b:s3+s6], $0x20, s9, s6, $0xb8;
	[tilespmem:$0x14A00] =	vst v63  }
0xba: {  	s9 =	sld [smem:$0x7C7]  }
0xbb: {  	s10 =	sld [smem:$0x7C8]  }
0xbc: {  	[tilespmem:s8], [sflag:$0x1] =	stream.indirect.gather [hbm4b:s3+s6], $0x20, s0, s6, $0xb8;
	[tilespmem:$0x14A00] =	vst v63  }
0xbd: {  	s0 =	sld [smem:$0x7C9]  }
0xbe: {  	s8 =	sld [smem:$0x7CA]  }
0xbf: {  	[tilespmem:s10], [sflag:$0x1] =	stream.indirect.gather [hbm4b:s3+s6], $0x20, s9, s6, $0xb8;
	[tilespmem:$0x14A00] =	vst v63  }
0xc0: {  	s9 =	sld [smem:$0x7CB]  }
0xc1: {  	s10 =	sld [smem:$0x7CC]  }
0xc2: {  	[tilespmem:s8], [sflag:$0x1] =	stream.indirect.gather [hbm4b:s3+s6], $0x20, s0, s6, $0xb8;
	[tilespmem:$0x14A00] =	vst v63  }
0xc3: {  	s0 =	sld [smem:$0x7CD]  }
0xc4: {  	s8 =	sld [smem:$0x7CE]  }
0xc5: {  	[tilespmem:s10], [sflag:$0x1] =	stream.indirect.gather [hbm4b:s3+s6], $0x20, s9, s6, $0xb8;
	[tilespmem:$0x14A00] =	vst v63  }
0xc6: {  	s9 =	sld [smem:$0x7CF]  }
0xc7: {  	s10 =	sld [smem:$0x7D0]  }
0xc8: {  	[tilespmem:s8], [sflag:$0x1] =	stream.indirect.gather [hbm4b:s3+s6], $0x20, s0, s6, $0xb8;
	[tilespmem:$0x14A00] =	vst v63  }
0xc9: {  	s0 =	sld [smem:$0x7D1]  }
0xca: {  	s8 =	sld [smem:$0x7D2]  }
0xcb: {  	[tilespmem:s10], [sflag:$0x1] =	stream.indirect.gather [hbm4b:s3+s6], $0x20, s9, s6, $0xb8;
	[tilespmem:$0x14A00] =	vst v63  }
0xcc: {  	s9 =	sld [smem:$0x7D3]  }
0xcd: {  	s10 =	sld [smem:$0x7D4]  }
0xce: {  	[tilespmem:s8], [sflag:$0x1] =	stream.indirect.gather [hbm4b:s3+s6], $0x20, s0, s6, $0xb8;
	[tilespmem:$0x14A00] =	vst v63  }
0xcf: {  	s0 =	sld [smem:$0x7D5]  }
0xd0: {  	s8 =	sld [smem:$0x7D6]  }
0xd1: {  	[tilespmem:s10], [sflag:$0x1] =	stream.indirect.gather [hbm4b:s3+s6], $0x20, s9, s6, $0xb8;
	[tilespmem:$0x14A00] =	vst v63  }
0xd2: {  	s9 =	sld [smem:$0x7D7]  }
0xd3: {  	s10 =	sld [smem:$0x7D8]  }
0xd4: {  	[tilespmem:s8], [sflag:$0x1] =	stream.indirect.gather [hbm4b:s3+s6], $0x20, s0, s6, $0xb8;
	[tilespmem:$0x14A00] =	vst v63  }
0xd5: {  	s0 =	sld [smem:$0x7D9]  }
0xd6: {  	s8 =	sld [smem:$0x7DA]  }
0xd7: {  	[tilespmem:s10], [sflag:$0x1] =	stream.indirect.gather [hbm4b:s3+s6], $0x20, s9, s6, $0xb8;
	[tilespmem:$0x14A00] =	vst v63  }
0xd8: {  	s9 =	sld [smem:$0x7DB]  }
0xd9: {  	s10 =	sld [smem:$0x7DC]  }
0xda: {  	[tilespmem:s8], [sflag:$0x1] =	stream.indirect.gather [hbm4b:s3+s6], $0x20, s0, s6, $0xb8;
	[tilespmem:$0x14A00] =	vst v63  }
0xdb: {  	s0 =	sld [smem:$0x7DD]  }
0xdc: {  	s8 =	sld [smem:$0x7DE]  }
0xdd: {  	[tilespmem:s10], [sflag:$0x1] =	stream.indirect.gather [hbm4b:s3+s6], $0x20, s9, s6, $0xb8;
	[tilespmem:$0x14A00] =	vst v63  }
0xde: {  	s9 =	sld [smem:$0x7DF]  }
0xdf: {  	s10 =	sld [smem:$0x7E0]  }
0xe0: {  	[tilespmem:s8], [sflag:$0x1] =	stream.indirect.gather [hbm4b:s3+s6], $0x20, s0, s6, $0xb8;
	[tilespmem:$0x14A00] =	vst v63  }
0xe1: {  	s0 =	sld [smem:$0x7E1]  }
0xe2: {  	s8 =	sld [smem:$0x7E2]  }
0xe3: {  	[tilespmem:s10], [sflag:$0x1] =	stream.indirect.gather [hbm4b:s3+s6], $0x20, s9, s6, $0xb8;
	[tilespmem:$0x14A00] =	vst v63  }
0xe4: {  	s9 =	sld [smem:$0x7E3]  }
0xe5: {  	s10 =	sld [smem:$0x7E4]  }
0xe6: {  	[tilespmem:s8], [sflag:$0x1] =	stream.indirect.gather [hbm4b:s3+s6], $0x20, s0, s6, $0xb8;
	[tilespmem:$0x14A00] =	vst v63  }
0xe7: {  	s0 =	sld [smem:$0x7E5]  }
0xe8: {  	s8 =	sld [smem:$0x7E6]  }
0xe9: {  	[tilespmem:s10], [sflag:$0x1] =	stream.indirect.gather [hbm4b:s3+s6], $0x20, s9, s6, $0xb8;
	[tilespmem:$0x14A00] =	vst v63  }
0xea: {  	s9 =	sld [smem:$0x7E7]  }
0xeb: {  	s10 =	sld [smem:$0x7E8]  }
0xec: {  	[tilespmem:s8], [sflag:$0x1] =	stream.indirect.gather [hbm4b:s3+s6], $0x20, s0, s6, $0xb8;
	[tilespmem:$0x14A00] =	vst v63  }
0xed: {  	s0 =	sld [smem:$0x7E9]  }
0xee: {  	s8 =	sld [smem:$0x7EA]  }
0xef: {  	[tilespmem:s10], [sflag:$0x1] =	stream.indirect.gather [hbm4b:s3+s6], $0x20, s9, s6, $0xb8;
	[tilespmem:$0x14A00] =	vst v63  }
0xf0: {  	s9 =	sld [smem:$0x7EB]  }
0xf1: {  	s10 =	sld [smem:$0x7EC]  }
0xf2: {  	[tilespmem:s8], [sflag:$0x1] =	stream.indirect.gather [hbm4b:s3+s6], $0x20, s0, s6, $0xb8;
	[tilespmem:$0x14A00] =	vst v63  }
0xf3: {  	s0 =	sld [smem:$0x7ED]  }
0xf4: {  	s8 =	sld [smem:$0x7EE]  }
0xf5: {  	[tilespmem:s10], [sflag:$0x1] =	stream.indirect.gather [hbm4b:s3+s6], $0x20, s9, s6, $0xb8;
	[tilespmem:$0x14A00] =	vst v63  }
0xf6: {  	s9 =	sld [smem:$0x7EF]  }
0xf7: {  	s10 =	sld [smem:$0x7F0]  }
0xf8: {  	[tilespmem:s8], [sflag:$0x1] =	stream.indirect.gather [hbm4b:s3+s6], $0x20, s0, s6, $0xb8;
	[tilespmem:$0x14A00] =	vst v63  }
0xf9: {  	s0 =	sld [smem:$0x7F1]  }
0xfa: {  	s8 =	sld [smem:$0x7F2]  }
0xfb: {  	[tilespmem:s10], [sflag:$0x1] =	stream.indirect.gather [hbm4b:s3+s6], $0x20, s9, s6, $0xb8;
	[tilespmem:$0x14A00] =	vst v63  }
0xfc: {  	s9 =	sld [smem:$0x7F3]  }
0xfd: {  	s10 =	sld [smem:$0x7F4]  }
0xfe: {  	[tilespmem:s8], [sflag:$0x1] =	stream.indirect.gather [hbm4b:s3+s6], $0x20, s0, s6, $0xb8;
	[tilespmem:$0x14A00] =	vst v63  }
0xff: {  	s0 =	sld [smem:$0x7F5]  }
0x100: {  	s8 =	sld [smem:$0x7F6]  }
0x101: {  	[tilespmem:s10], [sflag:$0x1] =	stream.indirect.gather [hbm4b:s3+s6], $0x20, s9, s6, $0xb8;
	[tilespmem:$0x14A00] =	vst v63  }
0x102: {  	s9 =	sld [smem:$0x7F7]  }
0x103: {  	s10 =	sld [smem:$0x7F8]  }
0x104: {  	[tilespmem:s8], [sflag:$0x1] =	stream.indirect.gather [hbm4b:s3+s6], $0x20, s0, s6, $0xb8;
	[tilespmem:$0x14A00] =	vst v63  }
0x105: {  	s0 =	sld [smem:$0x7F9]  }
0x106: {  	s8 =	sld [smem:$0x7FA]  }
0x107: {  	[tilespmem:s10], [sflag:$0x1] =	stream.indirect.gather [hbm4b:s3+s6], $0x20, s9, s6, $0xb8;
	[tilespmem:$0x14A00] =	vst v63  }
0x108: {  	s9 =	sld [smem:$0x7FB]  }
0x109: {  	s10 =	sld [smem:$0x7FC]  }
0x10a: {  	[tilespmem:s8], [sflag:$0x1] =	stream.indirect.gather [hbm4b:s3+s6], $0x20, s0, s6, $0xb8;
	[tilespmem:$0x14A00] =	vst v63  }
0x10b: {  	s8 =	sld [smem:$0x7FD]  }
0x10c: {  	[tilespmem:s10], [sflag:$0x1] =	stream.indirect.gather [hbm4b:s3+s6], $0x20, s9, s6, $0xb8;
	[tilespmem:$0x14A00] =	vst v63  }
0x10d: {  	s10 =	simm.s32 $0x10E00  }
0x10e: {  	[tilespmem:s10], [sflag:$0x1] =	stream.indirect.gather [hbm4b:s3+s6], $0x20, s8, s6, $0xb8;
	[tilespmem:$0x14A00] =	vst v63  }
0x10f: {  	s9 =	simm.s32 $0x11300;
	s8 =	simm.s32 $0x848  }
0x110: {  	[tilespmem:s9], [sflag:$0x1] =	stream.indirect.gather [hbm4b:s3+s6], $0x20, s8, s6, $0xb8;
	[tilespmem:$0x14A00] =	vst v63  }
0x111: {  	_ = 	snop  }
0x112: {  	[tilespmem:s12], [sflag:$0x1] =	stream.indirect.gather [hbm4b:s3+s6], $0x20, s11, s6, $0xb8;
	[tilespmem:$0x14A00] =	vst v63  }
0x113: {  	_ = 	snop  }
0x114: {  	[tilespmem:s14], [sflag:$0x1] =	stream.indirect.gather [hbm4b:s3+s6], $0x20, s13, s6, $0xb8;
	[tilespmem:$0x14A00] =	vst v63  }
0x115: {  	_ = 	snop  }
0x116: {  	[tilespmem:s16], [sflag:$0x1] =	stream.indirect.gather [hbm4b:s3+s6], $0x20, s15, s6, $0xb8;
	[tilespmem:$0x14A00] =	vst v63  }
0x117: {  	_ = 	snop  }
0x118: {  	[tilespmem:s18], [sflag:$0x1] =	stream.indirect.gather [hbm4b:s3+s6], $0x20, s17, s6, $0xb8;
	[tilespmem:$0x14A00] =	vst v63  }
0x119: {  	_ = 	snop  }
0x11a: {  	[tilespmem:s20], [sflag:$0x1] =	stream.indirect.gather [hbm4b:s3+s6], $0x20, s19, s6, $0xb8;
	[tilespmem:$0x14A00] =	vst v63  }
0x11b: {  	_ = 	snop  }
0x11c: {  	[tilespmem:s22], [sflag:$0x1] =	stream.indirect.gather [hbm4b:s3+s6], $0x20, s21, s6, $0xb8;
	[tilespmem:$0x14A00] =	vst v63  }
0x11d: {  	_ = 	snop  }
0x11e: {  	[tilespmem:s24], [sflag:$0x1] =	stream.indirect.gather [hbm4b:s3+s6], $0x20, s23, s6, $0xb8;
	[tilespmem:$0x14A00] =	vst v63  }
0x11f: {  	_ = 	snop  }
0x120: {  	[tilespmem:s26], [sflag:$0x1] =	stream.indirect.gather [hbm4b:s3+s6], $0x20, s25, s6, $0xb8;
	[tilespmem:$0x14A00] =	vst v63  }
0x121: {  	_ = 	snop  }
0x122: {  	[tilespmem:s29], [sflag:$0x1] =	stream.indirect.gather [hbm4b:s3+s6], $0x20, s28, s6, $0xb8;
	[tilespmem:$0x14A00] =	vst v63  }
0x123: {  	_ = 	snop  }
0x124: {  	[tilespmem:s31], [sflag:$0x1] =	stream.indirect.gather [hbm4b:s3+s6], $0x20, s30, s6, $0xb8;
	[tilespmem:$0x14A00] =	vst v63  }
0x125: {  	_ =	swait.ge [sflag:s1], $0x500  }
0x126: {  	[sflag:s1] =	ssyncset.done $0x0  }
0x127: {  	[sflag:s1] =	ssyncadd.s32 $0xFFFFFB00  }
0x128: {  	_ =	swait.ge [sflag:s1], $0x500  }
0x129: {  	[sflag:s1] =	ssyncset.done $0x0  }
0x12a: {  	[sflag:s1] =	ssyncadd.s32 $0xFFFFFB00  }
0x12b: {  	_ =	swait.ge [sflag:s1], $0x500  }
0x12c: {  	[sflag:s1] =	ssyncset.done $0x0  }
0x12d: {  	[sflag:s1] =	ssyncadd.s32 $0xFFFFFB00  }
0x12e: {  	_ =	swait.ge [sflag:s1], $0x500  }
0x12f: {  	[sflag:s1] =	ssyncset.done $0x0  }
0x130: {  	[sflag:s1] =	ssyncadd.s32 $0xFFFFFB00  }
0x131: {  	_ =	swait.ge [sflag:s1], $0x500  }
0x132: {  	[sflag:s1] =	ssyncset.done $0x0  }
0x133: {  	[sflag:s1] =	ssyncadd.s32 $0xFFFFFB00  }
0x134: {  	_ =	swait.ge [sflag:s1], $0x500  }
0x135: {  	[sflag:s1] =	ssyncset.done $0x0  }
0x136: {  	[sflag:s1] =	ssyncadd.s32 $0xFFFFFB00  }
0x137: {  	_ =	swait.ge [sflag:s1], $0x500  }
0x138: {  	[sflag:s1] =	ssyncset.done $0x0  }
0x139: {  	[sflag:s1] =	ssyncadd.s32 $0xFFFFFB00  }
0x13a: {  	_ =	swait.ge [sflag:s1], $0x500  }
0x13b: {  	[sflag:s1] =	ssyncset.done $0x0  }
0x13c: {  	[sflag:s1] =	ssyncadd.s32 $0xFFFFFB00  }
0x13d: {  	_ =	swait.ge [sflag:s1], $0x500  }
0x13e: {  	[sflag:s1] =	ssyncset.done $0x0  }
0x13f: {  	[sflag:s1] =	ssyncadd.s32 $0xFFFFFB00  }
0x140: {  	_ =	swait.ge [sflag:s1], $0x500  }
0x141: {  	[sflag:s1] =	ssyncset.done $0x0  }
0x142: {  	[sflag:s1] =	ssyncadd.s32 $0xFFFFFB00  }
0x143: {  	_ =	swait.ge [sflag:s1], $0x500  }
0x144: {  	[sflag:s1] =	ssyncset.done $0x0  }
0x145: {  	[sflag:s1] =	ssyncadd.s32 $0xFFFFFB00  }
0x146: {  	_ =	swait.ge [sflag:s1], $0x500  }
0x147: {  	[sflag:s1] =	ssyncset.done $0x0  }
0x148: {  	[sflag:s1] =	ssyncadd.s32 $0xFFFFFB00  }
0x149: {  	_ =	swait.ge [sflag:s1], $0x500  }
0x14a: {  	[sflag:s1] =	ssyncset.done $0x0  }
0x14b: {  	[sflag:s1] =	ssyncadd.s32 $0xFFFFFB00  }
0x14c: {  	_ =	swait.ge [sflag:s1], $0x500  }
0x14d: {  	[sflag:s1] =	ssyncset.done $0x0  }
0x14e: {  	[sflag:s1] =	ssyncadd.s32 $0xFFFFFB00  }
0x14f: {  	_ =	swait.ge [sflag:s1], $0x500  }
0x150: {  	[sflag:s1] =	ssyncset.done $0x0  }
0x151: {  	[sflag:s1] =	ssyncadd.s32 $0xFFFFFB00  }
0x152: {  	_ =	swait.ge [sflag:s1], $0x500  }
0x153: {  	[sflag:s1] =	ssyncset.done $0x0  }
0x154: {  	[sflag:s1] =	ssyncadd.s32 $0xFFFFFB00  }
0x155: {  	_ =	swait.ge [sflag:s1], $0x500  }
0x156: {  	[sflag:s1] =	ssyncset.done $0x0  }
0x157: {  	[sflag:s1] =	ssyncadd.s32 $0xFFFFFB00  }
0x158: {  	_ =	swait.ge [sflag:s1], $0x500  }
0x159: {  	[sflag:s1] =	ssyncset.done $0x0  }
0x15a: {  	[sflag:s1] =	ssyncadd.s32 $0xFFFFFB00  }
0x15b: {  	_ =	swait.ge [sflag:s1], $0x500  }
0x15c: {  	[sflag:s1] =	ssyncset.done $0x0  }
0x15d: {  	[sflag:s1] =	ssyncadd.s32 $0xFFFFFB00  }
0x15e: {  	_ =	swait.ge [sflag:s1], $0x500  }
0x15f: {  	[sflag:s1] =	ssyncset.done $0x0  }
0x160: {  	[sflag:s1] =	ssyncadd.s32 $0xFFFFFB00  }
0x161: {  	_ =	swait.ge [sflag:s1], $0x500  }
0x162: {  	[sflag:s1] =	ssyncset.done $0x0  }
0x163: {  	[sflag:s1] =	ssyncadd.s32 $0xFFFFFB00  }
0x164: {  	_ =	swait.ge [sflag:s1], $0x500  }
0x165: {  	[sflag:s1] =	ssyncset.done $0x0  }
0x166: {  	[sflag:s1] =	ssyncadd.s32 $0xFFFFFB00  }
0x167: {  	_ =	swait.ge [sflag:s1], $0x500  }
0x168: {  	[sflag:s1] =	ssyncset.done $0x0  }
0x169: {  	[sflag:s1] =	ssyncadd.s32 $0xFFFFFB00  }
0x16a: {  	_ =	swait.ge [sflag:s1], $0x500  }
0x16b: {  	[sflag:s1] =	ssyncset.done $0x0  }
0x16c: {  	[sflag:s1] =	ssyncadd.s32 $0xFFFFFB00  }
0x16d: {  	_ =	swait.ge [sflag:s1], $0x500  }
0x16e: {  	[sflag:s1] =	ssyncset.done $0x0  }
0x16f: {  	[sflag:s1] =	ssyncadd.s32 $0xFFFFFB00  }
0x170: {  	_ =	swait.ge [sflag:s1], $0x500  }
0x171: {  	[sflag:s1] =	ssyncset.done $0x0  }
0x172: {  	[sflag:s1] =	ssyncadd.s32 $0xFFFFFB00  }
0x173: {  	_ =	swait.ge [sflag:s1], $0x500  }
0x174: {  	[sflag:s1] =	ssyncset.done $0x0  }
0x175: {  	[sflag:s1] =	ssyncadd.s32 $0xFFFFFB00  }
0x176: {  	_ =	swait.ge [sflag:s1], $0x500  }
0x177: {  	[sflag:s1] =	ssyncset.done $0x0  }
0x178: {  	[sflag:s1] =	ssyncadd.s32 $0xFFFFFB00  }
0x179: {  	_ =	swait.ge [sflag:s1], $0x500  }
0x17a: {  	[sflag:s1] =	ssyncset.done $0x0  }
0x17b: {  	[sflag:s1] =	ssyncadd.s32 $0xFFFFFB00  }
0x17c: {  	_ =	swait.ge [sflag:s1], $0x500  }
0x17d: {  	[sflag:s1] =	ssyncset.done $0x0  }
0x17e: {  	[sflag:s1] =	ssyncadd.s32 $0xFFFFFB00  }
0x17f: {  	_ =	swait.ge [sflag:s1], $0x500  }
0x180: {  	[sflag:s1] =	ssyncset.done $0x0  }
0x181: {  	[sflag:s1] =	ssyncadd.s32 $0xFFFFFB00  }
0x182: {  	_ =	swait.ge [sflag:s1], $0x500  }
0x183: {  	[sflag:s1] =	ssyncset.done $0x0  }
0x184: {  	[sflag:s1] =	ssyncadd.s32 $0xFFFFFB00  }
0x185: {  	_ =	swait.ge [sflag:s1], $0x500  }
0x186: {  	[sflag:s1] =	ssyncset.done $0x0  }
0x187: {  	[sflag:s1] =	ssyncadd.s32 $0xFFFFFB00  }
0x188: {  	_ =	swait.ge [sflag:s1], $0x500  }
0x189: {  	[sflag:s1] =	ssyncset.done $0x0  }
0x18a: {  	[sflag:s1] =	ssyncadd.s32 $0xFFFFFB00  }
0x18b: {  	_ =	swait.ge [sflag:s1], $0x500  }
0x18c: {  	[sflag:s1] =	ssyncset.done $0x0  }
0x18d: {  	[sflag:s1] =	ssyncadd.s32 $0xFFFFFB00  }
0x18e: {  	_ =	swait.ge [sflag:s1], $0x500  }
0x18f: {  	[sflag:s1] =	ssyncset.done $0x0  }
0x190: {  	[sflag:s1] =	ssyncadd.s32 $0xFFFFFB00  }
0x191: {  	_ =	swait.ge [sflag:s1], $0x500  }
0x192: {  	[sflag:s1] =	ssyncset.done $0x0  }
0x193: {  	[sflag:s1] =	ssyncadd.s32 $0xFFFFFB00  }
0x194: {  	_ =	swait.ge [sflag:s1], $0x500  }
0x195: {  	[sflag:s1] =	ssyncset.done $0x0  }
0x196: {  	[sflag:s1] =	ssyncadd.s32 $0xFFFFFB00  }
0x197: {  	_ =	swait.ge [sflag:s1], $0x500  }
0x198: {  	[sflag:s1] =	ssyncset.done $0x0  }
0x199: {  	[sflag:s1] =	ssyncadd.s32 $0xFFFFFB00  }
0x19a: {  	_ =	swait.ge [sflag:s1], $0x500  }
0x19b: {  	[sflag:s1] =	ssyncset.done $0x0  }
0x19c: {  	[sflag:s1] =	ssyncadd.s32 $0xFFFFFB00  }
0x19d: {  	_ =	swait.ge [sflag:s1], $0x500  }
0x19e: {  	[sflag:s1] =	ssyncset.done $0x0  }
0x19f: {  	[sflag:s1] =	ssyncadd.s32 $0xFFFFFB00  }
0x1a0: {  	_ =	swait.ge [sflag:s1], $0x500  }
0x1a1: {  	[sflag:s1] =	ssyncset.done $0x0  }
0x1a2: {  	[sflag:s1] =	ssyncadd.s32 $0xFFFFFB00  }
0x1a3: {  	_ =	swait.ge [sflag:s1], $0x500  }
0x1a4: {  	[sflag:s1] =	ssyncset.done $0x0  }
0x1a5: {  	[sflag:s1] =	ssyncadd.s32 $0xFFFFFB00  }
0x1a6: {  	_ =	swait.ge [sflag:s1], $0x500  }
0x1a7: {  	[sflag:s1] =	ssyncset.done $0x0  }
0x1a8: {  	[sflag:s1] =	ssyncadd.s32 $0xFFFFFB00  }
0x1a9: {  	_ =	swait.ge [sflag:s1], $0x500  }
0x1aa: {  	[sflag:s1] =	ssyncset.done $0x0  }
0x1ab: {  	[sflag:s1] =	ssyncadd.s32 $0xFFFFFB00  }
0x1ac: {  	_ =	swait.ge [sflag:s1], $0x500  }
0x1ad: {  	[sflag:s1] =	ssyncset.done $0x0  }
0x1ae: {  	[sflag:s1] =	ssyncadd.s32 $0xFFFFFB00  }
0x1af: {  	_ =	swait.ge [sflag:s1], $0x500  }
0x1b0: {  	[sflag:s1] =	ssyncset.done $0x0  }
0x1b1: {  	[sflag:s1] =	ssyncadd.s32 $0xFFFFFB00  }
0x1b2: {  	_ =	swait.ge [sflag:s1], $0x500  }
0x1b3: {  	[sflag:s1] =	ssyncset.done $0x0  }
0x1b4: {  	[sflag:s1] =	ssyncadd.s32 $0xFFFFFB00  }
0x1b5: {  	_ =	swait.ge [sflag:s1], $0x500  }
0x1b6: {  	[sflag:s1] =	ssyncset.done $0x0  }
0x1b7: {  	[sflag:s1] =	ssyncadd.s32 $0xFFFFFB00  }
0x1b8: {  	_ =	swait.ge [sflag:s1], $0x500  }
0x1b9: {  	[sflag:s1] =	ssyncset.done $0x0  }
0x1ba: {  	[sflag:s1] =	ssyncadd.s32 $0xFFFFFB00  }
0x1bb: {  	_ =	swait.ge [sflag:s1], $0x500  }
0x1bc: {  	[sflag:s1] =	ssyncset.done $0x0  }
0x1bd: {  	[sflag:s1] =	ssyncadd.s32 $0xFFFFFB00  }
0x1be: {  	_ =	swait.ge [sflag:s1], $0x500  }
0x1bf: {  	[sflag:s1] =	ssyncset.done $0x0  }
0x1c0: {  	[sflag:s1] =	ssyncadd.s32 $0xFFFFFB00  }
0x1c1: {  	_ =	swait.ge [sflag:s1], $0x500  }
0x1c2: {  	[sflag:s1] =	ssyncset.done $0x0  }
0x1c3: {  	[sflag:s1] =	ssyncadd.s32 $0xFFFFFB00  }
0x1c4: {  	_ =	swait.ge [sflag:s1], $0x500  }
0x1c5: {  	[sflag:s1] =	ssyncset.done $0x0  }
0x1c6: {  	[sflag:s1] =	ssyncadd.s32 $0xFFFFFB00  }
0x1c7: {  	_ =	swait.ge [sflag:s1], $0x500  }
0x1c8: {  	[sflag:s1] =	ssyncset.done $0x0  }
0x1c9: {  	[sflag:s1] =	ssyncadd.s32 $0xFFFFFB00  }
0x1ca: {  	_ =	swait.ge [sflag:s1], $0x500  }
0x1cb: {  	[sflag:s1] =	ssyncset.done $0x0  }
0x1cc: {  	[sflag:s1] =	ssyncadd.s32 $0xFFFFFB00  }
0x1cd: {  	_ =	swait.ge [sflag:s1], $0x500  }
0x1ce: {  	[sflag:s1] =	ssyncset.done $0x0  }
0x1cf: {  	[sflag:s1] =	ssyncadd.s32 $0xFFFFFB00  }
0x1d0: {  	_ =	swait.ge [sflag:s1], $0x500  }
0x1d1: {  	[sflag:s1] =	ssyncset.done $0x0  }
0x1d2: {  	[sflag:s1] =	ssyncadd.s32 $0xFFFFFB00  }
0x1d3: {  	_ =	swait.ge [sflag:s1], $0x500  }
0x1d4: {  	[sflag:s1] =	ssyncset.done $0x0  }
0x1d5: {  	[sflag:s1] =	ssyncadd.s32 $0xFFFFFB00  }
0x1d6: {  	_ =	swait.ge [sflag:s1], $0x500  }
0x1d7: {  	[sflag:s1] =	ssyncset.done $0x0  }
0x1d8: {  	[sflag:s1] =	ssyncadd.s32 $0xFFFFFB00  }
0x1d9: {  	_ =	swait.ge [sflag:s1], $0x500  }
0x1da: {  	[sflag:s1] =	ssyncset.done $0x0  }
0x1db: {  	[sflag:s1] =	ssyncadd.s32 $0xFFFFFB00  }
0x1dc: {  	_ =	swait.ge [sflag:s1], $0x500  }
0x1dd: {  	[sflag:s1] =	ssyncset.done $0x0  }
0x1de: {  	[sflag:s1] =	ssyncadd.s32 $0xFFFFFB00  }
0x1df: {  	_ =	swait.ge [sflag:s1], $0x500  }
0x1e0: {  	[sflag:s1] =	ssyncset.done $0x0  }
0x1e1: {  	[sflag:s1] =	ssyncadd.s32 $0xFFFFFB00  }
0x1e2: {  	_ =	swait.ge [sflag:s1], $0x500  }
0x1e3: {  	p0 =	sne.s32 s4, $0x1;
	[sflag:s1] =	ssyncset.done $0x0  }
.Ltmp0:
0x1e4: {  	s10 =	rddreg [dreg:$0x4];
	[sflag:s1] =	ssyncadd.s32 $0xFFFFFB00;
	(pc) =	sbr.rel @p0 .LBB2_1-.Ltmp0, $4  }
0x1e5: {  	[hbm4b:s10+s2] =	stream.linear.scatter [tilespmem:s7], [sflag:$0x2], $0x14000, $0x38;
	[tilespmem:$0x14A00] =	vst v63  }
0x1e6: {  	_ =	swait.ge [sflag:s5], $0x14000  }
0x1e7: {  	[sflag:s5] =	ssyncset.done $0x0  }
0x1e8: {  	s4 =	sadd.s32 $0xFFFFFFFF, s4;
	[sflag:s5] =	ssyncadd.s32 $0xFFFEC000  }
0x1e9: {  	_ =	sfence.sel $0x180000  }
0x1ea: {  	[bflag:$0x0] =	sbarrier.arrive $0xFFFF  }
0x1eb: {  	_ =	strace $0x90000047  }
0x1ec: {  	s0 =	stileid.u32;
	[bflag:$0x2] =	sbarrier.arrive $0xFFFF  }
0x1ed: {  	p0 =	sne.s32 s0, $0x0;
	s0 =	rddreg [dreg:$0x2]  }
0x1ee: {  	s0 =	sadd.s32 @!p0 $0x100000, s0  }
0x1ef: {  	[sflag:s0] =	ssyncadd.tile.s32 @!p0 $0x1;
	_ =	shalt  }
.Lfunc_end2:
_tile_overlayer_lowered:
.L_overlay_start_2:
0x1f0: {  	(tag) =	ssettag $0x2  }
0x1f1: {  	s0 =	rddreg [dreg:$0x0];
	s2 =	stileid.u32  }
0x1f2: {  	s1 =	rddreg [dreg:$0x1];
	p0 =	sne.s32 s2, $0x0  }
0x1f3: {  	s3 =	rddreg [dreg:$0x2];
	[bflag:$0x3] =	sbarrier.arrive $0xFFFF;
	s2 =	simm.s32 @!p0 $0x1C02  }
0x1f4: {  	[timem:s3], [sflag:s2] =	dma.local @!p0 [hbm:s0], s1  }
0x1f5: {  	s0 =	simm.s32 @!p0 $0x2  }
0x1f6: {  	_ =	swait.ge @!p0 [sflag:s0], s1  }
0x1f7: {  	s1 =	ssub.s32 @!p0 $0x0, s1;
	[sflag:s0] =	ssyncset.done @!p0 $0x0  }
0x1f8: {  	[sflag:s0] =	ssyncadd.s32 @!p0 s1  }
0x1f9: {  	[bflag:$0x3] =	sbarrier.arrive $0xFFFF  }
0x1fa: {  	_ =	shalt  }

</sc_bundles>
